<compile_context>
chip_gen: v7x
topology: tpu7x:2x2x1
jax: 0.10.2.dev20260603
libtpu: 0.0.44.dev20260713+nightly
codegen_flags: <defaults>
</compile_context>

<pallas_src>
import jax
import jax.numpy as jnp
from jax import lax
from jax.experimental import pallas as pl
from jax.experimental.pallas import tpu as pltpu
from jax.experimental.pallas import tpu_sc as plsc

N = 10000
E = 160000
D = 256
HALF = 128

NT = 16
CH = 100
EPT = E // NT
NCH = EPT // CH
SEG = 5
SEGC = NCH // SEG
DCH = 80
DNCH = EPT // DCH
RCH = 80
ZNC = N // RCH
RROUNDS = -(-ZNC // NT)

_MESH = plsc.VectorSubcoreMesh(core_axis_name="c", subcore_axis_name="s")



def _deg_body(src_hbm, dst_hbm, odeg_hbm, ideg_hbm, idx_v, ones_v, stage_v,
              deg_s):
    cid = lax.axis_index("c")
    tid = lax.axis_index("s")

    for j in range(DCH // 16):
        ones_v[pl.ds(j * 16, 16)] = jnp.ones((16,), jnp.float32)

    @pl.when(tid == 0)
    def _():
        def _zero_stage(i, carry):
            stage_v[pl.ds(i * 16, 16)] = jnp.zeros((16,), jnp.float32)
            return carry

        lax.fori_loop(0, N // 16, _zero_stage, 0)
        pltpu.sync_copy(stage_v, deg_s)

    @pl.when(cid == 0)
    def _():
        pltpu.sync_copy(src_hbm.at[tid], idx_v)

    @pl.when(cid == 1)
    def _():
        pltpu.sync_copy(dst_hbm.at[tid], idx_v)

    plsc.subcore_barrier()

    def _chunk(c, carry):
        pltpu.sync_copy(ones_v, deg_s.at[idx_v.at[c]], add=True)
        return carry

    lax.fori_loop(0, DNCH, _chunk, 0)
    plsc.subcore_barrier()

    @pl.when(tid == 0)
    def _():
        pltpu.sync_copy(deg_s, stage_v)

        @pl.when(cid == 0)
        def _():
            pltpu.sync_copy(stage_v, odeg_hbm)

        @pl.when(cid == 1)
        def _():
            pltpu.sync_copy(stage_v, ideg_hbm)


_deg = pl.kernel(
    _deg_body,
    out_type=[
        jax.ShapeDtypeStruct((N,), jnp.float32),
        jax.ShapeDtypeStruct((N,), jnp.float32),
    ],
    mesh=_MESH,
    scratch_types=[
        pltpu.VMEM((DNCH, DCH), jnp.int32),
        pltpu.VMEM((DCH,), jnp.float32),
        pltpu.VMEM((N,), jnp.float32),
        pltpu.VMEM_SHARED((N,), jnp.float32),
    ],
)



def _agg_body(hw0_hbm, hw1_hbm, src_hbm, dst_hbm, out0_hbm, out1_hbm,
              src_v, dst_v, buf_a, buf_b, agg_s, sem_a, sem_b):
    cid = lax.axis_index("c")
    tid = lax.axis_index("s")

    def _zero_stage(i, carry):
        buf_a[i // 8, pl.ds((i % 8) * 16, 16)] = jnp.zeros((16,),
                                                           jnp.float32)
        return carry

    lax.fori_loop(0, CH * (HALF // 16), _zero_stage, 0)

    def _zero_acc(j, carry):
        c = tid + j * NT

        @pl.when(c < ZNC)
        def _():
            pltpu.sync_copy(buf_a.at[pl.ds(0, RCH)],
                            agg_s.at[pl.ds(c * RCH, RCH)])

        return carry

    lax.fori_loop(0, RROUNDS, _zero_acc, 0)

    plsc.subcore_barrier()

    def _run(hw_hbm):
        def _seg(s, carry):
            pltpu.sync_copy(src_hbm.at[tid * SEG + s], src_v)
            pltpu.sync_copy(dst_hbm.at[tid * SEG + s], dst_v)

            def _pair(k, carry2):
                c0 = 2 * k
                c1 = 2 * k + 1
                cp0 = pltpu.async_copy(hw_hbm.at[src_v.at[c0]], buf_a,
                                       sem_a)
                cp1 = pltpu.async_copy(hw_hbm.at[src_v.at[c1]], buf_b,
                                       sem_b)
                cp0.wait()
                pltpu.sync_copy(buf_a, agg_s.at[dst_v.at[c0]], add=True)
                cp1.wait()
                pltpu.sync_copy(buf_b, agg_s.at[dst_v.at[c1]], add=True)
                return carry2

            lax.fori_loop(0, SEGC // 2, _pair, 0)
            if SEGC % 2:
                cp = pltpu.async_copy(hw_hbm.at[src_v.at[SEGC - 1]],
                                      buf_a, sem_a)
                cp.wait()
                pltpu.sync_copy(buf_a, agg_s.at[dst_v.at[SEGC - 1]],
                                add=True)
            return carry

        lax.fori_loop(0, SEG, _seg, 0)

    @pl.when(cid == 0)
    def _():
        _run(hw0_hbm)

    @pl.when(cid == 1)
    def _():
        _run(hw1_hbm)

    plsc.subcore_barrier()

    def _wb_loop(out_hbm):
        def _wb(j, carry):
            c = tid + j * NT

            @pl.when(c < ZNC)
            def _():
                r = c * RCH
                pltpu.sync_copy(agg_s.at[pl.ds(r, RCH)],
                                out_hbm.at[pl.ds(r, RCH)])

            return carry

        lax.fori_loop(0, RROUNDS, _wb, 0)

    @pl.when(cid == 0)
    def _():
        _wb_loop(out0_hbm)

    @pl.when(cid == 1)
    def _():
        _wb_loop(out1_hbm)


_agg = pl.kernel(
    _agg_body,
    out_type=[
        jax.ShapeDtypeStruct((N, HALF), jnp.float32),
        jax.ShapeDtypeStruct((N, HALF), jnp.float32),
    ],
    mesh=_MESH,
    scratch_types=[
        pltpu.VMEM((SEGC, CH), jnp.int32),
        pltpu.VMEM((SEGC, CH), jnp.int32),
        pltpu.VMEM((CH, HALF), jnp.float32),
        pltpu.VMEM((CH, HALF), jnp.float32),
        pltpu.VMEM_SHARED((N, HALF), jnp.float32),
        pltpu.SemaphoreType.DMA,
        pltpu.SemaphoreType.DMA,
    ],
)



_BR = 400
_NB = N // _BR


def _mm1_body(x_ref, deg_ref, w_ref, o0_ref, o1_ref):
    onorm = lax.rsqrt(jnp.maximum(deg_ref[...], 1.0))
    hw = jnp.dot(x_ref[...], w_ref[...],
                 preferred_element_type=jnp.float32) * onorm
    o0_ref[...] = hw[:, :HALF]
    o1_ref[...] = hw[:, HALF:]


def _mm1(x, deg_o, w1):
    return pl.pallas_call(
        _mm1_body,
        grid=(_NB,),
        in_specs=[
            pl.BlockSpec((_BR, D), lambda i: (i, 0)),
            pl.BlockSpec((_BR, 1), lambda i: (i, 0)),
            pl.BlockSpec((D, D), lambda i: (0, 0)),
        ],
        out_specs=[pl.BlockSpec((_BR, HALF), lambda i: (i, 0))] * 2,
        out_shape=[jax.ShapeDtypeStruct((N, HALF), jnp.float32)] * 2,
    )(x, deg_o, w1)


def _mm2_body(a0_ref, a1_ref, ideg_ref, odeg_ref, b_ref, w_ref,
              o0_ref, o1_ref):
    inorm = lax.rsqrt(jnp.maximum(ideg_ref[...], 1.0))
    onorm = lax.rsqrt(jnp.maximum(odeg_ref[...], 1.0))
    h0 = jnp.maximum(a0_ref[...] * inorm + b_ref[:, :HALF], 0.0)
    h1 = jnp.maximum(a1_ref[...] * inorm + b_ref[:, HALF:], 0.0)
    p = (jnp.dot(h0, w_ref[:HALF, :], preferred_element_type=jnp.float32)
         + jnp.dot(h1, w_ref[HALF:, :], preferred_element_type=jnp.float32))
    p = p * onorm
    o0_ref[...] = p[:, :HALF]
    o1_ref[...] = p[:, HALF:]


def _mm2(a0, a1, deg_i, deg_o, b1r, w2):
    return pl.pallas_call(
        _mm2_body,
        grid=(_NB,),
        in_specs=[
            pl.BlockSpec((_BR, HALF), lambda i: (i, 0)),
            pl.BlockSpec((_BR, HALF), lambda i: (i, 0)),
            pl.BlockSpec((_BR, 1), lambda i: (i, 0)),
            pl.BlockSpec((_BR, 1), lambda i: (i, 0)),
            pl.BlockSpec((1, D), lambda i: (0, 0)),
            pl.BlockSpec((D, D), lambda i: (0, 0)),
        ],
        out_specs=[pl.BlockSpec((_BR, HALF), lambda i: (i, 0))] * 2,
        out_shape=[jax.ShapeDtypeStruct((N, HALF), jnp.float32)] * 2,
    )(a0, a1, deg_i, deg_o, b1r, w2)


def _pool_body(a0_ref, a1_ref, ideg_ref, b_ref, o_ref):
    i = pl.program_id(0)
    inorm = lax.rsqrt(jnp.maximum(ideg_ref[...], 1.0))
    h0 = jnp.maximum(a0_ref[...] * inorm + b_ref[:, :HALF], 0.0)
    h1 = jnp.maximum(a1_ref[...] * inorm + b_ref[:, HALF:], 0.0)
    s = jnp.concatenate(
        [jnp.sum(h0, axis=0, keepdims=True),
         jnp.sum(h1, axis=0, keepdims=True)], axis=1)

    @pl.when(i == 0)
    def _():
        o_ref[...] = s

    @pl.when(i > 0)
    def _():
        o_ref[...] = o_ref[...] + s

    @pl.when(i == _NB - 1)
    def _():
        o_ref[...] = o_ref[...] * (1.0 / N)


def _pool(a0, a1, deg_i, b2r):
    return pl.pallas_call(
        _pool_body,
        grid=(_NB,),
        in_specs=[
            pl.BlockSpec((_BR, HALF), lambda i: (i, 0)),
            pl.BlockSpec((_BR, HALF), lambda i: (i, 0)),
            pl.BlockSpec((_BR, 1), lambda i: (i, 0)),
            pl.BlockSpec((1, D), lambda i: (0, 0)),
        ],
        out_specs=pl.BlockSpec((1, D), lambda i: (0, 0)),
        out_shape=jax.ShapeDtypeStruct((1, D), jnp.float32),
    )(a0, a1, deg_i, b2r)



def kernel(x, edge_index, W1, b1, W2, b2):
    assert x.shape == (N, D) and edge_index.shape == (2, E)
    src = edge_index[0].reshape(NT, DNCH, DCH)
    dst = edge_index[1].reshape(NT, DNCH, DCH)
    src_s = edge_index[0].reshape(NT * SEG, SEGC, CH)
    dst_s = edge_index[1].reshape(NT * SEG, SEGC, CH)

    odeg, ideg = _deg(src, dst)
    deg_o = odeg.reshape(N, 1)
    deg_i = ideg.reshape(N, 1)

    hw0, hw1 = _mm1(x, deg_o, W1)
    a0, a1 = _agg(hw0, hw1, src_s, dst_s)
    g0, g1 = _mm2(a0, a1, deg_i, deg_o, b1.reshape(1, D), W2)
    c0, c1 = _agg(g0, g1, src_s, dst_s)
    return _pool(c0, c1, deg_i, b2.reshape(1, D))

# --- scband reference (transcript-rebuilt; emitter-appended) ---
"""Pipeline reference for scband-gcn-14663018348834 (READ-ONLY COPY).

The authoritative reference and input builder live on the scoring server;
editing this copy changes nothing except your own understanding.
"""

import jax, jax.numpy as jnp
import numpy as np

N, E, D, H = 10000, 160000, 256, 256

def setup_inputs(seed: int = 0) -> dict:
    key = jax.random.key(seed)
    k1, k2, k3, k4, k5, k6 = jax.random.split(key, 6)
    x = jax.random.normal(k1, (N, D), dtype=jnp.float32)
    edge_index = jax.random.randint(k2, (2, E), 0, N, dtype=jnp.int32)
    W1 = jax.random.normal(k3, (D, H), dtype=jnp.float32) * (1.0 / np.sqrt(D))
    b1 = jnp.zeros((H,), dtype=jnp.float32)
    W2 = jax.random.normal(k4, (H, H), dtype=jnp.float32) * (1.0 / np.sqrt(H))
    b2 = jnp.zeros((H,), dtype=jnp.float32)
    return {"x": x, "edge_index": edge_index, "W1": W1, "b1": b1, "W2": W2, "b2": b2}

def reference(x, edge_index, W1, b1, W2, b2):
    # DGL GraphConv with norm='both': h' = D_in^{-1/2} A D_out^{-1/2} (X W) + b
    src = edge_index[0]
    dst = edge_index[1]
    n = x.shape[0]
    ones = jnp.ones((src.shape[0],), dtype=jnp.float32)
    out_deg = jnp.clip(jax.ops.segment_sum(ones, src, num_segments=n), 1.0)
    in_deg = jnp.clip(jax.ops.segment_sum(ones, dst, num_segments=n), 1.0)
    out_norm = (out_deg ** -0.5)[:, None]
    in_norm = (in_deg ** -0.5)[:, None]

    def graph_conv(h, W, b):
        h = h @ W
        h = h * out_norm
        msgs = jnp.take(h, src, axis=0)
        agg = jax.ops.segment_sum(msgs, dst, num_segments=n)
        agg = agg * in_norm
        return agg + b

    h = jax.nn.relu(graph_conv(x, W1, b1))
    h = jax.nn.relu(graph_conv(h, W2, b2))
    # dgl.mean_nodes over a single (batched-of-one) graph
    hg = jnp.mean(h, axis=0, keepdims=True)
    return hg

if __name__ == "__main__":
    import jax
    _d = setup_inputs()
    print(jax.jit(kernel)(*tuple(_d.values())))

</pallas_src>

<mosaic_0001>
#map = affine_map<(d0, d1) -> (0, 0, 0)>
#map1 = affine_map<(d0, d1) -> (0)>
module attributes {stable_mosaic.version = 14 : i64} {
  func.func @_deg_body(%arg0: i32, %arg1: i32, %arg2: memref<16x125x80xi32, #tpu.memory_space<hbm>>, %arg3: memref<16x125x80xi32, #tpu.memory_space<hbm>>, %arg4: memref<10000xf32, #tpu.memory_space<hbm>>, %arg5: memref<10000xf32, #tpu.memory_space<hbm>>, %arg6: memref<125x80xi32, #tpu.memory_space<vmem>>, %arg7: memref<80xf32, #tpu.memory_space<vmem>>, %arg8: memref<10000xf32, #tpu.memory_space<vmem>>, %arg9: memref<10000xf32, #tpu.memory_space<vmem_shared>>) attributes {dimension_semantics = [#tpu.dimension_semantics<core_parallel>, #tpu.dimension_semantics<subcore_parallel>], iteration_bounds = array<i64: 2, 16>, scalar_prefetch = 0 : i64, scratch_operands = 4 : i64, tpu.core_type = #tpu.core_type<sc_vector_subcore>, window_params = [{transform_indices = #map}, {transform_indices = #map}, {transform_indices = #map1}, {transform_indices = #map1}]} {
    %broadcast_in_dim3A = arith.constant 1.000000e+00 : f32
    %broadcast_in_dim3A_0 = vector.broadcast %broadcast_in_dim3A : f32 to vector<16xf32>
    %swap3A = arith.constant 0 : index
    %swap3A_1 = tpu.vector_load %arg7[%swap3A] {strides = array<i32>} : memref<80xf32, #tpu.memory_space<vmem>>, vector<16xf32>,
    %swap3A_2 = vector.shape_cast %swap3A_1 : vector<16xf32> to vector<16xf32>
    %swap3A_3 = vector.shape_cast %broadcast_in_dim3A_0 : vector<16xf32> to vector<16xf32>
    tpu.vector_store %arg7[%swap3A], %swap3A_3 {strides = array<i32>} : memref<80xf32, #tpu.memory_space<vmem>>, vector<16xf32>,
    %broadcast_in_dim3A_4 = arith.constant 1.000000e+00 : f32
    %broadcast_in_dim3A_5 = vector.broadcast %broadcast_in_dim3A_4 : f32 to vector<16xf32>
    %swap3A_6 = arith.constant 16 : index
    %swap3A_7 = tpu.vector_load %arg7[%swap3A_6] {strides = array<i32>} : memref<80xf32, #tpu.memory_space<vmem>>, vector<16xf32>,
    %swap3A_8 = vector.shape_cast %swap3A_7 : vector<16xf32> to vector<16xf32>
    %swap3A_9 = vector.shape_cast %broadcast_in_dim3A_5 : vector<16xf32> to vector<16xf32>
    tpu.vector_store %arg7[%swap3A_6], %swap3A_9 {strides = array<i32>} : memref<80xf32, #tpu.memory_space<vmem>>, vector<16xf32>,
    %broadcast_in_dim3A_10 = arith.constant 1.000000e+00 : f32
    %broadcast_in_dim3A_11 = vector.broadcast %broadcast_in_dim3A_10 : f32 to vector<16xf32>
    %swap3A_12 = arith.constant 32 : index
    %swap3A_13 = tpu.vector_load %arg7[%swap3A_12] {strides = array<i32>} : memref<80xf32, #tpu.memory_space<vmem>>, vector<16xf32>,
    %swap3A_14 = vector.shape_cast %swap3A_13 : vector<16xf32> to vector<16xf32>
    %swap3A_15 = vector.shape_cast %broadcast_in_dim3A_11 : vector<16xf32> to vector<16xf32>
    tpu.vector_store %arg7[%swap3A_12], %swap3A_15 {strides = array<i32>} : memref<80xf32, #tpu.memory_space<vmem>>, vector<16xf32>,
    %broadcast_in_dim3A_16 = arith.constant 1.000000e+00 : f32
    %broadcast_in_dim3A_17 = vector.broadcast %broadcast_in_dim3A_16 : f32 to vector<16xf32>
    %swap3A_18 = arith.constant 48 : index
    %swap3A_19 = tpu.vector_load %arg7[%swap3A_18] {strides = array<i32>} : memref<80xf32, #tpu.memory_space<vmem>>, vector<16xf32>,
    %swap3A_20 = vector.shape_cast %swap3A_19 : vector<16xf32> to vector<16xf32>
    %swap3A_21 = vector.shape_cast %broadcast_in_dim3A_17 : vector<16xf32> to vector<16xf32>
    tpu.vector_store %arg7[%swap3A_18], %swap3A_21 {strides = array<i32>} : memref<80xf32, #tpu.memory_space<vmem>>, vector<16xf32>,
    %broadcast_in_dim3A_22 = arith.constant 1.000000e+00 : f32
    %broadcast_in_dim3A_23 = vector.broadcast %broadcast_in_dim3A_22 : f32 to vector<16xf32>
    %swap3A_24 = arith.constant 64 : index
    %swap3A_25 = tpu.vector_load %arg7[%swap3A_24] {strides = array<i32>} : memref<80xf32, #tpu.memory_space<vmem>>, vector<16xf32>,
    %swap3A_26 = vector.shape_cast %swap3A_25 : vector<16xf32> to vector<16xf32>
    %swap3A_27 = vector.shape_cast %broadcast_in_dim3A_23 : vector<16xf32> to vector<16xf32>
    tpu.vector_store %arg7[%swap3A_24], %swap3A_27 {strides = array<i32>} : memref<80xf32, #tpu.memory_space<vmem>>, vector<16xf32>,
    %eq3A = arith.constant 0 : i32
    %eq3A_28 = arith.cmpi eq, %arg1, %eq3A : i32
    %convert_element_type3A = arith.extui %eq3A_28 : i1 to i32
    %cond3A = arith.constant 0 : i32
    %cond3A_29 = arith.cmpi ne, %convert_element_type3A, %cond3A : i32
    scf.if %cond3A_29 {
      %scan3A_51 = arith.constant 0 : i32
      %scan3A_52 = arith.constant 0 : i32
      %scan3A_53 = arith.constant 625 : i32
      %scan3A_54 = arith.addi %scan3A_52, %scan3A_53 : i32
      %scan3A_55 = arith.constant 1 : i32
      scf.for %scan3A_57 = %scan3A_52 to %scan3A_54 step %scan3A_55  : i32 {
        %broadcast_in_dim3A_58 = arith.constant 0.000000e+00 : f32
        %broadcast_in_dim3A_59 = vector.broadcast %broadcast_in_dim3A_58 : f32 to vector<16xf32>
        %mul3A = arith.constant 16 : i32
        %mul3A_60 = arith.muli %scan3A_57, %mul3A : i32
        %swap3A_61 = arith.index_cast %mul3A_60 : i32 to index
        %swap3A_62 = tpu.vector_load %arg8[%swap3A_61] {strides = array<i32>} : memref<10000xf32, #tpu.memory_space<vmem>>, vector<16xf32>,
        %swap3A_63 = vector.shape_cast %swap3A_62 : vector<16xf32> to vector<16xf32>
        %swap3A_64 = vector.shape_cast %broadcast_in_dim3A_59 : vector<16xf32> to vector<16xf32>
        tpu.vector_store %arg8[%swap3A_61], %swap3A_64 {strides = array<i32>} : memref<10000xf32, #tpu.memory_space<vmem>>, vector<16xf32>,
      }
      %scan3A_56 = arith.constant 625 : i32
      "tpu.region"() ({
        %run_scoped3A = tpu.sem_alloc : memref<!tpu.dma_semaphore, #tpu.memory_space<semaphore_mem>>
        tpu.enqueue_dma source(%arg8 : memref<10000xf32, #tpu.memory_space<vmem>>) target(%arg9 : memref<10000xf32, #tpu.memory_space<vmem_shared>>) target_semaphore(%run_scoped3A : memref<!tpu.dma_semaphore, #tpu.memory_space<semaphore_mem>>)
        tpu.wait_dma2 semaphore(%run_scoped3A : memref<!tpu.dma_semaphore, #tpu.memory_space<semaphore_mem>>) src(%arg8 : memref<10000xf32, #tpu.memory_space<vmem>>) dst(%arg9 : memref<10000xf32, #tpu.memory_space<vmem_shared>>)
        tpu.yield
      }) : () -> ()
    } else {
    }
    %eq3A_30 = arith.constant 0 : i32
    %eq3A_31 = arith.cmpi eq, %arg0, %eq3A_30 : i32
    %convert_element_type3A_32 = arith.extui %eq3A_31 : i1 to i32
    %cond3A_33 = arith.constant 0 : i32
    %cond3A_34 = arith.cmpi ne, %convert_element_type3A_32, %cond3A_33 : i32
    scf.if %cond3A_34 {
      "tpu.region"() ({
        %run_scoped3A = tpu.sem_alloc : memref<!tpu.dma_semaphore, #tpu.memory_space<semaphore_mem>>
        %dma_start3A = arith.constant 0 : i32
        %dma_start3A_51 = arith.constant 0 : i32
        %dma_start3A_52 = tpu.memref_slice %arg2[%arg1, %dma_start3A, %dma_start3A_51] : memref<16x125x80xi32, #tpu.memory_space<hbm>> -> memref<1x125x80xi32, #tpu.memory_space<hbm>>
        %dma_start3A_53 = tpu.memref_squeeze %dma_start3A_52 : memref<1x125x80xi32, #tpu.memory_space<hbm>> -> memref<125x80xi32, #tpu.memory_space<hbm>>
        %dma_start3A_54 = arith.constant 0 : i32
        %dma_start3A_55 = arith.constant 0 : i32
        %dma_start3A_56 = tpu.memref_slice %arg2[%arg1, %dma_start3A_54, %dma_start3A_55] : memref<16x125x80xi32, #tpu.memory_space<hbm>> -> memref<1x125x80xi32, #tpu.memory_space<hbm>>
        %dma_start3A_57 = tpu.memref_squeeze %dma_start3A_56 : memref<1x125x80xi32, #tpu.memory_space<hbm>> -> memref<125x80xi32, #tpu.memory_space<hbm>>
        tpu.enqueue_dma source(%dma_start3A_57 : memref<125x80xi32, #tpu.memory_space<hbm>>) target(%arg6 : memref<125x80xi32, #tpu.memory_space<vmem>>) target_semaphore(%run_scoped3A : memref<!tpu.dma_semaphore, #tpu.memory_space<semaphore_mem>>)
        %dma_wait3A = arith.constant 0 : i32
        %dma_wait3A_58 = arith.constant 0 : i32
        %dma_wait3A_59 = tpu.memref_slice %arg2[%arg1, %dma_wait3A, %dma_wait3A_58] : memref<16x125x80xi32, #tpu.memory_space<hbm>> -> memref<1x125x80xi32, #tpu.memory_space<hbm>>
        %dma_wait3A_60 = tpu.memref_squeeze %dma_wait3A_59 : memref<1x125x80xi32, #tpu.memory_space<hbm>> -> memref<125x80xi32, #tpu.memory_space<hbm>>
        %dma_wait3A_61 = arith.constant 0 : i32
        %dma_wait3A_62 = arith.constant 0 : i32
        %dma_wait3A_63 = tpu.memref_slice %arg2[%arg1, %dma_wait3A_61, %dma_wait3A_62] : memref<16x125x80xi32, #tpu.memory_space<hbm>> -> memref<1x125x80xi32, #tpu.memory_space<hbm>>
        %dma_wait3A_64 = tpu.memref_squeeze %dma_wait3A_63 : memref<1x125x80xi32, #tpu.memory_space<hbm>> -> memref<125x80xi32, #tpu.memory_space<hbm>>
        tpu.wait_dma2 semaphore(%run_scoped3A : memref<!tpu.dma_semaphore, #tpu.memory_space<semaphore_mem>>) src(%dma_wait3A_64 : memref<125x80xi32, #tpu.memory_space<hbm>>) dst(%arg6 : memref<125x80xi32, #tpu.memory_space<vmem>>)
        tpu.yield
      }) : () -> ()
    } else {
    }
    %eq3A_35 = arith.constant 1 : i32
    %eq3A_36 = arith.cmpi eq, %arg0, %eq3A_35 : i32
    %convert_element_type3A_37 = arith.extui %eq3A_36 : i1 to i32
    %cond3A_38 = arith.constant 0 : i32
    %cond3A_39 = arith.cmpi ne, %convert_element_type3A_37, %cond3A_38 : i32
    scf.if %cond3A_39 {
      "tpu.region"() ({
        %run_scoped3A = tpu.sem_alloc : memref<!tpu.dma_semaphore, #tpu.memory_space<semaphore_mem>>
        %dma_start3A = arith.constant 0 : i32
        %dma_start3A_51 = arith.constant 0 : i32
        %dma_start3A_52 = tpu.memref_slice %arg3[%arg1, %dma_start3A, %dma_start3A_51] : memref<16x125x80xi32, #tpu.memory_space<hbm>> -> memref<1x125x80xi32, #tpu.memory_space<hbm>>
        %dma_start3A_53 = tpu.memref_squeeze %dma_start3A_52 : memref<1x125x80xi32, #tpu.memory_space<hbm>> -> memref<125x80xi32, #tpu.memory_space<hbm>>
        %dma_start3A_54 = arith.constant 0 : i32
        %dma_start3A_55 = arith.constant 0 : i32
        %dma_start3A_56 = tpu.memref_slice %arg3[%arg1, %dma_start3A_54, %dma_start3A_55] : memref<16x125x80xi32, #tpu.memory_space<hbm>> -> memref<1x125x80xi32, #tpu.memory_space<hbm>>
        %dma_start3A_57 = tpu.memref_squeeze %dma_start3A_56 : memref<1x125x80xi32, #tpu.memory_space<hbm>> -> memref<125x80xi32, #tpu.memory_space<hbm>>
        tpu.enqueue_dma source(%dma_start3A_57 : memref<125x80xi32, #tpu.memory_space<hbm>>) target(%arg6 : memref<125x80xi32, #tpu.memory_space<vmem>>) target_semaphore(%run_scoped3A : memref<!tpu.dma_semaphore, #tpu.memory_space<semaphore_mem>>)
        %dma_wait3A = arith.constant 0 : i32
        %dma_wait3A_58 = arith.constant 0 : i32
        %dma_wait3A_59 = tpu.memref_slice %arg3[%arg1, %dma_wait3A, %dma_wait3A_58] : memref<16x125x80xi32, #tpu.memory_space<hbm>> -> memref<1x125x80xi32, #tpu.memory_space<hbm>>
        %dma_wait3A_60 = tpu.memref_squeeze %dma_wait3A_59 : memref<1x125x80xi32, #tpu.memory_space<hbm>> -> memref<125x80xi32, #tpu.memory_space<hbm>>
        %dma_wait3A_61 = arith.constant 0 : i32
        %dma_wait3A_62 = arith.constant 0 : i32
        %dma_wait3A_63 = tpu.memref_slice %arg3[%arg1, %dma_wait3A_61, %dma_wait3A_62] : memref<16x125x80xi32, #tpu.memory_space<hbm>> -> memref<1x125x80xi32, #tpu.memory_space<hbm>>
        %dma_wait3A_64 = tpu.memref_squeeze %dma_wait3A_63 : memref<1x125x80xi32, #tpu.memory_space<hbm>> -> memref<125x80xi32, #tpu.memory_space<hbm>>
        tpu.wait_dma2 semaphore(%run_scoped3A : memref<!tpu.dma_semaphore, #tpu.memory_space<semaphore_mem>>) src(%dma_wait3A_64 : memref<125x80xi32, #tpu.memory_space<hbm>>) dst(%arg6 : memref<125x80xi32, #tpu.memory_space<vmem>>)
        tpu.yield
      }) : () -> ()
    } else {
    }
    %barrier3A = arith.constant 0 : index
    tpu.barrier barrier_id(%barrier3A)
    %scan3A = arith.constant 0 : i32
    %scan3A_40 = arith.constant 0 : i32
    %scan3A_41 = arith.constant 125 : i32
    %scan3A_42 = arith.addi %scan3A_40, %scan3A_41 : i32
    %scan3A_43 = arith.constant 1 : i32
    scf.for %scan3A_51 = %scan3A_40 to %scan3A_42 step %scan3A_43  : i32 {
      "tpu.region"() ({
        %run_scoped3A = tpu.sem_alloc : memref<!tpu.dma_semaphore, #tpu.memory_space<semaphore_mem>>
        %dma_start3A = arith.constant 0 : i32
        %dma_start3A_52 = tpu.memref_slice %arg6[%scan3A_51, %dma_start3A] : memref<125x80xi32, #tpu.memory_space<vmem>> -> memref<1x80xi32, #tpu.memory_space<vmem>>
        %dma_start3A_53 = tpu.memref_squeeze %dma_start3A_52 : memref<1x80xi32, #tpu.memory_space<vmem>> -> memref<80xi32, #tpu.memory_space<vmem>>
        %dma_start3A_54 = arith.constant 0 : i32
        %dma_start3A_55 = tpu.memref_slice %arg9[%dma_start3A_54] : memref<10000xf32, #tpu.memory_space<vmem_shared>> -> memref<10000xf32, #tpu.memory_space<vmem_shared>>
        tpu.enqueue_indirect_dma source(%arg7 : memref<80xf32, #tpu.memory_space<vmem>>) target(%dma_start3A_55 : memref<10000xf32, #tpu.memory_space<vmem_shared>>) offsets(%dma_start3A_53 : memref<80xi32, #tpu.memory_space<vmem>>) semaphore(%run_scoped3A : memref<!tpu.dma_semaphore, #tpu.memory_space<semaphore_mem>>) {add = true}
        %dma_wait3A = arith.constant 0 : i32
        %dma_wait3A_56 = tpu.memref_slice %arg6[%scan3A_51, %dma_wait3A] : memref<125x80xi32, #tpu.memory_space<vmem>> -> memref<1x80xi32, #tpu.memory_space<vmem>>
        %dma_wait3A_57 = tpu.memref_squeeze %dma_wait3A_56 : memref<1x80xi32, #tpu.memory_space<vmem>> -> memref<80xi32, #tpu.memory_space<vmem>>
        %dma_wait3A_58 = arith.constant 0 : i32
        %dma_wait3A_59 = tpu.memref_slice %arg9[%dma_wait3A_58] : memref<10000xf32, #tpu.memory_space<vmem_shared>> -> memref<10000xf32, #tpu.memory_space<vmem_shared>>
        tpu.wait_indirect_dma semaphore(%run_scoped3A : memref<!tpu.dma_semaphore, #tpu.memory_space<semaphore_mem>>) src(%arg7 : memref<80xf32, #tpu.memory_space<vmem>>) dst(%dma_wait3A_59 : memref<10000xf32, #tpu.memory_space<vmem_shared>>)
        tpu.yield
      }) : () -> ()
    }
    %scan3A_44 = arith.constant 125 : i32
    %barrier3A_45 = arith.constant 0 : index
    tpu.barrier barrier_id(%barrier3A_45)
    %eq3A_46 = arith.constant 0 : i32
    %eq3A_47 = arith.cmpi eq, %arg1, %eq3A_46 : i32
    %convert_element_type3A_48 = arith.extui %eq3A_47 : i1 to i32
    %cond3A_49 = arith.constant 0 : i32
    %cond3A_50 = arith.cmpi ne, %convert_element_type3A_48, %cond3A_49 : i32
    scf.if %cond3A_50 {
      "tpu.region"() ({
        %run_scoped3A = tpu.sem_alloc : memref<!tpu.dma_semaphore, #tpu.memory_space<semaphore_mem>>
        tpu.enqueue_dma source(%arg9 : memref<10000xf32, #tpu.memory_space<vmem_shared>>) target(%arg8 : memref<10000xf32, #tpu.memory_space<vmem>>) target_semaphore(%run_scoped3A : memref<!tpu.dma_semaphore, #tpu.memory_space<semaphore_mem>>)
        tpu.wait_dma2 semaphore(%run_scoped3A : memref<!tpu.dma_semaphore, #tpu.memory_space<semaphore_mem>>) src(%arg9 : memref<10000xf32, #tpu.memory_space<vmem_shared>>) dst(%arg8 : memref<10000xf32, #tpu.memory_space<vmem>>)
        tpu.yield
      }) : () -> ()
      %eq3A_51 = arith.constant 0 : i32
      %eq3A_52 = arith.cmpi eq, %arg0, %eq3A_51 : i32
      %convert_element_type3A_53 = arith.extui %eq3A_52 : i1 to i32
      %cond3A_54 = arith.constant 0 : i32
      %cond3A_55 = arith.cmpi ne, %convert_element_type3A_53, %cond3A_54 : i32
      scf.if %cond3A_55 {
        "tpu.region"() ({
          %run_scoped3A = tpu.sem_alloc : memref<!tpu.dma_semaphore, #tpu.memory_space<semaphore_mem>>
          tpu.enqueue_dma source(%arg8 : memref<10000xf32, #tpu.memory_space<vmem>>) target(%arg4 : memref<10000xf32, #tpu.memory_space<hbm>>) target_semaphore(%run_scoped3A : memref<!tpu.dma_semaphore, #tpu.memory_space<semaphore_mem>>)
          tpu.wait_dma2 semaphore(%run_scoped3A : memref<!tpu.dma_semaphore, #tpu.memory_space<semaphore_mem>>) src(%arg8 : memref<10000xf32, #tpu.memory_space<vmem>>) dst(%arg4 : memref<10000xf32, #tpu.memory_space<hbm>>)
          tpu.yield
        }) : () -> ()
      } else {
      }
      %eq3A_56 = arith.constant 1 : i32
      %eq3A_57 = arith.cmpi eq, %arg0, %eq3A_56 : i32
      %convert_element_type3A_58 = arith.extui %eq3A_57 : i1 to i32
      %cond3A_59 = arith.constant 0 : i32
      %cond3A_60 = arith.cmpi ne, %convert_element_type3A_58, %cond3A_59 : i32
      scf.if %cond3A_60 {
        "tpu.region"() ({
          %run_scoped3A = tpu.sem_alloc : memref<!tpu.dma_semaphore, #tpu.memory_space<semaphore_mem>>
          tpu.enqueue_dma source(%arg8 : memref<10000xf32, #tpu.memory_space<vmem>>) target(%arg5 : memref<10000xf32, #tpu.memory_space<hbm>>) target_semaphore(%run_scoped3A : memref<!tpu.dma_semaphore, #tpu.memory_space<semaphore_mem>>)
          tpu.wait_dma2 semaphore(%run_scoped3A : memref<!tpu.dma_semaphore, #tpu.memory_space<semaphore_mem>>) src(%arg8 : memref<10000xf32, #tpu.memory_space<vmem>>) dst(%arg5 : memref<10000xf32, #tpu.memory_space<hbm>>)
          tpu.yield
        }) : () -> ()
      } else {
      }
    } else {
    }
    return
  }
}

#map = affine_map<(d0, d1) -> (0, 0)>
#map1 = affine_map<(d0, d1) -> (0, 0, 0)>
module attributes {stable_mosaic.version = 14 : i64} {
  func.func @_agg_body(%arg0: i32, %arg1: i32, %arg2: memref<10000x128xf32, #tpu.memory_space<hbm>>, %arg3: memref<10000x128xf32, #tpu.memory_space<hbm>>, %arg4: memref<80x20x100xi32, #tpu.memory_space<hbm>>, %arg5: memref<80x20x100xi32, #tpu.memory_space<hbm>>, %arg6: memref<10000x128xf32, #tpu.memory_space<hbm>>, %arg7: memref<10000x128xf32, #tpu.memory_space<hbm>>, %arg8: memref<20x100xi32, #tpu.memory_space<vmem>>, %arg9: memref<20x100xi32, #tpu.memory_space<vmem>>, %arg10: memref<100x128xf32, #tpu.memory_space<vmem>>, %arg11: memref<100x128xf32, #tpu.memory_space<vmem>>, %arg12: memref<10000x128xf32, #tpu.memory_space<vmem_shared>>, %arg13: memref<!tpu.dma_semaphore, #tpu.memory_space<semaphore_mem>>, %arg14: memref<!tpu.dma_semaphore, #tpu.memory_space<semaphore_mem>>) attributes {dimension_semantics = [#tpu.dimension_semantics<core_parallel>, #tpu.dimension_semantics<subcore_parallel>], iteration_bounds = array<i64: 2, 16>, scalar_prefetch = 0 : i64, scratch_operands = 7 : i64, tpu.core_type = #tpu.core_type<sc_vector_subcore>, window_params = [{transform_indices = #map}, {transform_indices = #map}, {transform_indices = #map1}, {transform_indices = #map1}, {transform_indices = #map}, {transform_indices = #map}]} {
    %scan3A = arith.constant 0 : i32
    %scan3A_0 = arith.constant 0 : i32
    %scan3A_1 = arith.constant 800 : i32
    %scan3A_2 = arith.addi %scan3A_0, %scan3A_1 : i32
    %scan3A_3 = arith.constant 1 : i32
    scf.for %scan3A_29 = %scan3A_0 to %scan3A_2 step %scan3A_3  : i32 {
      %broadcast_in_dim3A = arith.constant 0.000000e+00 : f32
      %broadcast_in_dim3A_30 = vector.broadcast %broadcast_in_dim3A : f32 to vector<16xf32>
      %jit3A = arith.constant 8 : i32
      %div3A = arith.divsi %scan3A_29, %jit3A : i32
      %sign3A = arith.constant 0 : i32
      %sign3A_31 = arith.cmpi sgt, %scan3A_29, %sign3A : i32
      %sign3A_32 = arith.extui %sign3A_31 : i1 to i32
      %sign3A_33 = arith.constant 0 : i32
      %sign3A_34 = arith.cmpi slt, %scan3A_29, %sign3A_33 : i32
      %sign3A_35 = arith.extui %sign3A_34 : i1 to i32
      %sign3A_36 = arith.subi %sign3A_32, %sign3A_35 : i32
      %sign3A_37 = arith.constant 0 : i32
      %sign3A_38 = arith.cmpi sgt, %jit3A, %sign3A_37 : i32
      %sign3A_39 = arith.extui %sign3A_38 : i1 to i32
      %sign3A_40 = arith.constant 0 : i32
      %sign3A_41 = arith.cmpi slt, %jit3A, %sign3A_40 : i32
      %sign3A_42 = arith.extui %sign3A_41 : i1 to i32
      %sign3A_43 = arith.subi %sign3A_39, %sign3A_42 : i32
      %ne3A = arith.cmpi ne, %sign3A_36, %sign3A_43 : i32
      %rem3A = arith.remsi %scan3A_29, %jit3A : i32
      %ne3A_44 = arith.constant 0 : i32
      %ne3A_45 = arith.cmpi ne, %rem3A, %ne3A_44 : i32
      %and3A = arith.andi %ne3A, %ne3A_45 : i1
      %sub3A = arith.constant 1 : i32
      %sub3A_46 = arith.subi %div3A, %sub3A : i32
      %select_n3A = arith.select %and3A, %sub3A_46, %div3A : i32
      %jit3A_47 = arith.constant 8 : i32
      %eq3A_48 = arith.constant 0 : i32
      %eq3A_49 = arith.cmpi eq, %jit3A_47, %eq3A_48 : i32
      %jit3A_50 = arith.constant 1 : i32
      %select_n3A_51 = arith.select %eq3A_49, %jit3A_50, %jit3A_47 : i32
      %rem3A_52 = arith.remsi %scan3A_29, %select_n3A_51 : i32
      %ne3A_53 = arith.constant 0 : i32
      %ne3A_54 = arith.cmpi ne, %rem3A_52, %ne3A_53 : i32
      %lt3A = arith.constant 0 : i32
      %lt3A_55 = arith.cmpi slt, %rem3A_52, %lt3A : i32
      %lt3A_56 = arith.constant 0 : i32
      %lt3A_57 = arith.cmpi slt, %select_n3A_51, %lt3A_56 : i32
      %ne3A_58 = arith.xori %lt3A_55, %lt3A_57 : i1
      %and3A_59 = arith.andi %ne3A_58, %ne3A_54 : i1
      %add3A = arith.addi %rem3A_52, %select_n3A_51 : i32
      %select_n3A_60 = arith.select %and3A_59, %add3A, %rem3A_52 : i32
      %mul3A = arith.constant 16 : i32
      %mul3A_61 = arith.muli %select_n3A_60, %mul3A : i32
      %swap3A = arith.index_cast %select_n3A : i32 to index
      %swap3A_62 = arith.index_cast %mul3A_61 : i32 to index
      %swap3A_63 = tpu.vector_load %arg10[%swap3A, %swap3A_62] {strides = array<i32>} : memref<100x128xf32, #tpu.memory_space<vmem>>, vector<1x16xf32>,
      %swap3A_64 = vector.shape_cast %swap3A_63 : vector<1x16xf32> to vector<16xf32>
      %swap3A_65 = vector.shape_cast %broadcast_in_dim3A_30 : vector<16xf32> to vector<1x16xf32>
      tpu.vector_store %arg10[%swap3A, %swap3A_62], %swap3A_65 {strides = array<i32>} : memref<100x128xf32, #tpu.memory_space<vmem>>, vector<1x16xf32>,
    }
    %scan3A_4 = arith.constant 800 : i32
    %scan3A_5 = arith.constant 0 : i32
    %scan3A_6 = arith.constant 0 : i32
    %scan3A_7 = arith.constant 8 : i32
    %scan3A_8 = arith.addi %scan3A_6, %scan3A_7 : i32
    %scan3A_9 = arith.constant 1 : i32
    scf.for %scan3A_29 = %scan3A_6 to %scan3A_8 step %scan3A_9  : i32 {
      %mul3A = arith.constant 16 : i32
      %mul3A_30 = arith.muli %scan3A_29, %mul3A : i32
      %add3A = arith.addi %arg1, %mul3A_30 : i32
      %lt3A = arith.constant 125 : i32
      %lt3A_31 = arith.cmpi slt, %add3A, %lt3A : i32
      %convert_element_type3A_32 = arith.extui %lt3A_31 : i1 to i32
      %cond3A_33 = arith.constant 0 : i32
      %cond3A_34 = arith.cmpi ne, %convert_element_type3A_32, %cond3A_33 : i32
      scf.if %cond3A_34 {
        %mul3A_35 = arith.constant 80 : i32
        %mul3A_36 = arith.muli %add3A, %mul3A_35 : i32
        "tpu.region"() ({
          %run_scoped3A = tpu.sem_alloc : memref<!tpu.dma_semaphore, #tpu.memory_space<semaphore_mem>>
          %dma_start3A = arith.constant 0 : i32
          %dma_start3A_37 = arith.constant 0 : i32
          %dma_start3A_38 = tpu.memref_slice %arg10[%dma_start3A, %dma_start3A_37] : memref<100x128xf32, #tpu.memory_space<vmem>> -> memref<80x128xf32, #tpu.memory_space<vmem>>
          %dma_start3A_39 = arith.constant 0 : i32
          %dma_start3A_40 = tpu.memref_slice %arg12[%mul3A_36, %dma_start3A_39] : memref<10000x128xf32, #tpu.memory_space<vmem_shared>> -> memref<80x128xf32, #tpu.memory_space<vmem_shared>>
          %dma_start3A_41 = arith.constant 0 : i32
          %dma_start3A_42 = tpu.memref_slice %arg12[%mul3A_36, %dma_start3A_41] : memref<10000x128xf32, #tpu.memory_space<vmem_shared>> -> memref<80x128xf32, #tpu.memory_space<vmem_shared>>
          %dma_start3A_43 = arith.constant 0 : i32
          %dma_start3A_44 = arith.constant 0 : i32
          %dma_start3A_45 = tpu.memref_slice %arg10[%dma_start3A_43, %dma_start3A_44] : memref<100x128xf32, #tpu.memory_space<vmem>> -> memref<80x128xf32, #tpu.memory_space<vmem>>
          tpu.enqueue_dma source(%dma_start3A_45 : memref<80x128xf32, #tpu.memory_space<vmem>>) target(%dma_start3A_42 : memref<80x128xf32, #tpu.memory_space<vmem_shared>>) target_semaphore(%run_scoped3A : memref<!tpu.dma_semaphore, #tpu.memory_space<semaphore_mem>>)
          %dma_wait3A = arith.constant 0 : i32
          %dma_wait3A_46 = arith.constant 0 : i32
          %dma_wait3A_47 = tpu.memref_slice %arg10[%dma_wait3A, %dma_wait3A_46] : memref<100x128xf32, #tpu.memory_space<vmem>> -> memref<80x128xf32, #tpu.memory_space<vmem>>
          %dma_wait3A_48 = arith.constant 0 : i32
          %dma_wait3A_49 = tpu.memref_slice %arg12[%mul3A_36, %dma_wait3A_48] : memref<10000x128xf32, #tpu.memory_space<vmem_shared>> -> memref<80x128xf32, #tpu.memory_space<vmem_shared>>
          %dma_wait3A_50 = arith.constant 0 : i32
          %dma_wait3A_51 = tpu.memref_slice %arg12[%mul3A_36, %dma_wait3A_50] : memref<10000x128xf32, #tpu.memory_space<vmem_shared>> -> memref<80x128xf32, #tpu.memory_space<vmem_shared>>
          %dma_wait3A_52 = arith.constant 0 : i32
          %dma_wait3A_53 = arith.constant 0 : i32
          %dma_wait3A_54 = tpu.memref_slice %arg10[%dma_wait3A_52, %dma_wait3A_53] : memref<100x128xf32, #tpu.memory_space<vmem>> -> memref<80x128xf32, #tpu.memory_space<vmem>>
          tpu.wait_dma2 semaphore(%run_scoped3A : memref<!tpu.dma_semaphore, #tpu.memory_space<semaphore_mem>>) src(%dma_wait3A_54 : memref<80x128xf32, #tpu.memory_space<vmem>>) dst(%dma_wait3A_51 : memref<80x128xf32, #tpu.memory_space<vmem_shared>>)
          tpu.yield
        }) : () -> ()
      } else {
      }
    }
    %scan3A_10 = arith.constant 8 : i32
    %barrier3A = arith.constant 0 : index
    tpu.barrier barrier_id(%barrier3A)
    %eq3A = arith.constant 0 : i32
    %eq3A_11 = arith.cmpi eq, %arg0, %eq3A : i32
    %convert_element_type3A = arith.extui %eq3A_11 : i1 to i32
    %cond3A = arith.constant 0 : i32
    %cond3A_12 = arith.cmpi ne, %convert_element_type3A, %cond3A : i32
    scf.if %cond3A_12 {
      %scan3A_29 = arith.constant 0 : i32
      %scan3A_30 = arith.constant 0 : i32
      %scan3A_31 = arith.constant 5 : i32
      %scan3A_32 = arith.addi %scan3A_30, %scan3A_31 : i32
      %scan3A_33 = arith.constant 1 : i32
      scf.for %scan3A_35 = %scan3A_30 to %scan3A_32 step %scan3A_33  : i32 {
        %mul3A = arith.constant 5 : i32
        %mul3A_36 = arith.muli %arg1, %mul3A : i32
        %add3A = arith.addi %mul3A_36, %scan3A_35 : i32
        "tpu.region"() ({
          %run_scoped3A = tpu.sem_alloc : memref<!tpu.dma_semaphore, #tpu.memory_space<semaphore_mem>>
          %dma_start3A = arith.constant 0 : i32
          %dma_start3A_46 = arith.constant 0 : i32
          %dma_start3A_47 = tpu.memref_slice %arg4[%add3A, %dma_start3A, %dma_start3A_46] : memref<80x20x100xi32, #tpu.memory_space<hbm>> -> memref<1x20x100xi32, #tpu.memory_space<hbm>>
          %dma_start3A_48 = tpu.memref_squeeze %dma_start3A_47 : memref<1x20x100xi32, #tpu.memory_space<hbm>> -> memref<20x100xi32, #tpu.memory_space<hbm>>
          %dma_start3A_49 = arith.constant 0 : i32
          %dma_start3A_50 = arith.constant 0 : i32
          %dma_start3A_51 = tpu.memref_slice %arg4[%add3A, %dma_start3A_49, %dma_start3A_50] : memref<80x20x100xi32, #tpu.memory_space<hbm>> -> memref<1x20x100xi32, #tpu.memory_space<hbm>>
          %dma_start3A_52 = tpu.memref_squeeze %dma_start3A_51 : memref<1x20x100xi32, #tpu.memory_space<hbm>> -> memref<20x100xi32, #tpu.memory_space<hbm>>
          tpu.enqueue_dma source(%dma_start3A_52 : memref<20x100xi32, #tpu.memory_space<hbm>>) target(%arg8 : memref<20x100xi32, #tpu.memory_space<vmem>>) target_semaphore(%run_scoped3A : memref<!tpu.dma_semaphore, #tpu.memory_space<semaphore_mem>>)
          %dma_wait3A = arith.constant 0 : i32
          %dma_wait3A_53 = arith.constant 0 : i32
          %dma_wait3A_54 = tpu.memref_slice %arg4[%add3A, %dma_wait3A, %dma_wait3A_53] : memref<80x20x100xi32, #tpu.memory_space<hbm>> -> memref<1x20x100xi32, #tpu.memory_space<hbm>>
          %dma_wait3A_55 = tpu.memref_squeeze %dma_wait3A_54 : memref<1x20x100xi32, #tpu.memory_space<hbm>> -> memref<20x100xi32, #tpu.memory_space<hbm>>
          %dma_wait3A_56 = arith.constant 0 : i32
          %dma_wait3A_57 = arith.constant 0 : i32
          %dma_wait3A_58 = tpu.memref_slice %arg4[%add3A, %dma_wait3A_56, %dma_wait3A_57] : memref<80x20x100xi32, #tpu.memory_space<hbm>> -> memref<1x20x100xi32, #tpu.memory_space<hbm>>
          %dma_wait3A_59 = tpu.memref_squeeze %dma_wait3A_58 : memref<1x20x100xi32, #tpu.memory_space<hbm>> -> memref<20x100xi32, #tpu.memory_space<hbm>>
          tpu.wait_dma2 semaphore(%run_scoped3A : memref<!tpu.dma_semaphore, #tpu.memory_space<semaphore_mem>>) src(%dma_wait3A_59 : memref<20x100xi32, #tpu.memory_space<hbm>>) dst(%arg8 : memref<20x100xi32, #tpu.memory_space<vmem>>)
          tpu.yield
        }) : () -> ()
        %mul3A_37 = arith.constant 5 : i32
        %mul3A_38 = arith.muli %arg1, %mul3A_37 : i32
        %add3A_39 = arith.addi %mul3A_38, %scan3A_35 : i32
        "tpu.region"() ({
          %run_scoped3A = tpu.sem_alloc : memref<!tpu.dma_semaphore, #tpu.memory_space<semaphore_mem>>
          %dma_start3A = arith.constant 0 : i32
          %dma_start3A_46 = arith.constant 0 : i32
          %dma_start3A_47 = tpu.memref_slice %arg5[%add3A_39, %dma_start3A, %dma_start3A_46] : memref<80x20x100xi32, #tpu.memory_space<hbm>> -> memref<1x20x100xi32, #tpu.memory_space<hbm>>
          %dma_start3A_48 = tpu.memref_squeeze %dma_start3A_47 : memref<1x20x100xi32, #tpu.memory_space<hbm>> -> memref<20x100xi32, #tpu.memory_space<hbm>>
          %dma_start3A_49 = arith.constant 0 : i32
          %dma_start3A_50 = arith.constant 0 : i32
          %dma_start3A_51 = tpu.memref_slice %arg5[%add3A_39, %dma_start3A_49, %dma_start3A_50] : memref<80x20x100xi32, #tpu.memory_space<hbm>> -> memref<1x20x100xi32, #tpu.memory_space<hbm>>
          %dma_start3A_52 = tpu.memref_squeeze %dma_start3A_51 : memref<1x20x100xi32, #tpu.memory_space<hbm>> -> memref<20x100xi32, #tpu.memory_space<hbm>>
          tpu.enqueue_dma source(%dma_start3A_52 : memref<20x100xi32, #tpu.memory_space<hbm>>) target(%arg9 : memref<20x100xi32, #tpu.memory_space<vmem>>) target_semaphore(%run_scoped3A : memref<!tpu.dma_semaphore, #tpu.memory_space<semaphore_mem>>)
          %dma_wait3A = arith.constant 0 : i32
          %dma_wait3A_53 = arith.constant 0 : i32
          %dma_wait3A_54 = tpu.memref_slice %arg5[%add3A_39, %dma_wait3A, %dma_wait3A_53] : memref<80x20x100xi32, #tpu.memory_space<hbm>> -> memref<1x20x100xi32, #tpu.memory_space<hbm>>
          %dma_wait3A_55 = tpu.memref_squeeze %dma_wait3A_54 : memref<1x20x100xi32, #tpu.memory_space<hbm>> -> memref<20x100xi32, #tpu.memory_space<hbm>>
          %dma_wait3A_56 = arith.constant 0 : i32
          %dma_wait3A_57 = arith.constant 0 : i32
          %dma_wait3A_58 = tpu.memref_slice %arg5[%add3A_39, %dma_wait3A_56, %dma_wait3A_57] : memref<80x20x100xi32, #tpu.memory_space<hbm>> -> memref<1x20x100xi32, #tpu.memory_space<hbm>>
          %dma_wait3A_59 = tpu.memref_squeeze %dma_wait3A_58 : memref<1x20x100xi32, #tpu.memory_space<hbm>> -> memref<20x100xi32, #tpu.memory_space<hbm>>
          tpu.wait_dma2 semaphore(%run_scoped3A : memref<!tpu.dma_semaphore, #tpu.memory_space<semaphore_mem>>) src(%dma_wait3A_59 : memref<20x100xi32, #tpu.memory_space<hbm>>) dst(%arg9 : memref<20x100xi32, #tpu.memory_space<vmem>>)
          tpu.yield
        }) : () -> ()
        %scan3A_40 = arith.constant 0 : i32
        %scan3A_41 = arith.constant 0 : i32
        %scan3A_42 = arith.constant 10 : i32
        %scan3A_43 = arith.addi %scan3A_41, %scan3A_42 : i32
        %scan3A_44 = arith.constant 1 : i32
        scf.for %scan3A_46 = %scan3A_41 to %scan3A_43 step %scan3A_44  : i32 {
          %mul3A_47 = arith.constant 2 : i32
          %mul3A_48 = arith.muli %mul3A_47, %scan3A_46 : i32
          %mul3A_49 = arith.constant 2 : i32
          %mul3A_50 = arith.muli %mul3A_49, %scan3A_46 : i32
          %add3A_51 = arith.constant 1 : i32
          %add3A_52 = arith.addi %mul3A_50, %add3A_51 : i32
          %dma_start3A = arith.constant 0 : i32
          %dma_start3A_53 = tpu.memref_slice %arg8[%mul3A_48, %dma_start3A] : memref<20x100xi32, #tpu.memory_space<vmem>> -> memref<1x100xi32, #tpu.memory_space<vmem>>
          %dma_start3A_54 = tpu.memref_squeeze %dma_start3A_53 : memref<1x100xi32, #tpu.memory_space<vmem>> -> memref<100xi32, #tpu.memory_space<vmem>>
          %dma_start3A_55 = arith.constant 0 : i32
          %dma_start3A_56 = arith.constant 0 : i32
          %dma_start3A_57 = tpu.memref_slice %arg2[%dma_start3A_55, %dma_start3A_56] : memref<10000x128xf32, #tpu.memory_space<hbm>> -> memref<10000x128xf32, #tpu.memory_space<hbm>>
          tpu.enqueue_indirect_dma source(%dma_start3A_57 : memref<10000x128xf32, #tpu.memory_space<hbm>>) target(%arg10 : memref<100x128xf32, #tpu.memory_space<vmem>>) offsets(%dma_start3A_54 : memref<100xi32, #tpu.memory_space<vmem>>) semaphore(%arg13 : memref<!tpu.dma_semaphore, #tpu.memory_space<semaphore_mem>>)
          %dma_start3A_58 = arith.constant 0 : i32
          %dma_start3A_59 = tpu.memref_slice %arg8[%add3A_52, %dma_start3A_58] : memref<20x100xi32, #tpu.memory_space<vmem>> -> memref<1x100xi32, #tpu.memory_space<vmem>>
          %dma_start3A_60 = tpu.memref_squeeze %dma_start3A_59 : memref<1x100xi32, #tpu.memory_space<vmem>> -> memref<100xi32, #tpu.memory_space<vmem>>
          %dma_start3A_61 = arith.constant 0 : i32
          %dma_start3A_62 = arith.constant 0 : i32
          %dma_start3A_63 = tpu.memref_slice %arg2[%dma_start3A_61, %dma_start3A_62] : memref<10000x128xf32, #tpu.memory_space<hbm>> -> memref<10000x128xf32, #tpu.memory_space<hbm>>
          tpu.enqueue_indirect_dma source(%dma_start3A_63 : memref<10000x128xf32, #tpu.memory_space<hbm>>) target(%arg11 : memref<100x128xf32, #tpu.memory_space<vmem>>) offsets(%dma_start3A_60 : memref<100xi32, #tpu.memory_space<vmem>>) semaphore(%arg14 : memref<!tpu.dma_semaphore, #tpu.memory_space<semaphore_mem>>)
          %dma_wait3A = arith.constant 0 : i32
          %dma_wait3A_64 = tpu.memref_slice %arg8[%mul3A_48, %dma_wait3A] : memref<20x100xi32, #tpu.memory_space<vmem>> -> memref<1x100xi32, #tpu.memory_space<vmem>>
          %dma_wait3A_65 = tpu.memref_squeeze %dma_wait3A_64 : memref<1x100xi32, #tpu.memory_space<vmem>> -> memref<100xi32, #tpu.memory_space<vmem>>
          %dma_wait3A_66 = arith.constant 0 : i32
          %dma_wait3A_67 = arith.constant 0 : i32
          %dma_wait3A_68 = tpu.memref_slice %arg2[%dma_wait3A_66, %dma_wait3A_67] : memref<10000x128xf32, #tpu.memory_space<hbm>> -> memref<10000x128xf32, #tpu.memory_space<hbm>>
          tpu.wait_indirect_dma semaphore(%arg13 : memref<!tpu.dma_semaphore, #tpu.memory_space<semaphore_mem>>) src(%dma_wait3A_68 : memref<10000x128xf32, #tpu.memory_space<hbm>>) dst(%arg10 : memref<100x128xf32, #tpu.memory_space<vmem>>)
          "tpu.region"() ({
            %run_scoped3A = tpu.sem_alloc : memref<!tpu.dma_semaphore, #tpu.memory_space<semaphore_mem>>
            %dma_start3A_75 = arith.constant 0 : i32
            %dma_start3A_76 = tpu.memref_slice %arg9[%mul3A_48, %dma_start3A_75] : memref<20x100xi32, #tpu.memory_space<vmem>> -> memref<1x100xi32, #tpu.memory_space<vmem>>
            %dma_start3A_77 = tpu.memref_squeeze %dma_start3A_76 : memref<1x100xi32, #tpu.memory_space<vmem>> -> memref<100xi32, #tpu.memory_space<vmem>>
            %dma_start3A_78 = arith.constant 0 : i32
            %dma_start3A_79 = arith.constant 0 : i32
            %dma_start3A_80 = tpu.memref_slice %arg12[%dma_start3A_78, %dma_start3A_79] : memref<10000x128xf32, #tpu.memory_space<vmem_shared>> -> memref<10000x128xf32, #tpu.memory_space<vmem_shared>>
            tpu.enqueue_indirect_dma source(%arg10 : memref<100x128xf32, #tpu.memory_space<vmem>>) target(%dma_start3A_80 : memref<10000x128xf32, #tpu.memory_space<vmem_shared>>) offsets(%dma_start3A_77 : memref<100xi32, #tpu.memory_space<vmem>>) semaphore(%run_scoped3A : memref<!tpu.dma_semaphore, #tpu.memory_space<semaphore_mem>>) {add = true}
            %dma_wait3A_81 = arith.constant 0 : i32
            %dma_wait3A_82 = tpu.memref_slice %arg9[%mul3A_48, %dma_wait3A_81] : memref<20x100xi32, #tpu.memory_space<vmem>> -> memref<1x100xi32, #tpu.memory_space<vmem>>
            %dma_wait3A_83 = tpu.memref_squeeze %dma_wait3A_82 : memref<1x100xi32, #tpu.memory_space<vmem>> -> memref<100xi32, #tpu.memory_space<vmem>>
            %dma_wait3A_84 = arith.constant 0 : i32
            %dma_wait3A_85 = arith.constant 0 : i32
            %dma_wait3A_86 = tpu.memref_slice %arg12[%dma_wait3A_84, %dma_wait3A_85] : memref<10000x128xf32, #tpu.memory_space<vmem_shared>> -> memref<10000x128xf32, #tpu.memory_space<vmem_shared>>
            tpu.wait_indirect_dma semaphore(%run_scoped3A : memref<!tpu.dma_semaphore, #tpu.memory_space<semaphore_mem>>) src(%arg10 : memref<100x128xf32, #tpu.memory_space<vmem>>) dst(%dma_wait3A_86 : memref<10000x128xf32, #tpu.memory_space<vmem_shared>>)
            tpu.yield
          }) : () -> ()
          %dma_wait3A_69 = arith.constant 0 : i32
          %dma_wait3A_70 = tpu.memref_slice %arg8[%add3A_52, %dma_wait3A_69] : memref<20x100xi32, #tpu.memory_space<vmem>> -> memref<1x100xi32, #tpu.memory_space<vmem>>
          %dma_wait3A_71 = tpu.memref_squeeze %dma_wait3A_70 : memref<1x100xi32, #tpu.memory_space<vmem>> -> memref<100xi32, #tpu.memory_space<vmem>>
          %dma_wait3A_72 = arith.constant 0 : i32
          %dma_wait3A_73 = arith.constant 0 : i32
          %dma_wait3A_74 = tpu.memref_slice %arg2[%dma_wait3A_72, %dma_wait3A_73] : memref<10000x128xf32, #tpu.memory_space<hbm>> -> memref<10000x128xf32, #tpu.memory_space<hbm>>
          tpu.wait_indirect_dma semaphore(%arg14 : memref<!tpu.dma_semaphore, #tpu.memory_space<semaphore_mem>>) src(%dma_wait3A_74 : memref<10000x128xf32, #tpu.memory_space<hbm>>) dst(%arg11 : memref<100x128xf32, #tpu.memory_space<vmem>>)
          "tpu.region"() ({
            %run_scoped3A = tpu.sem_alloc : memref<!tpu.dma_semaphore, #tpu.memory_space<semaphore_mem>>
            %dma_start3A_75 = arith.constant 0 : i32
            %dma_start3A_76 = tpu.memref_slice %arg9[%add3A_52, %dma_start3A_75] : memref<20x100xi32, #tpu.memory_space<vmem>> -> memref<1x100xi32, #tpu.memory_space<vmem>>
            %dma_start3A_77 = tpu.memref_squeeze %dma_start3A_76 : memref<1x100xi32, #tpu.memory_space<vmem>> -> memref<100xi32, #tpu.memory_space<vmem>>
            %dma_start3A_78 = arith.constant 0 : i32
            %dma_start3A_79 = arith.constant 0 : i32
            %dma_start3A_80 = tpu.memref_slice %arg12[%dma_start3A_78, %dma_start3A_79] : memref<10000x128xf32, #tpu.memory_space<vmem_shared>> -> memref<10000x128xf32, #tpu.memory_space<vmem_shared>>
            tpu.enqueue_indirect_dma source(%arg11 : memref<100x128xf32, #tpu.memory_space<vmem>>) target(%dma_start3A_80 : memref<10000x128xf32, #tpu.memory_space<vmem_shared>>) offsets(%dma_start3A_77 : memref<100xi32, #tpu.memory_space<vmem>>) semaphore(%run_scoped3A : memref<!tpu.dma_semaphore, #tpu.memory_space<semaphore_mem>>) {add = true}
            %dma_wait3A_81 = arith.constant 0 : i32
            %dma_wait3A_82 = tpu.memref_slice %arg9[%add3A_52, %dma_wait3A_81] : memref<20x100xi32, #tpu.memory_space<vmem>> -> memref<1x100xi32, #tpu.memory_space<vmem>>
            %dma_wait3A_83 = tpu.memref_squeeze %dma_wait3A_82 : memref<1x100xi32, #tpu.memory_space<vmem>> -> memref<100xi32, #tpu.memory_space<vmem>>
            %dma_wait3A_84 = arith.constant 0 : i32
            %dma_wait3A_85 = arith.constant 0 : i32
            %dma_wait3A_86 = tpu.memref_slice %arg12[%dma_wait3A_84, %dma_wait3A_85] : memref<10000x128xf32, #tpu.memory_space<vmem_shared>> -> memref<10000x128xf32, #tpu.memory_space<vmem_shared>>
            tpu.wait_indirect_dma semaphore(%run_scoped3A : memref<!tpu.dma_semaphore, #tpu.memory_space<semaphore_mem>>) src(%arg11 : memref<100x128xf32, #tpu.memory_space<vmem>>) dst(%dma_wait3A_86 : memref<10000x128xf32, #tpu.memory_space<vmem_shared>>)
            tpu.yield
          }) : () -> ()
        }
        %scan3A_45 = arith.constant 10 : i32
      }
      %scan3A_34 = arith.constant 5 : i32
    } else {
    }
    %eq3A_13 = arith.constant 1 : i32
    %eq3A_14 = arith.cmpi eq, %arg0, %eq3A_13 : i32
    %convert_element_type3A_15 = arith.extui %eq3A_14 : i1 to i32
    %cond3A_16 = arith.constant 0 : i32
    %cond3A_17 = arith.cmpi ne, %convert_element_type3A_15, %cond3A_16 : i32
    scf.if %cond3A_17 {
      %scan3A_29 = arith.constant 0 : i32
      %scan3A_30 = arith.constant 0 : i32
      %scan3A_31 = arith.constant 5 : i32
      %scan3A_32 = arith.addi %scan3A_30, %scan3A_31 : i32
      %scan3A_33 = arith.constant 1 : i32
      scf.for %scan3A_35 = %scan3A_30 to %scan3A_32 step %scan3A_33  : i32 {
        %mul3A = arith.constant 5 : i32
        %mul3A_36 = arith.muli %arg1, %mul3A : i32
        %add3A = arith.addi %mul3A_36, %scan3A_35 : i32
        "tpu.region"() ({
          %run_scoped3A = tpu.sem_alloc : memref<!tpu.dma_semaphore, #tpu.memory_space<semaphore_mem>>
          %dma_start3A = arith.constant 0 : i32
          %dma_start3A_46 = arith.constant 0 : i32
          %dma_start3A_47 = tpu.memref_slice %arg4[%add3A, %dma_start3A, %dma_start3A_46] : memref<80x20x100xi32, #tpu.memory_space<hbm>> -> memref<1x20x100xi32, #tpu.memory_space<hbm>>
          %dma_start3A_48 = tpu.memref_squeeze %dma_start3A_47 : memref<1x20x100xi32, #tpu.memory_space<hbm>> -> memref<20x100xi32, #tpu.memory_space<hbm>>
          %dma_start3A_49 = arith.constant 0 : i32
          %dma_start3A_50 = arith.constant 0 : i32
          %dma_start3A_51 = tpu.memref_slice %arg4[%add3A, %dma_start3A_49, %dma_start3A_50] : memref<80x20x100xi32, #tpu.memory_space<hbm>> -> memref<1x20x100xi32, #tpu.memory_space<hbm>>
          %dma_start3A_52 = tpu.memref_squeeze %dma_start3A_51 : memref<1x20x100xi32, #tpu.memory_space<hbm>> -> memref<20x100xi32, #tpu.memory_space<hbm>>
          tpu.enqueue_dma source(%dma_start3A_52 : memref<20x100xi32, #tpu.memory_space<hbm>>) target(%arg8 : memref<20x100xi32, #tpu.memory_space<vmem>>) target_semaphore(%run_scoped3A : memref<!tpu.dma_semaphore, #tpu.memory_space<semaphore_mem>>)
          %dma_wait3A = arith.constant 0 : i32
          %dma_wait3A_53 = arith.constant 0 : i32
          %dma_wait3A_54 = tpu.memref_slice %arg4[%add3A, %dma_wait3A, %dma_wait3A_53] : memref<80x20x100xi32, #tpu.memory_space<hbm>> -> memref<1x20x100xi32, #tpu.memory_space<hbm>>
          %dma_wait3A_55 = tpu.memref_squeeze %dma_wait3A_54 : memref<1x20x100xi32, #tpu.memory_space<hbm>> -> memref<20x100xi32, #tpu.memory_space<hbm>>
          %dma_wait3A_56 = arith.constant 0 : i32
          %dma_wait3A_57 = arith.constant 0 : i32
          %dma_wait3A_58 = tpu.memref_slice %arg4[%add3A, %dma_wait3A_56, %dma_wait3A_57] : memref<80x20x100xi32, #tpu.memory_space<hbm>> -> memref<1x20x100xi32, #tpu.memory_space<hbm>>
          %dma_wait3A_59 = tpu.memref_squeeze %dma_wait3A_58 : memref<1x20x100xi32, #tpu.memory_space<hbm>> -> memref<20x100xi32, #tpu.memory_space<hbm>>
          tpu.wait_dma2 semaphore(%run_scoped3A : memref<!tpu.dma_semaphore, #tpu.memory_space<semaphore_mem>>) src(%dma_wait3A_59 : memref<20x100xi32, #tpu.memory_space<hbm>>) dst(%arg8 : memref<20x100xi32, #tpu.memory_space<vmem>>)
          tpu.yield
        }) : () -> ()
        %mul3A_37 = arith.constant 5 : i32
        %mul3A_38 = arith.muli %arg1, %mul3A_37 : i32
        %add3A_39 = arith.addi %mul3A_38, %scan3A_35 : i32
        "tpu.region"() ({
          %run_scoped3A = tpu.sem_alloc : memref<!tpu.dma_semaphore, #tpu.memory_space<semaphore_mem>>
          %dma_start3A = arith.constant 0 : i32
          %dma_start3A_46 = arith.constant 0 : i32
          %dma_start3A_47 = tpu.memref_slice %arg5[%add3A_39, %dma_start3A, %dma_start3A_46] : memref<80x20x100xi32, #tpu.memory_space<hbm>> -> memref<1x20x100xi32, #tpu.memory_space<hbm>>
          %dma_start3A_48 = tpu.memref_squeeze %dma_start3A_47 : memref<1x20x100xi32, #tpu.memory_space<hbm>> -> memref<20x100xi32, #tpu.memory_space<hbm>>
          %dma_start3A_49 = arith.constant 0 : i32
          %dma_start3A_50 = arith.constant 0 : i32
          %dma_start3A_51 = tpu.memref_slice %arg5[%add3A_39, %dma_start3A_49, %dma_start3A_50] : memref<80x20x100xi32, #tpu.memory_space<hbm>> -> memref<1x20x100xi32, #tpu.memory_space<hbm>>
          %dma_start3A_52 = tpu.memref_squeeze %dma_start3A_51 : memref<1x20x100xi32, #tpu.memory_space<hbm>> -> memref<20x100xi32, #tpu.memory_space<hbm>>
          tpu.enqueue_dma source(%dma_start3A_52 : memref<20x100xi32, #tpu.memory_space<hbm>>) target(%arg9 : memref<20x100xi32, #tpu.memory_space<vmem>>) target_semaphore(%run_scoped3A : memref<!tpu.dma_semaphore, #tpu.memory_space<semaphore_mem>>)
          %dma_wait3A = arith.constant 0 : i32
          %dma_wait3A_53 = arith.constant 0 : i32
          %dma_wait3A_54 = tpu.memref_slice %arg5[%add3A_39, %dma_wait3A, %dma_wait3A_53] : memref<80x20x100xi32, #tpu.memory_space<hbm>> -> memref<1x20x100xi32, #tpu.memory_space<hbm>>
          %dma_wait3A_55 = tpu.memref_squeeze %dma_wait3A_54 : memref<1x20x100xi32, #tpu.memory_space<hbm>> -> memref<20x100xi32, #tpu.memory_space<hbm>>
          %dma_wait3A_56 = arith.constant 0 : i32
          %dma_wait3A_57 = arith.constant 0 : i32
          %dma_wait3A_58 = tpu.memref_slice %arg5[%add3A_39, %dma_wait3A_56, %dma_wait3A_57] : memref<80x20x100xi32, #tpu.memory_space<hbm>> -> memref<1x20x100xi32, #tpu.memory_space<hbm>>
          %dma_wait3A_59 = tpu.memref_squeeze %dma_wait3A_58 : memref<1x20x100xi32, #tpu.memory_space<hbm>> -> memref<20x100xi32, #tpu.memory_space<hbm>>
          tpu.wait_dma2 semaphore(%run_scoped3A : memref<!tpu.dma_semaphore, #tpu.memory_space<semaphore_mem>>) src(%dma_wait3A_59 : memref<20x100xi32, #tpu.memory_space<hbm>>) dst(%arg9 : memref<20x100xi32, #tpu.memory_space<vmem>>)
          tpu.yield
        }) : () -> ()
        %scan3A_40 = arith.constant 0 : i32
        %scan3A_41 = arith.constant 0 : i32
        %scan3A_42 = arith.constant 10 : i32
        %scan3A_43 = arith.addi %scan3A_41, %scan3A_42 : i32
        %scan3A_44 = arith.constant 1 : i32
        scf.for %scan3A_46 = %scan3A_41 to %scan3A_43 step %scan3A_44  : i32 {
          %mul3A_47 = arith.constant 2 : i32
          %mul3A_48 = arith.muli %mul3A_47, %scan3A_46 : i32
          %mul3A_49 = arith.constant 2 : i32
          %mul3A_50 = arith.muli %mul3A_49, %scan3A_46 : i32
          %add3A_51 = arith.constant 1 : i32
          %add3A_52 = arith.addi %mul3A_50, %add3A_51 : i32
          %dma_start3A = arith.constant 0 : i32
          %dma_start3A_53 = tpu.memref_slice %arg8[%mul3A_48, %dma_start3A] : memref<20x100xi32, #tpu.memory_space<vmem>> -> memref<1x100xi32, #tpu.memory_space<vmem>>
          %dma_start3A_54 = tpu.memref_squeeze %dma_start3A_53 : memref<1x100xi32, #tpu.memory_space<vmem>> -> memref<100xi32, #tpu.memory_space<vmem>>
          %dma_start3A_55 = arith.constant 0 : i32
          %dma_start3A_56 = arith.constant 0 : i32
          %dma_start3A_57 = tpu.memref_slice %arg3[%dma_start3A_55, %dma_start3A_56] : memref<10000x128xf32, #tpu.memory_space<hbm>> -> memref<10000x128xf32, #tpu.memory_space<hbm>>
          tpu.enqueue_indirect_dma source(%dma_start3A_57 : memref<10000x128xf32, #tpu.memory_space<hbm>>) target(%arg10 : memref<100x128xf32, #tpu.memory_space<vmem>>) offsets(%dma_start3A_54 : memref<100xi32, #tpu.memory_space<vmem>>) semaphore(%arg13 : memref<!tpu.dma_semaphore, #tpu.memory_space<semaphore_mem>>)
          %dma_start3A_58 = arith.constant 0 : i32
          %dma_start3A_59 = tpu.memref_slice %arg8[%add3A_52, %dma_start3A_58] : memref<20x100xi32, #tpu.memory_space<vmem>> -> memref<1x100xi32, #tpu.memory_space<vmem>>
          %dma_start3A_60 = tpu.memref_squeeze %dma_start3A_59 : memref<1x100xi32, #tpu.memory_space<vmem>> -> memref<100xi32, #tpu.memory_space<vmem>>
          %dma_start3A_61 = arith.constant 0 : i32
          %dma_start3A_62 = arith.constant 0 : i32
          %dma_start3A_63 = tpu.memref_slice %arg3[%dma_start3A_61, %dma_start3A_62] : memref<10000x128xf32, #tpu.memory_space<hbm>> -> memref<10000x128xf32, #tpu.memory_space<hbm>>
          tpu.enqueue_indirect_dma source(%dma_start3A_63 : memref<10000x128xf32, #tpu.memory_space<hbm>>) target(%arg11 : memref<100x128xf32, #tpu.memory_space<vmem>>) offsets(%dma_start3A_60 : memref<100xi32, #tpu.memory_space<vmem>>) semaphore(%arg14 : memref<!tpu.dma_semaphore, #tpu.memory_space<semaphore_mem>>)
          %dma_wait3A = arith.constant 0 : i32
          %dma_wait3A_64 = tpu.memref_slice %arg8[%mul3A_48, %dma_wait3A] : memref<20x100xi32, #tpu.memory_space<vmem>> -> memref<1x100xi32, #tpu.memory_space<vmem>>
          %dma_wait3A_65 = tpu.memref_squeeze %dma_wait3A_64 : memref<1x100xi32, #tpu.memory_space<vmem>> -> memref<100xi32, #tpu.memory_space<vmem>>
          %dma_wait3A_66 = arith.constant 0 : i32
          %dma_wait3A_67 = arith.constant 0 : i32
          %dma_wait3A_68 = tpu.memref_slice %arg3[%dma_wait3A_66, %dma_wait3A_67] : memref<10000x128xf32, #tpu.memory_space<hbm>> -> memref<10000x128xf32, #tpu.memory_space<hbm>>
          tpu.wait_indirect_dma semaphore(%arg13 : memref<!tpu.dma_semaphore, #tpu.memory_space<semaphore_mem>>) src(%dma_wait3A_68 : memref<10000x128xf32, #tpu.memory_space<hbm>>) dst(%arg10 : memref<100x128xf32, #tpu.memory_space<vmem>>)
          "tpu.region"() ({
            %run_scoped3A = tpu.sem_alloc : memref<!tpu.dma_semaphore, #tpu.memory_space<semaphore_mem>>
            %dma_start3A_75 = arith.constant 0 : i32
            %dma_start3A_76 = tpu.memref_slice %arg9[%mul3A_48, %dma_start3A_75] : memref<20x100xi32, #tpu.memory_space<vmem>> -> memref<1x100xi32, #tpu.memory_space<vmem>>
            %dma_start3A_77 = tpu.memref_squeeze %dma_start3A_76 : memref<1x100xi32, #tpu.memory_space<vmem>> -> memref<100xi32, #tpu.memory_space<vmem>>
            %dma_start3A_78 = arith.constant 0 : i32
            %dma_start3A_79 = arith.constant 0 : i32
            %dma_start3A_80 = tpu.memref_slice %arg12[%dma_start3A_78, %dma_start3A_79] : memref<10000x128xf32, #tpu.memory_space<vmem_shared>> -> memref<10000x128xf32, #tpu.memory_space<vmem_shared>>
            tpu.enqueue_indirect_dma source(%arg10 : memref<100x128xf32, #tpu.memory_space<vmem>>) target(%dma_start3A_80 : memref<10000x128xf32, #tpu.memory_space<vmem_shared>>) offsets(%dma_start3A_77 : memref<100xi32, #tpu.memory_space<vmem>>) semaphore(%run_scoped3A : memref<!tpu.dma_semaphore, #tpu.memory_space<semaphore_mem>>) {add = true}
            %dma_wait3A_81 = arith.constant 0 : i32
            %dma_wait3A_82 = tpu.memref_slice %arg9[%mul3A_48, %dma_wait3A_81] : memref<20x100xi32, #tpu.memory_space<vmem>> -> memref<1x100xi32, #tpu.memory_space<vmem>>
            %dma_wait3A_83 = tpu.memref_squeeze %dma_wait3A_82 : memref<1x100xi32, #tpu.memory_space<vmem>> -> memref<100xi32, #tpu.memory_space<vmem>>
            %dma_wait3A_84 = arith.constant 0 : i32
            %dma_wait3A_85 = arith.constant 0 : i32
            %dma_wait3A_86 = tpu.memref_slice %arg12[%dma_wait3A_84, %dma_wait3A_85] : memref<10000x128xf32, #tpu.memory_space<vmem_shared>> -> memref<10000x128xf32, #tpu.memory_space<vmem_shared>>
            tpu.wait_indirect_dma semaphore(%run_scoped3A : memref<!tpu.dma_semaphore, #tpu.memory_space<semaphore_mem>>) src(%arg10 : memref<100x128xf32, #tpu.memory_space<vmem>>) dst(%dma_wait3A_86 : memref<10000x128xf32, #tpu.memory_space<vmem_shared>>)
            tpu.yield
          }) : () -> ()
          %dma_wait3A_69 = arith.constant 0 : i32
          %dma_wait3A_70 = tpu.memref_slice %arg8[%add3A_52, %dma_wait3A_69] : memref<20x100xi32, #tpu.memory_space<vmem>> -> memref<1x100xi32, #tpu.memory_space<vmem>>
          %dma_wait3A_71 = tpu.memref_squeeze %dma_wait3A_70 : memref<1x100xi32, #tpu.memory_space<vmem>> -> memref<100xi32, #tpu.memory_space<vmem>>
          %dma_wait3A_72 = arith.constant 0 : i32
          %dma_wait3A_73 = arith.constant 0 : i32
          %dma_wait3A_74 = tpu.memref_slice %arg3[%dma_wait3A_72, %dma_wait3A_73] : memref<10000x128xf32, #tpu.memory_space<hbm>> -> memref<10000x128xf32, #tpu.memory_space<hbm>>
          tpu.wait_indirect_dma semaphore(%arg14 : memref<!tpu.dma_semaphore, #tpu.memory_space<semaphore_mem>>) src(%dma_wait3A_74 : memref<10000x128xf32, #tpu.memory_space<hbm>>) dst(%arg11 : memref<100x128xf32, #tpu.memory_space<vmem>>)
          "tpu.region"() ({
            %run_scoped3A = tpu.sem_alloc : memref<!tpu.dma_semaphore, #tpu.memory_space<semaphore_mem>>
            %dma_start3A_75 = arith.constant 0 : i32
            %dma_start3A_76 = tpu.memref_slice %arg9[%add3A_52, %dma_start3A_75] : memref<20x100xi32, #tpu.memory_space<vmem>> -> memref<1x100xi32, #tpu.memory_space<vmem>>
            %dma_start3A_77 = tpu.memref_squeeze %dma_start3A_76 : memref<1x100xi32, #tpu.memory_space<vmem>> -> memref<100xi32, #tpu.memory_space<vmem>>
            %dma_start3A_78 = arith.constant 0 : i32
            %dma_start3A_79 = arith.constant 0 : i32
            %dma_start3A_80 = tpu.memref_slice %arg12[%dma_start3A_78, %dma_start3A_79] : memref<10000x128xf32, #tpu.memory_space<vmem_shared>> -> memref<10000x128xf32, #tpu.memory_space<vmem_shared>>
            tpu.enqueue_indirect_dma source(%arg11 : memref<100x128xf32, #tpu.memory_space<vmem>>) target(%dma_start3A_80 : memref<10000x128xf32, #tpu.memory_space<vmem_shared>>) offsets(%dma_start3A_77 : memref<100xi32, #tpu.memory_space<vmem>>) semaphore(%run_scoped3A : memref<!tpu.dma_semaphore, #tpu.memory_space<semaphore_mem>>) {add = true}
            %dma_wait3A_81 = arith.constant 0 : i32
            %dma_wait3A_82 = tpu.memref_slice %arg9[%add3A_52, %dma_wait3A_81] : memref<20x100xi32, #tpu.memory_space<vmem>> -> memref<1x100xi32, #tpu.memory_space<vmem>>
            %dma_wait3A_83 = tpu.memref_squeeze %dma_wait3A_82 : memref<1x100xi32, #tpu.memory_space<vmem>> -> memref<100xi32, #tpu.memory_space<vmem>>
            %dma_wait3A_84 = arith.constant 0 : i32
            %dma_wait3A_85 = arith.constant 0 : i32
            %dma_wait3A_86 = tpu.memref_slice %arg12[%dma_wait3A_84, %dma_wait3A_85] : memref<10000x128xf32, #tpu.memory_space<vmem_shared>> -> memref<10000x128xf32, #tpu.memory_space<vmem_shared>>
            tpu.wait_indirect_dma semaphore(%run_scoped3A : memref<!tpu.dma_semaphore, #tpu.memory_space<semaphore_mem>>) src(%arg11 : memref<100x128xf32, #tpu.memory_space<vmem>>) dst(%dma_wait3A_86 : memref<10000x128xf32, #tpu.memory_space<vmem_shared>>)
            tpu.yield
          }) : () -> ()
        }
        %scan3A_45 = arith.constant 10 : i32
      }
      %scan3A_34 = arith.constant 5 : i32
    } else {
    }
    %barrier3A_18 = arith.constant 0 : index
    tpu.barrier barrier_id(%barrier3A_18)
    %eq3A_19 = arith.constant 0 : i32
    %eq3A_20 = arith.cmpi eq, %arg0, %eq3A_19 : i32
    %convert_element_type3A_21 = arith.extui %eq3A_20 : i1 to i32
    %cond3A_22 = arith.constant 0 : i32
    %cond3A_23 = arith.cmpi ne, %convert_element_type3A_21, %cond3A_22 : i32
    scf.if %cond3A_23 {
      %scan3A_29 = arith.constant 0 : i32
      %scan3A_30 = arith.constant 0 : i32
      %scan3A_31 = arith.constant 8 : i32
      %scan3A_32 = arith.addi %scan3A_30, %scan3A_31 : i32
      %scan3A_33 = arith.constant 1 : i32
      scf.for %scan3A_35 = %scan3A_30 to %scan3A_32 step %scan3A_33  : i32 {
        %mul3A = arith.constant 16 : i32
        %mul3A_36 = arith.muli %scan3A_35, %mul3A : i32
        %add3A = arith.addi %arg1, %mul3A_36 : i32
        %lt3A = arith.constant 125 : i32
        %lt3A_37 = arith.cmpi slt, %add3A, %lt3A : i32
        %convert_element_type3A_38 = arith.extui %lt3A_37 : i1 to i32
        %cond3A_39 = arith.constant 0 : i32
        %cond3A_40 = arith.cmpi ne, %convert_element_type3A_38, %cond3A_39 : i32
        scf.if %cond3A_40 {
          %mul3A_41 = arith.constant 80 : i32
          %mul3A_42 = arith.muli %add3A, %mul3A_41 : i32
          "tpu.region"() ({
            %run_scoped3A = tpu.sem_alloc : memref<!tpu.dma_semaphore, #tpu.memory_space<semaphore_mem>>
            %dma_start3A = arith.constant 0 : i32
            %dma_start3A_43 = tpu.memref_slice %arg6[%mul3A_42, %dma_start3A] : memref<10000x128xf32, #tpu.memory_space<hbm>> -> memref<80x128xf32, #tpu.memory_space<hbm>>
            %dma_start3A_44 = arith.constant 0 : i32
            %dma_start3A_45 = tpu.memref_slice %arg12[%mul3A_42, %dma_start3A_44] : memref<10000x128xf32, #tpu.memory_space<vmem_shared>> -> memref<80x128xf32, #tpu.memory_space<vmem_shared>>
            tpu.enqueue_dma source(%dma_start3A_45 : memref<80x128xf32, #tpu.memory_space<vmem_shared>>) target(%dma_start3A_43 : memref<80x128xf32, #tpu.memory_space<hbm>>) target_semaphore(%run_scoped3A : memref<!tpu.dma_semaphore, #tpu.memory_space<semaphore_mem>>)
            %dma_wait3A = arith.constant 0 : i32
            %dma_wait3A_46 = tpu.memref_slice %arg6[%mul3A_42, %dma_wait3A] : memref<10000x128xf32, #tpu.memory_space<hbm>> -> memref<80x128xf32, #tpu.memory_space<hbm>>
            %dma_wait3A_47 = arith.constant 0 : i32
            %dma_wait3A_48 = tpu.memref_slice %arg12[%mul3A_42, %dma_wait3A_47] : memref<10000x128xf32, #tpu.memory_space<vmem_shared>> -> memref<80x128xf32, #tpu.memory_space<vmem_shared>>
            tpu.wait_dma2 semaphore(%run_scoped3A : memref<!tpu.dma_semaphore, #tpu.memory_space<semaphore_mem>>) src(%dma_wait3A_48 : memref<80x128xf32, #tpu.memory_space<vmem_shared>>) dst(%dma_wait3A_46 : memref<80x128xf32, #tpu.memory_space<hbm>>)
            tpu.yield
          }) : () -> ()
        } else {
        }
      }
      %scan3A_34 = arith.constant 8 : i32
    } else {
    }
    %eq3A_24 = arith.constant 1 : i32
    %eq3A_25 = arith.cmpi eq, %arg0, %eq3A_24 : i32
    %convert_element_type3A_26 = arith.extui %eq3A_25 : i1 to i32
    %cond3A_27 = arith.constant 0 : i32
    %cond3A_28 = arith.cmpi ne, %convert_element_type3A_26, %cond3A_27 : i32
    scf.if %cond3A_28 {
      %scan3A_29 = arith.constant 0 : i32
      %scan3A_30 = arith.constant 0 : i32
      %scan3A_31 = arith.constant 8 : i32
      %scan3A_32 = arith.addi %scan3A_30, %scan3A_31 : i32
      %scan3A_33 = arith.constant 1 : i32
      scf.for %scan3A_35 = %scan3A_30 to %scan3A_32 step %scan3A_33  : i32 {
        %mul3A = arith.constant 16 : i32
        %mul3A_36 = arith.muli %scan3A_35, %mul3A : i32
        %add3A = arith.addi %arg1, %mul3A_36 : i32
        %lt3A = arith.constant 125 : i32
        %lt3A_37 = arith.cmpi slt, %add3A, %lt3A : i32
        %convert_element_type3A_38 = arith.extui %lt3A_37 : i1 to i32
        %cond3A_39 = arith.constant 0 : i32
        %cond3A_40 = arith.cmpi ne, %convert_element_type3A_38, %cond3A_39 : i32
        scf.if %cond3A_40 {
          %mul3A_41 = arith.constant 80 : i32
          %mul3A_42 = arith.muli %add3A, %mul3A_41 : i32
          "tpu.region"() ({
            %run_scoped3A = tpu.sem_alloc : memref<!tpu.dma_semaphore, #tpu.memory_space<semaphore_mem>>
            %dma_start3A = arith.constant 0 : i32
            %dma_start3A_43 = tpu.memref_slice %arg7[%mul3A_42, %dma_start3A] : memref<10000x128xf32, #tpu.memory_space<hbm>> -> memref<80x128xf32, #tpu.memory_space<hbm>>
            %dma_start3A_44 = arith.constant 0 : i32
            %dma_start3A_45 = tpu.memref_slice %arg12[%mul3A_42, %dma_start3A_44] : memref<10000x128xf32, #tpu.memory_space<vmem_shared>> -> memref<80x128xf32, #tpu.memory_space<vmem_shared>>
            tpu.enqueue_dma source(%dma_start3A_45 : memref<80x128xf32, #tpu.memory_space<vmem_shared>>) target(%dma_start3A_43 : memref<80x128xf32, #tpu.memory_space<hbm>>) target_semaphore(%run_scoped3A : memref<!tpu.dma_semaphore, #tpu.memory_space<semaphore_mem>>)
            %dma_wait3A = arith.constant 0 : i32
            %dma_wait3A_46 = tpu.memref_slice %arg7[%mul3A_42, %dma_wait3A] : memref<10000x128xf32, #tpu.memory_space<hbm>> -> memref<80x128xf32, #tpu.memory_space<hbm>>
            %dma_wait3A_47 = arith.constant 0 : i32
            %dma_wait3A_48 = tpu.memref_slice %arg12[%mul3A_42, %dma_wait3A_47] : memref<10000x128xf32, #tpu.memory_space<vmem_shared>> -> memref<80x128xf32, #tpu.memory_space<vmem_shared>>
            tpu.wait_dma2 semaphore(%run_scoped3A : memref<!tpu.dma_semaphore, #tpu.memory_space<semaphore_mem>>) src(%dma_wait3A_48 : memref<80x128xf32, #tpu.memory_space<vmem_shared>>) dst(%dma_wait3A_46 : memref<80x128xf32, #tpu.memory_space<hbm>>)
            tpu.yield
          }) : () -> ()
        } else {
        }
      }
      %scan3A_34 = arith.constant 8 : i32
    } else {
    }
    return
  }
}

#map = affine_map<(d0, d1) -> (0, 0)>
#map1 = affine_map<(d0, d1) -> (0, 0, 0)>
module attributes {stable_mosaic.version = 14 : i64} {
  func.func @_agg_body(%arg0: i32, %arg1: i32, %arg2: memref<10000x128xf32, #tpu.memory_space<hbm>>, %arg3: memref<10000x128xf32, #tpu.memory_space<hbm>>, %arg4: memref<80x20x100xi32, #tpu.memory_space<hbm>>, %arg5: memref<80x20x100xi32, #tpu.memory_space<hbm>>, %arg6: memref<10000x128xf32, #tpu.memory_space<hbm>>, %arg7: memref<10000x128xf32, #tpu.memory_space<hbm>>, %arg8: memref<20x100xi32, #tpu.memory_space<vmem>>, %arg9: memref<20x100xi32, #tpu.memory_space<vmem>>, %arg10: memref<100x128xf32, #tpu.memory_space<vmem>>, %arg11: memref<100x128xf32, #tpu.memory_space<vmem>>, %arg12: memref<10000x128xf32, #tpu.memory_space<vmem_shared>>, %arg13: memref<!tpu.dma_semaphore, #tpu.memory_space<semaphore_mem>>, %arg14: memref<!tpu.dma_semaphore, #tpu.memory_space<semaphore_mem>>) attributes {dimension_semantics = [#tpu.dimension_semantics<core_parallel>, #tpu.dimension_semantics<subcore_parallel>], iteration_bounds = array<i64: 2, 16>, scalar_prefetch = 0 : i64, scratch_operands = 7 : i64, tpu.core_type = #tpu.core_type<sc_vector_subcore>, window_params = [{transform_indices = #map}, {transform_indices = #map}, {transform_indices = #map1}, {transform_indices = #map1}, {transform_indices = #map}, {transform_indices = #map}]} {
    %scan3A = arith.constant 0 : i32
    %scan3A_0 = arith.constant 0 : i32
    %scan3A_1 = arith.constant 800 : i32
    %scan3A_2 = arith.addi %scan3A_0, %scan3A_1 : i32
    %scan3A_3 = arith.constant 1 : i32
    scf.for %scan3A_29 = %scan3A_0 to %scan3A_2 step %scan3A_3  : i32 {
      %broadcast_in_dim3A = arith.constant 0.000000e+00 : f32
      %broadcast_in_dim3A_30 = vector.broadcast %broadcast_in_dim3A : f32 to vector<16xf32>
      %jit3A = arith.constant 8 : i32
      %div3A = arith.divsi %scan3A_29, %jit3A : i32
      %sign3A = arith.constant 0 : i32
      %sign3A_31 = arith.cmpi sgt, %scan3A_29, %sign3A : i32
      %sign3A_32 = arith.extui %sign3A_31 : i1 to i32
      %sign3A_33 = arith.constant 0 : i32
      %sign3A_34 = arith.cmpi slt, %scan3A_29, %sign3A_33 : i32
      %sign3A_35 = arith.extui %sign3A_34 : i1 to i32
      %sign3A_36 = arith.subi %sign3A_32, %sign3A_35 : i32
      %sign3A_37 = arith.constant 0 : i32
      %sign3A_38 = arith.cmpi sgt, %jit3A, %sign3A_37 : i32
      %sign3A_39 = arith.extui %sign3A_38 : i1 to i32
      %sign3A_40 = arith.constant 0 : i32
      %sign3A_41 = arith.cmpi slt, %jit3A, %sign3A_40 : i32
      %sign3A_42 = arith.extui %sign3A_41 : i1 to i32
      %sign3A_43 = arith.subi %sign3A_39, %sign3A_42 : i32
      %ne3A = arith.cmpi ne, %sign3A_36, %sign3A_43 : i32
      %rem3A = arith.remsi %scan3A_29, %jit3A : i32
      %ne3A_44 = arith.constant 0 : i32
      %ne3A_45 = arith.cmpi ne, %rem3A, %ne3A_44 : i32
      %and3A = arith.andi %ne3A, %ne3A_45 : i1
      %sub3A = arith.constant 1 : i32
      %sub3A_46 = arith.subi %div3A, %sub3A : i32
      %select_n3A = arith.select %and3A, %sub3A_46, %div3A : i32
      %jit3A_47 = arith.constant 8 : i32
      %eq3A_48 = arith.constant 0 : i32
      %eq3A_49 = arith.cmpi eq, %jit3A_47, %eq3A_48 : i32
      %jit3A_50 = arith.constant 1 : i32
      %select_n3A_51 = arith.select %eq3A_49, %jit3A_50, %jit3A_47 : i32
      %rem3A_52 = arith.remsi %scan3A_29, %select_n3A_51 : i32
      %ne3A_53 = arith.constant 0 : i32
      %ne3A_54 = arith.cmpi ne, %rem3A_52, %ne3A_53 : i32
      %lt3A = arith.constant 0 : i32
      %lt3A_55 = arith.cmpi slt, %rem3A_52, %lt3A : i32
      %lt3A_56 = arith.constant 0 : i32
      %lt3A_57 = arith.cmpi slt, %select_n3A_51, %lt3A_56 : i32
      %ne3A_58 = arith.xori %lt3A_55, %lt3A_57 : i1
      %and3A_59 = arith.andi %ne3A_58, %ne3A_54 : i1
      %add3A = arith.addi %rem3A_52, %select_n3A_51 : i32
      %select_n3A_60 = arith.select %and3A_59, %add3A, %rem3A_52 : i32
      %mul3A = arith.constant 16 : i32
      %mul3A_61 = arith.muli %select_n3A_60, %mul3A : i32
      %swap3A = arith.index_cast %select_n3A : i32 to index
      %swap3A_62 = arith.index_cast %mul3A_61 : i32 to index
      %swap3A_63 = tpu.vector_load %arg10[%swap3A, %swap3A_62] {strides = array<i32>} : memref<100x128xf32, #tpu.memory_space<vmem>>, vector<1x16xf32>,
      %swap3A_64 = vector.shape_cast %swap3A_63 : vector<1x16xf32> to vector<16xf32>
      %swap3A_65 = vector.shape_cast %broadcast_in_dim3A_30 : vector<16xf32> to vector<1x16xf32>
      tpu.vector_store %arg10[%swap3A, %swap3A_62], %swap3A_65 {strides = array<i32>} : memref<100x128xf32, #tpu.memory_space<vmem>>, vector<1x16xf32>,
    }
    %scan3A_4 = arith.constant 800 : i32
    %scan3A_5 = arith.constant 0 : i32
    %scan3A_6 = arith.constant 0 : i32
    %scan3A_7 = arith.constant 8 : i32
    %scan3A_8 = arith.addi %scan3A_6, %scan3A_7 : i32
    %scan3A_9 = arith.constant 1 : i32
    scf.for %scan3A_29 = %scan3A_6 to %scan3A_8 step %scan3A_9  : i32 {
      %mul3A = arith.constant 16 : i32
      %mul3A_30 = arith.muli %scan3A_29, %mul3A : i32
      %add3A = arith.addi %arg1, %mul3A_30 : i32
      %lt3A = arith.constant 125 : i32
      %lt3A_31 = arith.cmpi slt, %add3A, %lt3A : i32
      %convert_element_type3A_32 = arith.extui %lt3A_31 : i1 to i32
      %cond3A_33 = arith.constant 0 : i32
      %cond3A_34 = arith.cmpi ne, %convert_element_type3A_32, %cond3A_33 : i32
      scf.if %cond3A_34 {
        %mul3A_35 = arith.constant 80 : i32
        %mul3A_36 = arith.muli %add3A, %mul3A_35 : i32
        "tpu.region"() ({
          %run_scoped3A = tpu.sem_alloc : memref<!tpu.dma_semaphore, #tpu.memory_space<semaphore_mem>>
          %dma_start3A = arith.constant 0 : i32
          %dma_start3A_37 = arith.constant 0 : i32
          %dma_start3A_38 = tpu.memref_slice %arg10[%dma_start3A, %dma_start3A_37] : memref<100x128xf32, #tpu.memory_space<vmem>> -> memref<80x128xf32, #tpu.memory_space<vmem>>
          %dma_start3A_39 = arith.constant 0 : i32
          %dma_start3A_40 = tpu.memref_slice %arg12[%mul3A_36, %dma_start3A_39] : memref<10000x128xf32, #tpu.memory_space<vmem_shared>> -> memref<80x128xf32, #tpu.memory_space<vmem_shared>>
          %dma_start3A_41 = arith.constant 0 : i32
          %dma_start3A_42 = tpu.memref_slice %arg12[%mul3A_36, %dma_start3A_41] : memref<10000x128xf32, #tpu.memory_space<vmem_shared>> -> memref<80x128xf32, #tpu.memory_space<vmem_shared>>
          %dma_start3A_43 = arith.constant 0 : i32
          %dma_start3A_44 = arith.constant 0 : i32
          %dma_start3A_45 = tpu.memref_slice %arg10[%dma_start3A_43, %dma_start3A_44] : memref<100x128xf32, #tpu.memory_space<vmem>> -> memref<80x128xf32, #tpu.memory_space<vmem>>
          tpu.enqueue_dma source(%dma_start3A_45 : memref<80x128xf32, #tpu.memory_space<vmem>>) target(%dma_start3A_42 : memref<80x128xf32, #tpu.memory_space<vmem_shared>>) target_semaphore(%run_scoped3A : memref<!tpu.dma_semaphore, #tpu.memory_space<semaphore_mem>>)
          %dma_wait3A = arith.constant 0 : i32
          %dma_wait3A_46 = arith.constant 0 : i32
          %dma_wait3A_47 = tpu.memref_slice %arg10[%dma_wait3A, %dma_wait3A_46] : memref<100x128xf32, #tpu.memory_space<vmem>> -> memref<80x128xf32, #tpu.memory_space<vmem>>
          %dma_wait3A_48 = arith.constant 0 : i32
          %dma_wait3A_49 = tpu.memref_slice %arg12[%mul3A_36, %dma_wait3A_48] : memref<10000x128xf32, #tpu.memory_space<vmem_shared>> -> memref<80x128xf32, #tpu.memory_space<vmem_shared>>
          %dma_wait3A_50 = arith.constant 0 : i32
          %dma_wait3A_51 = tpu.memref_slice %arg12[%mul3A_36, %dma_wait3A_50] : memref<10000x128xf32, #tpu.memory_space<vmem_shared>> -> memref<80x128xf32, #tpu.memory_space<vmem_shared>>
          %dma_wait3A_52 = arith.constant 0 : i32
          %dma_wait3A_53 = arith.constant 0 : i32
          %dma_wait3A_54 = tpu.memref_slice %arg10[%dma_wait3A_52, %dma_wait3A_53] : memref<100x128xf32, #tpu.memory_space<vmem>> -> memref<80x128xf32, #tpu.memory_space<vmem>>
          tpu.wait_dma2 semaphore(%run_scoped3A : memref<!tpu.dma_semaphore, #tpu.memory_space<semaphore_mem>>) src(%dma_wait3A_54 : memref<80x128xf32, #tpu.memory_space<vmem>>) dst(%dma_wait3A_51 : memref<80x128xf32, #tpu.memory_space<vmem_shared>>)
          tpu.yield
        }) : () -> ()
      } else {
      }
    }
    %scan3A_10 = arith.constant 8 : i32
    %barrier3A = arith.constant 0 : index
    tpu.barrier barrier_id(%barrier3A)
    %eq3A = arith.constant 0 : i32
    %eq3A_11 = arith.cmpi eq, %arg0, %eq3A : i32
    %convert_element_type3A = arith.extui %eq3A_11 : i1 to i32
    %cond3A = arith.constant 0 : i32
    %cond3A_12 = arith.cmpi ne, %convert_element_type3A, %cond3A : i32
    scf.if %cond3A_12 {
      %scan3A_29 = arith.constant 0 : i32
      %scan3A_30 = arith.constant 0 : i32
      %scan3A_31 = arith.constant 5 : i32
      %scan3A_32 = arith.addi %scan3A_30, %scan3A_31 : i32
      %scan3A_33 = arith.constant 1 : i32
      scf.for %scan3A_35 = %scan3A_30 to %scan3A_32 step %scan3A_33  : i32 {
        %mul3A = arith.constant 5 : i32
        %mul3A_36 = arith.muli %arg1, %mul3A : i32
        %add3A = arith.addi %mul3A_36, %scan3A_35 : i32
        "tpu.region"() ({
          %run_scoped3A = tpu.sem_alloc : memref<!tpu.dma_semaphore, #tpu.memory_space<semaphore_mem>>
          %dma_start3A = arith.constant 0 : i32
          %dma_start3A_46 = arith.constant 0 : i32
          %dma_start3A_47 = tpu.memref_slice %arg4[%add3A, %dma_start3A, %dma_start3A_46] : memref<80x20x100xi32, #tpu.memory_space<hbm>> -> memref<1x20x100xi32, #tpu.memory_space<hbm>>
          %dma_start3A_48 = tpu.memref_squeeze %dma_start3A_47 : memref<1x20x100xi32, #tpu.memory_space<hbm>> -> memref<20x100xi32, #tpu.memory_space<hbm>>
          %dma_start3A_49 = arith.constant 0 : i32
          %dma_start3A_50 = arith.constant 0 : i32
          %dma_start3A_51 = tpu.memref_slice %arg4[%add3A, %dma_start3A_49, %dma_start3A_50] : memref<80x20x100xi32, #tpu.memory_space<hbm>> -> memref<1x20x100xi32, #tpu.memory_space<hbm>>
          %dma_start3A_52 = tpu.memref_squeeze %dma_start3A_51 : memref<1x20x100xi32, #tpu.memory_space<hbm>> -> memref<20x100xi32, #tpu.memory_space<hbm>>
          tpu.enqueue_dma source(%dma_start3A_52 : memref<20x100xi32, #tpu.memory_space<hbm>>) target(%arg8 : memref<20x100xi32, #tpu.memory_space<vmem>>) target_semaphore(%run_scoped3A : memref<!tpu.dma_semaphore, #tpu.memory_space<semaphore_mem>>)
          %dma_wait3A = arith.constant 0 : i32
          %dma_wait3A_53 = arith.constant 0 : i32
          %dma_wait3A_54 = tpu.memref_slice %arg4[%add3A, %dma_wait3A, %dma_wait3A_53] : memref<80x20x100xi32, #tpu.memory_space<hbm>> -> memref<1x20x100xi32, #tpu.memory_space<hbm>>
          %dma_wait3A_55 = tpu.memref_squeeze %dma_wait3A_54 : memref<1x20x100xi32, #tpu.memory_space<hbm>> -> memref<20x100xi32, #tpu.memory_space<hbm>>
          %dma_wait3A_56 = arith.constant 0 : i32
          %dma_wait3A_57 = arith.constant 0 : i32
          %dma_wait3A_58 = tpu.memref_slice %arg4[%add3A, %dma_wait3A_56, %dma_wait3A_57] : memref<80x20x100xi32, #tpu.memory_space<hbm>> -> memref<1x20x100xi32, #tpu.memory_space<hbm>>
          %dma_wait3A_59 = tpu.memref_squeeze %dma_wait3A_58 : memref<1x20x100xi32, #tpu.memory_space<hbm>> -> memref<20x100xi32, #tpu.memory_space<hbm>>
          tpu.wait_dma2 semaphore(%run_scoped3A : memref<!tpu.dma_semaphore, #tpu.memory_space<semaphore_mem>>) src(%dma_wait3A_59 : memref<20x100xi32, #tpu.memory_space<hbm>>) dst(%arg8 : memref<20x100xi32, #tpu.memory_space<vmem>>)
          tpu.yield
        }) : () -> ()
        %mul3A_37 = arith.constant 5 : i32
        %mul3A_38 = arith.muli %arg1, %mul3A_37 : i32
        %add3A_39 = arith.addi %mul3A_38, %scan3A_35 : i32
        "tpu.region"() ({
          %run_scoped3A = tpu.sem_alloc : memref<!tpu.dma_semaphore, #tpu.memory_space<semaphore_mem>>
          %dma_start3A = arith.constant 0 : i32
          %dma_start3A_46 = arith.constant 0 : i32
          %dma_start3A_47 = tpu.memref_slice %arg5[%add3A_39, %dma_start3A, %dma_start3A_46] : memref<80x20x100xi32, #tpu.memory_space<hbm>> -> memref<1x20x100xi32, #tpu.memory_space<hbm>>
          %dma_start3A_48 = tpu.memref_squeeze %dma_start3A_47 : memref<1x20x100xi32, #tpu.memory_space<hbm>> -> memref<20x100xi32, #tpu.memory_space<hbm>>
          %dma_start3A_49 = arith.constant 0 : i32
          %dma_start3A_50 = arith.constant 0 : i32
          %dma_start3A_51 = tpu.memref_slice %arg5[%add3A_39, %dma_start3A_49, %dma_start3A_50] : memref<80x20x100xi32, #tpu.memory_space<hbm>> -> memref<1x20x100xi32, #tpu.memory_space<hbm>>
          %dma_start3A_52 = tpu.memref_squeeze %dma_start3A_51 : memref<1x20x100xi32, #tpu.memory_space<hbm>> -> memref<20x100xi32, #tpu.memory_space<hbm>>
          tpu.enqueue_dma source(%dma_start3A_52 : memref<20x100xi32, #tpu.memory_space<hbm>>) target(%arg9 : memref<20x100xi32, #tpu.memory_space<vmem>>) target_semaphore(%run_scoped3A : memref<!tpu.dma_semaphore, #tpu.memory_space<semaphore_mem>>)
          %dma_wait3A = arith.constant 0 : i32
          %dma_wait3A_53 = arith.constant 0 : i32
          %dma_wait3A_54 = tpu.memref_slice %arg5[%add3A_39, %dma_wait3A, %dma_wait3A_53] : memref<80x20x100xi32, #tpu.memory_space<hbm>> -> memref<1x20x100xi32, #tpu.memory_space<hbm>>
          %dma_wait3A_55 = tpu.memref_squeeze %dma_wait3A_54 : memref<1x20x100xi32, #tpu.memory_space<hbm>> -> memref<20x100xi32, #tpu.memory_space<hbm>>
          %dma_wait3A_56 = arith.constant 0 : i32
          %dma_wait3A_57 = arith.constant 0 : i32
          %dma_wait3A_58 = tpu.memref_slice %arg5[%add3A_39, %dma_wait3A_56, %dma_wait3A_57] : memref<80x20x100xi32, #tpu.memory_space<hbm>> -> memref<1x20x100xi32, #tpu.memory_space<hbm>>
          %dma_wait3A_59 = tpu.memref_squeeze %dma_wait3A_58 : memref<1x20x100xi32, #tpu.memory_space<hbm>> -> memref<20x100xi32, #tpu.memory_space<hbm>>
          tpu.wait_dma2 semaphore(%run_scoped3A : memref<!tpu.dma_semaphore, #tpu.memory_space<semaphore_mem>>) src(%dma_wait3A_59 : memref<20x100xi32, #tpu.memory_space<hbm>>) dst(%arg9 : memref<20x100xi32, #tpu.memory_space<vmem>>)
          tpu.yield
        }) : () -> ()
        %scan3A_40 = arith.constant 0 : i32
        %scan3A_41 = arith.constant 0 : i32
        %scan3A_42 = arith.constant 10 : i32
        %scan3A_43 = arith.addi %scan3A_41, %scan3A_42 : i32
        %scan3A_44 = arith.constant 1 : i32
        scf.for %scan3A_46 = %scan3A_41 to %scan3A_43 step %scan3A_44  : i32 {
          %mul3A_47 = arith.constant 2 : i32
          %mul3A_48 = arith.muli %mul3A_47, %scan3A_46 : i32
          %mul3A_49 = arith.constant 2 : i32
          %mul3A_50 = arith.muli %mul3A_49, %scan3A_46 : i32
          %add3A_51 = arith.constant 1 : i32
          %add3A_52 = arith.addi %mul3A_50, %add3A_51 : i32
          %dma_start3A = arith.constant 0 : i32
          %dma_start3A_53 = tpu.memref_slice %arg8[%mul3A_48, %dma_start3A] : memref<20x100xi32, #tpu.memory_space<vmem>> -> memref<1x100xi32, #tpu.memory_space<vmem>>
          %dma_start3A_54 = tpu.memref_squeeze %dma_start3A_53 : memref<1x100xi32, #tpu.memory_space<vmem>> -> memref<100xi32, #tpu.memory_space<vmem>>
          %dma_start3A_55 = arith.constant 0 : i32
          %dma_start3A_56 = arith.constant 0 : i32
          %dma_start3A_57 = tpu.memref_slice %arg2[%dma_start3A_55, %dma_start3A_56] : memref<10000x128xf32, #tpu.memory_space<hbm>> -> memref<10000x128xf32, #tpu.memory_space<hbm>>
          tpu.enqueue_indirect_dma source(%dma_start3A_57 : memref<10000x128xf32, #tpu.memory_space<hbm>>) target(%arg10 : memref<100x128xf32, #tpu.memory_space<vmem>>) offsets(%dma_start3A_54 : memref<100xi32, #tpu.memory_space<vmem>>) semaphore(%arg13 : memref<!tpu.dma_semaphore, #tpu.memory_space<semaphore_mem>>)
          %dma_start3A_58 = arith.constant 0 : i32
          %dma_start3A_59 = tpu.memref_slice %arg8[%add3A_52, %dma_start3A_58] : memref<20x100xi32, #tpu.memory_space<vmem>> -> memref<1x100xi32, #tpu.memory_space<vmem>>
          %dma_start3A_60 = tpu.memref_squeeze %dma_start3A_59 : memref<1x100xi32, #tpu.memory_space<vmem>> -> memref<100xi32, #tpu.memory_space<vmem>>
          %dma_start3A_61 = arith.constant 0 : i32
          %dma_start3A_62 = arith.constant 0 : i32
          %dma_start3A_63 = tpu.memref_slice %arg2[%dma_start3A_61, %dma_start3A_62] : memref<10000x128xf32, #tpu.memory_space<hbm>> -> memref<10000x128xf32, #tpu.memory_space<hbm>>
          tpu.enqueue_indirect_dma source(%dma_start3A_63 : memref<10000x128xf32, #tpu.memory_space<hbm>>) target(%arg11 : memref<100x128xf32, #tpu.memory_space<vmem>>) offsets(%dma_start3A_60 : memref<100xi32, #tpu.memory_space<vmem>>) semaphore(%arg14 : memref<!tpu.dma_semaphore, #tpu.memory_space<semaphore_mem>>)
          %dma_wait3A = arith.constant 0 : i32
          %dma_wait3A_64 = tpu.memref_slice %arg8[%mul3A_48, %dma_wait3A] : memref<20x100xi32, #tpu.memory_space<vmem>> -> memref<1x100xi32, #tpu.memory_space<vmem>>
          %dma_wait3A_65 = tpu.memref_squeeze %dma_wait3A_64 : memref<1x100xi32, #tpu.memory_space<vmem>> -> memref<100xi32, #tpu.memory_space<vmem>>
          %dma_wait3A_66 = arith.constant 0 : i32
          %dma_wait3A_67 = arith.constant 0 : i32
          %dma_wait3A_68 = tpu.memref_slice %arg2[%dma_wait3A_66, %dma_wait3A_67] : memref<10000x128xf32, #tpu.memory_space<hbm>> -> memref<10000x128xf32, #tpu.memory_space<hbm>>
          tpu.wait_indirect_dma semaphore(%arg13 : memref<!tpu.dma_semaphore, #tpu.memory_space<semaphore_mem>>) src(%dma_wait3A_68 : memref<10000x128xf32, #tpu.memory_space<hbm>>) dst(%arg10 : memref<100x128xf32, #tpu.memory_space<vmem>>)
          "tpu.region"() ({
            %run_scoped3A = tpu.sem_alloc : memref<!tpu.dma_semaphore, #tpu.memory_space<semaphore_mem>>
            %dma_start3A_75 = arith.constant 0 : i32
            %dma_start3A_76 = tpu.memref_slice %arg9[%mul3A_48, %dma_start3A_75] : memref<20x100xi32, #tpu.memory_space<vmem>> -> memref<1x100xi32, #tpu.memory_space<vmem>>
            %dma_start3A_77 = tpu.memref_squeeze %dma_start3A_76 : memref<1x100xi32, #tpu.memory_space<vmem>> -> memref<100xi32, #tpu.memory_space<vmem>>
            %dma_start3A_78 = arith.constant 0 : i32
            %dma_start3A_79 = arith.constant 0 : i32
            %dma_start3A_80 = tpu.memref_slice %arg12[%dma_start3A_78, %dma_start3A_79] : memref<10000x128xf32, #tpu.memory_space<vmem_shared>> -> memref<10000x128xf32, #tpu.memory_space<vmem_shared>>
            tpu.enqueue_indirect_dma source(%arg10 : memref<100x128xf32, #tpu.memory_space<vmem>>) target(%dma_start3A_80 : memref<10000x128xf32, #tpu.memory_space<vmem_shared>>) offsets(%dma_start3A_77 : memref<100xi32, #tpu.memory_space<vmem>>) semaphore(%run_scoped3A : memref<!tpu.dma_semaphore, #tpu.memory_space<semaphore_mem>>) {add = true}
            %dma_wait3A_81 = arith.constant 0 : i32
            %dma_wait3A_82 = tpu.memref_slice %arg9[%mul3A_48, %dma_wait3A_81] : memref<20x100xi32, #tpu.memory_space<vmem>> -> memref<1x100xi32, #tpu.memory_space<vmem>>
            %dma_wait3A_83 = tpu.memref_squeeze %dma_wait3A_82 : memref<1x100xi32, #tpu.memory_space<vmem>> -> memref<100xi32, #tpu.memory_space<vmem>>
            %dma_wait3A_84 = arith.constant 0 : i32
            %dma_wait3A_85 = arith.constant 0 : i32
            %dma_wait3A_86 = tpu.memref_slice %arg12[%dma_wait3A_84, %dma_wait3A_85] : memref<10000x128xf32, #tpu.memory_space<vmem_shared>> -> memref<10000x128xf32, #tpu.memory_space<vmem_shared>>
            tpu.wait_indirect_dma semaphore(%run_scoped3A : memref<!tpu.dma_semaphore, #tpu.memory_space<semaphore_mem>>) src(%arg10 : memref<100x128xf32, #tpu.memory_space<vmem>>) dst(%dma_wait3A_86 : memref<10000x128xf32, #tpu.memory_space<vmem_shared>>)
            tpu.yield
          }) : () -> ()
          %dma_wait3A_69 = arith.constant 0 : i32
          %dma_wait3A_70 = tpu.memref_slice %arg8[%add3A_52, %dma_wait3A_69] : memref<20x100xi32, #tpu.memory_space<vmem>> -> memref<1x100xi32, #tpu.memory_space<vmem>>
          %dma_wait3A_71 = tpu.memref_squeeze %dma_wait3A_70 : memref<1x100xi32, #tpu.memory_space<vmem>> -> memref<100xi32, #tpu.memory_space<vmem>>
          %dma_wait3A_72 = arith.constant 0 : i32
          %dma_wait3A_73 = arith.constant 0 : i32
          %dma_wait3A_74 = tpu.memref_slice %arg2[%dma_wait3A_72, %dma_wait3A_73] : memref<10000x128xf32, #tpu.memory_space<hbm>> -> memref<10000x128xf32, #tpu.memory_space<hbm>>
          tpu.wait_indirect_dma semaphore(%arg14 : memref<!tpu.dma_semaphore, #tpu.memory_space<semaphore_mem>>) src(%dma_wait3A_74 : memref<10000x128xf32, #tpu.memory_space<hbm>>) dst(%arg11 : memref<100x128xf32, #tpu.memory_space<vmem>>)
          "tpu.region"() ({
            %run_scoped3A = tpu.sem_alloc : memref<!tpu.dma_semaphore, #tpu.memory_space<semaphore_mem>>
            %dma_start3A_75 = arith.constant 0 : i32
            %dma_start3A_76 = tpu.memref_slice %arg9[%add3A_52, %dma_start3A_75] : memref<20x100xi32, #tpu.memory_space<vmem>> -> memref<1x100xi32, #tpu.memory_space<vmem>>
            %dma_start3A_77 = tpu.memref_squeeze %dma_start3A_76 : memref<1x100xi32, #tpu.memory_space<vmem>> -> memref<100xi32, #tpu.memory_space<vmem>>
            %dma_start3A_78 = arith.constant 0 : i32
            %dma_start3A_79 = arith.constant 0 : i32
            %dma_start3A_80 = tpu.memref_slice %arg12[%dma_start3A_78, %dma_start3A_79] : memref<10000x128xf32, #tpu.memory_space<vmem_shared>> -> memref<10000x128xf32, #tpu.memory_space<vmem_shared>>
            tpu.enqueue_indirect_dma source(%arg11 : memref<100x128xf32, #tpu.memory_space<vmem>>) target(%dma_start3A_80 : memref<10000x128xf32, #tpu.memory_space<vmem_shared>>) offsets(%dma_start3A_77 : memref<100xi32, #tpu.memory_space<vmem>>) semaphore(%run_scoped3A : memref<!tpu.dma_semaphore, #tpu.memory_space<semaphore_mem>>) {add = true}
            %dma_wait3A_81 = arith.constant 0 : i32
            %dma_wait3A_82 = tpu.memref_slice %arg9[%add3A_52, %dma_wait3A_81] : memref<20x100xi32, #tpu.memory_space<vmem>> -> memref<1x100xi32, #tpu.memory_space<vmem>>
            %dma_wait3A_83 = tpu.memref_squeeze %dma_wait3A_82 : memref<1x100xi32, #tpu.memory_space<vmem>> -> memref<100xi32, #tpu.memory_space<vmem>>
            %dma_wait3A_84 = arith.constant 0 : i32
            %dma_wait3A_85 = arith.constant 0 : i32
            %dma_wait3A_86 = tpu.memref_slice %arg12[%dma_wait3A_84, %dma_wait3A_85] : memref<10000x128xf32, #tpu.memory_space<vmem_shared>> -> memref<10000x128xf32, #tpu.memory_space<vmem_shared>>
            tpu.wait_indirect_dma semaphore(%run_scoped3A : memref<!tpu.dma_semaphore, #tpu.memory_space<semaphore_mem>>) src(%arg11 : memref<100x128xf32, #tpu.memory_space<vmem>>) dst(%dma_wait3A_86 : memref<10000x128xf32, #tpu.memory_space<vmem_shared>>)
            tpu.yield
          }) : () -> ()
        }
        %scan3A_45 = arith.constant 10 : i32
      }
      %scan3A_34 = arith.constant 5 : i32
    } else {
    }
    %eq3A_13 = arith.constant 1 : i32
    %eq3A_14 = arith.cmpi eq, %arg0, %eq3A_13 : i32
    %convert_element_type3A_15 = arith.extui %eq3A_14 : i1 to i32
    %cond3A_16 = arith.constant 0 : i32
    %cond3A_17 = arith.cmpi ne, %convert_element_type3A_15, %cond3A_16 : i32
    scf.if %cond3A_17 {
      %scan3A_29 = arith.constant 0 : i32
      %scan3A_30 = arith.constant 0 : i32
      %scan3A_31 = arith.constant 5 : i32
      %scan3A_32 = arith.addi %scan3A_30, %scan3A_31 : i32
      %scan3A_33 = arith.constant 1 : i32
      scf.for %scan3A_35 = %scan3A_30 to %scan3A_32 step %scan3A_33  : i32 {
        %mul3A = arith.constant 5 : i32
        %mul3A_36 = arith.muli %arg1, %mul3A : i32
        %add3A = arith.addi %mul3A_36, %scan3A_35 : i32
        "tpu.region"() ({
          %run_scoped3A = tpu.sem_alloc : memref<!tpu.dma_semaphore, #tpu.memory_space<semaphore_mem>>
          %dma_start3A = arith.constant 0 : i32
          %dma_start3A_46 = arith.constant 0 : i32
          %dma_start3A_47 = tpu.memref_slice %arg4[%add3A, %dma_start3A, %dma_start3A_46] : memref<80x20x100xi32, #tpu.memory_space<hbm>> -> memref<1x20x100xi32, #tpu.memory_space<hbm>>
          %dma_start3A_48 = tpu.memref_squeeze %dma_start3A_47 : memref<1x20x100xi32, #tpu.memory_space<hbm>> -> memref<20x100xi32, #tpu.memory_space<hbm>>
          %dma_start3A_49 = arith.constant 0 : i32
          %dma_start3A_50 = arith.constant 0 : i32
          %dma_start3A_51 = tpu.memref_slice %arg4[%add3A, %dma_start3A_49, %dma_start3A_50] : memref<80x20x100xi32, #tpu.memory_space<hbm>> -> memref<1x20x100xi32, #tpu.memory_space<hbm>>
          %dma_start3A_52 = tpu.memref_squeeze %dma_start3A_51 : memref<1x20x100xi32, #tpu.memory_space<hbm>> -> memref<20x100xi32, #tpu.memory_space<hbm>>
          tpu.enqueue_dma source(%dma_start3A_52 : memref<20x100xi32, #tpu.memory_space<hbm>>) target(%arg8 : memref<20x100xi32, #tpu.memory_space<vmem>>) target_semaphore(%run_scoped3A : memref<!tpu.dma_semaphore, #tpu.memory_space<semaphore_mem>>)
          %dma_wait3A = arith.constant 0 : i32
          %dma_wait3A_53 = arith.constant 0 : i32
          %dma_wait3A_54 = tpu.memref_slice %arg4[%add3A, %dma_wait3A, %dma_wait3A_53] : memref<80x20x100xi32, #tpu.memory_space<hbm>> -> memref<1x20x100xi32, #tpu.memory_space<hbm>>
          %dma_wait3A_55 = tpu.memref_squeeze %dma_wait3A_54 : memref<1x20x100xi32, #tpu.memory_space<hbm>> -> memref<20x100xi32, #tpu.memory_space<hbm>>
          %dma_wait3A_56 = arith.constant 0 : i32
          %dma_wait3A_57 = arith.constant 0 : i32
          %dma_wait3A_58 = tpu.memref_slice %arg4[%add3A, %dma_wait3A_56, %dma_wait3A_57] : memref<80x20x100xi32, #tpu.memory_space<hbm>> -> memref<1x20x100xi32, #tpu.memory_space<hbm>>
          %dma_wait3A_59 = tpu.memref_squeeze %dma_wait3A_58 : memref<1x20x100xi32, #tpu.memory_space<hbm>> -> memref<20x100xi32, #tpu.memory_space<hbm>>
          tpu.wait_dma2 semaphore(%run_scoped3A : memref<!tpu.dma_semaphore, #tpu.memory_space<semaphore_mem>>) src(%dma_wait3A_59 : memref<20x100xi32, #tpu.memory_space<hbm>>) dst(%arg8 : memref<20x100xi32, #tpu.memory_space<vmem>>)
          tpu.yield
        }) : () -> ()
        %mul3A_37 = arith.constant 5 : i32
        %mul3A_38 = arith.muli %arg1, %mul3A_37 : i32
        %add3A_39 = arith.addi %mul3A_38, %scan3A_35 : i32
        "tpu.region"() ({
          %run_scoped3A = tpu.sem_alloc : memref<!tpu.dma_semaphore, #tpu.memory_space<semaphore_mem>>
          %dma_start3A = arith.constant 0 : i32
          %dma_start3A_46 = arith.constant 0 : i32
          %dma_start3A_47 = tpu.memref_slice %arg5[%add3A_39, %dma_start3A, %dma_start3A_46] : memref<80x20x100xi32, #tpu.memory_space<hbm>> -> memref<1x20x100xi32, #tpu.memory_space<hbm>>
          %dma_start3A_48 = tpu.memref_squeeze %dma_start3A_47 : memref<1x20x100xi32, #tpu.memory_space<hbm>> -> memref<20x100xi32, #tpu.memory_space<hbm>>
          %dma_start3A_49 = arith.constant 0 : i32
          %dma_start3A_50 = arith.constant 0 : i32
          %dma_start3A_51 = tpu.memref_slice %arg5[%add3A_39, %dma_start3A_49, %dma_start3A_50] : memref<80x20x100xi32, #tpu.memory_space<hbm>> -> memref<1x20x100xi32, #tpu.memory_space<hbm>>
          %dma_start3A_52 = tpu.memref_squeeze %dma_start3A_51 : memref<1x20x100xi32, #tpu.memory_space<hbm>> -> memref<20x100xi32, #tpu.memory_space<hbm>>
          tpu.enqueue_dma source(%dma_start3A_52 : memref<20x100xi32, #tpu.memory_space<hbm>>) target(%arg9 : memref<20x100xi32, #tpu.memory_space<vmem>>) target_semaphore(%run_scoped3A : memref<!tpu.dma_semaphore, #tpu.memory_space<semaphore_mem>>)
          %dma_wait3A = arith.constant 0 : i32
          %dma_wait3A_53 = arith.constant 0 : i32
          %dma_wait3A_54 = tpu.memref_slice %arg5[%add3A_39, %dma_wait3A, %dma_wait3A_53] : memref<80x20x100xi32, #tpu.memory_space<hbm>> -> memref<1x20x100xi32, #tpu.memory_space<hbm>>
          %dma_wait3A_55 = tpu.memref_squeeze %dma_wait3A_54 : memref<1x20x100xi32, #tpu.memory_space<hbm>> -> memref<20x100xi32, #tpu.memory_space<hbm>>
          %dma_wait3A_56 = arith.constant 0 : i32
          %dma_wait3A_57 = arith.constant 0 : i32
          %dma_wait3A_58 = tpu.memref_slice %arg5[%add3A_39, %dma_wait3A_56, %dma_wait3A_57] : memref<80x20x100xi32, #tpu.memory_space<hbm>> -> memref<1x20x100xi32, #tpu.memory_space<hbm>>
          %dma_wait3A_59 = tpu.memref_squeeze %dma_wait3A_58 : memref<1x20x100xi32, #tpu.memory_space<hbm>> -> memref<20x100xi32, #tpu.memory_space<hbm>>
          tpu.wait_dma2 semaphore(%run_scoped3A : memref<!tpu.dma_semaphore, #tpu.memory_space<semaphore_mem>>) src(%dma_wait3A_59 : memref<20x100xi32, #tpu.memory_space<hbm>>) dst(%arg9 : memref<20x100xi32, #tpu.memory_space<vmem>>)
          tpu.yield
        }) : () -> ()
        %scan3A_40 = arith.constant 0 : i32
        %scan3A_41 = arith.constant 0 : i32
        %scan3A_42 = arith.constant 10 : i32
        %scan3A_43 = arith.addi %scan3A_41, %scan3A_42 : i32
        %scan3A_44 = arith.constant 1 : i32
        scf.for %scan3A_46 = %scan3A_41 to %scan3A_43 step %scan3A_44  : i32 {
          %mul3A_47 = arith.constant 2 : i32
          %mul3A_48 = arith.muli %mul3A_47, %scan3A_46 : i32
          %mul3A_49 = arith.constant 2 : i32
          %mul3A_50 = arith.muli %mul3A_49, %scan3A_46 : i32
          %add3A_51 = arith.constant 1 : i32
          %add3A_52 = arith.addi %mul3A_50, %add3A_51 : i32
          %dma_start3A = arith.constant 0 : i32
          %dma_start3A_53 = tpu.memref_slice %arg8[%mul3A_48, %dma_start3A] : memref<20x100xi32, #tpu.memory_space<vmem>> -> memref<1x100xi32, #tpu.memory_space<vmem>>
          %dma_start3A_54 = tpu.memref_squeeze %dma_start3A_53 : memref<1x100xi32, #tpu.memory_space<vmem>> -> memref<100xi32, #tpu.memory_space<vmem>>
          %dma_start3A_55 = arith.constant 0 : i32
          %dma_start3A_56 = arith.constant 0 : i32
          %dma_start3A_57 = tpu.memref_slice %arg3[%dma_start3A_55, %dma_start3A_56] : memref<10000x128xf32, #tpu.memory_space<hbm>> -> memref<10000x128xf32, #tpu.memory_space<hbm>>
          tpu.enqueue_indirect_dma source(%dma_start3A_57 : memref<10000x128xf32, #tpu.memory_space<hbm>>) target(%arg10 : memref<100x128xf32, #tpu.memory_space<vmem>>) offsets(%dma_start3A_54 : memref<100xi32, #tpu.memory_space<vmem>>) semaphore(%arg13 : memref<!tpu.dma_semaphore, #tpu.memory_space<semaphore_mem>>)
          %dma_start3A_58 = arith.constant 0 : i32
          %dma_start3A_59 = tpu.memref_slice %arg8[%add3A_52, %dma_start3A_58] : memref<20x100xi32, #tpu.memory_space<vmem>> -> memref<1x100xi32, #tpu.memory_space<vmem>>
          %dma_start3A_60 = tpu.memref_squeeze %dma_start3A_59 : memref<1x100xi32, #tpu.memory_space<vmem>> -> memref<100xi32, #tpu.memory_space<vmem>>
          %dma_start3A_61 = arith.constant 0 : i32
          %dma_start3A_62 = arith.constant 0 : i32
          %dma_start3A_63 = tpu.memref_slice %arg3[%dma_start3A_61, %dma_start3A_62] : memref<10000x128xf32, #tpu.memory_space<hbm>> -> memref<10000x128xf32, #tpu.memory_space<hbm>>
          tpu.enqueue_indirect_dma source(%dma_start3A_63 : memref<10000x128xf32, #tpu.memory_space<hbm>>) target(%arg11 : memref<100x128xf32, #tpu.memory_space<vmem>>) offsets(%dma_start3A_60 : memref<100xi32, #tpu.memory_space<vmem>>) semaphore(%arg14 : memref<!tpu.dma_semaphore, #tpu.memory_space<semaphore_mem>>)
          %dma_wait3A = arith.constant 0 : i32
          %dma_wait3A_64 = tpu.memref_slice %arg8[%mul3A_48, %dma_wait3A] : memref<20x100xi32, #tpu.memory_space<vmem>> -> memref<1x100xi32, #tpu.memory_space<vmem>>
          %dma_wait3A_65 = tpu.memref_squeeze %dma_wait3A_64 : memref<1x100xi32, #tpu.memory_space<vmem>> -> memref<100xi32, #tpu.memory_space<vmem>>
          %dma_wait3A_66 = arith.constant 0 : i32
          %dma_wait3A_67 = arith.constant 0 : i32
          %dma_wait3A_68 = tpu.memref_slice %arg3[%dma_wait3A_66, %dma_wait3A_67] : memref<10000x128xf32, #tpu.memory_space<hbm>> -> memref<10000x128xf32, #tpu.memory_space<hbm>>
          tpu.wait_indirect_dma semaphore(%arg13 : memref<!tpu.dma_semaphore, #tpu.memory_space<semaphore_mem>>) src(%dma_wait3A_68 : memref<10000x128xf32, #tpu.memory_space<hbm>>) dst(%arg10 : memref<100x128xf32, #tpu.memory_space<vmem>>)
          "tpu.region"() ({
            %run_scoped3A = tpu.sem_alloc : memref<!tpu.dma_semaphore, #tpu.memory_space<semaphore_mem>>
            %dma_start3A_75 = arith.constant 0 : i32
            %dma_start3A_76 = tpu.memref_slice %arg9[%mul3A_48, %dma_start3A_75] : memref<20x100xi32, #tpu.memory_space<vmem>> -> memref<1x100xi32, #tpu.memory_space<vmem>>
            %dma_start3A_77 = tpu.memref_squeeze %dma_start3A_76 : memref<1x100xi32, #tpu.memory_space<vmem>> -> memref<100xi32, #tpu.memory_space<vmem>>
            %dma_start3A_78 = arith.constant 0 : i32
            %dma_start3A_79 = arith.constant 0 : i32
            %dma_start3A_80 = tpu.memref_slice %arg12[%dma_start3A_78, %dma_start3A_79] : memref<10000x128xf32, #tpu.memory_space<vmem_shared>> -> memref<10000x128xf32, #tpu.memory_space<vmem_shared>>
            tpu.enqueue_indirect_dma source(%arg10 : memref<100x128xf32, #tpu.memory_space<vmem>>) target(%dma_start3A_80 : memref<10000x128xf32, #tpu.memory_space<vmem_shared>>) offsets(%dma_start3A_77 : memref<100xi32, #tpu.memory_space<vmem>>) semaphore(%run_scoped3A : memref<!tpu.dma_semaphore, #tpu.memory_space<semaphore_mem>>) {add = true}
            %dma_wait3A_81 = arith.constant 0 : i32
            %dma_wait3A_82 = tpu.memref_slice %arg9[%mul3A_48, %dma_wait3A_81] : memref<20x100xi32, #tpu.memory_space<vmem>> -> memref<1x100xi32, #tpu.memory_space<vmem>>
            %dma_wait3A_83 = tpu.memref_squeeze %dma_wait3A_82 : memref<1x100xi32, #tpu.memory_space<vmem>> -> memref<100xi32, #tpu.memory_space<vmem>>
            %dma_wait3A_84 = arith.constant 0 : i32
            %dma_wait3A_85 = arith.constant 0 : i32
            %dma_wait3A_86 = tpu.memref_slice %arg12[%dma_wait3A_84, %dma_wait3A_85] : memref<10000x128xf32, #tpu.memory_space<vmem_shared>> -> memref<10000x128xf32, #tpu.memory_space<vmem_shared>>
            tpu.wait_indirect_dma semaphore(%run_scoped3A : memref<!tpu.dma_semaphore, #tpu.memory_space<semaphore_mem>>) src(%arg10 : memref<100x128xf32, #tpu.memory_space<vmem>>) dst(%dma_wait3A_86 : memref<10000x128xf32, #tpu.memory_space<vmem_shared>>)
            tpu.yield
          }) : () -> ()
          %dma_wait3A_69 = arith.constant 0 : i32
          %dma_wait3A_70 = tpu.memref_slice %arg8[%add3A_52, %dma_wait3A_69] : memref<20x100xi32, #tpu.memory_space<vmem>> -> memref<1x100xi32, #tpu.memory_space<vmem>>
          %dma_wait3A_71 = tpu.memref_squeeze %dma_wait3A_70 : memref<1x100xi32, #tpu.memory_space<vmem>> -> memref<100xi32, #tpu.memory_space<vmem>>
          %dma_wait3A_72 = arith.constant 0 : i32
          %dma_wait3A_73 = arith.constant 0 : i32
          %dma_wait3A_74 = tpu.memref_slice %arg3[%dma_wait3A_72, %dma_wait3A_73] : memref<10000x128xf32, #tpu.memory_space<hbm>> -> memref<10000x128xf32, #tpu.memory_space<hbm>>
          tpu.wait_indirect_dma semaphore(%arg14 : memref<!tpu.dma_semaphore, #tpu.memory_space<semaphore_mem>>) src(%dma_wait3A_74 : memref<10000x128xf32, #tpu.memory_space<hbm>>) dst(%arg11 : memref<100x128xf32, #tpu.memory_space<vmem>>)
          "tpu.region"() ({
            %run_scoped3A = tpu.sem_alloc : memref<!tpu.dma_semaphore, #tpu.memory_space<semaphore_mem>>
            %dma_start3A_75 = arith.constant 0 : i32
            %dma_start3A_76 = tpu.memref_slice %arg9[%add3A_52, %dma_start3A_75] : memref<20x100xi32, #tpu.memory_space<vmem>> -> memref<1x100xi32, #tpu.memory_space<vmem>>
            %dma_start3A_77 = tpu.memref_squeeze %dma_start3A_76 : memref<1x100xi32, #tpu.memory_space<vmem>> -> memref<100xi32, #tpu.memory_space<vmem>>
            %dma_start3A_78 = arith.constant 0 : i32
            %dma_start3A_79 = arith.constant 0 : i32
            %dma_start3A_80 = tpu.memref_slice %arg12[%dma_start3A_78, %dma_start3A_79] : memref<10000x128xf32, #tpu.memory_space<vmem_shared>> -> memref<10000x128xf32, #tpu.memory_space<vmem_shared>>
            tpu.enqueue_indirect_dma source(%arg11 : memref<100x128xf32, #tpu.memory_space<vmem>>) target(%dma_start3A_80 : memref<10000x128xf32, #tpu.memory_space<vmem_shared>>) offsets(%dma_start3A_77 : memref<100xi32, #tpu.memory_space<vmem>>) semaphore(%run_scoped3A : memref<!tpu.dma_semaphore, #tpu.memory_space<semaphore_mem>>) {add = true}
            %dma_wait3A_81 = arith.constant 0 : i32
            %dma_wait3A_82 = tpu.memref_slice %arg9[%add3A_52, %dma_wait3A_81] : memref<20x100xi32, #tpu.memory_space<vmem>> -> memref<1x100xi32, #tpu.memory_space<vmem>>
            %dma_wait3A_83 = tpu.memref_squeeze %dma_wait3A_82 : memref<1x100xi32, #tpu.memory_space<vmem>> -> memref<100xi32, #tpu.memory_space<vmem>>
            %dma_wait3A_84 = arith.constant 0 : i32
            %dma_wait3A_85 = arith.constant 0 : i32
            %dma_wait3A_86 = tpu.memref_slice %arg12[%dma_wait3A_84, %dma_wait3A_85] : memref<10000x128xf32, #tpu.memory_space<vmem_shared>> -> memref<10000x128xf32, #tpu.memory_space<vmem_shared>>
            tpu.wait_indirect_dma semaphore(%run_scoped3A : memref<!tpu.dma_semaphore, #tpu.memory_space<semaphore_mem>>) src(%arg11 : memref<100x128xf32, #tpu.memory_space<vmem>>) dst(%dma_wait3A_86 : memref<10000x128xf32, #tpu.memory_space<vmem_shared>>)
            tpu.yield
          }) : () -> ()
        }
        %scan3A_45 = arith.constant 10 : i32
      }
      %scan3A_34 = arith.constant 5 : i32
    } else {
    }
    %barrier3A_18 = arith.constant 0 : index
    tpu.barrier barrier_id(%barrier3A_18)
    %eq3A_19 = arith.constant 0 : i32
    %eq3A_20 = arith.cmpi eq, %arg0, %eq3A_19 : i32
    %convert_element_type3A_21 = arith.extui %eq3A_20 : i1 to i32
    %cond3A_22 = arith.constant 0 : i32
    %cond3A_23 = arith.cmpi ne, %convert_element_type3A_21, %cond3A_22 : i32
    scf.if %cond3A_23 {
      %scan3A_29 = arith.constant 0 : i32
      %scan3A_30 = arith.constant 0 : i32
      %scan3A_31 = arith.constant 8 : i32
      %scan3A_32 = arith.addi %scan3A_30, %scan3A_31 : i32
      %scan3A_33 = arith.constant 1 : i32
      scf.for %scan3A_35 = %scan3A_30 to %scan3A_32 step %scan3A_33  : i32 {
        %mul3A = arith.constant 16 : i32
        %mul3A_36 = arith.muli %scan3A_35, %mul3A : i32
        %add3A = arith.addi %arg1, %mul3A_36 : i32
        %lt3A = arith.constant 125 : i32
        %lt3A_37 = arith.cmpi slt, %add3A, %lt3A : i32
        %convert_element_type3A_38 = arith.extui %lt3A_37 : i1 to i32
        %cond3A_39 = arith.constant 0 : i32
        %cond3A_40 = arith.cmpi ne, %convert_element_type3A_38, %cond3A_39 : i32
        scf.if %cond3A_40 {
          %mul3A_41 = arith.constant 80 : i32
          %mul3A_42 = arith.muli %add3A, %mul3A_41 : i32
          "tpu.region"() ({
            %run_scoped3A = tpu.sem_alloc : memref<!tpu.dma_semaphore, #tpu.memory_space<semaphore_mem>>
            %dma_start3A = arith.constant 0 : i32
            %dma_start3A_43 = tpu.memref_slice %arg6[%mul3A_42, %dma_start3A] : memref<10000x128xf32, #tpu.memory_space<hbm>> -> memref<80x128xf32, #tpu.memory_space<hbm>>
            %dma_start3A_44 = arith.constant 0 : i32
            %dma_start3A_45 = tpu.memref_slice %arg12[%mul3A_42, %dma_start3A_44] : memref<10000x128xf32, #tpu.memory_space<vmem_shared>> -> memref<80x128xf32, #tpu.memory_space<vmem_shared>>
            tpu.enqueue_dma source(%dma_start3A_45 : memref<80x128xf32, #tpu.memory_space<vmem_shared>>) target(%dma_start3A_43 : memref<80x128xf32, #tpu.memory_space<hbm>>) target_semaphore(%run_scoped3A : memref<!tpu.dma_semaphore, #tpu.memory_space<semaphore_mem>>)
            %dma_wait3A = arith.constant 0 : i32
            %dma_wait3A_46 = tpu.memref_slice %arg6[%mul3A_42, %dma_wait3A] : memref<10000x128xf32, #tpu.memory_space<hbm>> -> memref<80x128xf32, #tpu.memory_space<hbm>>
            %dma_wait3A_47 = arith.constant 0 : i32
            %dma_wait3A_48 = tpu.memref_slice %arg12[%mul3A_42, %dma_wait3A_47] : memref<10000x128xf32, #tpu.memory_space<vmem_shared>> -> memref<80x128xf32, #tpu.memory_space<vmem_shared>>
            tpu.wait_dma2 semaphore(%run_scoped3A : memref<!tpu.dma_semaphore, #tpu.memory_space<semaphore_mem>>) src(%dma_wait3A_48 : memref<80x128xf32, #tpu.memory_space<vmem_shared>>) dst(%dma_wait3A_46 : memref<80x128xf32, #tpu.memory_space<hbm>>)
            tpu.yield
          }) : () -> ()
        } else {
        }
      }
      %scan3A_34 = arith.constant 8 : i32
    } else {
    }
    %eq3A_24 = arith.constant 1 : i32
    %eq3A_25 = arith.cmpi eq, %arg0, %eq3A_24 : i32
    %convert_element_type3A_26 = arith.extui %eq3A_25 : i1 to i32
    %cond3A_27 = arith.constant 0 : i32
    %cond3A_28 = arith.cmpi ne, %convert_element_type3A_26, %cond3A_27 : i32
    scf.if %cond3A_28 {
      %scan3A_29 = arith.constant 0 : i32
      %scan3A_30 = arith.constant 0 : i32
      %scan3A_31 = arith.constant 8 : i32
      %scan3A_32 = arith.addi %scan3A_30, %scan3A_31 : i32
      %scan3A_33 = arith.constant 1 : i32
      scf.for %scan3A_35 = %scan3A_30 to %scan3A_32 step %scan3A_33  : i32 {
        %mul3A = arith.constant 16 : i32
        %mul3A_36 = arith.muli %scan3A_35, %mul3A : i32
        %add3A = arith.addi %arg1, %mul3A_36 : i32
        %lt3A = arith.constant 125 : i32
        %lt3A_37 = arith.cmpi slt, %add3A, %lt3A : i32
        %convert_element_type3A_38 = arith.extui %lt3A_37 : i1 to i32
        %cond3A_39 = arith.constant 0 : i32
        %cond3A_40 = arith.cmpi ne, %convert_element_type3A_38, %cond3A_39 : i32
        scf.if %cond3A_40 {
          %mul3A_41 = arith.constant 80 : i32
          %mul3A_42 = arith.muli %add3A, %mul3A_41 : i32
          "tpu.region"() ({
            %run_scoped3A = tpu.sem_alloc : memref<!tpu.dma_semaphore, #tpu.memory_space<semaphore_mem>>
            %dma_start3A = arith.constant 0 : i32
            %dma_start3A_43 = tpu.memref_slice %arg7[%mul3A_42, %dma_start3A] : memref<10000x128xf32, #tpu.memory_space<hbm>> -> memref<80x128xf32, #tpu.memory_space<hbm>>
            %dma_start3A_44 = arith.constant 0 : i32
            %dma_start3A_45 = tpu.memref_slice %arg12[%mul3A_42, %dma_start3A_44] : memref<10000x128xf32, #tpu.memory_space<vmem_shared>> -> memref<80x128xf32, #tpu.memory_space<vmem_shared>>
            tpu.enqueue_dma source(%dma_start3A_45 : memref<80x128xf32, #tpu.memory_space<vmem_shared>>) target(%dma_start3A_43 : memref<80x128xf32, #tpu.memory_space<hbm>>) target_semaphore(%run_scoped3A : memref<!tpu.dma_semaphore, #tpu.memory_space<semaphore_mem>>)
            %dma_wait3A = arith.constant 0 : i32
            %dma_wait3A_46 = tpu.memref_slice %arg7[%mul3A_42, %dma_wait3A] : memref<10000x128xf32, #tpu.memory_space<hbm>> -> memref<80x128xf32, #tpu.memory_space<hbm>>
            %dma_wait3A_47 = arith.constant 0 : i32
            %dma_wait3A_48 = tpu.memref_slice %arg12[%mul3A_42, %dma_wait3A_47] : memref<10000x128xf32, #tpu.memory_space<vmem_shared>> -> memref<80x128xf32, #tpu.memory_space<vmem_shared>>
            tpu.wait_dma2 semaphore(%run_scoped3A : memref<!tpu.dma_semaphore, #tpu.memory_space<semaphore_mem>>) src(%dma_wait3A_48 : memref<80x128xf32, #tpu.memory_space<vmem_shared>>) dst(%dma_wait3A_46 : memref<80x128xf32, #tpu.memory_space<hbm>>)
            tpu.yield
          }) : () -> ()
        } else {
        }
      }
      %scan3A_34 = arith.constant 8 : i32
    } else {
    }
    return
  }
}

module attributes {stable_mosaic.version = 14 : i64} {
  func.func @_mm1_body(%arg0: i32, %arg1: memref<400x256xf32, #tpu.memory_space<vmem>>, %arg2: memref<400x1xf32, #tpu.memory_space<vmem>>, %arg3: memref<256x256xf32, #tpu.memory_space<vmem>>, %arg4: memref<400x128xf32, #tpu.memory_space<vmem>>, %arg5: memref<400x128xf32, #tpu.memory_space<vmem>>) attributes {dimension_semantics = [#tpu.dimension_semantics<arbitrary>], iteration_bounds = array<i64: 25>, scalar_prefetch = 0 : i64, scratch_operands = 0 : i64, tpu.core_type = #tpu.core_type<tc>, window_params = [{transform_indices = @transform_0, window_bounds = array<i64: 400, 256>}, {transform_indices = @transform_1, window_bounds = array<i64: 400, 1>}, {pipeline_mode = #tpu.pipeline_mode<synchronous>, transform_indices = @transform_2, window_bounds = array<i64: 256, 256>}, {transform_indices = @transform_3, window_bounds = array<i64: 400, 128>}, {transform_indices = @transform_4, window_bounds = array<i64: 400, 128>}]} {
    %get3A = arith.constant 0 : index
    %get3A_0 = arith.constant 0 : index
    %get3A_1 = vector.load %arg2[%get3A, %get3A_0] : memref<400x1xf32, #tpu.memory_space<vmem>>, vector<400x1xf32>
    %max3A = arith.constant 1.000000e+00 : f32
    %max3A_2 = vector.broadcast %max3A : f32 to vector<400x1xf32>
    %max3A_3 = arith.maximumf %get3A_1, %max3A_2 : vector<400x1xf32>
    %rsqrt3A = math.rsqrt %max3A_3 : vector<400x1xf32>
    %get3A_4 = arith.constant 0 : index
    %get3A_5 = arith.constant 0 : index
    %get3A_6 = vector.load %arg1[%get3A_4, %get3A_5] : memref<400x256xf32, #tpu.memory_space<vmem>>, vector<400x256xf32>
    %get3A_7 = arith.constant 0 : index
    %get3A_8 = arith.constant 0 : index
    %get3A_9 = vector.load %arg3[%get3A_7, %get3A_8] : memref<256x256xf32, #tpu.memory_space<vmem>>, vector<256x256xf32>
    %dot_general3A = arith.constant dense<0.000000e+00> : vector<400x256xf32>
    %dot_general3A_10 = tpu.matmul %get3A_6, %get3A_9, %dot_general3A {dimension_numbers = #tpu.dot_dimension_numbers<[1], [0], [0], [1], [0, 0, 1, 1], [], []>, transpose_lhs_hint = false} : vector<400x256xf32>, vector<256x256xf32>, vector<400x256xf32> -> vector<400x256xf32>
    %mul3A = vector.broadcast %rsqrt3A : vector<400x1xf32> to vector<400x256xf32>
    %mul3A_11 = arith.mulf %dot_general3A_10, %mul3A : vector<400x256xf32>
    %slice3A = vector.extract_strided_slice %mul3A_11 {offsets = [0, 0], sizes = [400, 128], strides = [1, 1]} : vector<400x256xf32> to vector<400x128xf32>
    %swap3A = arith.constant 0 : index
    %swap3A_12 = arith.constant 0 : index
    %swap3A_13 = vector.load %arg4[%swap3A, %swap3A_12] : memref<400x128xf32, #tpu.memory_space<vmem>>, vector<400x128xf32>
    tpu.vector_store %arg4[%swap3A, %swap3A_12], %slice3A {strides = array<i32>} : memref<400x128xf32, #tpu.memory_space<vmem>>, vector<400x128xf32>,
    %slice3A_14 = vector.extract_strided_slice %mul3A_11 {offsets = [0, 128], sizes = [400, 128], strides = [1, 1]} : vector<400x256xf32> to vector<400x128xf32>
    %swap3A_15 = arith.constant 0 : index
    %swap3A_16 = arith.constant 0 : index
    %swap3A_17 = vector.load %arg5[%swap3A_15, %swap3A_16] : memref<400x128xf32, #tpu.memory_space<vmem>>, vector<400x128xf32>
    tpu.vector_store %arg5[%swap3A_15, %swap3A_16], %slice3A_14 {strides = array<i32>} : memref<400x128xf32, #tpu.memory_space<vmem>>, vector<400x128xf32>,
    return
  }
  func.func @transform_0(%arg0: i32) -> (i32, i32) {
    %c0_i32 = arith.constant 0 : i32
    %c0_i32_0 = arith.constant 0 : i32
    return %arg0, %c0_i32 : i32, i32
  }
  func.func @transform_1(%arg0: i32) -> (i32, i32) {
    %c0_i32 = arith.constant 0 : i32
    %c0_i32_0 = arith.constant 0 : i32
    return %arg0, %c0_i32 : i32, i32
  }
  func.func @transform_2(%arg0: i32) -> (i32, i32) {
    %c0_i32 = arith.constant 0 : i32
    %c0_i32_0 = arith.constant 0 : i32
    %c0_i32_1 = arith.constant 0 : i32
    return %c0_i32, %c0_i32_0 : i32, i32
  }
  func.func @transform_3(%arg0: i32) -> (i32, i32) {
    %c0_i32 = arith.constant 0 : i32
    %c0_i32_0 = arith.constant 0 : i32
    return %arg0, %c0_i32 : i32, i32
  }
  func.func @transform_4(%arg0: i32) -> (i32, i32) {
    %c0_i32 = arith.constant 0 : i32
    %c0_i32_0 = arith.constant 0 : i32
    return %arg0, %c0_i32 : i32, i32
  }
}

module attributes {stable_mosaic.version = 14 : i64} {
  func.func @_mm2_body(%arg0: i32, %arg1: memref<400x128xf32, #tpu.memory_space<vmem>>, %arg2: memref<400x128xf32, #tpu.memory_space<vmem>>, %arg3: memref<400x1xf32, #tpu.memory_space<vmem>>, %arg4: memref<400x1xf32, #tpu.memory_space<vmem>>, %arg5: memref<1x256xf32, #tpu.memory_space<vmem>>, %arg6: memref<256x256xf32, #tpu.memory_space<vmem>>, %arg7: memref<400x128xf32, #tpu.memory_space<vmem>>, %arg8: memref<400x128xf32, #tpu.memory_space<vmem>>) attributes {dimension_semantics = [#tpu.dimension_semantics<arbitrary>], iteration_bounds = array<i64: 25>, scalar_prefetch = 0 : i64, scratch_operands = 0 : i64, tpu.core_type = #tpu.core_type<tc>, window_params = [{transform_indices = @transform_0, window_bounds = array<i64: 400, 128>}, {transform_indices = @transform_1, window_bounds = array<i64: 400, 128>}, {transform_indices = @transform_2, window_bounds = array<i64: 400, 1>}, {transform_indices = @transform_3, window_bounds = array<i64: 400, 1>}, {pipeline_mode = #tpu.pipeline_mode<synchronous>, transform_indices = @transform_4, window_bounds = array<i64: 1, 256>}, {pipeline_mode = #tpu.pipeline_mode<synchronous>, transform_indices = @transform_5, window_bounds = array<i64: 256, 256>}, {transform_indices = @transform_6, window_bounds = array<i64: 400, 128>}, {transform_indices = @transform_7, window_bounds = array<i64: 400, 128>}]} {
    %get3A = arith.constant 0 : index
    %get3A_0 = arith.constant 0 : index
    %get3A_1 = vector.load %arg3[%get3A, %get3A_0] : memref<400x1xf32, #tpu.memory_space<vmem>>, vector<400x1xf32>
    %max3A = arith.constant 1.000000e+00 : f32
    %max3A_2 = vector.broadcast %max3A : f32 to vector<400x1xf32>
    %max3A_3 = arith.maximumf %get3A_1, %max3A_2 : vector<400x1xf32>
    %rsqrt3A = math.rsqrt %max3A_3 : vector<400x1xf32>
    %get3A_4 = arith.constant 0 : index
    %get3A_5 = arith.constant 0 : index
    %get3A_6 = vector.load %arg4[%get3A_4, %get3A_5] : memref<400x1xf32, #tpu.memory_space<vmem>>, vector<400x1xf32>
    %max3A_7 = arith.constant 1.000000e+00 : f32
    %max3A_8 = vector.broadcast %max3A_7 : f32 to vector<400x1xf32>
    %max3A_9 = arith.maximumf %get3A_6, %max3A_8 : vector<400x1xf32>
    %rsqrt3A_10 = math.rsqrt %max3A_9 : vector<400x1xf32>
    %get3A_11 = arith.constant 0 : index
    %get3A_12 = arith.constant 0 : index
    %get3A_13 = vector.load %arg1[%get3A_11, %get3A_12] : memref<400x128xf32, #tpu.memory_space<vmem>>, vector<400x128xf32>
    %mul3A = vector.broadcast %rsqrt3A : vector<400x1xf32> to vector<400x128xf32>
    %mul3A_14 = arith.mulf %get3A_13, %mul3A : vector<400x128xf32>
    %get3A_15 = arith.constant 0 : index
    %get3A_16 = arith.constant 0 : index
    %get3A_17 = vector.load %arg5[%get3A_15, %get3A_16] : memref<1x256xf32, #tpu.memory_space<vmem>>, vector<1x128xf32>
    %add3A = vector.broadcast %get3A_17 : vector<1x128xf32> to vector<400x128xf32>
    %add3A_18 = arith.addf %mul3A_14, %add3A : vector<400x128xf32>
    %max3A_19 = arith.constant 0.000000e+00 : f32
    %max3A_20 = vector.broadcast %max3A_19 : f32 to vector<400x128xf32>
    %max3A_21 = arith.maximumf %add3A_18, %max3A_20 : vector<400x128xf32>
    %get3A_22 = arith.constant 0 : index
    %get3A_23 = arith.constant 0 : index
    %get3A_24 = vector.load %arg2[%get3A_22, %get3A_23] : memref<400x128xf32, #tpu.memory_space<vmem>>, vector<400x128xf32>
    %mul3A_25 = vector.broadcast %rsqrt3A : vector<400x1xf32> to vector<400x128xf32>
    %mul3A_26 = arith.mulf %get3A_24, %mul3A_25 : vector<400x128xf32>
    %get3A_27 = arith.constant 0 : index
    %get3A_28 = arith.constant 128 : index
    %get3A_29 = vector.load %arg5[%get3A_27, %get3A_28] : memref<1x256xf32, #tpu.memory_space<vmem>>, vector<1x128xf32>
    %add3A_30 = vector.broadcast %get3A_29 : vector<1x128xf32> to vector<400x128xf32>
    %add3A_31 = arith.addf %mul3A_26, %add3A_30 : vector<400x128xf32>
    %max3A_32 = arith.constant 0.000000e+00 : f32
    %max3A_33 = vector.broadcast %max3A_32 : f32 to vector<400x128xf32>
    %max3A_34 = arith.maximumf %add3A_31, %max3A_33 : vector<400x128xf32>
    %get3A_35 = arith.constant 0 : index
    %get3A_36 = arith.constant 0 : index
    %get3A_37 = vector.load %arg6[%get3A_35, %get3A_36] : memref<256x256xf32, #tpu.memory_space<vmem>>, vector<128x256xf32>
    %dot_general3A = arith.constant dense<0.000000e+00> : vector<400x256xf32>
    %dot_general3A_38 = tpu.matmul %max3A_21, %get3A_37, %dot_general3A {dimension_numbers = #tpu.dot_dimension_numbers<[1], [0], [0], [1], [0, 0, 1, 1], [], []>, transpose_lhs_hint = false} : vector<400x128xf32>, vector<128x256xf32>, vector<400x256xf32> -> vector<400x256xf32>
    %get3A_39 = arith.constant 128 : index
    %get3A_40 = arith.constant 0 : index
    %get3A_41 = vector.load %arg6[%get3A_39, %get3A_40] : memref<256x256xf32, #tpu.memory_space<vmem>>, vector<128x256xf32>
    %dot_general3A_42 = arith.constant dense<0.000000e+00> : vector<400x256xf32>
    %dot_general3A_43 = tpu.matmul %max3A_34, %get3A_41, %dot_general3A_42 {dimension_numbers = #tpu.dot_dimension_numbers<[1], [0], [0], [1], [0, 0, 1, 1], [], []>, transpose_lhs_hint = false} : vector<400x128xf32>, vector<128x256xf32>, vector<400x256xf32> -> vector<400x256xf32>
    %add3A_44 = arith.addf %dot_general3A_38, %dot_general3A_43 : vector<400x256xf32>
    %mul3A_45 = vector.broadcast %rsqrt3A_10 : vector<400x1xf32> to vector<400x256xf32>
    %mul3A_46 = arith.mulf %add3A_44, %mul3A_45 : vector<400x256xf32>
    %slice3A = vector.extract_strided_slice %mul3A_46 {offsets = [0, 0], sizes = [400, 128], strides = [1, 1]} : vector<400x256xf32> to vector<400x128xf32>
    %swap3A = arith.constant 0 : index
    %swap3A_47 = arith.constant 0 : index
    %swap3A_48 = vector.load %arg7[%swap3A, %swap3A_47] : memref<400x128xf32, #tpu.memory_space<vmem>>, vector<400x128xf32>
    tpu.vector_store %arg7[%swap3A, %swap3A_47], %slice3A {strides = array<i32>} : memref<400x128xf32, #tpu.memory_space<vmem>>, vector<400x128xf32>,
    %slice3A_49 = vector.extract_strided_slice %mul3A_46 {offsets = [0, 128], sizes = [400, 128], strides = [1, 1]} : vector<400x256xf32> to vector<400x128xf32>
    %swap3A_50 = arith.constant 0 : index
    %swap3A_51 = arith.constant 0 : index
    %swap3A_52 = vector.load %arg8[%swap3A_50, %swap3A_51] : memref<400x128xf32, #tpu.memory_space<vmem>>, vector<400x128xf32>
    tpu.vector_store %arg8[%swap3A_50, %swap3A_51], %slice3A_49 {strides = array<i32>} : memref<400x128xf32, #tpu.memory_space<vmem>>, vector<400x128xf32>,
    return
  }
  func.func @transform_0(%arg0: i32) -> (i32, i32) {
    %c0_i32 = arith.constant 0 : i32
    %c0_i32_0 = arith.constant 0 : i32
    return %arg0, %c0_i32 : i32, i32
  }
  func.func @transform_1(%arg0: i32) -> (i32, i32) {
    %c0_i32 = arith.constant 0 : i32
    %c0_i32_0 = arith.constant 0 : i32
    return %arg0, %c0_i32 : i32, i32
  }
  func.func @transform_2(%arg0: i32) -> (i32, i32) {
    %c0_i32 = arith.constant 0 : i32
    %c0_i32_0 = arith.constant 0 : i32
    return %arg0, %c0_i32 : i32, i32
  }
  func.func @transform_3(%arg0: i32) -> (i32, i32) {
    %c0_i32 = arith.constant 0 : i32
    %c0_i32_0 = arith.constant 0 : i32
    return %arg0, %c0_i32 : i32, i32
  }
  func.func @transform_4(%arg0: i32) -> (i32, i32) {
    %c0_i32 = arith.constant 0 : i32
    %c0_i32_0 = arith.constant 0 : i32
    %c0_i32_1 = arith.constant 0 : i32
    return %c0_i32, %c0_i32_0 : i32, i32
  }
  func.func @transform_5(%arg0: i32) -> (i32, i32) {
    %c0_i32 = arith.constant 0 : i32
    %c0_i32_0 = arith.constant 0 : i32
    %c0_i32_1 = arith.constant 0 : i32
    return %c0_i32, %c0_i32_0 : i32, i32
  }
  func.func @transform_6(%arg0: i32) -> (i32, i32) {
    %c0_i32 = arith.constant 0 : i32
    %c0_i32_0 = arith.constant 0 : i32
    return %arg0, %c0_i32 : i32, i32
  }
  func.func @transform_7(%arg0: i32) -> (i32, i32) {
    %c0_i32 = arith.constant 0 : i32
    %c0_i32_0 = arith.constant 0 : i32
    return %arg0, %c0_i32 : i32, i32
  }
}

module attributes {stable_mosaic.version = 14 : i64} {
  func.func @_pool_body(%arg0: i32, %arg1: memref<400x128xf32, #tpu.memory_space<vmem>>, %arg2: memref<400x128xf32, #tpu.memory_space<vmem>>, %arg3: memref<400x1xf32, #tpu.memory_space<vmem>>, %arg4: memref<1x256xf32, #tpu.memory_space<vmem>>, %arg5: memref<1x256xf32, #tpu.memory_space<vmem>>) attributes {dimension_semantics = [#tpu.dimension_semantics<arbitrary>], iteration_bounds = array<i64: 25>, scalar_prefetch = 0 : i64, scratch_operands = 0 : i64, tpu.core_type = #tpu.core_type<tc>, window_params = [{transform_indices = @transform_0, window_bounds = array<i64: 400, 128>}, {transform_indices = @transform_1, window_bounds = array<i64: 400, 128>}, {transform_indices = @transform_2, window_bounds = array<i64: 400, 1>}, {pipeline_mode = #tpu.pipeline_mode<synchronous>, transform_indices = @transform_3, window_bounds = array<i64: 1, 256>}, {pipeline_mode = #tpu.pipeline_mode<synchronous>, transform_indices = @transform_4, window_bounds = array<i64: 1, 256>}]} {
    %get3A = arith.constant 0 : index
    %get3A_0 = arith.constant 0 : index
    %get3A_1 = vector.load %arg3[%get3A, %get3A_0] : memref<400x1xf32, #tpu.memory_space<vmem>>, vector<400x1xf32>
    %max3A = arith.constant 1.000000e+00 : f32
    %max3A_2 = vector.broadcast %max3A : f32 to vector<400x1xf32>
    %max3A_3 = arith.maximumf %get3A_1, %max3A_2 : vector<400x1xf32>
    %rsqrt3A = math.rsqrt %max3A_3 : vector<400x1xf32>
    %get3A_4 = arith.constant 0 : index
    %get3A_5 = arith.constant 0 : index
    %get3A_6 = vector.load %arg1[%get3A_4, %get3A_5] : memref<400x128xf32, #tpu.memory_space<vmem>>, vector<400x128xf32>
    %mul3A = vector.broadcast %rsqrt3A : vector<400x1xf32> to vector<400x128xf32>
    %mul3A_7 = arith.mulf %get3A_6, %mul3A : vector<400x128xf32>
    %get3A_8 = arith.constant 0 : index
    %get3A_9 = arith.constant 0 : index
    %get3A_10 = vector.load %arg4[%get3A_8, %get3A_9] : memref<1x256xf32, #tpu.memory_space<vmem>>, vector<1x128xf32>
    %add3A = vector.broadcast %get3A_10 : vector<1x128xf32> to vector<400x128xf32>
    %add3A_11 = arith.addf %mul3A_7, %add3A : vector<400x128xf32>
    %max3A_12 = arith.constant 0.000000e+00 : f32
    %max3A_13 = vector.broadcast %max3A_12 : f32 to vector<400x128xf32>
    %max3A_14 = arith.maximumf %add3A_11, %max3A_13 : vector<400x128xf32>
    %get3A_15 = arith.constant 0 : index
    %get3A_16 = arith.constant 0 : index
    %get3A_17 = vector.load %arg2[%get3A_15, %get3A_16] : memref<400x128xf32, #tpu.memory_space<vmem>>, vector<400x128xf32>
    %mul3A_18 = vector.broadcast %rsqrt3A : vector<400x1xf32> to vector<400x128xf32>
    %mul3A_19 = arith.mulf %get3A_17, %mul3A_18 : vector<400x128xf32>
    %get3A_20 = arith.constant 0 : index
    %get3A_21 = arith.constant 128 : index
    %get3A_22 = vector.load %arg4[%get3A_20, %get3A_21] : memref<1x256xf32, #tpu.memory_space<vmem>>, vector<1x128xf32>
    %add3A_23 = vector.broadcast %get3A_22 : vector<1x128xf32> to vector<400x128xf32>
    %add3A_24 = arith.addf %mul3A_19, %add3A_23 : vector<400x128xf32>
    %max3A_25 = arith.constant 0.000000e+00 : f32
    %max3A_26 = vector.broadcast %max3A_25 : f32 to vector<400x128xf32>
    %max3A_27 = arith.maximumf %add3A_24, %max3A_26 : vector<400x128xf32>
    %reduce_sum3A = arith.constant dense<0.000000e+00> : vector<128xf32>
    %reduce_sum3A_28 = vector.multi_reduction <add>, %max3A_14, %reduce_sum3A [0] : vector<400x128xf32> to vector<128xf32>
    %broadcast_in_dim3A = vector.shape_cast %reduce_sum3A_28 : vector<128xf32> to vector<1x128xf32>
    %reduce_sum3A_29 = arith.constant dense<0.000000e+00> : vector<128xf32>
    %reduce_sum3A_30 = vector.multi_reduction <add>, %max3A_27, %reduce_sum3A_29 [0] : vector<400x128xf32> to vector<128xf32>
    %broadcast_in_dim3A_31 = vector.shape_cast %reduce_sum3A_30 : vector<128xf32> to vector<1x128xf32>
    %concatenate3A = tpu.concatenate %broadcast_in_dim3A, %broadcast_in_dim3A_31 in 1 : vector<1x128xf32>, vector<1x128xf32> -> vector<1x256xf32>
    %eq3A = arith.constant 0 : i32
    %eq3A_32 = arith.cmpi eq, %arg0, %eq3A : i32
    %convert_element_type3A = arith.extui %eq3A_32 : i1 to i32
    %cond3A = arith.constant 0 : i32
    %cond3A_33 = arith.cmpi ne, %convert_element_type3A, %cond3A : i32
    scf.if %cond3A_33 {
      %swap3A = arith.constant 0 : index
      %swap3A_43 = arith.constant 0 : index
      %swap3A_44 = vector.load %arg5[%swap3A, %swap3A_43] : memref<1x256xf32, #tpu.memory_space<vmem>>, vector<1x256xf32>
      tpu.vector_store %arg5[%swap3A, %swap3A_43], %concatenate3A {strides = array<i32>} : memref<1x256xf32, #tpu.memory_space<vmem>>, vector<1x256xf32>,
    } else {
    }
    %gt3A = arith.constant 0 : i32
    %gt3A_34 = arith.cmpi sgt, %arg0, %gt3A : i32
    %convert_element_type3A_35 = arith.extui %gt3A_34 : i1 to i32
    %cond3A_36 = arith.constant 0 : i32
    %cond3A_37 = arith.cmpi ne, %convert_element_type3A_35, %cond3A_36 : i32
    scf.if %cond3A_37 {
      %get3A_43 = arith.constant 0 : index
      %get3A_44 = arith.constant 0 : index
      %get3A_45 = vector.load %arg5[%get3A_43, %get3A_44] : memref<1x256xf32, #tpu.memory_space<vmem>>, vector<1x256xf32>
      %add3A_46 = arith.addf %get3A_45, %concatenate3A : vector<1x256xf32>
      %swap3A = arith.constant 0 : index
      %swap3A_47 = arith.constant 0 : index
      %swap3A_48 = vector.load %arg5[%swap3A, %swap3A_47] : memref<1x256xf32, #tpu.memory_space<vmem>>, vector<1x256xf32>
      tpu.vector_store %arg5[%swap3A, %swap3A_47], %add3A_46 {strides = array<i32>} : memref<1x256xf32, #tpu.memory_space<vmem>>, vector<1x256xf32>,
    } else {
    }
    %eq3A_38 = arith.constant 24 : i32
    %eq3A_39 = arith.cmpi eq, %arg0, %eq3A_38 : i32
    %convert_element_type3A_40 = arith.extui %eq3A_39 : i1 to i32
    %cond3A_41 = arith.constant 0 : i32
    %cond3A_42 = arith.cmpi ne, %convert_element_type3A_40, %cond3A_41 : i32
    scf.if %cond3A_42 {
      %get3A_43 = arith.constant 0 : index
      %get3A_44 = arith.constant 0 : index
      %get3A_45 = vector.load %arg5[%get3A_43, %get3A_44] : memref<1x256xf32, #tpu.memory_space<vmem>>, vector<1x256xf32>
      %mul3A_46 = arith.constant 9.99999974E-5 : f32
      %mul3A_47 = vector.broadcast %mul3A_46 : f32 to vector<1x256xf32>
      %mul3A_48 = arith.mulf %get3A_45, %mul3A_47 : vector<1x256xf32>
      %swap3A = arith.constant 0 : index
      %swap3A_49 = arith.constant 0 : index
      %swap3A_50 = vector.load %arg5[%swap3A, %swap3A_49] : memref<1x256xf32, #tpu.memory_space<vmem>>, vector<1x256xf32>
      tpu.vector_store %arg5[%swap3A, %swap3A_49], %mul3A_48 {strides = array<i32>} : memref<1x256xf32, #tpu.memory_space<vmem>>, vector<1x256xf32>,
    } else {
    }
    return
  }
  func.func @transform_0(%arg0: i32) -> (i32, i32) {
    %c0_i32 = arith.constant 0 : i32
    %c0_i32_0 = arith.constant 0 : i32
    return %arg0, %c0_i32 : i32, i32
  }
  func.func @transform_1(%arg0: i32) -> (i32, i32) {
    %c0_i32 = arith.constant 0 : i32
    %c0_i32_0 = arith.constant 0 : i32
    return %arg0, %c0_i32 : i32, i32
  }
  func.func @transform_2(%arg0: i32) -> (i32, i32) {
    %c0_i32 = arith.constant 0 : i32
    %c0_i32_0 = arith.constant 0 : i32
    return %arg0, %c0_i32 : i32, i32
  }
  func.func @transform_3(%arg0: i32) -> (i32, i32) {
    %c0_i32 = arith.constant 0 : i32
    %c0_i32_0 = arith.constant 0 : i32
    %c0_i32_1 = arith.constant 0 : i32
    return %c0_i32, %c0_i32_0 : i32, i32
  }
  func.func @transform_4(%arg0: i32) -> (i32, i32) {
    %c0_i32 = arith.constant 0 : i32
    %c0_i32_0 = arith.constant 0 : i32
    %c0_i32_1 = arith.constant 0 : i32
    return %c0_i32, %c0_i32_0 : i32, i32
  }
}

</mosaic_0001>

<sc_bundles>
// kernel: kernel.11.cloned.1.call-start
scs
__scs_entry_jumppad:
0x0: {  	(pc) =	sbr.rel $0x88, $3  }
0x1: {  	(tag) =	ssettag $0x0;
	lr =	simm.s32 $0x1  }
0x2: {  	[smem:$0x3F9B] =	sst lr;
	_ =	strace $0xD0000000  }
0x3: {  	_ = 	snop  }
0x4: {  	_ = 	snop  }
0x5: {  	_ = 	snop  }
0x6: {  	_ = 	snop  }
0x7: {  	_ = 	snop  }
__scs_overlays_trampoline_lowered:
0x8: {  	[smem:$0x3FAA] =	sst s0  }
0x9: {  	[smem:$0x3FAB] =	sst s1  }
0xa: {  	[smem:$0x3FAC] =	sst s2  }
0xb: {  	[smem:$0x3FAD] =	sst s3  }
0xc: {  	[smem:$0x3FAE] =	sst s4  }
0xd: {  	[smem:$0x3FAF] =	sst s5  }
0xe: {  	[smem:$0x3FB0] =	sst s6  }
0xf: {  	[smem:$0x3FB1] =	sst s7  }
0x10: {  	[smem:$0x3FB2] =	sst s8  }
0x11: {  	[smem:$0x3FB3] =	sst s9;
	s0 =	simm.s32 @!p0 $0x0  }
0x12: {  	s1 =	sld [smem:$0x3F99];
	s0 =	simm.s32 @p0 $0x1  }
0x13: {  	[smem:$0x3FB4] =	sst s0;
	s0 =	simm.s32 @!p1 $0x0  }
0x14: {  	s2 =	sld [smem:$0x3F98];
	s0 =	simm.s32 @p1 $0x1  }
0x15: {  	[smem:$0x3FB5] =	sst s0;
	s0 =	simm.s32 @!p2 $0x0  }
0x16: {  	s3 =	sld [smem:$0x3FDB];
	s0 =	simm.s32 @p2 $0x1  }
0x17: {  	s4 =	simm.s32 $0x1BF5;
	[smem:$0x3FB7] =	sst s0  }
0x18: {  	s0 =	sld [smem:$0x3F9A];
	_ =	swait.ge [sflag:s4], $0x0  }
0x19: {  	s7 =	sld [smem:$0x3F9B]  }
0x1a: {  	s8 =	sadd.s32 $0xFFFFE003, lr  }
0x1b: {  	s9 =	sadd.s32 $0xFFFFFEF7, lr;
	s5 =	simm.s32 $0xFFFFFFFF;
	p2 =	slt.u32 s8, $0xFFFFF086  }
0x1c: {  	p1 =	slt.u32 s9, $0xF7A;
	s5 =	simm.s32 @!p2 $0x0  }
0x1d: {  	s5 =	simm.s32 @p1 $0x1;
	p0 =	seq.s32 s7, s2  }
0x1e: {  	s7 =	smul.u32 @!p0 $0xF7A, s2;
	p2 =	seq.s32 @!p0 s5, $0x0  }
0x1f: {  	s9 =	smul.u32 $0xF7A, s1;
	s8 =	simm.s32 @!p0 $0x1BF5;
	p2 =	por !p2, p0  }
0x20: {  	[sflag:s8] =	ssyncset.s32 @!p0 $0xFFFFF086;
	s6 =	sadd.s32 @!p0 s3, s7;
	s7 =	simm.s32 @!p0 $0x108  }
0x21: {  	s3 =	sadd.s32 s3, s9;
	s6 =	sadd.s32 @!p0 $0x88, s6;
	s7 =	simm.s32 @p2 $0x1082  }
0x22: {  	[simem:s7], [sflag:s8] =	dma.local @!p0 [hbm:s6], $0xF7A  }
0x23: {  	s9 =	sor.u32 $0xD0000000, s2;
	s6 =	simm.s32 $0x108;
	_ =	swait.ge @!p0 [sflag:s8], $0x0  }
0x24: {  	s3 =	sadd.s32 $0x88, s3;
	s6 =	simm.s32 @!p1 $0x1082;
	[sflag:s4] =	ssyncset.s32 $0xFFFFF086  }
0x25: {  	[simem:s6], [sflag:s4] =	dma.local [hbm:s3], $0xF7A  }
0x26: {  	[smem:$0x3F9B] =	sst s1;
	(tag) =	ssettag s2;
	_ =	strace s9  }
0x27: {  	s1 =	sld [smem:$0x3FAB]  }
0x28: {  	s2 =	sld [smem:$0x3FAC]  }
0x29: {  	s4 =	sld [smem:$0x3FAE]  }
0x2a: {  	p0 =	seq.s32 s5, $0x0;
	s5 =	sld [smem:$0x3FAF]  }
0x2b: {  	s6 =	sld [smem:$0x3FB0]  }
0x2c: {  	s7 =	sld [smem:$0x3FB1]  }
0x2d: {  	s3 =	simm.s32 $0x108;
	s8 =	sld [smem:$0x3FB2]  }
0x2e: {  	s3 =	simm.s32 @!p0 $0x1082;
	s9 =	sld [smem:$0x3FB3]  }
0x2f: {  	lr =	sadd.s32 s0, s3;
	s0 =	sld [smem:$0x3FAA]  }
0x30: {  	s3 =	sld [smem:$0x3FAD]  }
0x31: {  	[smem:$0x3FB6] =	sst s10  }
0x32: {  	s10 =	sld [smem:$0x3FB4];
	_ =	sdelay $0x3  }
0x33: {  	p0 =	seq.s32 s10, $0x1;
	s10 =	sld [smem:$0x3FB6];
	_ =	sdelay $0x3  }
0x34: {  	[smem:$0x3FB6] =	sst s10  }
0x35: {  	s10 =	sld [smem:$0x3FB5];
	_ =	sdelay $0x3  }
0x36: {  	p1 =	seq.s32 s10, $0x1;
	s10 =	sld [smem:$0x3FB6];
	_ =	sdelay $0x3  }
0x37: {  	[smem:$0x3FB6] =	sst s10  }
0x38: {  	s10 =	sld [smem:$0x3FB7]  }
0x39: {  	_ = 	snop;
	(pc) =	sbr.ind lr, $3  }
0x3a: {  	_ = 	snop  }
0x3b: {  	_ = 	snop  }
0x3c: {  	p2 =	seq.s32 s10, $0x1;
	s10 =	sld [smem:$0x3FB6]  }
0x3d: {  	_ =	shalt  }
0x3e: {  	_ =	shalt  }
0x3f: {  	_ =	shalt  }
0x40: {  	_ =	shalt  }
0x41: {  	_ =	shalt  }
0x42: {  	_ =	shalt  }
0x43: {  	_ =	shalt  }
0x44: {  	_ =	shalt  }
0x45: {  	_ =	shalt  }
0x46: {  	_ =	shalt  }
0x47: {  	_ =	shalt  }
0x48: {  	_ =	shalt  }
0x49: {  	_ =	shalt  }
0x4a: {  	_ =	shalt  }
0x4b: {  	_ =	shalt  }
0x4c: {  	_ =	shalt  }
0x4d: {  	_ =	shalt  }
0x4e: {  	_ =	shalt  }
0x4f: {  	_ =	shalt  }
0x50: {  	_ =	shalt  }
0x51: {  	_ =	shalt  }
0x52: {  	_ =	shalt  }
0x53: {  	_ =	shalt  }
0x54: {  	_ =	shalt  }
0x55: {  	_ =	shalt  }
0x56: {  	_ =	shalt  }
0x57: {  	_ =	shalt  }
0x58: {  	_ =	shalt  }
0x59: {  	_ =	shalt  }
0x5a: {  	_ =	shalt  }
0x5b: {  	_ =	shalt  }
0x5c: {  	_ =	shalt  }
0x5d: {  	_ =	shalt  }
0x5e: {  	_ =	shalt  }
0x5f: {  	_ =	shalt  }
0x60: {  	_ =	shalt  }
0x61: {  	_ =	shalt  }
0x62: {  	_ =	shalt  }
0x63: {  	_ =	shalt  }
0x64: {  	_ =	shalt  }
0x65: {  	_ =	shalt  }
0x66: {  	_ =	shalt  }
0x67: {  	_ =	shalt  }
0x68: {  	_ =	shalt  }
0x69: {  	_ =	shalt  }
0x6a: {  	_ =	shalt  }
0x6b: {  	_ =	shalt  }
0x6c: {  	_ =	shalt  }
0x6d: {  	_ =	shalt  }
0x6e: {  	_ =	shalt  }
0x6f: {  	_ =	shalt  }
0x70: {  	_ =	shalt  }
0x71: {  	_ =	shalt  }
0x72: {  	_ =	shalt  }
0x73: {  	_ =	shalt  }
0x74: {  	_ =	shalt  }
0x75: {  	_ =	shalt  }
0x76: {  	_ =	shalt  }
0x77: {  	_ =	shalt  }
0x78: {  	_ =	shalt  }
0x79: {  	_ =	shalt  }
0x7a: {  	_ =	shalt  }
0x7b: {  	_ =	shalt  }
0x7c: {  	_ =	shalt  }
0x7d: {  	_ =	shalt  }
0x7e: {  	_ =	shalt  }
0x7f: {  	_ =	shalt  }
0x80: {  	_ =	shalt  }
0x81: {  	_ =	shalt  }
0x82: {  	_ =	shalt  }
0x83: {  	_ =	shalt  }
0x84: {  	_ =	shalt  }
0x85: {  	_ =	shalt  }
0x86: {  	_ =	shalt  }
0x87: {  	_ =	shalt  }
.Lfunc_end0:
.L_simem_size_0:
called_computation.1_lowered:
.L_overlay_start_0:
0x88: {  	s2 =	sld [smem:$0x3FD9]  }
0x89: {  	s3 =	sld [smem:$0x3FFE];
	_ =	sdelay $0x1  }
0x8a: {  	s1 =	srdreg.scid  }
0x8b: {  	s0 =	sand.u32 $0x1, s1  }
0x8c: {  	s16 =	sshll.u32 s0, $0xA;
	s2 =	sadd.s32 s3, s2  }
0x8d: {  	s2 =	sadd.s32 s2, s16  }
0x8e: {  	[smem:$0x3FC2] =	sst s2  }
0x8f: {  	_ = 	snop  }
0x90: {  	(tm) =	ssettm $0x1  }
0x91: {  	s17 =	sld [smem:$0x3FFB];
	_ =	sdelay $0x3  }
0x92: {  	_ =	strace s17  }
0x93: {  	s2 =	sld [smem:$0x3FFC];
	_ =	sdelay $0x3  }
0x94: {  	_ =	strace s2  }
0x95: {  	s2 =	sld [smem:$0x3FFD];
	_ =	sdelay $0x3  }
0x96: {  	_ =	strace s2  }
0x97: {  	_ =	strace $0x8FFFFFFF  }
0x98: {  	s18 =	sld [smem:$0x3FDB];
	_ =	sdelay $0x1  }
0x99: {  	s19 =	simm.s32 $_scs_section_size  }
0x9a: {  	s4 =	simm.s32 $_size__tile_overlayer_lowered;
	s5 =	simm.s32 $_tile_overlayer_lowered  }
0x9b: {  	s22 =	simm.s32 $0x1BFF;
	s21 =	sshll.u32 s5, $0x1;
	s2 =	sadd.s32 s19, s18  }
0x9c: {  	s6 =	simm.s32 $0x0;
	s20 =	sshll.u32 s4, $0x1;
	s4 =	sadd.s32 s21, s2  }
0x9d: {  	[timem:s6], [sflag:s22] =	dma.local [hbm:s4], s20  }
0x9e: {  	_ =	swait.ge [sflag:s22], s20  }
0x9f: {  	s3 =	ssub.s32 $0x0, s20;
	[sflag:s22] =	ssyncset.done $0x0  }
0xa0: {  	[sflag:s22] =	ssyncadd.s32 s3;
	_ =	sdelay $0x1  }
0xa1: {  	s23 =	simm.s32 $0x1B8B  }
0xa2: {  	_ =	swait.ge [sflag:s23], $0x1  }
0xa3: {  	[sflag:s23] =	ssyncset.done $0x0  }
0xa4: {  	s25 =	simm.s32 $0x1B8E;
	s24 =	sld [smem:$0x3FFE];
	[sflag:s23] =	ssyncadd.s32 $0xFFFFFFFF  }
0xa5: {  	s26 =	simm.s32 $execute0_lowered;
	[smem:$0x3FD2] =	sst s25  }
0xa6: {  	s4 =	sshll.u32 s26, $0x1;
	_ =	strace $0x80000049;
	[dreg:$0x1] =	wrdreg $0xFFFFFFFF  }
0xa7: {  	s28 =	simm.s32 $_size_execute0_lowered;
	s2 =	sadd.s32 s2, s4;
	[dreg:$0x0] =	wrdreg $0x0  }
0xa8: {  	s4 =	sshll.u32 s28, $0x1;
	[dreg:$0x2] =	wrdreg s2  }
0xa9: {  	[dreg:$0x3] =	wrdreg s4  }
0xaa: {  	[dreg:$0x4] =	wrdreg $0xC0  }
0xab: {  	_ =	task [dreg:s6], $0x5FFFF  }
0xac: {  	[dreg:$0x1] =	wrdreg $0xFFFFFFFF  }
0xad: {  	[dreg:$0x0] =	wrdreg $0x60  }
0xae: {  	[dreg:$0x2] =	wrdreg s24  }
0xaf: {  	[dreg:$0x3] =	wrdreg $0x80000  }
0xb0: {  	[dreg:$0x4] =	wrdreg $0x9  }
0xb1: {  	_ =	task.clear_ibuf [dreg:s6], $0x5FFFF;
	_ =	strace $0x90000049  }
0xb2: {  	s29 =	simm.s32 $0x9;
	_ =	strace $0x8000004B  }
0xb3: {  	_ =	swait.ge [sflag:s29], $0x1  }
0xb4: {  	[sflag:s29] =	ssyncadd.s32 $0xFFFFFFFF  }
0xb5: {  	_ =	strace $0x9000004B  }
0xb6: {  	_ =	sfence  }
0xb7: {  	s30 =	sld [smem:$0x0];
	_ =	sdelay $0x2  }
0xb8: {  	s31 =	sshll.u32 s1, $0xD;
	s1 =	sshrl.u32 s1, $0x2  }
0xb9: {  	s3 =	sand.u32 $0x4000, s31;
	s1 =	sadd.s32 s1, s30  }
0xba: {  	s0 =	sor.u32 s3, s0;
	s1 =	sshll.u32 s1, $0x11  }
0xbb: {  	s0 =	sor.u32 s1, s0  }
0xbc: {  	s0 =	sadd.s32 $0x8F2B, s0  }
0xbd: {  	[sflag:s0] =	ssyncadd.remote.s32 $0x1  }
0xbe: {  	_ =	sfence.sel $0xFFFF  }
0xbf: {  	[dreg:$0x0] =	wrdreg $0xFFFFFFFF;
	(pc) =	sbr.abs _section_cstart, $3  }
0xc0: {  	[dreg:$0x1] =	wrdreg $0xFFFFFFFF  }
0xc1: {  	_ =	task.clear_ibuf [dreg:s6], $0x2FFFF;
	_ =	strace $0x9FFFFFFF  }
0xc2: {  	(tm) =	ssettm $0x7FFFFFFF  }
0xc3: {  	_ =	shalt  }
tec
execute0_lowered:
.L_overlay_start_1:
0x0: {  	(tag) =	ssettag $0x1  }
0x1: {  	s1 =	rddreg [dreg:$0x0];
	s19 =	stileid.u32  }
0x2: {  	s2 =	rddreg [dreg:$0x1];
	s0 =	smul.u32 $0x780, s19  }
0x3: {  	s3 =	simm.s32 $0x0;
	s6 =	srdreg.scid;
	s7 =	smul.u32 $0xA000, s19  }
0x4: {  	[smem:$0x7FF] =	sst s3;
	s8 =	sor.u32 $0x10, s19;
	s24 =	smul.u32 $0x500, s19  }
0x5: {  	s4 =	sadd.s32 $0x4A600, s1;
	s11 =	sor.u32 $0x20, s19;
	s10 =	smul.u32 $0xA000, s8  }
0x6: {  	s5 =	sadd.s32 $0x71800, s1;
	s12 =	sor.u32 $0x30, s19;
	s30 =	smul.u32 $0xA000, s11  }
0x7: {  	s20 =	sadd.s32 $0x98A00, s1;
	s13 =	sor.u32 $0x40, s19;
	s31 =	smul.u32 $0xA000, s12  }
0x8: {  	s21 =	sadd.s32 $0xBFC00, s1;
	s16 =	sor.u32 $0x60, s19;
	s14 =	smul.u32 $0xA000, s13  }
0x9: {  	s29 =	sand.u32 $0x1, s6;
	s15 =	sor.u32 $0x50, s19;
	s17 =	smul.u32 $0xA000, s16  }
0xa: {  	s18 =	sor.u32 $0x70, s19;
	_ =	strace $0x8000004A;
	s25 =	smul.u32 $0x500, s8  }
0xb: {  	s6 =	ssub.s32 $0x2, s29;
	s28 =	smul.u32 $0x500, s11;
	[dreg:$0x4] =	wrdreg s21  }
0xc: {  	p0 =	sne.s32 s29, $0x0;
	s29 =	smul.u32 $0x500, s12;
	[dreg:$0x3] =	wrdreg s20  }
0xd: {  	s0 =	sadd.s32 s0, s1;
	s9 =	sshrl.u32 s6, $0x1;
	s7 =	sshrl.u32 s7, $0x2  }
0xe: {  	s1 =	sadd.s32 s20, s24;
	s6 =	ssub.s32 s6, s9;
	s7 =	sadd.s32 s7, s2  }
0xf: {  	s9 =	sshrl.u32 s30, $0x2;
	s26 =	sshrl.u32 s14, $0x2;
	[dreg:$0x10] =	wrdreg s1  }
0x10: {  	s14 =	smul.u32 $0x500, s16;
	s16 =	sadd.s32 s21, s24;
	[dreg:$0x6] =	wrdreg s7  }
0x11: {  	s30 =	sshrl.u32 s17, $0x2;
	s17 =	sadd.s32 s21, s25;
	[dreg:$0xf] =	wrdreg s16  }
0x12: {  	s22 =	smul.u32 $0xA000, s15;
	s19 =	sadd.s32 s21, s28;
	[dreg:$0x11] =	wrdreg s17  }
0x13: {  	s23 =	smul.u32 $0xA000, s18;
	s24 =	sadd.s32 s20, s29;
	[dreg:$0x13] =	wrdreg s19  }
0x14: {  	s10 =	sshrl.u32 s10, $0x2;
	s6 =	smax.u32 s6, $0x1;
	[dreg:$0x16] =	wrdreg s24  }
0x15: {  	p1 =	sgt.u32 s18, $0x7C;
	s10 =	sadd.s32 s10, s2;
	[dreg:$0x5] =	wrdreg s6  }
0x16: {  	p2 =	slt.u32 s18, $0x7D;
	s9 =	sadd.s32 s9, s2;
	[dreg:$0x7] =	wrdreg s10  }
0x17: {  	s7 =	sshrl.u32 s22, $0x2;
	s8 =	sadd.s32 s26, s2;
	[dreg:$0x8] =	wrdreg s9  }
0x18: {  	s22 =	sadd.s32 s20, s28;
	s6 =	sshrl.u32 s31, $0x2;
	[dreg:$0xa] =	wrdreg s8  }
0x19: {  	s7 =	sadd.s32 s7, s2;
	s31 =	smul.u32 $0x500, s13;
	[dreg:$0x14] =	wrdreg s22  }
0x1a: {  	s8 =	sadd.s32 s30, s2;
	s13 =	smul.u32 $0x500, s15;
	[dreg:$0xb] =	wrdreg s7  }
0x1b: {  	s15 =	smul.u32 $0x500, s18;
	s18 =	sadd.s32 s20, s25;
	[dreg:$0xc] =	wrdreg s8  }
0x1c: {  	s10 =	sshrl.u32 s23, $0x2;
	s23 =	sadd.s32 s21, s29;
	[dreg:$0x12] =	wrdreg s18  }
0x1d: {  	s30 =	sadd.s32 s21, s14;
	[dreg:$0x15] =	wrdreg s23  }
0x1e: {  	s1 =	simm.s32 $0x0;
	s6 =	sadd.s32 s6, s2;
	[dreg:$0x1b] =	wrdreg s30  }
0x1f: {  	s17 =	sadd.s32 $0x14400, s0;
	s12 =	sadd.s32 s10, s2;
	[dreg:$0x9] =	wrdreg s6  }
0x20: {  	s19 =	simm.s32 $0x1800;
	s24 =	simm.s32 $0x4C00;
	[dreg:$0xd] =	wrdreg s12  }
0x21: {  	s22 =	simm.s32 $0x64;
	[dreg:$0xe] =	wrdreg s15;
	s25 =	sadd.s32 s21, s31  }
.Ltmp0:
0x22: {  	s26 =	sadd.s32 s20, s31;
	[dreg:$0x17] =	wrdreg s25;
	(pc) =	sbr.rel .LBB2_1-.Ltmp0, $4  }
0x23: {  	s18 =	sadd.s32 $0x1BC00, s0;
	s28 =	sadd.s32 s21, s13;
	[dreg:$0x18] =	wrdreg s26  }
0x24: {  	s29 =	sadd.s32 s20, s13;
	s31 =	sadd.s32 s20, s14;
	[dreg:$0x19] =	wrdreg s28  }
0x25: {  	s20 =	simm.s32 $0x3;
	s21 =	simm.s32 $0xC00;
	[dreg:$0x1a] =	wrdreg s29  }
0x26: {  	v0 =	vimm.f32 $0.0e+00;
	[dreg:$0x1c] =	wrdreg s31;
	s25 =	simm.s32 $0x1;
	s26 =	simm.s32 $0x2  }
.LBB2_10:
0x27: {  	s0 =	stileid.u32;
	s6 =	rddreg [dreg:$0xe]  }
0x28: {  	s31 =	rddreg [dreg:$0xd];
	s0 =	sshll.u32 s0, $0x6  }
0x29: {  	s6 =	sadd.s32 s29, s6;
	s29 =	sshrl.u32 s31, $0x3;
	s0 =	sor.u32 $0x1C03, s0  }
0x2a: {  	[hbm:s6], [sflag:s0] =	dma.local [spmem:s29], $0x500  }
0x2b: {  	_ =	swait.ge [sflag:s20], $0x500  }
0x2c: {  	[sflag:s20] =	ssyncset.done $0x0  }
0x2d: {  	[sflag:s20] =	ssyncadd.s32 $0xFFFFFB00  }
.LBB2_11:
0x2e: {  	s1 =	sadd.s32 $0x1, s1;
	s0 =	rddreg [dreg:$0x5]  }
0x2f: {  	p3 =	sne.s32 s1, s0  }
.Ltmp1:
0x30: {  	_ = 	snop;
	(pc) =	sbr.rel @!p3 .LBB2_12-.Ltmp1, $1  }
0x31: {  	_ =	sdelay $0x3  }
.LBB2_1:
0x32: {  	s29 =	sand.u32 $0xFE00, s3  }
0x33: {  	s30 =	sand.u32 $0x70, s3;
	s31 =	sshrl.u32 s29, $0x2  }
0x34: {  	s29 =	simm.s32 $0x40;
	s31 =	sor.u32 s30, s31;
	s30 =	simm.s32 $0x0  }
.LBB2_2:
0x35: {  	p3 =	sne.s32 s29, $0xC7C0  }
0x36: {  	[tilespmem:s31+$0x1800] =	vst v0;
	s30 =	sadd.s32 $0x10, s30;
	s31 =	smov.u32 s29;
	s29 =	sadd.s32 $0x40, s29  }
.Ltmp2:
0x37: {  	(pc) =	sbr.rel @p3 .LBB2_2-.Ltmp2, $4  }
0x38: {  	_ = 	snop  }
0x39: {  	s31 =	sand.u32 $0xFE00, s31  }
0x3a: {  	s0 =	sand.u32 $0x70, s30;
	s31 =	sshrl.u32 s31, $0x2  }
0x3b: {  	s31 =	sor.u32 s0, s31  }
0x3c: {  	[dreg:$0x1d] =	wrdreg s1  }
0x3d: {  	[tilespmem:s31+$0x1800] =	vst v0;
	s0 =	rddreg [dreg:$0x6]  }
0x3e: {  	[spmem:s0] =	stream.linear.scatter [tilespmem:s19], [sflag:$0x3], $0x2800, $0x38;
	[tilespmem:$0x1B880] =	vst v63  }
0x3f: {  	_ =	swait.ge [sflag:s20], $0x2800  }
0x40: {  	[sflag:s20] =	ssyncset.done $0x0  }
0x41: {  	s16 =	rddreg [dreg:$0x7];
	[sflag:s20] =	ssyncadd.s32 $0xFFFFD800  }
0x42: {  	[spmem:s16] =	stream.linear.scatter [tilespmem:s19], [sflag:$0x3], $0x2800, $0x38;
	[tilespmem:$0x1B880] =	vst v63  }
0x43: {  	_ =	swait.ge [sflag:s20], $0x2800  }
0x44: {  	[sflag:s20] =	ssyncset.done $0x0  }
0x45: {  	s23 =	rddreg [dreg:$0x8];
	[sflag:s20] =	ssyncadd.s32 $0xFFFFD800  }
0x46: {  	[spmem:s23] =	stream.linear.scatter [tilespmem:s19], [sflag:$0x3], $0x2800, $0x38;
	[tilespmem:$0x1B880] =	vst v63  }
0x47: {  	_ =	swait.ge [sflag:s20], $0x2800  }
0x48: {  	[sflag:s20] =	ssyncset.done $0x0  }
0x49: {  	s28 =	rddreg [dreg:$0x9];
	[sflag:s20] =	ssyncadd.s32 $0xFFFFD800  }
0x4a: {  	[spmem:s28] =	stream.linear.scatter [tilespmem:s19], [sflag:$0x3], $0x2800, $0x38;
	[tilespmem:$0x1B880] =	vst v63  }
0x4b: {  	_ =	swait.ge [sflag:s20], $0x2800  }
0x4c: {  	[sflag:s20] =	ssyncset.done $0x0  }
0x4d: {  	s29 =	rddreg [dreg:$0xa];
	[sflag:s20] =	ssyncadd.s32 $0xFFFFD800  }
0x4e: {  	[spmem:s29] =	stream.linear.scatter [tilespmem:s19], [sflag:$0x3], $0x2800, $0x38;
	[tilespmem:$0x1B880] =	vst v63  }
0x4f: {  	_ =	swait.ge [sflag:s20], $0x2800  }
0x50: {  	[sflag:s20] =	ssyncset.done $0x0  }
0x51: {  	s30 =	rddreg [dreg:$0xb];
	[sflag:s20] =	ssyncadd.s32 $0xFFFFD800  }
0x52: {  	[spmem:s30] =	stream.linear.scatter [tilespmem:s19], [sflag:$0x3], $0x2800, $0x38;
	[tilespmem:$0x1B880] =	vst v63  }
0x53: {  	_ =	swait.ge [sflag:s20], $0x2800  }
0x54: {  	[sflag:s20] =	ssyncset.done $0x0  }
0x55: {  	s31 =	rddreg [dreg:$0xc];
	[sflag:s20] =	ssyncadd.s32 $0xFFFFD800  }
0x56: {  	[spmem:s31] =	stream.linear.scatter [tilespmem:s19], [sflag:$0x3], $0x2800, $0x38;
	[tilespmem:$0x1B880] =	vst v63  }
0x57: {  	_ =	swait.ge [sflag:s20], $0x2800  }
0x58: {  	[sflag:s20] =	ssyncset.done $0x0  }
0x59: {  	s0 =	simm.s32 @!p1 $0x1800;
	s6 =	rddreg [dreg:$0xd];
	[sflag:s20] =	ssyncadd.s32 $0xFFFFD800  }
0x5a: {  	[spmem:s6] =	stream.linear.scatter @!p1 [tilespmem:s0], [sflag:$0x3], $0x2800, $0x38;
	[tilespmem:$0x1B880] =	vst v63  }
0x5b: {  	s0 =	simm.s32 @!p1 $0x3  }
.Ltmp3:
0x5c: {  	_ =	swait.ge @!p1 [sflag:s0], $0x2800;
	(pc) =	sbr.rel @p0 .LBB2_7-.Ltmp3, $4  }
0x5d: {  	[sflag:s0] =	ssyncset.done @!p1 $0x0  }
0x5e: {  	[sflag:s0] =	ssyncadd.s32 @!p1 $0xFFFFD800  }
0x5f: {  	[bflag:$0x0] =	sbarrier.arrive $0xFFFF  }
0x60: {  	s0 =	sadd.s32 $0x0, s17  }
0x61: {  	[tilespmem:s3], [sflag:$0x3] =	stream.linear.gather [hbm4b:s0+s3], $0xA00, $0x38;
	[tilespmem:$0x1B880] =	vst v63  }
0x62: {  	_ =	swait.ge [sflag:s20], $0xA00  }
0x63: {  	[sflag:s20] =	ssyncset.done $0x0  }
0x64: {  	s31 =	sadd.s32 $0x0, s18;
	[sflag:s20] =	ssyncadd.s32 $0xFFFFF600  }
0x65: {  	[tilespmem:s21], [sflag:$0x3] =	stream.linear.gather [hbm4b:s31+s3], $0xA00, $0x38;
	[tilespmem:$0x1B880] =	vst v63  }
0x66: {  	_ =	swait.ge [sflag:s20], $0xA00  }
0x67: {  	[sflag:s20] =	ssyncset.done $0x0  }
0x68: {  	[sflag:s20] =	ssyncadd.s32 $0xFFFFF600  }
0x69: {  	[tilespmem:s19], [sflag:$0x1] =	stream.indirect.gather [hbm4b:s4+s22], $0x80, s3, s22, $0xb8;
	[tilespmem:$0x1B880] =	vst v63  }
0x6a: {  	s1 =	simm.s32 $0x80  }
0x6b: {  	[tilespmem:s24], [sflag:$0x2] =	stream.indirect.gather [hbm4b:s4+s22], $0x80, s1, s22, $0xb8;
	[tilespmem:$0x1B880] =	vst v63  }
0x6c: {  	_ =	swait.ge [sflag:s25], $0x3200  }
0x6d: {  	[sflag:s25] =	ssyncset.done $0x0  }
0x6e: {  	[sflag:s25] =	ssyncadd.s32 $0xFFFFCE00  }
0x6f: {  	[spmem:s2] =	stream.indirect.scatter.add.f32 [tilespmem:s19], [sflag:$0x3], $0x80, s21, s22, $0xb8;
	[tilespmem:$0x1B880] =	vst v63  }
0x70: {  	_ =	swait.ge [sflag:s20], $0x3200  }
0x71: {  	[sflag:s20] =	ssyncset.done $0x0  }
0x72: {  	[sflag:s20] =	ssyncadd.s32 $0xFFFFCE00  }
0x73: {  	_ =	swait.ge [sflag:s26], $0x3200  }
0x74: {  	[sflag:s26] =	ssyncset.done $0x0  }
0x75: {  	s7 =	simm.s32 $0xC80;
	[sflag:s26] =	ssyncadd.s32 $0xFFFFCE00  }
0x76: {  	[spmem:s2] =	stream.indirect.scatter.add.f32 [tilespmem:s24], [sflag:$0x3], $0x80, s7, s22, $0xb8;
	[tilespmem:$0x1B880] =	vst v63  }
0x77: {  	_ =	swait.ge [sflag:s20], $0x3200  }
0x78: {  	[sflag:s20] =	ssyncset.done $0x0  }
0x79: {  	s1 =	simm.s32 $0x100;
	[sflag:s20] =	ssyncadd.s32 $0xFFFFCE00  }
0x7a: {  	[tilespmem:s19], [sflag:$0x1] =	stream.indirect.gather [hbm4b:s4+s22], $0x80, s1, s22, $0xb8;
	[tilespmem:$0x1B880] =	vst v63  }
0x7b: {  	s8 =	simm.s32 $0x180  }
0x7c: {  	[tilespmem:s24], [sflag:$0x2] =	stream.indirect.gather [hbm4b:s4+s22], $0x80, s8, s22, $0xb8;
	[tilespmem:$0x1B880] =	vst v63  }
0x7d: {  	_ =	swait.ge [sflag:s25], $0x3200  }
0x7e: {  	[sflag:s25] =	ssyncset.done $0x0  }
0x7f: {  	s16 =	simm.s32 $0xD00;
	[sflag:s25] =	ssyncadd.s32 $0xFFFFCE00  }
0x80: {  	[spmem:s2] =	stream.indirect.scatter.add.f32 [tilespmem:s19], [sflag:$0x3], $0x80, s16, s22, $0xb8;
	[tilespmem:$0x1B880] =	vst v63  }
0x81: {  	_ =	swait.ge [sflag:s20], $0x3200  }
0x82: {  	[sflag:s20] =	ssyncset.done $0x0  }
0x83: {  	[sflag:s20] =	ssyncadd.s32 $0xFFFFCE00  }
0x84: {  	_ =	swait.ge [sflag:s26], $0x3200  }
0x85: {  	[sflag:s26] =	ssyncset.done $0x0  }
0x86: {  	s9 =	simm.s32 $0xD80;
	[sflag:s26] =	ssyncadd.s32 $0xFFFFCE00  }
0x87: {  	[spmem:s2] =	stream.indirect.scatter.add.f32 [tilespmem:s24], [sflag:$0x3], $0x80, s9, s22, $0xb8;
	[tilespmem:$0x1B880] =	vst v63  }
0x88: {  	_ =	swait.ge [sflag:s20], $0x3200  }
0x89: {  	[sflag:s20] =	ssyncset.done $0x0  }
0x8a: {  	s10 =	simm.s32 $0x200;
	[sflag:s20] =	ssyncadd.s32 $0xFFFFCE00  }
0x8b: {  	[tilespmem:s19], [sflag:$0x1] =	stream.indirect.gather [hbm4b:s4+s22], $0x80, s10, s22, $0xb8;
	[tilespmem:$0x1B880] =	vst v63  }
0x8c: {  	s11 =	simm.s32 $0x280  }
0x8d: {  	[tilespmem:s24], [sflag:$0x2] =	stream.indirect.gather [hbm4b:s4+s22], $0x80, s11, s22, $0xb8;
	[tilespmem:$0x1B880] =	vst v63  }
0x8e: {  	_ =	swait.ge [sflag:s25], $0x3200  }
0x8f: {  	[sflag:s25] =	ssyncset.done $0x0  }
0x90: {  	s12 =	simm.s32 $0xE00;
	[sflag:s25] =	ssyncadd.s32 $0xFFFFCE00  }
0x91: {  	[spmem:s2] =	stream.indirect.scatter.add.f32 [tilespmem:s19], [sflag:$0x3], $0x80, s12, s22, $0xb8;
	[tilespmem:$0x1B880] =	vst v63  }
0x92: {  	_ =	swait.ge [sflag:s20], $0x3200  }
0x93: {  	[sflag:s20] =	ssyncset.done $0x0  }
0x94: {  	[sflag:s20] =	ssyncadd.s32 $0xFFFFCE00  }
0x95: {  	_ =	swait.ge [sflag:s26], $0x3200  }
0x96: {  	[sflag:s26] =	ssyncset.done $0x0  }
0x97: {  	s13 =	simm.s32 $0xE80;
	[sflag:s26] =	ssyncadd.s32 $0xFFFFCE00  }
0x98: {  	[spmem:s2] =	stream.indirect.scatter.add.f32 [tilespmem:s24], [sflag:$0x3], $0x80, s13, s22, $0xb8;
	[tilespmem:$0x1B880] =	vst v63  }
0x99: {  	_ =	swait.ge [sflag:s20], $0x3200  }
0x9a: {  	[sflag:s20] =	ssyncset.done $0x0  }
0x9b: {  	s14 =	simm.s32 $0x300;
	[sflag:s20] =	ssyncadd.s32 $0xFFFFCE00  }
0x9c: {  	[tilespmem:s19], [sflag:$0x1] =	stream.indirect.gather [hbm4b:s4+s22], $0x80, s14, s22, $0xb8;
	[tilespmem:$0x1B880] =	vst v63  }
0x9d: {  	s15 =	simm.s32 $0x380  }
0x9e: {  	[tilespmem:s24], [sflag:$0x2] =	stream.indirect.gather [hbm4b:s4+s22], $0x80, s15, s22, $0xb8;
	[tilespmem:$0x1B880] =	vst v63  }
0x9f: {  	_ =	swait.ge [sflag:s25], $0x3200  }
0xa0: {  	[sflag:s25] =	ssyncset.done $0x0  }
0xa1: {  	s23 =	simm.s32 $0xF00;
	[sflag:s25] =	ssyncadd.s32 $0xFFFFCE00  }
0xa2: {  	[spmem:s2] =	stream.indirect.scatter.add.f32 [tilespmem:s19], [sflag:$0x3], $0x80, s23, s22, $0xb8;
	[tilespmem:$0x1B880] =	vst v63  }
0xa3: {  	_ =	swait.ge [sflag:s20], $0x3200  }
0xa4: {  	[sflag:s20] =	ssyncset.done $0x0  }
0xa5: {  	[sflag:s20] =	ssyncadd.s32 $0xFFFFCE00  }
0xa6: {  	_ =	swait.ge [sflag:s26], $0x3200  }
0xa7: {  	[sflag:s26] =	ssyncset.done $0x0  }
0xa8: {  	s28 =	simm.s32 $0xF80;
	[sflag:s26] =	ssyncadd.s32 $0xFFFFCE00  }
0xa9: {  	[spmem:s2] =	stream.indirect.scatter.add.f32 [tilespmem:s24], [sflag:$0x3], $0x80, s28, s22, $0xb8;
	[tilespmem:$0x1B880] =	vst v63  }
0xaa: {  	_ =	swait.ge [sflag:s20], $0x3200  }
0xab: {  	[sflag:s20] =	ssyncset.done $0x0  }
0xac: {  	s6 =	simm.s32 $0x400;
	[sflag:s20] =	ssyncadd.s32 $0xFFFFCE00  }
0xad: {  	[tilespmem:s19], [sflag:$0x1] =	stream.indirect.gather [hbm4b:s4+s22], $0x80, s6, s22, $0xb8;
	[tilespmem:$0x1B880] =	vst v63  }
0xae: {  	s31 =	simm.s32 $0x480  }
0xaf: {  	[tilespmem:s24], [sflag:$0x2] =	stream.indirect.gather [hbm4b:s4+s22], $0x80, s31, s22, $0xb8;
	[tilespmem:$0x1B880] =	vst v63  }
0xb0: {  	_ =	swait.ge [sflag:s25], $0x3200  }
0xb1: {  	[sflag:s25] =	ssyncset.done $0x0  }
0xb2: {  	s6 =	simm.s32 $0x1000;
	[sflag:s25] =	ssyncadd.s32 $0xFFFFCE00  }
0xb3: {  	[spmem:s2] =	stream.indirect.scatter.add.f32 [tilespmem:s19], [sflag:$0x3], $0x80, s6, s22, $0xb8;
	[tilespmem:$0x1B880] =	vst v63  }
0xb4: {  	_ =	swait.ge [sflag:s20], $0x3200  }
0xb5: {  	[sflag:s20] =	ssyncset.done $0x0  }
0xb6: {  	[sflag:s20] =	ssyncadd.s32 $0xFFFFCE00  }
0xb7: {  	_ =	swait.ge [sflag:s26], $0x3200  }
0xb8: {  	[sflag:s26] =	ssyncset.done $0x0  }
0xb9: {  	s31 =	simm.s32 $0x1080;
	[sflag:s26] =	ssyncadd.s32 $0xFFFFCE00  }
0xba: {  	[spmem:s2] =	stream.indirect.scatter.add.f32 [tilespmem:s24], [sflag:$0x3], $0x80, s31, s22, $0xb8;
	[tilespmem:$0x1B880] =	vst v63  }
0xbb: {  	_ =	swait.ge [sflag:s20], $0x3200  }
0xbc: {  	[sflag:s20] =	ssyncset.done $0x0  }
0xbd: {  	s6 =	simm.s32 $0x500;
	[sflag:s20] =	ssyncadd.s32 $0xFFFFCE00  }
0xbe: {  	[tilespmem:s19], [sflag:$0x1] =	stream.indirect.gather [hbm4b:s4+s22], $0x80, s6, s22, $0xb8;
	[tilespmem:$0x1B880] =	vst v63  }
0xbf: {  	s31 =	simm.s32 $0x580  }
0xc0: {  	[tilespmem:s24], [sflag:$0x2] =	stream.indirect.gather [hbm4b:s4+s22], $0x80, s31, s22, $0xb8;
	[tilespmem:$0x1B880] =	vst v63  }
0xc1: {  	_ =	swait.ge [sflag:s25], $0x3200  }
0xc2: {  	[sflag:s25] =	ssyncset.done $0x0  }
0xc3: {  	s6 =	simm.s32 $0x1100;
	[sflag:s25] =	ssyncadd.s32 $0xFFFFCE00  }
0xc4: {  	[spmem:s2] =	stream.indirect.scatter.add.f32 [tilespmem:s19], [sflag:$0x3], $0x80, s6, s22, $0xb8;
	[tilespmem:$0x1B880] =	vst v63  }
0xc5: {  	_ =	swait.ge [sflag:s20], $0x3200  }
0xc6: {  	[sflag:s20] =	ssyncset.done $0x0  }
0xc7: {  	[sflag:s20] =	ssyncadd.s32 $0xFFFFCE00  }
0xc8: {  	_ =	swait.ge [sflag:s26], $0x3200  }
0xc9: {  	[sflag:s26] =	ssyncset.done $0x0  }
0xca: {  	s31 =	simm.s32 $0x1180;
	[sflag:s26] =	ssyncadd.s32 $0xFFFFCE00  }
0xcb: {  	[spmem:s2] =	stream.indirect.scatter.add.f32 [tilespmem:s24], [sflag:$0x3], $0x80, s31, s22, $0xb8;
	[tilespmem:$0x1B880] =	vst v63  }
0xcc: {  	_ =	swait.ge [sflag:s20], $0x3200  }
0xcd: {  	[sflag:s20] =	ssyncset.done $0x0  }
0xce: {  	s6 =	simm.s32 $0x600;
	[sflag:s20] =	ssyncadd.s32 $0xFFFFCE00  }
0xcf: {  	[tilespmem:s19], [sflag:$0x1] =	stream.indirect.gather [hbm4b:s4+s22], $0x80, s6, s22, $0xb8;
	[tilespmem:$0x1B880] =	vst v63  }
0xd0: {  	s31 =	simm.s32 $0x680  }
0xd1: {  	[tilespmem:s24], [sflag:$0x2] =	stream.indirect.gather [hbm4b:s4+s22], $0x80, s31, s22, $0xb8;
	[tilespmem:$0x1B880] =	vst v63  }
0xd2: {  	_ =	swait.ge [sflag:s25], $0x3200  }
0xd3: {  	[sflag:s25] =	ssyncset.done $0x0  }
0xd4: {  	s6 =	simm.s32 $0x1200;
	[sflag:s25] =	ssyncadd.s32 $0xFFFFCE00  }
0xd5: {  	[spmem:s2] =	stream.indirect.scatter.add.f32 [tilespmem:s19], [sflag:$0x3], $0x80, s6, s22, $0xb8;
	[tilespmem:$0x1B880] =	vst v63  }
0xd6: {  	_ =	swait.ge [sflag:s20], $0x3200  }
0xd7: {  	[sflag:s20] =	ssyncset.done $0x0  }
0xd8: {  	[sflag:s20] =	ssyncadd.s32 $0xFFFFCE00  }
0xd9: {  	_ =	swait.ge [sflag:s26], $0x3200  }
0xda: {  	[sflag:s26] =	ssyncset.done $0x0  }
0xdb: {  	s31 =	simm.s32 $0x1280;
	[sflag:s26] =	ssyncadd.s32 $0xFFFFCE00  }
0xdc: {  	[spmem:s2] =	stream.indirect.scatter.add.f32 [tilespmem:s24], [sflag:$0x3], $0x80, s31, s22, $0xb8;
	[tilespmem:$0x1B880] =	vst v63  }
0xdd: {  	_ =	swait.ge [sflag:s20], $0x3200  }
0xde: {  	[sflag:s20] =	ssyncset.done $0x0  }
0xdf: {  	s6 =	simm.s32 $0x700;
	[sflag:s20] =	ssyncadd.s32 $0xFFFFCE00  }
0xe0: {  	[tilespmem:s19], [sflag:$0x1] =	stream.indirect.gather [hbm4b:s4+s22], $0x80, s6, s22, $0xb8;
	[tilespmem:$0x1B880] =	vst v63  }
0xe1: {  	s31 =	simm.s32 $0x780  }
0xe2: {  	[tilespmem:s24], [sflag:$0x2] =	stream.indirect.gather [hbm4b:s4+s22], $0x80, s31, s22, $0xb8;
	[tilespmem:$0x1B880] =	vst v63  }
0xe3: {  	_ =	swait.ge [sflag:s25], $0x3200  }
0xe4: {  	[sflag:s25] =	ssyncset.done $0x0  }
0xe5: {  	s6 =	simm.s32 $0x1300;
	[sflag:s25] =	ssyncadd.s32 $0xFFFFCE00  }
0xe6: {  	[spmem:s2] =	stream.indirect.scatter.add.f32 [tilespmem:s19], [sflag:$0x3], $0x80, s6, s22, $0xb8;
	[tilespmem:$0x1B880] =	vst v63  }
0xe7: {  	_ =	swait.ge [sflag:s20], $0x3200  }
0xe8: {  	[sflag:s20] =	ssyncset.done $0x0  }
0xe9: {  	[sflag:s20] =	ssyncadd.s32 $0xFFFFCE00  }
0xea: {  	_ =	swait.ge [sflag:s26], $0x3200  }
0xeb: {  	[sflag:s26] =	ssyncset.done $0x0  }
0xec: {  	s31 =	simm.s32 $0x1380;
	[sflag:s26] =	ssyncadd.s32 $0xFFFFCE00  }
0xed: {  	[spmem:s2] =	stream.indirect.scatter.add.f32 [tilespmem:s24], [sflag:$0x3], $0x80, s31, s22, $0xb8;
	[tilespmem:$0x1B880] =	vst v63  }
0xee: {  	_ =	swait.ge [sflag:s20], $0x3200  }
0xef: {  	[sflag:s20] =	ssyncset.done $0x0  }
0xf0: {  	s6 =	simm.s32 $0x800;
	[sflag:s20] =	ssyncadd.s32 $0xFFFFCE00  }
0xf1: {  	[tilespmem:s19], [sflag:$0x1] =	stream.indirect.gather [hbm4b:s4+s22], $0x80, s6, s22, $0xb8;
	[tilespmem:$0x1B880] =	vst v63  }
0xf2: {  	s31 =	simm.s32 $0x880  }
0xf3: {  	[tilespmem:s24], [sflag:$0x2] =	stream.indirect.gather [hbm4b:s4+s22], $0x80, s31, s22, $0xb8;
	[tilespmem:$0x1B880] =	vst v63  }
0xf4: {  	_ =	swait.ge [sflag:s25], $0x3200  }
0xf5: {  	[sflag:s25] =	ssyncset.done $0x0  }
0xf6: {  	s6 =	simm.s32 $0x1400;
	[sflag:s25] =	ssyncadd.s32 $0xFFFFCE00  }
0xf7: {  	[spmem:s2] =	stream.indirect.scatter.add.f32 [tilespmem:s19], [sflag:$0x3], $0x80, s6, s22, $0xb8;
	[tilespmem:$0x1B880] =	vst v63  }
0xf8: {  	_ =	swait.ge [sflag:s20], $0x3200  }
0xf9: {  	[sflag:s20] =	ssyncset.done $0x0  }
0xfa: {  	[sflag:s20] =	ssyncadd.s32 $0xFFFFCE00  }
0xfb: {  	_ =	swait.ge [sflag:s26], $0x3200  }
0xfc: {  	[sflag:s26] =	ssyncset.done $0x0  }
0xfd: {  	s31 =	simm.s32 $0x1480;
	[sflag:s26] =	ssyncadd.s32 $0xFFFFCE00  }
0xfe: {  	[spmem:s2] =	stream.indirect.scatter.add.f32 [tilespmem:s24], [sflag:$0x3], $0x80, s31, s22, $0xb8;
	[tilespmem:$0x1B880] =	vst v63  }
0xff: {  	_ =	swait.ge [sflag:s20], $0x3200  }
0x100: {  	[sflag:s20] =	ssyncset.done $0x0  }
0x101: {  	s6 =	simm.s32 $0x900;
	[sflag:s20] =	ssyncadd.s32 $0xFFFFCE00  }
0x102: {  	[tilespmem:s19], [sflag:$0x1] =	stream.indirect.gather [hbm4b:s4+s22], $0x80, s6, s22, $0xb8;
	[tilespmem:$0x1B880] =	vst v63  }
0x103: {  	s31 =	simm.s32 $0x980  }
0x104: {  	[tilespmem:s24], [sflag:$0x2] =	stream.indirect.gather [hbm4b:s4+s22], $0x80, s31, s22, $0xb8;
	[tilespmem:$0x1B880] =	vst v63  }
0x105: {  	_ =	swait.ge [sflag:s25], $0x3200  }
0x106: {  	[sflag:s25] =	ssyncset.done $0x0  }
0x107: {  	s6 =	simm.s32 $0x1500;
	[sflag:s25] =	ssyncadd.s32 $0xFFFFCE00  }
0x108: {  	[spmem:s2] =	stream.indirect.scatter.add.f32 [tilespmem:s19], [sflag:$0x3], $0x80, s6, s22, $0xb8;
	[tilespmem:$0x1B880] =	vst v63  }
0x109: {  	_ =	swait.ge [sflag:s20], $0x3200  }
0x10a: {  	[sflag:s20] =	ssyncset.done $0x0  }
0x10b: {  	[sflag:s20] =	ssyncadd.s32 $0xFFFFCE00  }
0x10c: {  	_ =	swait.ge [sflag:s26], $0x3200  }
0x10d: {  	[sflag:s26] =	ssyncset.done $0x0  }
0x10e: {  	s31 =	simm.s32 $0x1580;
	[sflag:s26] =	ssyncadd.s32 $0xFFFFCE00  }
0x10f: {  	[spmem:s2] =	stream.indirect.scatter.add.f32 [tilespmem:s24], [sflag:$0x3], $0x80, s31, s22, $0xb8;
	[tilespmem:$0x1B880] =	vst v63  }
0x110: {  	_ =	swait.ge [sflag:s20], $0x3200  }
0x111: {  	s29 =	simm.s32 $0x180;
	s30 =	simm.s32 $0x300;
	[sflag:s20] =	ssyncset.done $0x0  }
.LBB2_5:
0x112: {  	s0 =	sadd.s32 s29, s17  }
0x113: {  	[sflag:s20] =	ssyncadd.s32 $0xFFFFCE00;
	s6 =	smov.u32 s30;
	s31 =	sadd.s32 $0x180, s30  }
0x114: {  	[tilespmem:s3], [sflag:$0x3] =	stream.linear.gather [hbm4b:s0+s3], $0xA00, $0x38;
	[tilespmem:$0x1B880] =	vst v63  }
0x115: {  	p3 =	seq.s32 s30, $0x600;
	_ =	swait.ge [sflag:s20], $0xA00  }
0x116: {  	s0 =	sadd.s32 s29, s18;
	[sflag:s20] =	ssyncset.done $0x0  }
0x117: {  	s29 =	smov.u32 s6;
	s6 =	simm.s32 $0x80;
	[sflag:s20] =	ssyncadd.s32 $0xFFFFF600  }
0x118: {  	[tilespmem:s21], [sflag:$0x3] =	stream.linear.gather [hbm4b:s0+s3], $0xA00, $0x38;
	[tilespmem:$0x1B880] =	vst v63  }
0x119: {  	_ =	swait.ge [sflag:s20], $0xA00  }
0x11a: {  	[sflag:s20] =	ssyncset.done $0x0  }
0x11b: {  	[sflag:s20] =	ssyncadd.s32 $0xFFFFF600  }
0x11c: {  	[tilespmem:s19], [sflag:$0x1] =	stream.indirect.gather [hbm4b:s4+s22], $0x80, s3, s22, $0xb8;
	[tilespmem:$0x1B880] =	vst v63  }
0x11d: {  	_ = 	snop  }
0x11e: {  	[tilespmem:s24], [sflag:$0x2] =	stream.indirect.gather [hbm4b:s4+s22], $0x80, s6, s22, $0xb8;
	[tilespmem:$0x1B880] =	vst v63  }
0x11f: {  	_ =	swait.ge [sflag:s25], $0x3200  }
0x120: {  	[sflag:s25] =	ssyncset.done $0x0  }
0x121: {  	[sflag:s25] =	ssyncadd.s32 $0xFFFFCE00  }
0x122: {  	[spmem:s2] =	stream.indirect.scatter.add.f32 [tilespmem:s19], [sflag:$0x3], $0x80, s21, s22, $0xb8;
	[tilespmem:$0x1B880] =	vst v63  }
0x123: {  	_ =	swait.ge [sflag:s20], $0x3200  }
0x124: {  	[sflag:s20] =	ssyncset.done $0x0  }
0x125: {  	[sflag:s20] =	ssyncadd.s32 $0xFFFFCE00  }
0x126: {  	_ =	swait.ge [sflag:s26], $0x3200  }
0x127: {  	[sflag:s26] =	ssyncset.done $0x0  }
0x128: {  	[sflag:s26] =	ssyncadd.s32 $0xFFFFCE00  }
0x129: {  	[spmem:s2] =	stream.indirect.scatter.add.f32 [tilespmem:s24], [sflag:$0x3], $0x80, s7, s22, $0xb8;
	[tilespmem:$0x1B880] =	vst v63  }
0x12a: {  	_ =	swait.ge [sflag:s20], $0x3200  }
0x12b: {  	[sflag:s20] =	ssyncset.done $0x0  }
0x12c: {  	[sflag:s20] =	ssyncadd.s32 $0xFFFFCE00  }
0x12d: {  	[tilespmem:s19], [sflag:$0x1] =	stream.indirect.gather [hbm4b:s4+s22], $0x80, s1, s22, $0xb8;
	[tilespmem:$0x1B880] =	vst v63  }
0x12e: {  	_ = 	snop  }
0x12f: {  	[tilespmem:s24], [sflag:$0x2] =	stream.indirect.gather [hbm4b:s4+s22], $0x80, s8, s22, $0xb8;
	[tilespmem:$0x1B880] =	vst v63  }
0x130: {  	_ =	swait.ge [sflag:s25], $0x3200  }
0x131: {  	[sflag:s25] =	ssyncset.done $0x0  }
0x132: {  	[sflag:s25] =	ssyncadd.s32 $0xFFFFCE00  }
0x133: {  	[spmem:s2] =	stream.indirect.scatter.add.f32 [tilespmem:s19], [sflag:$0x3], $0x80, s16, s22, $0xb8;
	[tilespmem:$0x1B880] =	vst v63  }
0x134: {  	_ =	swait.ge [sflag:s20], $0x3200  }
0x135: {  	[sflag:s20] =	ssyncset.done $0x0  }
0x136: {  	[sflag:s20] =	ssyncadd.s32 $0xFFFFCE00  }
0x137: {  	_ =	swait.ge [sflag:s26], $0x3200  }
0x138: {  	[sflag:s26] =	ssyncset.done $0x0  }
0x139: {  	[sflag:s26] =	ssyncadd.s32 $0xFFFFCE00  }
0x13a: {  	[spmem:s2] =	stream.indirect.scatter.add.f32 [tilespmem:s24], [sflag:$0x3], $0x80, s9, s22, $0xb8;
	[tilespmem:$0x1B880] =	vst v63  }
0x13b: {  	_ =	swait.ge [sflag:s20], $0x3200  }
0x13c: {  	[sflag:s20] =	ssyncset.done $0x0  }
0x13d: {  	[sflag:s20] =	ssyncadd.s32 $0xFFFFCE00  }
0x13e: {  	[tilespmem:s19], [sflag:$0x1] =	stream.indirect.gather [hbm4b:s4+s22], $0x80, s10, s22, $0xb8;
	[tilespmem:$0x1B880] =	vst v63  }
0x13f: {  	_ = 	snop  }
0x140: {  	[tilespmem:s24], [sflag:$0x2] =	stream.indirect.gather [hbm4b:s4+s22], $0x80, s11, s22, $0xb8;
	[tilespmem:$0x1B880] =	vst v63  }
0x141: {  	_ =	swait.ge [sflag:s25], $0x3200  }
0x142: {  	[sflag:s25] =	ssyncset.done $0x0  }
0x143: {  	[sflag:s25] =	ssyncadd.s32 $0xFFFFCE00  }
0x144: {  	[spmem:s2] =	stream.indirect.scatter.add.f32 [tilespmem:s19], [sflag:$0x3], $0x80, s12, s22, $0xb8;
	[tilespmem:$0x1B880] =	vst v63  }
0x145: {  	_ =	swait.ge [sflag:s20], $0x3200  }
0x146: {  	[sflag:s20] =	ssyncset.done $0x0  }
0x147: {  	[sflag:s20] =	ssyncadd.s32 $0xFFFFCE00  }
0x148: {  	_ =	swait.ge [sflag:s26], $0x3200  }
0x149: {  	[sflag:s26] =	ssyncset.done $0x0  }
0x14a: {  	[sflag:s26] =	ssyncadd.s32 $0xFFFFCE00  }
0x14b: {  	[spmem:s2] =	stream.indirect.scatter.add.f32 [tilespmem:s24], [sflag:$0x3], $0x80, s13, s22, $0xb8;
	[tilespmem:$0x1B880] =	vst v63  }
0x14c: {  	_ =	swait.ge [sflag:s20], $0x3200  }
0x14d: {  	[sflag:s20] =	ssyncset.done $0x0  }
0x14e: {  	[sflag:s20] =	ssyncadd.s32 $0xFFFFCE00  }
0x14f: {  	[tilespmem:s19], [sflag:$0x1] =	stream.indirect.gather [hbm4b:s4+s22], $0x80, s14, s22, $0xb8;
	[tilespmem:$0x1B880] =	vst v63  }
0x150: {  	_ = 	snop  }
0x151: {  	[tilespmem:s24], [sflag:$0x2] =	stream.indirect.gather [hbm4b:s4+s22], $0x80, s15, s22, $0xb8;
	[tilespmem:$0x1B880] =	vst v63  }
0x152: {  	_ =	swait.ge [sflag:s25], $0x3200  }
0x153: {  	[sflag:s25] =	ssyncset.done $0x0  }
0x154: {  	[sflag:s25] =	ssyncadd.s32 $0xFFFFCE00  }
0x155: {  	[spmem:s2] =	stream.indirect.scatter.add.f32 [tilespmem:s19], [sflag:$0x3], $0x80, s23, s22, $0xb8;
	[tilespmem:$0x1B880] =	vst v63  }
0x156: {  	_ =	swait.ge [sflag:s20], $0x3200  }
0x157: {  	[sflag:s20] =	ssyncset.done $0x0  }
0x158: {  	[sflag:s20] =	ssyncadd.s32 $0xFFFFCE00  }
0x159: {  	_ =	swait.ge [sflag:s26], $0x3200  }
0x15a: {  	[sflag:s26] =	ssyncset.done $0x0  }
0x15b: {  	[sflag:s26] =	ssyncadd.s32 $0xFFFFCE00  }
0x15c: {  	[spmem:s2] =	stream.indirect.scatter.add.f32 [tilespmem:s24], [sflag:$0x3], $0x80, s28, s22, $0xb8;
	[tilespmem:$0x1B880] =	vst v63  }
0x15d: {  	_ =	swait.ge [sflag:s20], $0x3200  }
0x15e: {  	[sflag:s20] =	ssyncset.done $0x0  }
0x15f: {  	s0 =	simm.s32 $0x400;
	[sflag:s20] =	ssyncadd.s32 $0xFFFFCE00  }
0x160: {  	[tilespmem:s19], [sflag:$0x1] =	stream.indirect.gather [hbm4b:s4+s22], $0x80, s0, s22, $0xb8;
	[tilespmem:$0x1B880] =	vst v63  }
0x161: {  	s0 =	simm.s32 $0x480  }
0x162: {  	[tilespmem:s24], [sflag:$0x2] =	stream.indirect.gather [hbm4b:s4+s22], $0x80, s0, s22, $0xb8;
	[tilespmem:$0x1B880] =	vst v63  }
0x163: {  	_ =	swait.ge [sflag:s25], $0x3200  }
0x164: {  	[sflag:s25] =	ssyncset.done $0x0  }
0x165: {  	s0 =	simm.s32 $0x1000;
	[sflag:s25] =	ssyncadd.s32 $0xFFFFCE00  }
0x166: {  	[spmem:s2] =	stream.indirect.scatter.add.f32 [tilespmem:s19], [sflag:$0x3], $0x80, s0, s22, $0xb8;
	[tilespmem:$0x1B880] =	vst v63  }
0x167: {  	_ =	swait.ge [sflag:s20], $0x3200  }
0x168: {  	[sflag:s20] =	ssyncset.done $0x0  }
0x169: {  	[sflag:s20] =	ssyncadd.s32 $0xFFFFCE00  }
0x16a: {  	_ =	swait.ge [sflag:s26], $0x3200  }
0x16b: {  	[sflag:s26] =	ssyncset.done $0x0  }
0x16c: {  	s0 =	simm.s32 $0x1080;
	[sflag:s26] =	ssyncadd.s32 $0xFFFFCE00  }
0x16d: {  	[spmem:s2] =	stream.indirect.scatter.add.f32 [tilespmem:s24], [sflag:$0x3], $0x80, s0, s22, $0xb8;
	[tilespmem:$0x1B880] =	vst v63  }
0x16e: {  	_ =	swait.ge [sflag:s20], $0x3200  }
0x16f: {  	[sflag:s20] =	ssyncset.done $0x0  }
0x170: {  	s0 =	simm.s32 $0x500;
	[sflag:s20] =	ssyncadd.s32 $0xFFFFCE00  }
0x171: {  	[tilespmem:s19], [sflag:$0x1] =	stream.indirect.gather [hbm4b:s4+s22], $0x80, s0, s22, $0xb8;
	[tilespmem:$0x1B880] =	vst v63  }
0x172: {  	s0 =	simm.s32 $0x580  }
0x173: {  	[tilespmem:s24], [sflag:$0x2] =	stream.indirect.gather [hbm4b:s4+s22], $0x80, s0, s22, $0xb8;
	[tilespmem:$0x1B880] =	vst v63  }
0x174: {  	_ =	swait.ge [sflag:s25], $0x3200  }
0x175: {  	[sflag:s25] =	ssyncset.done $0x0  }
0x176: {  	s0 =	simm.s32 $0x1100;
	[sflag:s25] =	ssyncadd.s32 $0xFFFFCE00  }
0x177: {  	[spmem:s2] =	stream.indirect.scatter.add.f32 [tilespmem:s19], [sflag:$0x3], $0x80, s0, s22, $0xb8;
	[tilespmem:$0x1B880] =	vst v63  }
0x178: {  	_ =	swait.ge [sflag:s20], $0x3200  }
0x179: {  	[sflag:s20] =	ssyncset.done $0x0  }
0x17a: {  	[sflag:s20] =	ssyncadd.s32 $0xFFFFCE00  }
0x17b: {  	_ =	swait.ge [sflag:s26], $0x3200  }
0x17c: {  	[sflag:s26] =	ssyncset.done $0x0  }
0x17d: {  	s0 =	simm.s32 $0x1180;
	[sflag:s26] =	ssyncadd.s32 $0xFFFFCE00  }
0x17e: {  	[spmem:s2] =	stream.indirect.scatter.add.f32 [tilespmem:s24], [sflag:$0x3], $0x80, s0, s22, $0xb8;
	[tilespmem:$0x1B880] =	vst v63  }
0x17f: {  	_ =	swait.ge [sflag:s20], $0x3200  }
0x180: {  	[sflag:s20] =	ssyncset.done $0x0  }
0x181: {  	s0 =	simm.s32 $0x600;
	[sflag:s20] =	ssyncadd.s32 $0xFFFFCE00  }
0x182: {  	[tilespmem:s19], [sflag:$0x1] =	stream.indirect.gather [hbm4b:s4+s22], $0x80, s0, s22, $0xb8;
	[tilespmem:$0x1B880] =	vst v63  }
0x183: {  	s0 =	simm.s32 $0x680  }
0x184: {  	[tilespmem:s24], [sflag:$0x2] =	stream.indirect.gather [hbm4b:s4+s22], $0x80, s0, s22, $0xb8;
	[tilespmem:$0x1B880] =	vst v63  }
0x185: {  	_ =	swait.ge [sflag:s25], $0x3200  }
0x186: {  	[sflag:s25] =	ssyncset.done $0x0  }
0x187: {  	s0 =	simm.s32 $0x1200;
	[sflag:s25] =	ssyncadd.s32 $0xFFFFCE00  }
0x188: {  	[spmem:s2] =	stream.indirect.scatter.add.f32 [tilespmem:s19], [sflag:$0x3], $0x80, s0, s22, $0xb8;
	[tilespmem:$0x1B880] =	vst v63  }
0x189: {  	_ =	swait.ge [sflag:s20], $0x3200  }
0x18a: {  	[sflag:s20] =	ssyncset.done $0x0  }
0x18b: {  	[sflag:s20] =	ssyncadd.s32 $0xFFFFCE00  }
0x18c: {  	_ =	swait.ge [sflag:s26], $0x3200  }
0x18d: {  	[sflag:s26] =	ssyncset.done $0x0  }
0x18e: {  	s0 =	simm.s32 $0x1280;
	[sflag:s26] =	ssyncadd.s32 $0xFFFFCE00  }
0x18f: {  	[spmem:s2] =	stream.indirect.scatter.add.f32 [tilespmem:s24], [sflag:$0x3], $0x80, s0, s22, $0xb8;
	[tilespmem:$0x1B880] =	vst v63  }
0x190: {  	_ =	swait.ge [sflag:s20], $0x3200  }
0x191: {  	[sflag:s20] =	ssyncset.done $0x0  }
0x192: {  	s0 =	simm.s32 $0x700;
	[sflag:s20] =	ssyncadd.s32 $0xFFFFCE00  }
0x193: {  	[tilespmem:s19], [sflag:$0x1] =	stream.indirect.gather [hbm4b:s4+s22], $0x80, s0, s22, $0xb8;
	[tilespmem:$0x1B880] =	vst v63  }
0x194: {  	s0 =	simm.s32 $0x780  }
0x195: {  	[tilespmem:s24], [sflag:$0x2] =	stream.indirect.gather [hbm4b:s4+s22], $0x80, s0, s22, $0xb8;
	[tilespmem:$0x1B880] =	vst v63  }
0x196: {  	_ =	swait.ge [sflag:s25], $0x3200  }
0x197: {  	[sflag:s25] =	ssyncset.done $0x0  }
0x198: {  	s0 =	simm.s32 $0x1300;
	[sflag:s25] =	ssyncadd.s32 $0xFFFFCE00  }
0x199: {  	[spmem:s2] =	stream.indirect.scatter.add.f32 [tilespmem:s19], [sflag:$0x3], $0x80, s0, s22, $0xb8;
	[tilespmem:$0x1B880] =	vst v63  }
0x19a: {  	_ =	swait.ge [sflag:s20], $0x3200  }
0x19b: {  	[sflag:s20] =	ssyncset.done $0x0  }
0x19c: {  	[sflag:s20] =	ssyncadd.s32 $0xFFFFCE00  }
0x19d: {  	_ =	swait.ge [sflag:s26], $0x3200  }
0x19e: {  	[sflag:s26] =	ssyncset.done $0x0  }
0x19f: {  	s0 =	simm.s32 $0x1380;
	[sflag:s26] =	ssyncadd.s32 $0xFFFFCE00  }
0x1a0: {  	[spmem:s2] =	stream.indirect.scatter.add.f32 [tilespmem:s24], [sflag:$0x3], $0x80, s0, s22, $0xb8;
	[tilespmem:$0x1B880] =	vst v63  }
0x1a1: {  	_ =	swait.ge [sflag:s20], $0x3200  }
0x1a2: {  	[sflag:s20] =	ssyncset.done $0x0  }
0x1a3: {  	s0 =	simm.s32 $0x800;
	[sflag:s20] =	ssyncadd.s32 $0xFFFFCE00  }
0x1a4: {  	[tilespmem:s19], [sflag:$0x1] =	stream.indirect.gather [hbm4b:s4+s22], $0x80, s0, s22, $0xb8;
	[tilespmem:$0x1B880] =	vst v63  }
0x1a5: {  	s0 =	simm.s32 $0x880  }
0x1a6: {  	[tilespmem:s24], [sflag:$0x2] =	stream.indirect.gather [hbm4b:s4+s22], $0x80, s0, s22, $0xb8;
	[tilespmem:$0x1B880] =	vst v63  }
0x1a7: {  	_ =	swait.ge [sflag:s25], $0x3200  }
0x1a8: {  	[sflag:s25] =	ssyncset.done $0x0  }
0x1a9: {  	s0 =	simm.s32 $0x1400;
	[sflag:s25] =	ssyncadd.s32 $0xFFFFCE00  }
0x1aa: {  	[spmem:s2] =	stream.indirect.scatter.add.f32 [tilespmem:s19], [sflag:$0x3], $0x80, s0, s22, $0xb8;
	[tilespmem:$0x1B880] =	vst v63  }
0x1ab: {  	_ =	swait.ge [sflag:s20], $0x3200  }
0x1ac: {  	[sflag:s20] =	ssyncset.done $0x0  }
0x1ad: {  	[sflag:s20] =	ssyncadd.s32 $0xFFFFCE00  }
0x1ae: {  	_ =	swait.ge [sflag:s26], $0x3200  }
0x1af: {  	[sflag:s26] =	ssyncset.done $0x0  }
0x1b0: {  	s0 =	simm.s32 $0x1480;
	[sflag:s26] =	ssyncadd.s32 $0xFFFFCE00  }
0x1b1: {  	[spmem:s2] =	stream.indirect.scatter.add.f32 [tilespmem:s24], [sflag:$0x3], $0x80, s0, s22, $0xb8;
	[tilespmem:$0x1B880] =	vst v63  }
0x1b2: {  	_ =	swait.ge [sflag:s20], $0x3200  }
0x1b3: {  	[sflag:s20] =	ssyncset.done $0x0  }
0x1b4: {  	s0 =	simm.s32 $0x900;
	[sflag:s20] =	ssyncadd.s32 $0xFFFFCE00  }
0x1b5: {  	[tilespmem:s19], [sflag:$0x1] =	stream.indirect.gather [hbm4b:s4+s22], $0x80, s0, s22, $0xb8;
	[tilespmem:$0x1B880] =	vst v63  }
0x1b6: {  	s0 =	simm.s32 $0x980  }
0x1b7: {  	[tilespmem:s24], [sflag:$0x2] =	stream.indirect.gather [hbm4b:s4+s22], $0x80, s0, s22, $0xb8;
	[tilespmem:$0x1B880] =	vst v63  }
0x1b8: {  	_ =	swait.ge [sflag:s25], $0x3200  }
0x1b9: {  	[sflag:s25] =	ssyncset.done $0x0  }
0x1ba: {  	s0 =	simm.s32 $0x1500;
	[sflag:s25] =	ssyncadd.s32 $0xFFFFCE00  }
0x1bb: {  	[spmem:s2] =	stream.indirect.scatter.add.f32 [tilespmem:s19], [sflag:$0x3], $0x80, s0, s22, $0xb8;
	[tilespmem:$0x1B880] =	vst v63  }
0x1bc: {  	_ =	swait.ge [sflag:s20], $0x3200  }
0x1bd: {  	[sflag:s20] =	ssyncset.done $0x0  }
0x1be: {  	[sflag:s20] =	ssyncadd.s32 $0xFFFFCE00  }
0x1bf: {  	_ =	swait.ge [sflag:s26], $0x3200  }
.Ltmp4:
0x1c0: {  	[sflag:s26] =	ssyncset.done $0x0;
	(pc) =	sbr.rel @!p3 .LBB2_5-.Ltmp4, $4  }
0x1c1: {  	s0 =	simm.s32 $0x1580;
	[sflag:s26] =	ssyncadd.s32 $0xFFFFCE00  }
0x1c2: {  	[spmem:s2] =	stream.indirect.scatter.add.f32 [tilespmem:s24], [sflag:$0x3], $0x80, s0, s22, $0xb8;
	[tilespmem:$0x1B880] =	vst v63  }
0x1c3: {  	_ =	swait.ge [sflag:s20], $0x3200  }
0x1c4: {  	s30 =	smov.u32 s31;
	[sflag:s20] =	ssyncset.done $0x0  }
0x1c5: {  	s0 =	sadd.s32 s29, s17;
	[sflag:s20] =	ssyncadd.s32 $0xFFFFCE00  }
0x1c6: {  	[tilespmem:s3], [sflag:$0x3] =	stream.linear.gather [hbm4b:s0+s3], $0xA00, $0x38;
	[tilespmem:$0x1B880] =	vst v63  }
0x1c7: {  	_ =	swait.ge [sflag:s20], $0xA00  }
0x1c8: {  	[sflag:s20] =	ssyncset.done $0x0  }
0x1c9: {  	s31 =	sadd.s32 s29, s18;
	[sflag:s20] =	ssyncadd.s32 $0xFFFFF600  }
0x1ca: {  	[tilespmem:s21], [sflag:$0x3] =	stream.linear.gather [hbm4b:s31+s3], $0xA00, $0x38;
	[tilespmem:$0x1B880] =	vst v63  }
0x1cb: {  	_ =	swait.ge [sflag:s20], $0xA00  }
0x1cc: {  	[sflag:s20] =	ssyncset.done $0x0  }
0x1cd: {  	[sflag:s20] =	ssyncadd.s32 $0xFFFFF600  }
0x1ce: {  	[tilespmem:s19], [sflag:$0x1] =	stream.indirect.gather [hbm4b:s4+s22], $0x80, s3, s22, $0xb8;
	[tilespmem:$0x1B880] =	vst v63  }
0x1cf: {  	_ = 	snop  }
0x1d0: {  	[tilespmem:s24], [sflag:$0x2] =	stream.indirect.gather [hbm4b:s4+s22], $0x80, s6, s22, $0xb8;
	[tilespmem:$0x1B880] =	vst v63  }
0x1d1: {  	_ =	swait.ge [sflag:s25], $0x3200  }
0x1d2: {  	[sflag:s25] =	ssyncset.done $0x0  }
0x1d3: {  	[sflag:s25] =	ssyncadd.s32 $0xFFFFCE00  }
0x1d4: {  	[spmem:s2] =	stream.indirect.scatter.add.f32 [tilespmem:s19], [sflag:$0x3], $0x80, s21, s22, $0xb8;
	[tilespmem:$0x1B880] =	vst v63  }
0x1d5: {  	_ =	swait.ge [sflag:s20], $0x3200  }
0x1d6: {  	[sflag:s20] =	ssyncset.done $0x0  }
0x1d7: {  	[sflag:s20] =	ssyncadd.s32 $0xFFFFCE00  }
0x1d8: {  	_ =	swait.ge [sflag:s26], $0x3200  }
0x1d9: {  	[sflag:s26] =	ssyncset.done $0x0  }
0x1da: {  	[sflag:s26] =	ssyncadd.s32 $0xFFFFCE00  }
0x1db: {  	[spmem:s2] =	stream.indirect.scatter.add.f32 [tilespmem:s24], [sflag:$0x3], $0x80, s7, s22, $0xb8;
	[tilespmem:$0x1B880] =	vst v63  }
0x1dc: {  	_ =	swait.ge [sflag:s20], $0x3200  }
0x1dd: {  	[sflag:s20] =	ssyncset.done $0x0  }
0x1de: {  	[sflag:s20] =	ssyncadd.s32 $0xFFFFCE00  }
0x1df: {  	[tilespmem:s19], [sflag:$0x1] =	stream.indirect.gather [hbm4b:s4+s22], $0x80, s1, s22, $0xb8;
	[tilespmem:$0x1B880] =	vst v63  }
0x1e0: {  	_ = 	snop  }
0x1e1: {  	[tilespmem:s24], [sflag:$0x2] =	stream.indirect.gather [hbm4b:s4+s22], $0x80, s8, s22, $0xb8;
	[tilespmem:$0x1B880] =	vst v63  }
0x1e2: {  	_ =	swait.ge [sflag:s25], $0x3200  }
0x1e3: {  	[sflag:s25] =	ssyncset.done $0x0  }
0x1e4: {  	[sflag:s25] =	ssyncadd.s32 $0xFFFFCE00  }
0x1e5: {  	[spmem:s2] =	stream.indirect.scatter.add.f32 [tilespmem:s19], [sflag:$0x3], $0x80, s16, s22, $0xb8;
	[tilespmem:$0x1B880] =	vst v63  }
0x1e6: {  	_ =	swait.ge [sflag:s20], $0x3200  }
0x1e7: {  	[sflag:s20] =	ssyncset.done $0x0  }
0x1e8: {  	[sflag:s20] =	ssyncadd.s32 $0xFFFFCE00  }
0x1e9: {  	_ =	swait.ge [sflag:s26], $0x3200  }
0x1ea: {  	[sflag:s26] =	ssyncset.done $0x0  }
0x1eb: {  	[sflag:s26] =	ssyncadd.s32 $0xFFFFCE00  }
0x1ec: {  	[spmem:s2] =	stream.indirect.scatter.add.f32 [tilespmem:s24], [sflag:$0x3], $0x80, s9, s22, $0xb8;
	[tilespmem:$0x1B880] =	vst v63  }
0x1ed: {  	_ =	swait.ge [sflag:s20], $0x3200  }
0x1ee: {  	[sflag:s20] =	ssyncset.done $0x0  }
0x1ef: {  	[sflag:s20] =	ssyncadd.s32 $0xFFFFCE00  }
0x1f0: {  	[tilespmem:s19], [sflag:$0x1] =	stream.indirect.gather [hbm4b:s4+s22], $0x80, s10, s22, $0xb8;
	[tilespmem:$0x1B880] =	vst v63  }
0x1f1: {  	_ = 	snop  }
0x1f2: {  	[tilespmem:s24], [sflag:$0x2] =	stream.indirect.gather [hbm4b:s4+s22], $0x80, s11, s22, $0xb8;
	[tilespmem:$0x1B880] =	vst v63  }
0x1f3: {  	_ =	swait.ge [sflag:s25], $0x3200  }
0x1f4: {  	[sflag:s25] =	ssyncset.done $0x0  }
0x1f5: {  	[sflag:s25] =	ssyncadd.s32 $0xFFFFCE00  }
0x1f6: {  	[spmem:s2] =	stream.indirect.scatter.add.f32 [tilespmem:s19], [sflag:$0x3], $0x80, s12, s22, $0xb8;
	[tilespmem:$0x1B880] =	vst v63  }
0x1f7: {  	_ =	swait.ge [sflag:s20], $0x3200  }
0x1f8: {  	[sflag:s20] =	ssyncset.done $0x0  }
0x1f9: {  	[sflag:s20] =	ssyncadd.s32 $0xFFFFCE00  }
0x1fa: {  	_ =	swait.ge [sflag:s26], $0x3200  }
0x1fb: {  	[sflag:s26] =	ssyncset.done $0x0  }
0x1fc: {  	[sflag:s26] =	ssyncadd.s32 $0xFFFFCE00  }
0x1fd: {  	[spmem:s2] =	stream.indirect.scatter.add.f32 [tilespmem:s24], [sflag:$0x3], $0x80, s13, s22, $0xb8;
	[tilespmem:$0x1B880] =	vst v63  }
0x1fe: {  	_ =	swait.ge [sflag:s20], $0x3200  }
0x1ff: {  	[sflag:s20] =	ssyncset.done $0x0  }
0x200: {  	[sflag:s20] =	ssyncadd.s32 $0xFFFFCE00  }
0x201: {  	[tilespmem:s19], [sflag:$0x1] =	stream.indirect.gather [hbm4b:s4+s22], $0x80, s14, s22, $0xb8;
	[tilespmem:$0x1B880] =	vst v63  }
0x202: {  	_ = 	snop  }
0x203: {  	[tilespmem:s24], [sflag:$0x2] =	stream.indirect.gather [hbm4b:s4+s22], $0x80, s15, s22, $0xb8;
	[tilespmem:$0x1B880] =	vst v63  }
0x204: {  	_ =	swait.ge [sflag:s25], $0x3200  }
0x205: {  	[sflag:s25] =	ssyncset.done $0x0  }
0x206: {  	[sflag:s25] =	ssyncadd.s32 $0xFFFFCE00  }
0x207: {  	[spmem:s2] =	stream.indirect.scatter.add.f32 [tilespmem:s19], [sflag:$0x3], $0x80, s23, s22, $0xb8;
	[tilespmem:$0x1B880] =	vst v63  }
0x208: {  	_ =	swait.ge [sflag:s20], $0x3200  }
0x209: {  	[sflag:s20] =	ssyncset.done $0x0  }
0x20a: {  	[sflag:s20] =	ssyncadd.s32 $0xFFFFCE00  }
0x20b: {  	_ =	swait.ge [sflag:s26], $0x3200  }
0x20c: {  	[sflag:s26] =	ssyncset.done $0x0  }
0x20d: {  	[sflag:s26] =	ssyncadd.s32 $0xFFFFCE00  }
0x20e: {  	[spmem:s2] =	stream.indirect.scatter.add.f32 [tilespmem:s24], [sflag:$0x3], $0x80, s28, s22, $0xb8;
	[tilespmem:$0x1B880] =	vst v63  }
0x20f: {  	_ =	swait.ge [sflag:s20], $0x3200  }
0x210: {  	[sflag:s20] =	ssyncset.done $0x0  }
0x211: {  	s1 =	simm.s32 $0x400;
	[sflag:s20] =	ssyncadd.s32 $0xFFFFCE00  }
0x212: {  	[tilespmem:s19], [sflag:$0x1] =	stream.indirect.gather [hbm4b:s4+s22], $0x80, s1, s22, $0xb8;
	[tilespmem:$0x1B880] =	vst v63  }
0x213: {  	s6 =	simm.s32 $0x480  }
0x214: {  	[tilespmem:s24], [sflag:$0x2] =	stream.indirect.gather [hbm4b:s4+s22], $0x80, s6, s22, $0xb8;
	[tilespmem:$0x1B880] =	vst v63  }
0x215: {  	_ =	swait.ge [sflag:s25], $0x3200  }
0x216: {  	[sflag:s25] =	ssyncset.done $0x0  }
0x217: {  	s7 =	simm.s32 $0x1000;
	[sflag:s25] =	ssyncadd.s32 $0xFFFFCE00  }
0x218: {  	[spmem:s2] =	stream.indirect.scatter.add.f32 [tilespmem:s19], [sflag:$0x3], $0x80, s7, s22, $0xb8;
	[tilespmem:$0x1B880] =	vst v63  }
0x219: {  	_ =	swait.ge [sflag:s20], $0x3200  }
0x21a: {  	[sflag:s20] =	ssyncset.done $0x0  }
0x21b: {  	[sflag:s20] =	ssyncadd.s32 $0xFFFFCE00  }
0x21c: {  	_ =	swait.ge [sflag:s26], $0x3200  }
0x21d: {  	[sflag:s26] =	ssyncset.done $0x0  }
0x21e: {  	s8 =	simm.s32 $0x1080;
	[sflag:s26] =	ssyncadd.s32 $0xFFFFCE00  }
0x21f: {  	[spmem:s2] =	stream.indirect.scatter.add.f32 [tilespmem:s24], [sflag:$0x3], $0x80, s8, s22, $0xb8;
	[tilespmem:$0x1B880] =	vst v63  }
0x220: {  	_ =	swait.ge [sflag:s20], $0x3200  }
0x221: {  	[sflag:s20] =	ssyncset.done $0x0  }
0x222: {  	s9 =	simm.s32 $0x500;
	[sflag:s20] =	ssyncadd.s32 $0xFFFFCE00  }
0x223: {  	[tilespmem:s19], [sflag:$0x1] =	stream.indirect.gather [hbm4b:s4+s22], $0x80, s9, s22, $0xb8;
	[tilespmem:$0x1B880] =	vst v63  }
0x224: {  	s10 =	simm.s32 $0x580  }
0x225: {  	[tilespmem:s24], [sflag:$0x2] =	stream.indirect.gather [hbm4b:s4+s22], $0x80, s10, s22, $0xb8;
	[tilespmem:$0x1B880] =	vst v63  }
0x226: {  	_ =	swait.ge [sflag:s25], $0x3200  }
0x227: {  	[sflag:s25] =	ssyncset.done $0x0  }
0x228: {  	s11 =	simm.s32 $0x1100;
	[sflag:s25] =	ssyncadd.s32 $0xFFFFCE00  }
0x229: {  	[spmem:s2] =	stream.indirect.scatter.add.f32 [tilespmem:s19], [sflag:$0x3], $0x80, s11, s22, $0xb8;
	[tilespmem:$0x1B880] =	vst v63  }
0x22a: {  	_ =	swait.ge [sflag:s20], $0x3200  }
0x22b: {  	[sflag:s20] =	ssyncset.done $0x0  }
0x22c: {  	[sflag:s20] =	ssyncadd.s32 $0xFFFFCE00  }
0x22d: {  	_ =	swait.ge [sflag:s26], $0x3200  }
0x22e: {  	[sflag:s26] =	ssyncset.done $0x0  }
0x22f: {  	s12 =	simm.s32 $0x1180;
	[sflag:s26] =	ssyncadd.s32 $0xFFFFCE00  }
0x230: {  	[spmem:s2] =	stream.indirect.scatter.add.f32 [tilespmem:s24], [sflag:$0x3], $0x80, s12, s22, $0xb8;
	[tilespmem:$0x1B880] =	vst v63  }
0x231: {  	_ =	swait.ge [sflag:s20], $0x3200  }
0x232: {  	[sflag:s20] =	ssyncset.done $0x0  }
0x233: {  	s13 =	simm.s32 $0x600;
	[sflag:s20] =	ssyncadd.s32 $0xFFFFCE00  }
0x234: {  	[tilespmem:s19], [sflag:$0x1] =	stream.indirect.gather [hbm4b:s4+s22], $0x80, s13, s22, $0xb8;
	[tilespmem:$0x1B880] =	vst v63  }
0x235: {  	s14 =	simm.s32 $0x680  }
0x236: {  	[tilespmem:s24], [sflag:$0x2] =	stream.indirect.gather [hbm4b:s4+s22], $0x80, s14, s22, $0xb8;
	[tilespmem:$0x1B880] =	vst v63  }
0x237: {  	_ =	swait.ge [sflag:s25], $0x3200  }
0x238: {  	[sflag:s25] =	ssyncset.done $0x0  }
0x239: {  	s15 =	simm.s32 $0x1200;
	[sflag:s25] =	ssyncadd.s32 $0xFFFFCE00  }
0x23a: {  	[spmem:s2] =	stream.indirect.scatter.add.f32 [tilespmem:s19], [sflag:$0x3], $0x80, s15, s22, $0xb8;
	[tilespmem:$0x1B880] =	vst v63  }
0x23b: {  	_ =	swait.ge [sflag:s20], $0x3200  }
0x23c: {  	[sflag:s20] =	ssyncset.done $0x0  }
0x23d: {  	[sflag:s20] =	ssyncadd.s32 $0xFFFFCE00  }
0x23e: {  	_ =	swait.ge [sflag:s26], $0x3200  }
0x23f: {  	[sflag:s26] =	ssyncset.done $0x0  }
0x240: {  	s16 =	simm.s32 $0x1280;
	[sflag:s26] =	ssyncadd.s32 $0xFFFFCE00  }
0x241: {  	[spmem:s2] =	stream.indirect.scatter.add.f32 [tilespmem:s24], [sflag:$0x3], $0x80, s16, s22, $0xb8;
	[tilespmem:$0x1B880] =	vst v63  }
0x242: {  	_ =	swait.ge [sflag:s20], $0x3200  }
0x243: {  	[sflag:s20] =	ssyncset.done $0x0  }
0x244: {  	s23 =	simm.s32 $0x700;
	[sflag:s20] =	ssyncadd.s32 $0xFFFFCE00  }
0x245: {  	[tilespmem:s19], [sflag:$0x1] =	stream.indirect.gather [hbm4b:s4+s22], $0x80, s23, s22, $0xb8;
	[tilespmem:$0x1B880] =	vst v63  }
0x246: {  	s28 =	simm.s32 $0x780  }
0x247: {  	[tilespmem:s24], [sflag:$0x2] =	stream.indirect.gather [hbm4b:s4+s22], $0x80, s28, s22, $0xb8;
	[tilespmem:$0x1B880] =	vst v63  }
0x248: {  	_ =	swait.ge [sflag:s25], $0x3200  }
0x249: {  	[sflag:s25] =	ssyncset.done $0x0  }
0x24a: {  	s30 =	simm.s32 $0x1300;
	[sflag:s25] =	ssyncadd.s32 $0xFFFFCE00  }
0x24b: {  	[spmem:s2] =	stream.indirect.scatter.add.f32 [tilespmem:s19], [sflag:$0x3], $0x80, s30, s22, $0xb8;
	[tilespmem:$0x1B880] =	vst v63  }
0x24c: {  	_ =	swait.ge [sflag:s20], $0x3200  }
0x24d: {  	[sflag:s20] =	ssyncset.done $0x0  }
0x24e: {  	[sflag:s20] =	ssyncadd.s32 $0xFFFFCE00  }
0x24f: {  	_ =	swait.ge [sflag:s26], $0x3200  }
0x250: {  	[sflag:s26] =	ssyncset.done $0x0  }
0x251: {  	s31 =	simm.s32 $0x1380;
	[sflag:s26] =	ssyncadd.s32 $0xFFFFCE00  }
0x252: {  	[spmem:s2] =	stream.indirect.scatter.add.f32 [tilespmem:s24], [sflag:$0x3], $0x80, s31, s22, $0xb8;
	[tilespmem:$0x1B880] =	vst v63  }
0x253: {  	_ =	swait.ge [sflag:s20], $0x3200  }
0x254: {  	[sflag:s20] =	ssyncset.done $0x0  }
0x255: {  	s1 =	simm.s32 $0x800;
	[sflag:s20] =	ssyncadd.s32 $0xFFFFCE00  }
0x256: {  	[tilespmem:s19], [sflag:$0x1] =	stream.indirect.gather [hbm4b:s4+s22], $0x80, s1, s22, $0xb8;
	[tilespmem:$0x1B880] =	vst v63  }
0x257: {  	s6 =	simm.s32 $0x880  }
0x258: {  	[tilespmem:s24], [sflag:$0x2] =	stream.indirect.gather [hbm4b:s4+s22], $0x80, s6, s22, $0xb8;
	[tilespmem:$0x1B880] =	vst v63  }
0x259: {  	_ =	swait.ge [sflag:s25], $0x3200  }
0x25a: {  	[sflag:s25] =	ssyncset.done $0x0  }
0x25b: {  	s7 =	simm.s32 $0x1400;
	[sflag:s25] =	ssyncadd.s32 $0xFFFFCE00  }
0x25c: {  	[spmem:s2] =	stream.indirect.scatter.add.f32 [tilespmem:s19], [sflag:$0x3], $0x80, s7, s22, $0xb8;
	[tilespmem:$0x1B880] =	vst v63  }
0x25d: {  	_ =	swait.ge [sflag:s20], $0x3200  }
0x25e: {  	[sflag:s20] =	ssyncset.done $0x0  }
0x25f: {  	[sflag:s20] =	ssyncadd.s32 $0xFFFFCE00  }
0x260: {  	_ =	swait.ge [sflag:s26], $0x3200  }
0x261: {  	[sflag:s26] =	ssyncset.done $0x0  }
0x262: {  	s8 =	simm.s32 $0x1480;
	[sflag:s26] =	ssyncadd.s32 $0xFFFFCE00  }
0x263: {  	[spmem:s2] =	stream.indirect.scatter.add.f32 [tilespmem:s24], [sflag:$0x3], $0x80, s8, s22, $0xb8;
	[tilespmem:$0x1B880] =	vst v63  }
0x264: {  	_ =	swait.ge [sflag:s20], $0x3200  }
0x265: {  	[sflag:s20] =	ssyncset.done $0x0  }
0x266: {  	s9 =	simm.s32 $0x900;
	[sflag:s20] =	ssyncadd.s32 $0xFFFFCE00  }
0x267: {  	[tilespmem:s19], [sflag:$0x1] =	stream.indirect.gather [hbm4b:s4+s22], $0x80, s9, s22, $0xb8;
	[tilespmem:$0x1B880] =	vst v63  }
0x268: {  	s10 =	simm.s32 $0x980  }
0x269: {  	[tilespmem:s24], [sflag:$0x2] =	stream.indirect.gather [hbm4b:s4+s22], $0x80, s10, s22, $0xb8;
	[tilespmem:$0x1B880] =	vst v63  }
0x26a: {  	_ =	swait.ge [sflag:s25], $0x3200  }
0x26b: {  	[sflag:s25] =	ssyncset.done $0x0  }
0x26c: {  	s11 =	simm.s32 $0x1500;
	[sflag:s25] =	ssyncadd.s32 $0xFFFFCE00  }
0x26d: {  	[spmem:s2] =	stream.indirect.scatter.add.f32 [tilespmem:s19], [sflag:$0x3], $0x80, s11, s22, $0xb8;
	[tilespmem:$0x1B880] =	vst v63  }
0x26e: {  	_ =	swait.ge [sflag:s20], $0x3200  }
0x26f: {  	[sflag:s20] =	ssyncset.done $0x0  }
0x270: {  	[sflag:s20] =	ssyncadd.s32 $0xFFFFCE00  }
0x271: {  	_ =	swait.ge [sflag:s26], $0x3200  }
0x272: {  	[sflag:s26] =	ssyncset.done $0x0  }
0x273: {  	s12 =	simm.s32 $0x1580;
	[sflag:s26] =	ssyncadd.s32 $0xFFFFCE00  }
0x274: {  	[spmem:s2] =	stream.indirect.scatter.add.f32 [tilespmem:s24], [sflag:$0x3], $0x80, s12, s22, $0xb8;
	[tilespmem:$0x1B880] =	vst v63  }
0x275: {  	_ =	swait.ge [sflag:s20], $0x3200  }
0x276: {  	[sflag:s20] =	ssyncset.done $0x0  }
0x277: {  	[sflag:s20] =	ssyncadd.s32 $0xFFFFCE00  }
0x278: {  	s13 =	stileid.u32;
	[bflag:$0x0] =	sbarrier.arrive $0xFFFF  }
0x279: {  	s0 =	sshll.u32 s13, $0x6;
	s14 =	rddreg [dreg:$0x6]  }
0x27a: {  	s0 =	sor.u32 $0x1C03, s0;
	s29 =	rddreg [dreg:$0x10];
	s6 =	sshrl.u32 s14, $0x3  }
0x27b: {  	[hbm:s29], [sflag:s0] =	dma.local [spmem:s6], $0x500  }
0x27c: {  	_ =	swait.ge [sflag:s20], $0x500  }
0x27d: {  	[sflag:s20] =	ssyncset.done $0x0;
	s15 =	rddreg [dreg:$0x7]  }
0x27e: {  	s29 =	rddreg [dreg:$0x12];
	[sflag:s20] =	ssyncadd.s32 $0xFFFFFB00;
	s6 =	sshrl.u32 s15, $0x3  }
0x27f: {  	[hbm:s29], [sflag:s0] =	dma.local [spmem:s6], $0x500  }
0x280: {  	_ =	swait.ge [sflag:s20], $0x500  }
0x281: {  	[sflag:s20] =	ssyncset.done $0x0;
	s16 =	rddreg [dreg:$0x8]  }
0x282: {  	s29 =	rddreg [dreg:$0x14];
	[sflag:s20] =	ssyncadd.s32 $0xFFFFFB00;
	s6 =	sshrl.u32 s16, $0x3  }
0x283: {  	[hbm:s29], [sflag:s0] =	dma.local [spmem:s6], $0x500  }
0x284: {  	_ =	swait.ge [sflag:s20], $0x500  }
0x285: {  	[sflag:s20] =	ssyncset.done $0x0;
	s23 =	rddreg [dreg:$0x9]  }
0x286: {  	s29 =	rddreg [dreg:$0x16];
	[sflag:s20] =	ssyncadd.s32 $0xFFFFFB00;
	s6 =	sshrl.u32 s23, $0x3  }
0x287: {  	[hbm:s29], [sflag:s0] =	dma.local [spmem:s6], $0x500  }
0x288: {  	_ =	swait.ge [sflag:s20], $0x500  }
0x289: {  	[sflag:s20] =	ssyncset.done $0x0;
	s28 =	rddreg [dreg:$0xa]  }
0x28a: {  	s29 =	rddreg [dreg:$0x18];
	[sflag:s20] =	ssyncadd.s32 $0xFFFFFB00;
	s6 =	sshrl.u32 s28, $0x3  }
0x28b: {  	[hbm:s29], [sflag:s0] =	dma.local [spmem:s6], $0x500  }
0x28c: {  	_ =	swait.ge [sflag:s20], $0x500  }
0x28d: {  	[sflag:s20] =	ssyncset.done $0x0;
	s30 =	rddreg [dreg:$0xb]  }
0x28e: {  	s29 =	rddreg [dreg:$0x1a];
	[sflag:s20] =	ssyncadd.s32 $0xFFFFFB00;
	s6 =	sshrl.u32 s30, $0x3  }
0x28f: {  	[hbm:s29], [sflag:s0] =	dma.local [spmem:s6], $0x500  }
0x290: {  	_ =	swait.ge [sflag:s20], $0x500  }
0x291: {  	[sflag:s20] =	ssyncset.done $0x0;
	s31 =	rddreg [dreg:$0xc]  }
0x292: {  	s29 =	rddreg [dreg:$0x1c];
	[sflag:s20] =	ssyncadd.s32 $0xFFFFFB00;
	s6 =	sshrl.u32 s31, $0x3  }
0x293: {  	[hbm:s29], [sflag:s0] =	dma.local [spmem:s6], $0x500  }
.Ltmp5:
0x294: {  	_ = 	snop;
	(pc) =	sbr.rel @p2 .LBB2_10-.Ltmp5, $4  }
.Ltmp6:
0x295: {  	_ = 	snop;
	(pc) =	sbr.rel @!p2 .LBB2_11-.Ltmp6, $4  }
0x296: {  	_ =	swait.ge [sflag:s20], $0x500  }
0x297: {  	[sflag:s20] =	ssyncset.done $0x0;
	s29 =	rddreg [dreg:$0x3]  }
0x298: {  	s1 =	rddreg [dreg:$0x1d];
	[sflag:s20] =	ssyncadd.s32 $0xFFFFFB00  }
0x299: {  	_ = 	snop  }
.LBB2_7:
0x29a: {  	[tilespmem:s3], [sflag:$0x3] =	stream.linear.gather [hbm4b:s0+s3], $0xA00, $0x38;
	[tilespmem:$0x1B880] =	vst v63  }
0x29b: {  	_ =	swait.ge [sflag:s20], $0xA00  }
0x29c: {  	[sflag:s20] =	ssyncset.done $0x0  }
0x29d: {  	s30 =	sadd.s32 $0x0, s18;
	[sflag:s20] =	ssyncadd.s32 $0xFFFFF600  }
0x29e: {  	[tilespmem:s21], [sflag:$0x3] =	stream.linear.gather [hbm4b:s30+s3], $0xA00, $0x38;
	[tilespmem:$0x1B880] =	vst v63  }
0x29f: {  	_ =	swait.ge [sflag:s20], $0xA00  }
0x2a0: {  	[sflag:s20] =	ssyncset.done $0x0  }
0x2a1: {  	[sflag:s20] =	ssyncadd.s32 $0xFFFFF600  }
0x2a2: {  	[tilespmem:s19], [sflag:$0x1] =	stream.indirect.gather [hbm4b:s5+s22], $0x80, s3, s22, $0xb8;
	[tilespmem:$0x1B880] =	vst v63  }
0x2a3: {  	s1 =	simm.s32 $0x80  }
0x2a4: {  	[tilespmem:s24], [sflag:$0x2] =	stream.indirect.gather [hbm4b:s5+s22], $0x80, s1, s22, $0xb8;
	[tilespmem:$0x1B880] =	vst v63  }
0x2a5: {  	_ =	swait.ge [sflag:s25], $0x3200  }
0x2a6: {  	[sflag:s25] =	ssyncset.done $0x0  }
0x2a7: {  	[sflag:s25] =	ssyncadd.s32 $0xFFFFCE00  }
0x2a8: {  	[spmem:s2] =	stream.indirect.scatter.add.f32 [tilespmem:s19], [sflag:$0x3], $0x80, s21, s22, $0xb8;
	[tilespmem:$0x1B880] =	vst v63  }
0x2a9: {  	_ =	swait.ge [sflag:s20], $0x3200  }
0x2aa: {  	[sflag:s20] =	ssyncset.done $0x0  }
0x2ab: {  	[sflag:s20] =	ssyncadd.s32 $0xFFFFCE00  }
0x2ac: {  	_ =	swait.ge [sflag:s26], $0x3200  }
0x2ad: {  	[sflag:s26] =	ssyncset.done $0x0  }
0x2ae: {  	s7 =	simm.s32 $0xC80;
	[sflag:s26] =	ssyncadd.s32 $0xFFFFCE00  }
0x2af: {  	[spmem:s2] =	stream.indirect.scatter.add.f32 [tilespmem:s24], [sflag:$0x3], $0x80, s7, s22, $0xb8;
	[tilespmem:$0x1B880] =	vst v63  }
0x2b0: {  	_ =	swait.ge [sflag:s20], $0x3200  }
0x2b1: {  	[sflag:s20] =	ssyncset.done $0x0  }
0x2b2: {  	s1 =	simm.s32 $0x100;
	[sflag:s20] =	ssyncadd.s32 $0xFFFFCE00  }
0x2b3: {  	[tilespmem:s19], [sflag:$0x1] =	stream.indirect.gather [hbm4b:s5+s22], $0x80, s1, s22, $0xb8;
	[tilespmem:$0x1B880] =	vst v63  }
0x2b4: {  	s8 =	simm.s32 $0x180  }
0x2b5: {  	[tilespmem:s24], [sflag:$0x2] =	stream.indirect.gather [hbm4b:s5+s22], $0x80, s8, s22, $0xb8;
	[tilespmem:$0x1B880] =	vst v63  }
0x2b6: {  	_ =	swait.ge [sflag:s25], $0x3200  }
0x2b7: {  	[sflag:s25] =	ssyncset.done $0x0  }
0x2b8: {  	s16 =	simm.s32 $0xD00;
	[sflag:s25] =	ssyncadd.s32 $0xFFFFCE00  }
0x2b9: {  	[spmem:s2] =	stream.indirect.scatter.add.f32 [tilespmem:s19], [sflag:$0x3], $0x80, s16, s22, $0xb8;
	[tilespmem:$0x1B880] =	vst v63  }
0x2ba: {  	_ =	swait.ge [sflag:s20], $0x3200  }
0x2bb: {  	[sflag:s20] =	ssyncset.done $0x0  }
0x2bc: {  	[sflag:s20] =	ssyncadd.s32 $0xFFFFCE00  }
0x2bd: {  	_ =	swait.ge [sflag:s26], $0x3200  }
0x2be: {  	[sflag:s26] =	ssyncset.done $0x0  }
0x2bf: {  	s9 =	simm.s32 $0xD80;
	[sflag:s26] =	ssyncadd.s32 $0xFFFFCE00  }
0x2c0: {  	[spmem:s2] =	stream.indirect.scatter.add.f32 [tilespmem:s24], [sflag:$0x3], $0x80, s9, s22, $0xb8;
	[tilespmem:$0x1B880] =	vst v63  }
0x2c1: {  	_ =	swait.ge [sflag:s20], $0x3200  }
0x2c2: {  	[sflag:s20] =	ssyncset.done $0x0  }
0x2c3: {  	s10 =	simm.s32 $0x200;
	[sflag:s20] =	ssyncadd.s32 $0xFFFFCE00  }
0x2c4: {  	[tilespmem:s19], [sflag:$0x1] =	stream.indirect.gather [hbm4b:s5+s22], $0x80, s10, s22, $0xb8;
	[tilespmem:$0x1B880] =	vst v63  }
0x2c5: {  	s11 =	simm.s32 $0x280  }
0x2c6: {  	[tilespmem:s24], [sflag:$0x2] =	stream.indirect.gather [hbm4b:s5+s22], $0x80, s11, s22, $0xb8;
	[tilespmem:$0x1B880] =	vst v63  }
0x2c7: {  	_ =	swait.ge [sflag:s25], $0x3200  }
0x2c8: {  	[sflag:s25] =	ssyncset.done $0x0  }
0x2c9: {  	s12 =	simm.s32 $0xE00;
	[sflag:s25] =	ssyncadd.s32 $0xFFFFCE00  }
0x2ca: {  	[spmem:s2] =	stream.indirect.scatter.add.f32 [tilespmem:s19], [sflag:$0x3], $0x80, s12, s22, $0xb8;
	[tilespmem:$0x1B880] =	vst v63  }
0x2cb: {  	_ =	swait.ge [sflag:s20], $0x3200  }
0x2cc: {  	[sflag:s20] =	ssyncset.done $0x0  }
0x2cd: {  	[sflag:s20] =	ssyncadd.s32 $0xFFFFCE00  }
0x2ce: {  	_ =	swait.ge [sflag:s26], $0x3200  }
0x2cf: {  	[sflag:s26] =	ssyncset.done $0x0  }
0x2d0: {  	s13 =	simm.s32 $0xE80;
	[sflag:s26] =	ssyncadd.s32 $0xFFFFCE00  }
0x2d1: {  	[spmem:s2] =	stream.indirect.scatter.add.f32 [tilespmem:s24], [sflag:$0x3], $0x80, s13, s22, $0xb8;
	[tilespmem:$0x1B880] =	vst v63  }
0x2d2: {  	_ =	swait.ge [sflag:s20], $0x3200  }
0x2d3: {  	[sflag:s20] =	ssyncset.done $0x0  }
0x2d4: {  	s14 =	simm.s32 $0x300;
	[sflag:s20] =	ssyncadd.s32 $0xFFFFCE00  }
0x2d5: {  	[tilespmem:s19], [sflag:$0x1] =	stream.indirect.gather [hbm4b:s5+s22], $0x80, s14, s22, $0xb8;
	[tilespmem:$0x1B880] =	vst v63  }
0x2d6: {  	s15 =	simm.s32 $0x380  }
0x2d7: {  	[tilespmem:s24], [sflag:$0x2] =	stream.indirect.gather [hbm4b:s5+s22], $0x80, s15, s22, $0xb8;
	[tilespmem:$0x1B880] =	vst v63  }
0x2d8: {  	_ =	swait.ge [sflag:s25], $0x3200  }
0x2d9: {  	[sflag:s25] =	ssyncset.done $0x0  }
0x2da: {  	s23 =	simm.s32 $0xF00;
	[sflag:s25] =	ssyncadd.s32 $0xFFFFCE00  }
0x2db: {  	[spmem:s2] =	stream.indirect.scatter.add.f32 [tilespmem:s19], [sflag:$0x3], $0x80, s23, s22, $0xb8;
	[tilespmem:$0x1B880] =	vst v63  }
0x2dc: {  	_ =	swait.ge [sflag:s20], $0x3200  }
0x2dd: {  	[sflag:s20] =	ssyncset.done $0x0  }
0x2de: {  	[sflag:s20] =	ssyncadd.s32 $0xFFFFCE00  }
0x2df: {  	_ =	swait.ge [sflag:s26], $0x3200  }
0x2e0: {  	[sflag:s26] =	ssyncset.done $0x0  }
0x2e1: {  	s28 =	simm.s32 $0xF80;
	[sflag:s26] =	ssyncadd.s32 $0xFFFFCE00  }
0x2e2: {  	[spmem:s2] =	stream.indirect.scatter.add.f32 [tilespmem:s24], [sflag:$0x3], $0x80, s28, s22, $0xb8;
	[tilespmem:$0x1B880] =	vst v63  }
0x2e3: {  	_ =	swait.ge [sflag:s20], $0x3200  }
0x2e4: {  	[sflag:s20] =	ssyncset.done $0x0  }
0x2e5: {  	s6 =	simm.s32 $0x400;
	[sflag:s20] =	ssyncadd.s32 $0xFFFFCE00  }
0x2e6: {  	[tilespmem:s19], [sflag:$0x1] =	stream.indirect.gather [hbm4b:s5+s22], $0x80, s6, s22, $0xb8;
	[tilespmem:$0x1B880] =	vst v63  }
0x2e7: {  	s30 =	simm.s32 $0x480  }
0x2e8: {  	[tilespmem:s24], [sflag:$0x2] =	stream.indirect.gather [hbm4b:s5+s22], $0x80, s30, s22, $0xb8;
	[tilespmem:$0x1B880] =	vst v63  }
0x2e9: {  	_ =	swait.ge [sflag:s25], $0x3200  }
0x2ea: {  	[sflag:s25] =	ssyncset.done $0x0  }
0x2eb: {  	s6 =	simm.s32 $0x1000;
	[sflag:s25] =	ssyncadd.s32 $0xFFFFCE00  }
0x2ec: {  	[spmem:s2] =	stream.indirect.scatter.add.f32 [tilespmem:s19], [sflag:$0x3], $0x80, s6, s22, $0xb8;
	[tilespmem:$0x1B880] =	vst v63  }
0x2ed: {  	_ =	swait.ge [sflag:s20], $0x3200  }
0x2ee: {  	[sflag:s20] =	ssyncset.done $0x0  }
0x2ef: {  	[sflag:s20] =	ssyncadd.s32 $0xFFFFCE00  }
0x2f0: {  	_ =	swait.ge [sflag:s26], $0x3200  }
0x2f1: {  	[sflag:s26] =	ssyncset.done $0x0  }
0x2f2: {  	s30 =	simm.s32 $0x1080;
	[sflag:s26] =	ssyncadd.s32 $0xFFFFCE00  }
0x2f3: {  	[spmem:s2] =	stream.indirect.scatter.add.f32 [tilespmem:s24], [sflag:$0x3], $0x80, s30, s22, $0xb8;
	[tilespmem:$0x1B880] =	vst v63  }
0x2f4: {  	_ =	swait.ge [sflag:s20], $0x3200  }
0x2f5: {  	[sflag:s20] =	ssyncset.done $0x0  }
0x2f6: {  	s6 =	simm.s32 $0x500;
	[sflag:s20] =	ssyncadd.s32 $0xFFFFCE00  }
0x2f7: {  	[tilespmem:s19], [sflag:$0x1] =	stream.indirect.gather [hbm4b:s5+s22], $0x80, s6, s22, $0xb8;
	[tilespmem:$0x1B880] =	vst v63  }
0x2f8: {  	s30 =	simm.s32 $0x580  }
0x2f9: {  	[tilespmem:s24], [sflag:$0x2] =	stream.indirect.gather [hbm4b:s5+s22], $0x80, s30, s22, $0xb8;
	[tilespmem:$0x1B880] =	vst v63  }
0x2fa: {  	_ =	swait.ge [sflag:s25], $0x3200  }
0x2fb: {  	[sflag:s25] =	ssyncset.done $0x0  }
0x2fc: {  	s6 =	simm.s32 $0x1100;
	[sflag:s25] =	ssyncadd.s32 $0xFFFFCE00  }
0x2fd: {  	[spmem:s2] =	stream.indirect.scatter.add.f32 [tilespmem:s19], [sflag:$0x3], $0x80, s6, s22, $0xb8;
	[tilespmem:$0x1B880] =	vst v63  }
0x2fe: {  	_ =	swait.ge [sflag:s20], $0x3200  }
0x2ff: {  	[sflag:s20] =	ssyncset.done $0x0  }
0x300: {  	[sflag:s20] =	ssyncadd.s32 $0xFFFFCE00  }
0x301: {  	_ =	swait.ge [sflag:s26], $0x3200  }
0x302: {  	[sflag:s26] =	ssyncset.done $0x0  }
0x303: {  	s30 =	simm.s32 $0x1180;
	[sflag:s26] =	ssyncadd.s32 $0xFFFFCE00  }
0x304: {  	[spmem:s2] =	stream.indirect.scatter.add.f32 [tilespmem:s24], [sflag:$0x3], $0x80, s30, s22, $0xb8;
	[tilespmem:$0x1B880] =	vst v63  }
0x305: {  	_ =	swait.ge [sflag:s20], $0x3200  }
0x306: {  	[sflag:s20] =	ssyncset.done $0x0  }
0x307: {  	s6 =	simm.s32 $0x600;
	[sflag:s20] =	ssyncadd.s32 $0xFFFFCE00  }
0x308: {  	[tilespmem:s19], [sflag:$0x1] =	stream.indirect.gather [hbm4b:s5+s22], $0x80, s6, s22, $0xb8;
	[tilespmem:$0x1B880] =	vst v63  }
0x309: {  	s30 =	simm.s32 $0x680  }
0x30a: {  	[tilespmem:s24], [sflag:$0x2] =	stream.indirect.gather [hbm4b:s5+s22], $0x80, s30, s22, $0xb8;
	[tilespmem:$0x1B880] =	vst v63  }
0x30b: {  	_ =	swait.ge [sflag:s25], $0x3200  }
0x30c: {  	[sflag:s25] =	ssyncset.done $0x0  }
0x30d: {  	s6 =	simm.s32 $0x1200;
	[sflag:s25] =	ssyncadd.s32 $0xFFFFCE00  }
0x30e: {  	[spmem:s2] =	stream.indirect.scatter.add.f32 [tilespmem:s19], [sflag:$0x3], $0x80, s6, s22, $0xb8;
	[tilespmem:$0x1B880] =	vst v63  }
0x30f: {  	_ =	swait.ge [sflag:s20], $0x3200  }
0x310: {  	[sflag:s20] =	ssyncset.done $0x0  }
0x311: {  	[sflag:s20] =	ssyncadd.s32 $0xFFFFCE00  }
0x312: {  	_ =	swait.ge [sflag:s26], $0x3200  }
0x313: {  	[sflag:s26] =	ssyncset.done $0x0  }
0x314: {  	s30 =	simm.s32 $0x1280;
	[sflag:s26] =	ssyncadd.s32 $0xFFFFCE00  }
0x315: {  	[spmem:s2] =	stream.indirect.scatter.add.f32 [tilespmem:s24], [sflag:$0x3], $0x80, s30, s22, $0xb8;
	[tilespmem:$0x1B880] =	vst v63  }
0x316: {  	_ =	swait.ge [sflag:s20], $0x3200  }
0x317: {  	[sflag:s20] =	ssyncset.done $0x0  }
0x318: {  	s6 =	simm.s32 $0x700;
	[sflag:s20] =	ssyncadd.s32 $0xFFFFCE00  }
0x319: {  	[tilespmem:s19], [sflag:$0x1] =	stream.indirect.gather [hbm4b:s5+s22], $0x80, s6, s22, $0xb8;
	[tilespmem:$0x1B880] =	vst v63  }
0x31a: {  	s30 =	simm.s32 $0x780  }
0x31b: {  	[tilespmem:s24], [sflag:$0x2] =	stream.indirect.gather [hbm4b:s5+s22], $0x80, s30, s22, $0xb8;
	[tilespmem:$0x1B880] =	vst v63  }
0x31c: {  	_ =	swait.ge [sflag:s25], $0x3200  }
0x31d: {  	[sflag:s25] =	ssyncset.done $0x0  }
0x31e: {  	s6 =	simm.s32 $0x1300;
	[sflag:s25] =	ssyncadd.s32 $0xFFFFCE00  }
0x31f: {  	[spmem:s2] =	stream.indirect.scatter.add.f32 [tilespmem:s19], [sflag:$0x3], $0x80, s6, s22, $0xb8;
	[tilespmem:$0x1B880] =	vst v63  }
0x320: {  	_ =	swait.ge [sflag:s20], $0x3200  }
0x321: {  	[sflag:s20] =	ssyncset.done $0x0  }
0x322: {  	[sflag:s20] =	ssyncadd.s32 $0xFFFFCE00  }
0x323: {  	_ =	swait.ge [sflag:s26], $0x3200  }
0x324: {  	[sflag:s26] =	ssyncset.done $0x0  }
0x325: {  	s30 =	simm.s32 $0x1380;
	[sflag:s26] =	ssyncadd.s32 $0xFFFFCE00  }
0x326: {  	[spmem:s2] =	stream.indirect.scatter.add.f32 [tilespmem:s24], [sflag:$0x3], $0x80, s30, s22, $0xb8;
	[tilespmem:$0x1B880] =	vst v63  }
0x327: {  	_ =	swait.ge [sflag:s20], $0x3200  }
0x328: {  	[sflag:s20] =	ssyncset.done $0x0  }
0x329: {  	s6 =	simm.s32 $0x800;
	[sflag:s20] =	ssyncadd.s32 $0xFFFFCE00  }
0x32a: {  	[tilespmem:s19], [sflag:$0x1] =	stream.indirect.gather [hbm4b:s5+s22], $0x80, s6, s22, $0xb8;
	[tilespmem:$0x1B880] =	vst v63  }
0x32b: {  	s30 =	simm.s32 $0x880  }
0x32c: {  	[tilespmem:s24], [sflag:$0x2] =	stream.indirect.gather [hbm4b:s5+s22], $0x80, s30, s22, $0xb8;
	[tilespmem:$0x1B880] =	vst v63  }
0x32d: {  	_ =	swait.ge [sflag:s25], $0x3200  }
0x32e: {  	[sflag:s25] =	ssyncset.done $0x0  }
0x32f: {  	s6 =	simm.s32 $0x1400;
	[sflag:s25] =	ssyncadd.s32 $0xFFFFCE00  }
0x330: {  	[spmem:s2] =	stream.indirect.scatter.add.f32 [tilespmem:s19], [sflag:$0x3], $0x80, s6, s22, $0xb8;
	[tilespmem:$0x1B880] =	vst v63  }
0x331: {  	_ =	swait.ge [sflag:s20], $0x3200  }
0x332: {  	[sflag:s20] =	ssyncset.done $0x0  }
0x333: {  	[sflag:s20] =	ssyncadd.s32 $0xFFFFCE00  }
0x334: {  	_ =	swait.ge [sflag:s26], $0x3200  }
0x335: {  	[sflag:s26] =	ssyncset.done $0x0  }
0x336: {  	s30 =	simm.s32 $0x1480;
	[sflag:s26] =	ssyncadd.s32 $0xFFFFCE00  }
0x337: {  	[spmem:s2] =	stream.indirect.scatter.add.f32 [tilespmem:s24], [sflag:$0x3], $0x80, s30, s22, $0xb8;
	[tilespmem:$0x1B880] =	vst v63  }
0x338: {  	_ =	swait.ge [sflag:s20], $0x3200  }
0x339: {  	[sflag:s20] =	ssyncset.done $0x0  }
0x33a: {  	s6 =	simm.s32 $0x900;
	[sflag:s20] =	ssyncadd.s32 $0xFFFFCE00  }
0x33b: {  	[tilespmem:s19], [sflag:$0x1] =	stream.indirect.gather [hbm4b:s5+s22], $0x80, s6, s22, $0xb8;
	[tilespmem:$0x1B880] =	vst v63  }
0x33c: {  	s30 =	simm.s32 $0x980  }
0x33d: {  	[tilespmem:s24], [sflag:$0x2] =	stream.indirect.gather [hbm4b:s5+s22], $0x80, s30, s22, $0xb8;
	[tilespmem:$0x1B880] =	vst v63  }
0x33e: {  	_ =	swait.ge [sflag:s25], $0x3200  }
0x33f: {  	[sflag:s25] =	ssyncset.done $0x0  }
0x340: {  	s6 =	simm.s32 $0x1500;
	[sflag:s25] =	ssyncadd.s32 $0xFFFFCE00  }
0x341: {  	[spmem:s2] =	stream.indirect.scatter.add.f32 [tilespmem:s19], [sflag:$0x3], $0x80, s6, s22, $0xb8;
	[tilespmem:$0x1B880] =	vst v63  }
0x342: {  	_ =	swait.ge [sflag:s20], $0x3200  }
0x343: {  	[sflag:s20] =	ssyncset.done $0x0  }
0x344: {  	[sflag:s20] =	ssyncadd.s32 $0xFFFFCE00  }
0x345: {  	_ =	swait.ge [sflag:s26], $0x3200  }
0x346: {  	[sflag:s26] =	ssyncset.done $0x0  }
0x347: {  	s30 =	simm.s32 $0x1580;
	[sflag:s26] =	ssyncadd.s32 $0xFFFFCE00  }
0x348: {  	[spmem:s2] =	stream.indirect.scatter.add.f32 [tilespmem:s24], [sflag:$0x3], $0x80, s30, s22, $0xb8;
	[tilespmem:$0x1B880] =	vst v63  }
0x349: {  	_ =	swait.ge [sflag:s20], $0x3200  }
0x34a: {  	s29 =	simm.s32 $0x180;
	s31 =	simm.s32 $0x300;
	[sflag:s20] =	ssyncset.done $0x0  }
.LBB2_8:
0x34b: {  	s0 =	sadd.s32 s29, s17  }
0x34c: {  	[sflag:s20] =	ssyncadd.s32 $0xFFFFCE00;
	s6 =	smov.u32 s31;
	s30 =	sadd.s32 $0x180, s31  }
0x34d: {  	[tilespmem:s3], [sflag:$0x3] =	stream.linear.gather [hbm4b:s0+s3], $0xA00, $0x38;
	[tilespmem:$0x1B880] =	vst v63  }
0x34e: {  	p3 =	seq.s32 s31, $0x600;
	_ =	swait.ge [sflag:s20], $0xA00  }
0x34f: {  	s0 =	sadd.s32 s29, s18;
	[sflag:s20] =	ssyncset.done $0x0  }
0x350: {  	s29 =	smov.u32 s6;
	s6 =	simm.s32 $0x80;
	[sflag:s20] =	ssyncadd.s32 $0xFFFFF600  }
0x351: {  	[tilespmem:s21], [sflag:$0x3] =	stream.linear.gather [hbm4b:s0+s3], $0xA00, $0x38;
	[tilespmem:$0x1B880] =	vst v63  }
0x352: {  	_ =	swait.ge [sflag:s20], $0xA00  }
0x353: {  	[sflag:s20] =	ssyncset.done $0x0  }
0x354: {  	[sflag:s20] =	ssyncadd.s32 $0xFFFFF600  }
0x355: {  	[tilespmem:s19], [sflag:$0x1] =	stream.indirect.gather [hbm4b:s5+s22], $0x80, s3, s22, $0xb8;
	[tilespmem:$0x1B880] =	vst v63  }
0x356: {  	_ = 	snop  }
0x357: {  	[tilespmem:s24], [sflag:$0x2] =	stream.indirect.gather [hbm4b:s5+s22], $0x80, s6, s22, $0xb8;
	[tilespmem:$0x1B880] =	vst v63  }
0x358: {  	_ =	swait.ge [sflag:s25], $0x3200  }
0x359: {  	[sflag:s25] =	ssyncset.done $0x0  }
0x35a: {  	[sflag:s25] =	ssyncadd.s32 $0xFFFFCE00  }
0x35b: {  	[spmem:s2] =	stream.indirect.scatter.add.f32 [tilespmem:s19], [sflag:$0x3], $0x80, s21, s22, $0xb8;
	[tilespmem:$0x1B880] =	vst v63  }
0x35c: {  	_ =	swait.ge [sflag:s20], $0x3200  }
0x35d: {  	[sflag:s20] =	ssyncset.done $0x0  }
0x35e: {  	[sflag:s20] =	ssyncadd.s32 $0xFFFFCE00  }
0x35f: {  	_ =	swait.ge [sflag:s26], $0x3200  }
0x360: {  	[sflag:s26] =	ssyncset.done $0x0  }
0x361: {  	[sflag:s26] =	ssyncadd.s32 $0xFFFFCE00  }
0x362: {  	[spmem:s2] =	stream.indirect.scatter.add.f32 [tilespmem:s24], [sflag:$0x3], $0x80, s7, s22, $0xb8;
	[tilespmem:$0x1B880] =	vst v63  }
0x363: {  	_ =	swait.ge [sflag:s20], $0x3200  }
0x364: {  	[sflag:s20] =	ssyncset.done $0x0  }
0x365: {  	[sflag:s20] =	ssyncadd.s32 $0xFFFFCE00  }
0x366: {  	[tilespmem:s19], [sflag:$0x1] =	stream.indirect.gather [hbm4b:s5+s22], $0x80, s1, s22, $0xb8;
	[tilespmem:$0x1B880] =	vst v63  }
0x367: {  	_ = 	snop  }
0x368: {  	[tilespmem:s24], [sflag:$0x2] =	stream.indirect.gather [hbm4b:s5+s22], $0x80, s8, s22, $0xb8;
	[tilespmem:$0x1B880] =	vst v63  }
0x369: {  	_ =	swait.ge [sflag:s25], $0x3200  }
0x36a: {  	[sflag:s25] =	ssyncset.done $0x0  }
0x36b: {  	[sflag:s25] =	ssyncadd.s32 $0xFFFFCE00  }
0x36c: {  	[spmem:s2] =	stream.indirect.scatter.add.f32 [tilespmem:s19], [sflag:$0x3], $0x80, s16, s22, $0xb8;
	[tilespmem:$0x1B880] =	vst v63  }
0x36d: {  	_ =	swait.ge [sflag:s20], $0x3200  }
0x36e: {  	[sflag:s20] =	ssyncset.done $0x0  }
0x36f: {  	[sflag:s20] =	ssyncadd.s32 $0xFFFFCE00  }
0x370: {  	_ =	swait.ge [sflag:s26], $0x3200  }
0x371: {  	[sflag:s26] =	ssyncset.done $0x0  }
0x372: {  	[sflag:s26] =	ssyncadd.s32 $0xFFFFCE00  }
0x373: {  	[spmem:s2] =	stream.indirect.scatter.add.f32 [tilespmem:s24], [sflag:$0x3], $0x80, s9, s22, $0xb8;
	[tilespmem:$0x1B880] =	vst v63  }
0x374: {  	_ =	swait.ge [sflag:s20], $0x3200  }
0x375: {  	[sflag:s20] =	ssyncset.done $0x0  }
0x376: {  	[sflag:s20] =	ssyncadd.s32 $0xFFFFCE00  }
0x377: {  	[tilespmem:s19], [sflag:$0x1] =	stream.indirect.gather [hbm4b:s5+s22], $0x80, s10, s22, $0xb8;
	[tilespmem:$0x1B880] =	vst v63  }
0x378: {  	_ = 	snop  }
0x379: {  	[tilespmem:s24], [sflag:$0x2] =	stream.indirect.gather [hbm4b:s5+s22], $0x80, s11, s22, $0xb8;
	[tilespmem:$0x1B880] =	vst v63  }
0x37a: {  	_ =	swait.ge [sflag:s25], $0x3200  }
0x37b: {  	[sflag:s25] =	ssyncset.done $0x0  }
0x37c: {  	[sflag:s25] =	ssyncadd.s32 $0xFFFFCE00  }
0x37d: {  	[spmem:s2] =	stream.indirect.scatter.add.f32 [tilespmem:s19], [sflag:$0x3], $0x80, s12, s22, $0xb8;
	[tilespmem:$0x1B880] =	vst v63  }
0x37e: {  	_ =	swait.ge [sflag:s20], $0x3200  }
0x37f: {  	[sflag:s20] =	ssyncset.done $0x0  }
0x380: {  	[sflag:s20] =	ssyncadd.s32 $0xFFFFCE00  }
0x381: {  	_ =	swait.ge [sflag:s26], $0x3200  }
0x382: {  	[sflag:s26] =	ssyncset.done $0x0  }
0x383: {  	[sflag:s26] =	ssyncadd.s32 $0xFFFFCE00  }
0x384: {  	[spmem:s2] =	stream.indirect.scatter.add.f32 [tilespmem:s24], [sflag:$0x3], $0x80, s13, s22, $0xb8;
	[tilespmem:$0x1B880] =	vst v63  }
0x385: {  	_ =	swait.ge [sflag:s20], $0x3200  }
0x386: {  	[sflag:s20] =	ssyncset.done $0x0  }
0x387: {  	[sflag:s20] =	ssyncadd.s32 $0xFFFFCE00  }
0x388: {  	[tilespmem:s19], [sflag:$0x1] =	stream.indirect.gather [hbm4b:s5+s22], $0x80, s14, s22, $0xb8;
	[tilespmem:$0x1B880] =	vst v63  }
0x389: {  	_ = 	snop  }
0x38a: {  	[tilespmem:s24], [sflag:$0x2] =	stream.indirect.gather [hbm4b:s5+s22], $0x80, s15, s22, $0xb8;
	[tilespmem:$0x1B880] =	vst v63  }
0x38b: {  	_ =	swait.ge [sflag:s25], $0x3200  }
0x38c: {  	[sflag:s25] =	ssyncset.done $0x0  }
0x38d: {  	[sflag:s25] =	ssyncadd.s32 $0xFFFFCE00  }
0x38e: {  	[spmem:s2] =	stream.indirect.scatter.add.f32 [tilespmem:s19], [sflag:$0x3], $0x80, s23, s22, $0xb8;
	[tilespmem:$0x1B880] =	vst v63  }
0x38f: {  	_ =	swait.ge [sflag:s20], $0x3200  }
0x390: {  	[sflag:s20] =	ssyncset.done $0x0  }
0x391: {  	[sflag:s20] =	ssyncadd.s32 $0xFFFFCE00  }
0x392: {  	_ =	swait.ge [sflag:s26], $0x3200  }
0x393: {  	[sflag:s26] =	ssyncset.done $0x0  }
0x394: {  	[sflag:s26] =	ssyncadd.s32 $0xFFFFCE00  }
0x395: {  	[spmem:s2] =	stream.indirect.scatter.add.f32 [tilespmem:s24], [sflag:$0x3], $0x80, s28, s22, $0xb8;
	[tilespmem:$0x1B880] =	vst v63  }
0x396: {  	_ =	swait.ge [sflag:s20], $0x3200  }
0x397: {  	[sflag:s20] =	ssyncset.done $0x0  }
0x398: {  	s0 =	simm.s32 $0x400;
	[sflag:s20] =	ssyncadd.s32 $0xFFFFCE00  }
0x399: {  	[tilespmem:s19], [sflag:$0x1] =	stream.indirect.gather [hbm4b:s5+s22], $0x80, s0, s22, $0xb8;
	[tilespmem:$0x1B880] =	vst v63  }
0x39a: {  	s0 =	simm.s32 $0x480  }
0x39b: {  	[tilespmem:s24], [sflag:$0x2] =	stream.indirect.gather [hbm4b:s5+s22], $0x80, s0, s22, $0xb8;
	[tilespmem:$0x1B880] =	vst v63  }
0x39c: {  	_ =	swait.ge [sflag:s25], $0x3200  }
0x39d: {  	[sflag:s25] =	ssyncset.done $0x0  }
0x39e: {  	s0 =	simm.s32 $0x1000;
	[sflag:s25] =	ssyncadd.s32 $0xFFFFCE00  }
0x39f: {  	[spmem:s2] =	stream.indirect.scatter.add.f32 [tilespmem:s19], [sflag:$0x3], $0x80, s0, s22, $0xb8;
	[tilespmem:$0x1B880] =	vst v63  }
0x3a0: {  	_ =	swait.ge [sflag:s20], $0x3200  }
0x3a1: {  	[sflag:s20] =	ssyncset.done $0x0  }
0x3a2: {  	[sflag:s20] =	ssyncadd.s32 $0xFFFFCE00  }
0x3a3: {  	_ =	swait.ge [sflag:s26], $0x3200  }
0x3a4: {  	[sflag:s26] =	ssyncset.done $0x0  }
0x3a5: {  	s0 =	simm.s32 $0x1080;
	[sflag:s26] =	ssyncadd.s32 $0xFFFFCE00  }
0x3a6: {  	[spmem:s2] =	stream.indirect.scatter.add.f32 [tilespmem:s24], [sflag:$0x3], $0x80, s0, s22, $0xb8;
	[tilespmem:$0x1B880] =	vst v63  }
0x3a7: {  	_ =	swait.ge [sflag:s20], $0x3200  }
0x3a8: {  	[sflag:s20] =	ssyncset.done $0x0  }
0x3a9: {  	s0 =	simm.s32 $0x500;
	[sflag:s20] =	ssyncadd.s32 $0xFFFFCE00  }
0x3aa: {  	[tilespmem:s19], [sflag:$0x1] =	stream.indirect.gather [hbm4b:s5+s22], $0x80, s0, s22, $0xb8;
	[tilespmem:$0x1B880] =	vst v63  }
0x3ab: {  	s0 =	simm.s32 $0x580  }
0x3ac: {  	[tilespmem:s24], [sflag:$0x2] =	stream.indirect.gather [hbm4b:s5+s22], $0x80, s0, s22, $0xb8;
	[tilespmem:$0x1B880] =	vst v63  }
0x3ad: {  	_ =	swait.ge [sflag:s25], $0x3200  }
0x3ae: {  	[sflag:s25] =	ssyncset.done $0x0  }
0x3af: {  	s0 =	simm.s32 $0x1100;
	[sflag:s25] =	ssyncadd.s32 $0xFFFFCE00  }
0x3b0: {  	[spmem:s2] =	stream.indirect.scatter.add.f32 [tilespmem:s19], [sflag:$0x3], $0x80, s0, s22, $0xb8;
	[tilespmem:$0x1B880] =	vst v63  }
0x3b1: {  	_ =	swait.ge [sflag:s20], $0x3200  }
0x3b2: {  	[sflag:s20] =	ssyncset.done $0x0  }
0x3b3: {  	[sflag:s20] =	ssyncadd.s32 $0xFFFFCE00  }
0x3b4: {  	_ =	swait.ge [sflag:s26], $0x3200  }
0x3b5: {  	[sflag:s26] =	ssyncset.done $0x0  }
0x3b6: {  	s0 =	simm.s32 $0x1180;
	[sflag:s26] =	ssyncadd.s32 $0xFFFFCE00  }
0x3b7: {  	[spmem:s2] =	stream.indirect.scatter.add.f32 [tilespmem:s24], [sflag:$0x3], $0x80, s0, s22, $0xb8;
	[tilespmem:$0x1B880] =	vst v63  }
0x3b8: {  	_ =	swait.ge [sflag:s20], $0x3200  }
0x3b9: {  	[sflag:s20] =	ssyncset.done $0x0  }
0x3ba: {  	s0 =	simm.s32 $0x600;
	[sflag:s20] =	ssyncadd.s32 $0xFFFFCE00  }
0x3bb: {  	[tilespmem:s19], [sflag:$0x1] =	stream.indirect.gather [hbm4b:s5+s22], $0x80, s0, s22, $0xb8;
	[tilespmem:$0x1B880] =	vst v63  }
0x3bc: {  	s0 =	simm.s32 $0x680  }
0x3bd: {  	[tilespmem:s24], [sflag:$0x2] =	stream.indirect.gather [hbm4b:s5+s22], $0x80, s0, s22, $0xb8;
	[tilespmem:$0x1B880] =	vst v63  }
0x3be: {  	_ =	swait.ge [sflag:s25], $0x3200  }
0x3bf: {  	[sflag:s25] =	ssyncset.done $0x0  }
0x3c0: {  	s0 =	simm.s32 $0x1200;
	[sflag:s25] =	ssyncadd.s32 $0xFFFFCE00  }
0x3c1: {  	[spmem:s2] =	stream.indirect.scatter.add.f32 [tilespmem:s19], [sflag:$0x3], $0x80, s0, s22, $0xb8;
	[tilespmem:$0x1B880] =	vst v63  }
0x3c2: {  	_ =	swait.ge [sflag:s20], $0x3200  }
0x3c3: {  	[sflag:s20] =	ssyncset.done $0x0  }
0x3c4: {  	[sflag:s20] =	ssyncadd.s32 $0xFFFFCE00  }
0x3c5: {  	_ =	swait.ge [sflag:s26], $0x3200  }
0x3c6: {  	[sflag:s26] =	ssyncset.done $0x0  }
0x3c7: {  	s0 =	simm.s32 $0x1280;
	[sflag:s26] =	ssyncadd.s32 $0xFFFFCE00  }
0x3c8: {  	[spmem:s2] =	stream.indirect.scatter.add.f32 [tilespmem:s24], [sflag:$0x3], $0x80, s0, s22, $0xb8;
	[tilespmem:$0x1B880] =	vst v63  }
0x3c9: {  	_ =	swait.ge [sflag:s20], $0x3200  }
0x3ca: {  	[sflag:s20] =	ssyncset.done $0x0  }
0x3cb: {  	s0 =	simm.s32 $0x700;
	[sflag:s20] =	ssyncadd.s32 $0xFFFFCE00  }
0x3cc: {  	[tilespmem:s19], [sflag:$0x1] =	stream.indirect.gather [hbm4b:s5+s22], $0x80, s0, s22, $0xb8;
	[tilespmem:$0x1B880] =	vst v63  }
0x3cd: {  	s0 =	simm.s32 $0x780  }
0x3ce: {  	[tilespmem:s24], [sflag:$0x2] =	stream.indirect.gather [hbm4b:s5+s22], $0x80, s0, s22, $0xb8;
	[tilespmem:$0x1B880] =	vst v63  }
0x3cf: {  	_ =	swait.ge [sflag:s25], $0x3200  }
0x3d0: {  	[sflag:s25] =	ssyncset.done $0x0  }
0x3d1: {  	s0 =	simm.s32 $0x1300;
	[sflag:s25] =	ssyncadd.s32 $0xFFFFCE00  }
0x3d2: {  	[spmem:s2] =	stream.indirect.scatter.add.f32 [tilespmem:s19], [sflag:$0x3], $0x80, s0, s22, $0xb8;
	[tilespmem:$0x1B880] =	vst v63  }
0x3d3: {  	_ =	swait.ge [sflag:s20], $0x3200  }
0x3d4: {  	[sflag:s20] =	ssyncset.done $0x0  }
0x3d5: {  	[sflag:s20] =	ssyncadd.s32 $0xFFFFCE00  }
0x3d6: {  	_ =	swait.ge [sflag:s26], $0x3200  }
0x3d7: {  	[sflag:s26] =	ssyncset.done $0x0  }
0x3d8: {  	s0 =	simm.s32 $0x1380;
	[sflag:s26] =	ssyncadd.s32 $0xFFFFCE00  }
0x3d9: {  	[spmem:s2] =	stream.indirect.scatter.add.f32 [tilespmem:s24], [sflag:$0x3], $0x80, s0, s22, $0xb8;
	[tilespmem:$0x1B880] =	vst v63  }
0x3da: {  	_ =	swait.ge [sflag:s20], $0x3200  }
0x3db: {  	[sflag:s20] =	ssyncset.done $0x0  }
0x3dc: {  	s0 =	simm.s32 $0x800;
	[sflag:s20] =	ssyncadd.s32 $0xFFFFCE00  }
0x3dd: {  	[tilespmem:s19], [sflag:$0x1] =	stream.indirect.gather [hbm4b:s5+s22], $0x80, s0, s22, $0xb8;
	[tilespmem:$0x1B880] =	vst v63  }
0x3de: {  	s0 =	simm.s32 $0x880  }
0x3df: {  	[tilespmem:s24], [sflag:$0x2] =	stream.indirect.gather [hbm4b:s5+s22], $0x80, s0, s22, $0xb8;
	[tilespmem:$0x1B880] =	vst v63  }
0x3e0: {  	_ =	swait.ge [sflag:s25], $0x3200  }
0x3e1: {  	[sflag:s25] =	ssyncset.done $0x0  }
0x3e2: {  	s0 =	simm.s32 $0x1400;
	[sflag:s25] =	ssyncadd.s32 $0xFFFFCE00  }
0x3e3: {  	[spmem:s2] =	stream.indirect.scatter.add.f32 [tilespmem:s19], [sflag:$0x3], $0x80, s0, s22, $0xb8;
	[tilespmem:$0x1B880] =	vst v63  }
0x3e4: {  	_ =	swait.ge [sflag:s20], $0x3200  }
0x3e5: {  	[sflag:s20] =	ssyncset.done $0x0  }
0x3e6: {  	[sflag:s20] =	ssyncadd.s32 $0xFFFFCE00  }
0x3e7: {  	_ =	swait.ge [sflag:s26], $0x3200  }
0x3e8: {  	[sflag:s26] =	ssyncset.done $0x0  }
0x3e9: {  	s0 =	simm.s32 $0x1480;
	[sflag:s26] =	ssyncadd.s32 $0xFFFFCE00  }
0x3ea: {  	[spmem:s2] =	stream.indirect.scatter.add.f32 [tilespmem:s24], [sflag:$0x3], $0x80, s0, s22, $0xb8;
	[tilespmem:$0x1B880] =	vst v63  }
0x3eb: {  	_ =	swait.ge [sflag:s20], $0x3200  }
0x3ec: {  	[sflag:s20] =	ssyncset.done $0x0  }
0x3ed: {  	s0 =	simm.s32 $0x900;
	[sflag:s20] =	ssyncadd.s32 $0xFFFFCE00  }
0x3ee: {  	[tilespmem:s19], [sflag:$0x1] =	stream.indirect.gather [hbm4b:s5+s22], $0x80, s0, s22, $0xb8;
	[tilespmem:$0x1B880] =	vst v63  }
0x3ef: {  	s0 =	simm.s32 $0x980  }
0x3f0: {  	[tilespmem:s24], [sflag:$0x2] =	stream.indirect.gather [hbm4b:s5+s22], $0x80, s0, s22, $0xb8;
	[tilespmem:$0x1B880] =	vst v63  }
0x3f1: {  	_ =	swait.ge [sflag:s25], $0x3200  }
0x3f2: {  	[sflag:s25] =	ssyncset.done $0x0  }
0x3f3: {  	s0 =	simm.s32 $0x1500;
	[sflag:s25] =	ssyncadd.s32 $0xFFFFCE00  }
0x3f4: {  	[spmem:s2] =	stream.indirect.scatter.add.f32 [tilespmem:s19], [sflag:$0x3], $0x80, s0, s22, $0xb8;
	[tilespmem:$0x1B880] =	vst v63  }
0x3f5: {  	_ =	swait.ge [sflag:s20], $0x3200  }
0x3f6: {  	[sflag:s20] =	ssyncset.done $0x0  }
0x3f7: {  	[sflag:s20] =	ssyncadd.s32 $0xFFFFCE00  }
0x3f8: {  	_ =	swait.ge [sflag:s26], $0x3200  }
.Ltmp7:
0x3f9: {  	[sflag:s26] =	ssyncset.done $0x0;
	(pc) =	sbr.rel @!p3 .LBB2_8-.Ltmp7, $4  }
0x3fa: {  	s0 =	simm.s32 $0x1580;
	[sflag:s26] =	ssyncadd.s32 $0xFFFFCE00  }
0x3fb: {  	[spmem:s2] =	stream.indirect.scatter.add.f32 [tilespmem:s24], [sflag:$0x3], $0x80, s0, s22, $0xb8;
	[tilespmem:$0x1B880] =	vst v63  }
0x3fc: {  	_ =	swait.ge [sflag:s20], $0x3200  }
0x3fd: {  	s31 =	smov.u32 s30;
	[sflag:s20] =	ssyncset.done $0x0  }
0x3fe: {  	s0 =	sadd.s32 s29, s17;
	[sflag:s20] =	ssyncadd.s32 $0xFFFFCE00  }
0x3ff: {  	[tilespmem:s3], [sflag:$0x3] =	stream.linear.gather [hbm4b:s0+s3], $0xA00, $0x38;
	[tilespmem:$0x1B880] =	vst v63  }
0x400: {  	_ =	swait.ge [sflag:s20], $0xA00  }
0x401: {  	[sflag:s20] =	ssyncset.done $0x0  }
0x402: {  	s31 =	sadd.s32 s29, s18;
	[sflag:s20] =	ssyncadd.s32 $0xFFFFF600  }
0x403: {  	[tilespmem:s21], [sflag:$0x3] =	stream.linear.gather [hbm4b:s31+s3], $0xA00, $0x38;
	[tilespmem:$0x1B880] =	vst v63  }
0x404: {  	_ =	swait.ge [sflag:s20], $0xA00  }
0x405: {  	[sflag:s20] =	ssyncset.done $0x0  }
0x406: {  	[sflag:s20] =	ssyncadd.s32 $0xFFFFF600  }
0x407: {  	[tilespmem:s19], [sflag:$0x1] =	stream.indirect.gather [hbm4b:s5+s22], $0x80, s3, s22, $0xb8;
	[tilespmem:$0x1B880] =	vst v63  }
0x408: {  	_ = 	snop  }
0x409: {  	[tilespmem:s24], [sflag:$0x2] =	stream.indirect.gather [hbm4b:s5+s22], $0x80, s6, s22, $0xb8;
	[tilespmem:$0x1B880] =	vst v63  }
0x40a: {  	_ =	swait.ge [sflag:s25], $0x3200  }
0x40b: {  	[sflag:s25] =	ssyncset.done $0x0  }
0x40c: {  	[sflag:s25] =	ssyncadd.s32 $0xFFFFCE00  }
0x40d: {  	[spmem:s2] =	stream.indirect.scatter.add.f32 [tilespmem:s19], [sflag:$0x3], $0x80, s21, s22, $0xb8;
	[tilespmem:$0x1B880] =	vst v63  }
0x40e: {  	_ =	swait.ge [sflag:s20], $0x3200  }
0x40f: {  	[sflag:s20] =	ssyncset.done $0x0  }
0x410: {  	[sflag:s20] =	ssyncadd.s32 $0xFFFFCE00  }
0x411: {  	_ =	swait.ge [sflag:s26], $0x3200  }
0x412: {  	[sflag:s26] =	ssyncset.done $0x0  }
0x413: {  	[sflag:s26] =	ssyncadd.s32 $0xFFFFCE00  }
0x414: {  	[spmem:s2] =	stream.indirect.scatter.add.f32 [tilespmem:s24], [sflag:$0x3], $0x80, s7, s22, $0xb8;
	[tilespmem:$0x1B880] =	vst v63  }
0x415: {  	_ =	swait.ge [sflag:s20], $0x3200  }
0x416: {  	[sflag:s20] =	ssyncset.done $0x0  }
0x417: {  	[sflag:s20] =	ssyncadd.s32 $0xFFFFCE00  }
0x418: {  	[tilespmem:s19], [sflag:$0x1] =	stream.indirect.gather [hbm4b:s5+s22], $0x80, s1, s22, $0xb8;
	[tilespmem:$0x1B880] =	vst v63  }
0x419: {  	_ = 	snop  }
0x41a: {  	[tilespmem:s24], [sflag:$0x2] =	stream.indirect.gather [hbm4b:s5+s22], $0x80, s8, s22, $0xb8;
	[tilespmem:$0x1B880] =	vst v63  }
0x41b: {  	_ =	swait.ge [sflag:s25], $0x3200  }
0x41c: {  	[sflag:s25] =	ssyncset.done $0x0  }
0x41d: {  	[sflag:s25] =	ssyncadd.s32 $0xFFFFCE00  }
0x41e: {  	[spmem:s2] =	stream.indirect.scatter.add.f32 [tilespmem:s19], [sflag:$0x3], $0x80, s16, s22, $0xb8;
	[tilespmem:$0x1B880] =	vst v63  }
0x41f: {  	_ =	swait.ge [sflag:s20], $0x3200  }
0x420: {  	[sflag:s20] =	ssyncset.done $0x0  }
0x421: {  	[sflag:s20] =	ssyncadd.s32 $0xFFFFCE00  }
0x422: {  	_ =	swait.ge [sflag:s26], $0x3200  }
0x423: {  	[sflag:s26] =	ssyncset.done $0x0  }
0x424: {  	[sflag:s26] =	ssyncadd.s32 $0xFFFFCE00  }
0x425: {  	[spmem:s2] =	stream.indirect.scatter.add.f32 [tilespmem:s24], [sflag:$0x3], $0x80, s9, s22, $0xb8;
	[tilespmem:$0x1B880] =	vst v63  }
0x426: {  	_ =	swait.ge [sflag:s20], $0x3200  }
0x427: {  	[sflag:s20] =	ssyncset.done $0x0  }
0x428: {  	[sflag:s20] =	ssyncadd.s32 $0xFFFFCE00  }
0x429: {  	[tilespmem:s19], [sflag:$0x1] =	stream.indirect.gather [hbm4b:s5+s22], $0x80, s10, s22, $0xb8;
	[tilespmem:$0x1B880] =	vst v63  }
0x42a: {  	_ = 	snop  }
0x42b: {  	[tilespmem:s24], [sflag:$0x2] =	stream.indirect.gather [hbm4b:s5+s22], $0x80, s11, s22, $0xb8;
	[tilespmem:$0x1B880] =	vst v63  }
0x42c: {  	_ =	swait.ge [sflag:s25], $0x3200  }
0x42d: {  	[sflag:s25] =	ssyncset.done $0x0  }
0x42e: {  	[sflag:s25] =	ssyncadd.s32 $0xFFFFCE00  }
0x42f: {  	[spmem:s2] =	stream.indirect.scatter.add.f32 [tilespmem:s19], [sflag:$0x3], $0x80, s12, s22, $0xb8;
	[tilespmem:$0x1B880] =	vst v63  }
0x430: {  	_ =	swait.ge [sflag:s20], $0x3200  }
0x431: {  	[sflag:s20] =	ssyncset.done $0x0  }
0x432: {  	[sflag:s20] =	ssyncadd.s32 $0xFFFFCE00  }
0x433: {  	_ =	swait.ge [sflag:s26], $0x3200  }
0x434: {  	[sflag:s26] =	ssyncset.done $0x0  }
0x435: {  	[sflag:s26] =	ssyncadd.s32 $0xFFFFCE00  }
0x436: {  	[spmem:s2] =	stream.indirect.scatter.add.f32 [tilespmem:s24], [sflag:$0x3], $0x80, s13, s22, $0xb8;
	[tilespmem:$0x1B880] =	vst v63  }
0x437: {  	_ =	swait.ge [sflag:s20], $0x3200  }
0x438: {  	[sflag:s20] =	ssyncset.done $0x0  }
0x439: {  	[sflag:s20] =	ssyncadd.s32 $0xFFFFCE00  }
0x43a: {  	[tilespmem:s19], [sflag:$0x1] =	stream.indirect.gather [hbm4b:s5+s22], $0x80, s14, s22, $0xb8;
	[tilespmem:$0x1B880] =	vst v63  }
0x43b: {  	_ = 	snop  }
0x43c: {  	[tilespmem:s24], [sflag:$0x2] =	stream.indirect.gather [hbm4b:s5+s22], $0x80, s15, s22, $0xb8;
	[tilespmem:$0x1B880] =	vst v63  }
0x43d: {  	_ =	swait.ge [sflag:s25], $0x3200  }
0x43e: {  	[sflag:s25] =	ssyncset.done $0x0  }
0x43f: {  	[sflag:s25] =	ssyncadd.s32 $0xFFFFCE00  }
0x440: {  	[spmem:s2] =	stream.indirect.scatter.add.f32 [tilespmem:s19], [sflag:$0x3], $0x80, s23, s22, $0xb8;
	[tilespmem:$0x1B880] =	vst v63  }
0x441: {  	_ =	swait.ge [sflag:s20], $0x3200  }
0x442: {  	[sflag:s20] =	ssyncset.done $0x0  }
0x443: {  	[sflag:s20] =	ssyncadd.s32 $0xFFFFCE00  }
0x444: {  	_ =	swait.ge [sflag:s26], $0x3200  }
0x445: {  	[sflag:s26] =	ssyncset.done $0x0  }
0x446: {  	[sflag:s26] =	ssyncadd.s32 $0xFFFFCE00  }
0x447: {  	[spmem:s2] =	stream.indirect.scatter.add.f32 [tilespmem:s24], [sflag:$0x3], $0x80, s28, s22, $0xb8;
	[tilespmem:$0x1B880] =	vst v63  }
0x448: {  	_ =	swait.ge [sflag:s20], $0x3200  }
0x449: {  	[sflag:s20] =	ssyncset.done $0x0  }
0x44a: {  	s1 =	simm.s32 $0x400;
	[sflag:s20] =	ssyncadd.s32 $0xFFFFCE00  }
0x44b: {  	[tilespmem:s19], [sflag:$0x1] =	stream.indirect.gather [hbm4b:s5+s22], $0x80, s1, s22, $0xb8;
	[tilespmem:$0x1B880] =	vst v63  }
0x44c: {  	s6 =	simm.s32 $0x480  }
0x44d: {  	[tilespmem:s24], [sflag:$0x2] =	stream.indirect.gather [hbm4b:s5+s22], $0x80, s6, s22, $0xb8;
	[tilespmem:$0x1B880] =	vst v63  }
0x44e: {  	_ =	swait.ge [sflag:s25], $0x3200  }
0x44f: {  	[sflag:s25] =	ssyncset.done $0x0  }
0x450: {  	s7 =	simm.s32 $0x1000;
	[sflag:s25] =	ssyncadd.s32 $0xFFFFCE00  }
0x451: {  	[spmem:s2] =	stream.indirect.scatter.add.f32 [tilespmem:s19], [sflag:$0x3], $0x80, s7, s22, $0xb8;
	[tilespmem:$0x1B880] =	vst v63  }
0x452: {  	_ =	swait.ge [sflag:s20], $0x3200  }
0x453: {  	[sflag:s20] =	ssyncset.done $0x0  }
0x454: {  	[sflag:s20] =	ssyncadd.s32 $0xFFFFCE00  }
0x455: {  	_ =	swait.ge [sflag:s26], $0x3200  }
0x456: {  	[sflag:s26] =	ssyncset.done $0x0  }
0x457: {  	s8 =	simm.s32 $0x1080;
	[sflag:s26] =	ssyncadd.s32 $0xFFFFCE00  }
0x458: {  	[spmem:s2] =	stream.indirect.scatter.add.f32 [tilespmem:s24], [sflag:$0x3], $0x80, s8, s22, $0xb8;
	[tilespmem:$0x1B880] =	vst v63  }
0x459: {  	_ =	swait.ge [sflag:s20], $0x3200  }
0x45a: {  	[sflag:s20] =	ssyncset.done $0x0  }
0x45b: {  	s9 =	simm.s32 $0x500;
	[sflag:s20] =	ssyncadd.s32 $0xFFFFCE00  }
0x45c: {  	[tilespmem:s19], [sflag:$0x1] =	stream.indirect.gather [hbm4b:s5+s22], $0x80, s9, s22, $0xb8;
	[tilespmem:$0x1B880] =	vst v63  }
0x45d: {  	s10 =	simm.s32 $0x580  }
0x45e: {  	[tilespmem:s24], [sflag:$0x2] =	stream.indirect.gather [hbm4b:s5+s22], $0x80, s10, s22, $0xb8;
	[tilespmem:$0x1B880] =	vst v63  }
0x45f: {  	_ =	swait.ge [sflag:s25], $0x3200  }
0x460: {  	[sflag:s25] =	ssyncset.done $0x0  }
0x461: {  	s11 =	simm.s32 $0x1100;
	[sflag:s25] =	ssyncadd.s32 $0xFFFFCE00  }
0x462: {  	[spmem:s2] =	stream.indirect.scatter.add.f32 [tilespmem:s19], [sflag:$0x3], $0x80, s11, s22, $0xb8;
	[tilespmem:$0x1B880] =	vst v63  }
0x463: {  	_ =	swait.ge [sflag:s20], $0x3200  }
0x464: {  	[sflag:s20] =	ssyncset.done $0x0  }
0x465: {  	[sflag:s20] =	ssyncadd.s32 $0xFFFFCE00  }
0x466: {  	_ =	swait.ge [sflag:s26], $0x3200  }
0x467: {  	[sflag:s26] =	ssyncset.done $0x0  }
0x468: {  	s12 =	simm.s32 $0x1180;
	[sflag:s26] =	ssyncadd.s32 $0xFFFFCE00  }
0x469: {  	[spmem:s2] =	stream.indirect.scatter.add.f32 [tilespmem:s24], [sflag:$0x3], $0x80, s12, s22, $0xb8;
	[tilespmem:$0x1B880] =	vst v63  }
0x46a: {  	_ =	swait.ge [sflag:s20], $0x3200  }
0x46b: {  	[sflag:s20] =	ssyncset.done $0x0  }
0x46c: {  	s13 =	simm.s32 $0x600;
	[sflag:s20] =	ssyncadd.s32 $0xFFFFCE00  }
0x46d: {  	[tilespmem:s19], [sflag:$0x1] =	stream.indirect.gather [hbm4b:s5+s22], $0x80, s13, s22, $0xb8;
	[tilespmem:$0x1B880] =	vst v63  }
0x46e: {  	s14 =	simm.s32 $0x680  }
0x46f: {  	[tilespmem:s24], [sflag:$0x2] =	stream.indirect.gather [hbm4b:s5+s22], $0x80, s14, s22, $0xb8;
	[tilespmem:$0x1B880] =	vst v63  }
0x470: {  	_ =	swait.ge [sflag:s25], $0x3200  }
0x471: {  	[sflag:s25] =	ssyncset.done $0x0  }
0x472: {  	s15 =	simm.s32 $0x1200;
	[sflag:s25] =	ssyncadd.s32 $0xFFFFCE00  }
0x473: {  	[spmem:s2] =	stream.indirect.scatter.add.f32 [tilespmem:s19], [sflag:$0x3], $0x80, s15, s22, $0xb8;
	[tilespmem:$0x1B880] =	vst v63  }
0x474: {  	_ =	swait.ge [sflag:s20], $0x3200  }
0x475: {  	[sflag:s20] =	ssyncset.done $0x0  }
0x476: {  	[sflag:s20] =	ssyncadd.s32 $0xFFFFCE00  }
0x477: {  	_ =	swait.ge [sflag:s26], $0x3200  }
0x478: {  	[sflag:s26] =	ssyncset.done $0x0  }
0x479: {  	s16 =	simm.s32 $0x1280;
	[sflag:s26] =	ssyncadd.s32 $0xFFFFCE00  }
0x47a: {  	[spmem:s2] =	stream.indirect.scatter.add.f32 [tilespmem:s24], [sflag:$0x3], $0x80, s16, s22, $0xb8;
	[tilespmem:$0x1B880] =	vst v63  }
0x47b: {  	_ =	swait.ge [sflag:s20], $0x3200  }
0x47c: {  	[sflag:s20] =	ssyncset.done $0x0  }
0x47d: {  	s23 =	simm.s32 $0x700;
	[sflag:s20] =	ssyncadd.s32 $0xFFFFCE00  }
0x47e: {  	[tilespmem:s19], [sflag:$0x1] =	stream.indirect.gather [hbm4b:s5+s22], $0x80, s23, s22, $0xb8;
	[tilespmem:$0x1B880] =	vst v63  }
0x47f: {  	s28 =	simm.s32 $0x780  }
0x480: {  	[tilespmem:s24], [sflag:$0x2] =	stream.indirect.gather [hbm4b:s5+s22], $0x80, s28, s22, $0xb8;
	[tilespmem:$0x1B880] =	vst v63  }
0x481: {  	_ =	swait.ge [sflag:s25], $0x3200  }
0x482: {  	[sflag:s25] =	ssyncset.done $0x0  }
0x483: {  	s30 =	simm.s32 $0x1300;
	[sflag:s25] =	ssyncadd.s32 $0xFFFFCE00  }
0x484: {  	[spmem:s2] =	stream.indirect.scatter.add.f32 [tilespmem:s19], [sflag:$0x3], $0x80, s30, s22, $0xb8;
	[tilespmem:$0x1B880] =	vst v63  }
0x485: {  	_ =	swait.ge [sflag:s20], $0x3200  }
0x486: {  	[sflag:s20] =	ssyncset.done $0x0  }
0x487: {  	[sflag:s20] =	ssyncadd.s32 $0xFFFFCE00  }
0x488: {  	_ =	swait.ge [sflag:s26], $0x3200  }
0x489: {  	[sflag:s26] =	ssyncset.done $0x0  }
0x48a: {  	s31 =	simm.s32 $0x1380;
	[sflag:s26] =	ssyncadd.s32 $0xFFFFCE00  }
0x48b: {  	[spmem:s2] =	stream.indirect.scatter.add.f32 [tilespmem:s24], [sflag:$0x3], $0x80, s31, s22, $0xb8;
	[tilespmem:$0x1B880] =	vst v63  }
0x48c: {  	_ =	swait.ge [sflag:s20], $0x3200  }
0x48d: {  	[sflag:s20] =	ssyncset.done $0x0  }
0x48e: {  	s1 =	simm.s32 $0x800;
	[sflag:s20] =	ssyncadd.s32 $0xFFFFCE00  }
0x48f: {  	[tilespmem:s19], [sflag:$0x1] =	stream.indirect.gather [hbm4b:s5+s22], $0x80, s1, s22, $0xb8;
	[tilespmem:$0x1B880] =	vst v63  }
0x490: {  	s6 =	simm.s32 $0x880  }
0x491: {  	[tilespmem:s24], [sflag:$0x2] =	stream.indirect.gather [hbm4b:s5+s22], $0x80, s6, s22, $0xb8;
	[tilespmem:$0x1B880] =	vst v63  }
0x492: {  	_ =	swait.ge [sflag:s25], $0x3200  }
0x493: {  	[sflag:s25] =	ssyncset.done $0x0  }
0x494: {  	s7 =	simm.s32 $0x1400;
	[sflag:s25] =	ssyncadd.s32 $0xFFFFCE00  }
0x495: {  	[spmem:s2] =	stream.indirect.scatter.add.f32 [tilespmem:s19], [sflag:$0x3], $0x80, s7, s22, $0xb8;
	[tilespmem:$0x1B880] =	vst v63  }
0x496: {  	_ =	swait.ge [sflag:s20], $0x3200  }
0x497: {  	[sflag:s20] =	ssyncset.done $0x0  }
0x498: {  	[sflag:s20] =	ssyncadd.s32 $0xFFFFCE00  }
0x499: {  	_ =	swait.ge [sflag:s26], $0x3200  }
0x49a: {  	[sflag:s26] =	ssyncset.done $0x0  }
0x49b: {  	s8 =	simm.s32 $0x1480;
	[sflag:s26] =	ssyncadd.s32 $0xFFFFCE00  }
0x49c: {  	[spmem:s2] =	stream.indirect.scatter.add.f32 [tilespmem:s24], [sflag:$0x3], $0x80, s8, s22, $0xb8;
	[tilespmem:$0x1B880] =	vst v63  }
0x49d: {  	_ =	swait.ge [sflag:s20], $0x3200  }
0x49e: {  	[sflag:s20] =	ssyncset.done $0x0  }
0x49f: {  	s9 =	simm.s32 $0x900;
	[sflag:s20] =	ssyncadd.s32 $0xFFFFCE00  }
0x4a0: {  	[tilespmem:s19], [sflag:$0x1] =	stream.indirect.gather [hbm4b:s5+s22], $0x80, s9, s22, $0xb8;
	[tilespmem:$0x1B880] =	vst v63  }
0x4a1: {  	s10 =	simm.s32 $0x980  }
0x4a2: {  	[tilespmem:s24], [sflag:$0x2] =	stream.indirect.gather [hbm4b:s5+s22], $0x80, s10, s22, $0xb8;
	[tilespmem:$0x1B880] =	vst v63  }
0x4a3: {  	_ =	swait.ge [sflag:s25], $0x3200  }
0x4a4: {  	[sflag:s25] =	ssyncset.done $0x0  }
0x4a5: {  	s11 =	simm.s32 $0x1500;
	[sflag:s25] =	ssyncadd.s32 $0xFFFFCE00  }
0x4a6: {  	[spmem:s2] =	stream.indirect.scatter.add.f32 [tilespmem:s19], [sflag:$0x3], $0x80, s11, s22, $0xb8;
	[tilespmem:$0x1B880] =	vst v63  }
0x4a7: {  	_ =	swait.ge [sflag:s20], $0x3200  }
0x4a8: {  	[sflag:s20] =	ssyncset.done $0x0  }
0x4a9: {  	[sflag:s20] =	ssyncadd.s32 $0xFFFFCE00  }
0x4aa: {  	_ =	swait.ge [sflag:s26], $0x3200  }
0x4ab: {  	[sflag:s26] =	ssyncset.done $0x0  }
0x4ac: {  	s12 =	simm.s32 $0x1580;
	[sflag:s26] =	ssyncadd.s32 $0xFFFFCE00  }
0x4ad: {  	[spmem:s2] =	stream.indirect.scatter.add.f32 [tilespmem:s24], [sflag:$0x3], $0x80, s12, s22, $0xb8;
	[tilespmem:$0x1B880] =	vst v63  }
0x4ae: {  	_ =	swait.ge [sflag:s20], $0x3200  }
0x4af: {  	[sflag:s20] =	ssyncset.done $0x0  }
0x4b0: {  	[sflag:s20] =	ssyncadd.s32 $0xFFFFCE00  }
0x4b1: {  	s13 =	stileid.u32;
	[bflag:$0x0] =	sbarrier.arrive $0xFFFF  }
0x4b2: {  	s0 =	sshll.u32 s13, $0x6;
	s14 =	rddreg [dreg:$0x6]  }
0x4b3: {  	s0 =	sor.u32 $0x1C03, s0;
	s29 =	rddreg [dreg:$0xf];
	s6 =	sshrl.u32 s14, $0x3  }
0x4b4: {  	[hbm:s29], [sflag:s0] =	dma.local [spmem:s6], $0x500  }
0x4b5: {  	_ =	swait.ge [sflag:s20], $0x500  }
0x4b6: {  	[sflag:s20] =	ssyncset.done $0x0;
	s15 =	rddreg [dreg:$0x7]  }
0x4b7: {  	s29 =	rddreg [dreg:$0x11];
	[sflag:s20] =	ssyncadd.s32 $0xFFFFFB00;
	s6 =	sshrl.u32 s15, $0x3  }
0x4b8: {  	[hbm:s29], [sflag:s0] =	dma.local [spmem:s6], $0x500  }
0x4b9: {  	_ =	swait.ge [sflag:s20], $0x500  }
0x4ba: {  	[sflag:s20] =	ssyncset.done $0x0;
	s16 =	rddreg [dreg:$0x8]  }
0x4bb: {  	s29 =	rddreg [dreg:$0x13];
	[sflag:s20] =	ssyncadd.s32 $0xFFFFFB00;
	s6 =	sshrl.u32 s16, $0x3  }
0x4bc: {  	[hbm:s29], [sflag:s0] =	dma.local [spmem:s6], $0x500  }
0x4bd: {  	_ =	swait.ge [sflag:s20], $0x500  }
0x4be: {  	[sflag:s20] =	ssyncset.done $0x0;
	s23 =	rddreg [dreg:$0x9]  }
0x4bf: {  	s29 =	rddreg [dreg:$0x15];
	[sflag:s20] =	ssyncadd.s32 $0xFFFFFB00;
	s6 =	sshrl.u32 s23, $0x3  }
0x4c0: {  	[hbm:s29], [sflag:s0] =	dma.local [spmem:s6], $0x500  }
0x4c1: {  	_ =	swait.ge [sflag:s20], $0x500  }
0x4c2: {  	[sflag:s20] =	ssyncset.done $0x0;
	s28 =	rddreg [dreg:$0xa]  }
0x4c3: {  	s29 =	rddreg [dreg:$0x17];
	[sflag:s20] =	ssyncadd.s32 $0xFFFFFB00;
	s6 =	sshrl.u32 s28, $0x3  }
0x4c4: {  	[hbm:s29], [sflag:s0] =	dma.local [spmem:s6], $0x500  }
0x4c5: {  	_ =	swait.ge [sflag:s20], $0x500  }
0x4c6: {  	[sflag:s20] =	ssyncset.done $0x0;
	s30 =	rddreg [dreg:$0xb]  }
0x4c7: {  	s29 =	rddreg [dreg:$0x19];
	[sflag:s20] =	ssyncadd.s32 $0xFFFFFB00;
	s6 =	sshrl.u32 s30, $0x3  }
0x4c8: {  	[hbm:s29], [sflag:s0] =	dma.local [spmem:s6], $0x500  }
0x4c9: {  	_ =	swait.ge [sflag:s20], $0x500  }
0x4ca: {  	[sflag:s20] =	ssyncset.done $0x0;
	s31 =	rddreg [dreg:$0xc]  }
0x4cb: {  	s29 =	rddreg [dreg:$0x1b];
	[sflag:s20] =	ssyncadd.s32 $0xFFFFFB00;
	s6 =	sshrl.u32 s31, $0x3  }
0x4cc: {  	[hbm:s29], [sflag:s0] =	dma.local [spmem:s6], $0x500  }
.Ltmp8:
0x4cd: {  	_ = 	snop;
	(pc) =	sbr.rel @p1 .LBB2_11-.Ltmp8, $4  }
.Ltmp9:
0x4ce: {  	_ = 	snop;
	(pc) =	sbr.rel @!p1 .LBB2_10-.Ltmp9, $4  }
0x4cf: {  	_ =	swait.ge [sflag:s20], $0x500  }
0x4d0: {  	[sflag:s20] =	ssyncset.done $0x0;
	s29 =	rddreg [dreg:$0x4]  }
0x4d1: {  	s1 =	rddreg [dreg:$0x1d];
	[sflag:s20] =	ssyncadd.s32 $0xFFFFFB00  }
0x4d2: {  	_ = 	snop  }
.LBB2_12:
0x4d3: {  	_ =	sfence.sel $0x180000  }
0x4d4: {  	[bflag:$0x0] =	sbarrier.arrive $0xFFFF  }
0x4d5: {  	_ =	strace $0x9000004A  }
0x4d6: {  	s0 =	stileid.u32;
	[bflag:$0x2] =	sbarrier.arrive $0xFFFF  }
0x4d7: {  	p0 =	sne.s32 s0, $0x0;
	s0 =	rddreg [dreg:$0x2]  }
0x4d8: {  	s0 =	sadd.s32 @!p0 $0x100000, s0  }
0x4d9: {  	[sflag:s0] =	ssyncadd.tile.s32 @!p0 $0x1;
	_ =	shalt  }
.Lfunc_end2:
_tile_overlayer_lowered:
.L_overlay_start_2:
0x4da: {  	(tag) =	ssettag $0x2  }
0x4db: {  	s0 =	rddreg [dreg:$0x0];
	s2 =	stileid.u32  }
0x4dc: {  	s1 =	rddreg [dreg:$0x1];
	p0 =	sne.s32 s2, $0x0  }
0x4dd: {  	s3 =	rddreg [dreg:$0x2];
	[bflag:$0x3] =	sbarrier.arrive $0xFFFF;
	s2 =	simm.s32 @!p0 $0x1C03  }
0x4de: {  	[timem:s3], [sflag:s2] =	dma.local @!p0 [hbm:s0], s1  }
0x4df: {  	s0 =	simm.s32 @!p0 $0x3  }
0x4e0: {  	_ =	swait.ge @!p0 [sflag:s0], s1  }
0x4e1: {  	s1 =	ssub.s32 @!p0 $0x0, s1;
	[sflag:s0] =	ssyncset.done @!p0 $0x0  }
0x4e2: {  	[sflag:s0] =	ssyncadd.s32 @!p0 s1  }
0x4e3: {  	[bflag:$0x3] =	sbarrier.arrive $0xFFFF  }
0x4e4: {  	_ =	shalt  }

// kernel: kernel.14.cloned.1.call-start
scs
__scs_entry_jumppad:
0x0: {  	(pc) =	sbr.rel $0x88, $3  }
0x1: {  	(tag) =	ssettag $0x0;
	lr =	simm.s32 $0x1  }
0x2: {  	[smem:$0x3F9B] =	sst lr;
	_ =	strace $0xD0000000  }
0x3: {  	_ = 	snop  }
0x4: {  	_ = 	snop  }
0x5: {  	_ = 	snop  }
0x6: {  	_ = 	snop  }
0x7: {  	_ = 	snop  }
__scs_overlays_trampoline_lowered:
0x8: {  	[smem:$0x3FAA] =	sst s0  }
0x9: {  	[smem:$0x3FAB] =	sst s1  }
0xa: {  	[smem:$0x3FAC] =	sst s2  }
0xb: {  	[smem:$0x3FAD] =	sst s3  }
0xc: {  	[smem:$0x3FAE] =	sst s4  }
0xd: {  	[smem:$0x3FAF] =	sst s5  }
0xe: {  	[smem:$0x3FB0] =	sst s6  }
0xf: {  	[smem:$0x3FB1] =	sst s7  }
0x10: {  	[smem:$0x3FB2] =	sst s8  }
0x11: {  	[smem:$0x3FB3] =	sst s9;
	s0 =	simm.s32 @!p0 $0x0  }
0x12: {  	s1 =	sld [smem:$0x3F99];
	s0 =	simm.s32 @p0 $0x1  }
0x13: {  	[smem:$0x3FB4] =	sst s0;
	s0 =	simm.s32 @!p1 $0x0  }
0x14: {  	s2 =	sld [smem:$0x3F98];
	s0 =	simm.s32 @p1 $0x1  }
0x15: {  	[smem:$0x3FB5] =	sst s0;
	s0 =	simm.s32 @!p2 $0x0  }
0x16: {  	s3 =	sld [smem:$0x3FDB];
	s0 =	simm.s32 @p2 $0x1  }
0x17: {  	s4 =	simm.s32 $0x1BF5;
	[smem:$0x3FB7] =	sst s0  }
0x18: {  	s0 =	sld [smem:$0x3F9A];
	_ =	swait.ge [sflag:s4], $0x0  }
0x19: {  	s7 =	sld [smem:$0x3F9B]  }
0x1a: {  	s8 =	sadd.s32 $0xFFFFE003, lr  }
0x1b: {  	s9 =	sadd.s32 $0xFFFFFEF7, lr;
	s5 =	simm.s32 $0xFFFFFFFF;
	p2 =	slt.u32 s8, $0xFFFFF086  }
0x1c: {  	p1 =	slt.u32 s9, $0xF7A;
	s5 =	simm.s32 @!p2 $0x0  }
0x1d: {  	s5 =	simm.s32 @p1 $0x1;
	p0 =	seq.s32 s7, s2  }
0x1e: {  	s7 =	smul.u32 @!p0 $0xF7A, s2;
	p2 =	seq.s32 @!p0 s5, $0x0  }
0x1f: {  	s9 =	smul.u32 $0xF7A, s1;
	s8 =	simm.s32 @!p0 $0x1BF5;
	p2 =	por !p2, p0  }
0x20: {  	[sflag:s8] =	ssyncset.s32 @!p0 $0xFFFFF086;
	s6 =	sadd.s32 @!p0 s3, s7;
	s7 =	simm.s32 @!p0 $0x108  }
0x21: {  	s3 =	sadd.s32 s3, s9;
	s6 =	sadd.s32 @!p0 $0x88, s6;
	s7 =	simm.s32 @p2 $0x1082  }
0x22: {  	[simem:s7], [sflag:s8] =	dma.local @!p0 [hbm:s6], $0xF7A  }
0x23: {  	s9 =	sor.u32 $0xD0000000, s2;
	s6 =	simm.s32 $0x108;
	_ =	swait.ge @!p0 [sflag:s8], $0x0  }
0x24: {  	s3 =	sadd.s32 $0x88, s3;
	s6 =	simm.s32 @!p1 $0x1082;
	[sflag:s4] =	ssyncset.s32 $0xFFFFF086  }
0x25: {  	[simem:s6], [sflag:s4] =	dma.local [hbm:s3], $0xF7A  }
0x26: {  	[smem:$0x3F9B] =	sst s1;
	(tag) =	ssettag s2;
	_ =	strace s9  }
0x27: {  	s1 =	sld [smem:$0x3FAB]  }
0x28: {  	s2 =	sld [smem:$0x3FAC]  }
0x29: {  	s4 =	sld [smem:$0x3FAE]  }
0x2a: {  	p0 =	seq.s32 s5, $0x0;
	s5 =	sld [smem:$0x3FAF]  }
0x2b: {  	s6 =	sld [smem:$0x3FB0]  }
0x2c: {  	s7 =	sld [smem:$0x3FB1]  }
0x2d: {  	s3 =	simm.s32 $0x108;
	s8 =	sld [smem:$0x3FB2]  }
0x2e: {  	s3 =	simm.s32 @!p0 $0x1082;
	s9 =	sld [smem:$0x3FB3]  }
0x2f: {  	lr =	sadd.s32 s0, s3;
	s0 =	sld [smem:$0x3FAA]  }
0x30: {  	s3 =	sld [smem:$0x3FAD]  }
0x31: {  	[smem:$0x3FB6] =	sst s10  }
0x32: {  	s10 =	sld [smem:$0x3FB4];
	_ =	sdelay $0x3  }
0x33: {  	p0 =	seq.s32 s10, $0x1;
	s10 =	sld [smem:$0x3FB6];
	_ =	sdelay $0x3  }
0x34: {  	[smem:$0x3FB6] =	sst s10  }
0x35: {  	s10 =	sld [smem:$0x3FB5];
	_ =	sdelay $0x3  }
0x36: {  	p1 =	seq.s32 s10, $0x1;
	s10 =	sld [smem:$0x3FB6];
	_ =	sdelay $0x3  }
0x37: {  	[smem:$0x3FB6] =	sst s10  }
0x38: {  	s10 =	sld [smem:$0x3FB7]  }
0x39: {  	_ = 	snop;
	(pc) =	sbr.ind lr, $3  }
0x3a: {  	_ = 	snop  }
0x3b: {  	_ = 	snop  }
0x3c: {  	p2 =	seq.s32 s10, $0x1;
	s10 =	sld [smem:$0x3FB6]  }
0x3d: {  	_ =	shalt  }
0x3e: {  	_ =	shalt  }
0x3f: {  	_ =	shalt  }
0x40: {  	_ =	shalt  }
0x41: {  	_ =	shalt  }
0x42: {  	_ =	shalt  }
0x43: {  	_ =	shalt  }
0x44: {  	_ =	shalt  }
0x45: {  	_ =	shalt  }
0x46: {  	_ =	shalt  }
0x47: {  	_ =	shalt  }
0x48: {  	_ =	shalt  }
0x49: {  	_ =	shalt  }
0x4a: {  	_ =	shalt  }
0x4b: {  	_ =	shalt  }
0x4c: {  	_ =	shalt  }
0x4d: {  	_ =	shalt  }
0x4e: {  	_ =	shalt  }
0x4f: {  	_ =	shalt  }
0x50: {  	_ =	shalt  }
0x51: {  	_ =	shalt  }
0x52: {  	_ =	shalt  }
0x53: {  	_ =	shalt  }
0x54: {  	_ =	shalt  }
0x55: {  	_ =	shalt  }
0x56: {  	_ =	shalt  }
0x57: {  	_ =	shalt  }
0x58: {  	_ =	shalt  }
0x59: {  	_ =	shalt  }
0x5a: {  	_ =	shalt  }
0x5b: {  	_ =	shalt  }
0x5c: {  	_ =	shalt  }
0x5d: {  	_ =	shalt  }
0x5e: {  	_ =	shalt  }
0x5f: {  	_ =	shalt  }
0x60: {  	_ =	shalt  }
0x61: {  	_ =	shalt  }
0x62: {  	_ =	shalt  }
0x63: {  	_ =	shalt  }
0x64: {  	_ =	shalt  }
0x65: {  	_ =	shalt  }
0x66: {  	_ =	shalt  }
0x67: {  	_ =	shalt  }
0x68: {  	_ =	shalt  }
0x69: {  	_ =	shalt  }
0x6a: {  	_ =	shalt  }
0x6b: {  	_ =	shalt  }
0x6c: {  	_ =	shalt  }
0x6d: {  	_ =	shalt  }
0x6e: {  	_ =	shalt  }
0x6f: {  	_ =	shalt  }
0x70: {  	_ =	shalt  }
0x71: {  	_ =	shalt  }
0x72: {  	_ =	shalt  }
0x73: {  	_ =	shalt  }
0x74: {  	_ =	shalt  }
0x75: {  	_ =	shalt  }
0x76: {  	_ =	shalt  }
0x77: {  	_ =	shalt  }
0x78: {  	_ =	shalt  }
0x79: {  	_ =	shalt  }
0x7a: {  	_ =	shalt  }
0x7b: {  	_ =	shalt  }
0x7c: {  	_ =	shalt  }
0x7d: {  	_ =	shalt  }
0x7e: {  	_ =	shalt  }
0x7f: {  	_ =	shalt  }
0x80: {  	_ =	shalt  }
0x81: {  	_ =	shalt  }
0x82: {  	_ =	shalt  }
0x83: {  	_ =	shalt  }
0x84: {  	_ =	shalt  }
0x85: {  	_ =	shalt  }
0x86: {  	_ =	shalt  }
0x87: {  	_ =	shalt  }
.Lfunc_end0:
.L_simem_size_0:
called_computation.2_lowered:
.L_overlay_start_0:
0x88: {  	s2 =	sld [smem:$0x3FD9]  }
0x89: {  	s3 =	sld [smem:$0x3FFE];
	_ =	sdelay $0x1  }
0x8a: {  	s1 =	srdreg.scid  }
0x8b: {  	s0 =	sand.u32 $0x1, s1  }
0x8c: {  	s16 =	sshll.u32 s0, $0xA;
	s2 =	sadd.s32 s3, s2  }
0x8d: {  	s2 =	sadd.s32 s2, s16  }
0x8e: {  	[smem:$0x3FC2] =	sst s2  }
0x8f: {  	_ = 	snop  }
0x90: {  	(tm) =	ssettm $0x1  }
0x91: {  	s17 =	sld [smem:$0x3FFB];
	_ =	sdelay $0x3  }
0x92: {  	_ =	strace s17  }
0x93: {  	s2 =	sld [smem:$0x3FFC];
	_ =	sdelay $0x3  }
0x94: {  	_ =	strace s2  }
0x95: {  	s2 =	sld [smem:$0x3FFD];
	_ =	sdelay $0x3  }
0x96: {  	_ =	strace s2  }
0x97: {  	_ =	strace $0x8FFFFFFF  }
0x98: {  	s18 =	sld [smem:$0x3FDB];
	_ =	sdelay $0x1  }
0x99: {  	s19 =	simm.s32 $_scs_section_size  }
0x9a: {  	s4 =	simm.s32 $_size__tile_overlayer_lowered;
	s5 =	simm.s32 $_tile_overlayer_lowered  }
0x9b: {  	s22 =	simm.s32 $0x1BFF;
	s21 =	sshll.u32 s5, $0x1;
	s2 =	sadd.s32 s19, s18  }
0x9c: {  	s6 =	simm.s32 $0x0;
	s20 =	sshll.u32 s4, $0x1;
	s4 =	sadd.s32 s21, s2  }
0x9d: {  	[timem:s6], [sflag:s22] =	dma.local [hbm:s4], s20  }
0x9e: {  	_ =	swait.ge [sflag:s22], s20  }
0x9f: {  	s3 =	ssub.s32 $0x0, s20;
	[sflag:s22] =	ssyncset.done $0x0  }
0xa0: {  	[sflag:s22] =	ssyncadd.s32 s3;
	_ =	sdelay $0x1  }
0xa1: {  	s23 =	simm.s32 $0x1B8B  }
0xa2: {  	_ =	swait.ge [sflag:s23], $0x1  }
0xa3: {  	[sflag:s23] =	ssyncset.done $0x0  }
0xa4: {  	s25 =	simm.s32 $0x1B8E;
	s24 =	sld [smem:$0x3FFE];
	[sflag:s23] =	ssyncadd.s32 $0xFFFFFFFF  }
0xa5: {  	s26 =	simm.s32 $execute0_lowered;
	[smem:$0x3FD2] =	sst s25  }
0xa6: {  	s4 =	sshll.u32 s26, $0x1;
	_ =	strace $0x8000004C;
	[dreg:$0x1] =	wrdreg $0xFFFFFFFF  }
0xa7: {  	s28 =	simm.s32 $_size_execute0_lowered;
	s2 =	sadd.s32 s2, s4;
	[dreg:$0x0] =	wrdreg $0x0  }
0xa8: {  	s4 =	sshll.u32 s28, $0x1;
	[dreg:$0x2] =	wrdreg s2  }
0xa9: {  	[dreg:$0x3] =	wrdreg s4  }
0xaa: {  	[dreg:$0x4] =	wrdreg $0xC0  }
0xab: {  	_ =	task [dreg:s6], $0x5FFFF  }
0xac: {  	[dreg:$0x1] =	wrdreg $0xFFFFFFFF  }
0xad: {  	[dreg:$0x0] =	wrdreg $0x60  }
0xae: {  	[dreg:$0x2] =	wrdreg s24  }
0xaf: {  	[dreg:$0x3] =	wrdreg $0x80000  }
0xb0: {  	[dreg:$0x4] =	wrdreg $0x9  }
0xb1: {  	_ =	task.clear_ibuf [dreg:s6], $0x5FFFF;
	_ =	strace $0x9000004C  }
0xb2: {  	s29 =	simm.s32 $0x9;
	_ =	strace $0x8000004E  }
0xb3: {  	_ =	swait.ge [sflag:s29], $0x1  }
0xb4: {  	[sflag:s29] =	ssyncadd.s32 $0xFFFFFFFF  }
0xb5: {  	_ =	strace $0x9000004E  }
0xb6: {  	_ =	sfence  }
0xb7: {  	s30 =	sld [smem:$0x0];
	_ =	sdelay $0x2  }
0xb8: {  	s31 =	sshll.u32 s1, $0xD;
	s1 =	sshrl.u32 s1, $0x2  }
0xb9: {  	s3 =	sand.u32 $0x4000, s31;
	s1 =	sadd.s32 s1, s30  }
0xba: {  	s0 =	sor.u32 s3, s0;
	s1 =	sshll.u32 s1, $0x11  }
0xbb: {  	s0 =	sor.u32 s1, s0  }
0xbc: {  	s0 =	sadd.s32 $0x8F2B, s0  }
0xbd: {  	[sflag:s0] =	ssyncadd.remote.s32 $0x1  }
0xbe: {  	_ =	sfence.sel $0xFFFF  }
0xbf: {  	[dreg:$0x0] =	wrdreg $0xFFFFFFFF;
	(pc) =	sbr.abs _section_cstart, $3  }
0xc0: {  	[dreg:$0x1] =	wrdreg $0xFFFFFFFF  }
0xc1: {  	_ =	task.clear_ibuf [dreg:s6], $0x2FFFF;
	_ =	strace $0x9FFFFFFF  }
0xc2: {  	(tm) =	ssettm $0x7FFFFFFF  }
0xc3: {  	_ =	shalt  }
tec
execute0_lowered:
.L_overlay_start_1:
0x0: {  	(tag) =	ssettag $0x1  }
0x1: {  	s1 =	rddreg [dreg:$0x0];
	s19 =	stileid.u32  }
0x2: {  	s2 =	rddreg [dreg:$0x1];
	s0 =	smul.u32 $0x780, s19  }
0x3: {  	s3 =	simm.s32 $0x0;
	s6 =	srdreg.scid;
	s7 =	smul.u32 $0xA000, s19  }
0x4: {  	[smem:$0x7FF] =	sst s3;
	s8 =	sor.u32 $0x10, s19;
	s24 =	smul.u32 $0x500, s19  }
0x5: {  	s4 =	sadd.s32 $0x23400, s1;
	s11 =	sor.u32 $0x20, s19;
	s10 =	smul.u32 $0xA000, s8  }
0x6: {  	s5 =	sadd.s32 $0x4A600, s1;
	s12 =	sor.u32 $0x30, s19;
	s30 =	smul.u32 $0xA000, s11  }
0x7: {  	s20 =	sadd.s32 $0x71800, s1;
	s13 =	sor.u32 $0x40, s19;
	s31 =	smul.u32 $0xA000, s12  }
0x8: {  	s21 =	sadd.s32 $0x98A00, s1;
	s16 =	sor.u32 $0x60, s19;
	s14 =	smul.u32 $0xA000, s13  }
0x9: {  	s29 =	sand.u32 $0x1, s6;
	s15 =	sor.u32 $0x50, s19;
	s17 =	smul.u32 $0xA000, s16  }
0xa: {  	s18 =	sor.u32 $0x70, s19;
	_ =	strace $0x8000004D;
	s25 =	smul.u32 $0x500, s8  }
0xb: {  	s6 =	ssub.s32 $0x2, s29;
	s28 =	smul.u32 $0x500, s11;
	[dreg:$0x4] =	wrdreg s21  }
0xc: {  	p0 =	sne.s32 s29, $0x0;
	s29 =	smul.u32 $0x500, s12;
	[dreg:$0x3] =	wrdreg s20  }
0xd: {  	s0 =	sadd.s32 s0, s1;
	s9 =	sshrl.u32 s6, $0x1;
	s7 =	sshrl.u32 s7, $0x2  }
0xe: {  	s1 =	sadd.s32 s20, s24;
	s6 =	ssub.s32 s6, s9;
	s7 =	sadd.s32 s7, s2  }
0xf: {  	s9 =	sshrl.u32 s30, $0x2;
	s26 =	sshrl.u32 s14, $0x2;
	[dreg:$0x10] =	wrdreg s1  }
0x10: {  	s14 =	smul.u32 $0x500, s16;
	s16 =	sadd.s32 s21, s24;
	[dreg:$0x6] =	wrdreg s7  }
0x11: {  	s30 =	sshrl.u32 s17, $0x2;
	s17 =	sadd.s32 s21, s25;
	[dreg:$0xf] =	wrdreg s16  }
0x12: {  	s22 =	smul.u32 $0xA000, s15;
	s19 =	sadd.s32 s21, s28;
	[dreg:$0x11] =	wrdreg s17  }
0x13: {  	s23 =	smul.u32 $0xA000, s18;
	s24 =	sadd.s32 s20, s29;
	[dreg:$0x13] =	wrdreg s19  }
0x14: {  	s10 =	sshrl.u32 s10, $0x2;
	s6 =	smax.u32 s6, $0x1;
	[dreg:$0x16] =	wrdreg s24  }
0x15: {  	p1 =	sgt.u32 s18, $0x7C;
	s10 =	sadd.s32 s10, s2;
	[dreg:$0x5] =	wrdreg s6  }
0x16: {  	p2 =	slt.u32 s18, $0x7D;
	s9 =	sadd.s32 s9, s2;
	[dreg:$0x7] =	wrdreg s10  }
0x17: {  	s7 =	sshrl.u32 s22, $0x2;
	s8 =	sadd.s32 s26, s2;
	[dreg:$0x8] =	wrdreg s9  }
0x18: {  	s22 =	sadd.s32 s20, s28;
	s6 =	sshrl.u32 s31, $0x2;
	[dreg:$0xa] =	wrdreg s8  }
0x19: {  	s7 =	sadd.s32 s7, s2;
	s31 =	smul.u32 $0x500, s13;
	[dreg:$0x14] =	wrdreg s22  }
0x1a: {  	s8 =	sadd.s32 s30, s2;
	s13 =	smul.u32 $0x500, s15;
	[dreg:$0xb] =	wrdreg s7  }
0x1b: {  	s15 =	smul.u32 $0x500, s18;
	s18 =	sadd.s32 s20, s25;
	[dreg:$0xc] =	wrdreg s8  }
0x1c: {  	s10 =	sshrl.u32 s23, $0x2;
	s23 =	sadd.s32 s21, s29;
	[dreg:$0x12] =	wrdreg s18  }
0x1d: {  	s30 =	sadd.s32 s21, s14;
	[dreg:$0x15] =	wrdreg s23  }
0x1e: {  	s1 =	simm.s32 $0x0;
	s6 =	sadd.s32 s6, s2;
	[dreg:$0x1b] =	wrdreg s30  }
0x1f: {  	s17 =	sadd.s32 $0x14400, s0;
	s12 =	sadd.s32 s10, s2;
	[dreg:$0x9] =	wrdreg s6  }
0x20: {  	s19 =	simm.s32 $0x1800;
	s24 =	simm.s32 $0x4C00;
	[dreg:$0xd] =	wrdreg s12  }
0x21: {  	s22 =	simm.s32 $0x64;
	[dreg:$0xe] =	wrdreg s15;
	s25 =	sadd.s32 s21, s31  }
.Ltmp0:
0x22: {  	s26 =	sadd.s32 s20, s31;
	[dreg:$0x17] =	wrdreg s25;
	(pc) =	sbr.rel .LBB2_1-.Ltmp0, $4  }
0x23: {  	s18 =	sadd.s32 $0x1BC00, s0;
	s28 =	sadd.s32 s21, s13;
	[dreg:$0x18] =	wrdreg s26  }
0x24: {  	s29 =	sadd.s32 s20, s13;
	s31 =	sadd.s32 s20, s14;
	[dreg:$0x19] =	wrdreg s28  }
0x25: {  	s20 =	simm.s32 $0x3;
	s21 =	simm.s32 $0xC00;
	[dreg:$0x1a] =	wrdreg s29  }
0x26: {  	v0 =	vimm.f32 $0.0e+00;
	[dreg:$0x1c] =	wrdreg s31;
	s25 =	simm.s32 $0x1;
	s26 =	simm.s32 $0x2  }
.LBB2_10:
0x27: {  	s0 =	stileid.u32;
	s6 =	rddreg [dreg:$0xe]  }
0x28: {  	s31 =	rddreg [dreg:$0xd];
	s0 =	sshll.u32 s0, $0x6  }
0x29: {  	s6 =	sadd.s32 s29, s6;
	s29 =	sshrl.u32 s31, $0x3;
	s0 =	sor.u32 $0x1C03, s0  }
0x2a: {  	[hbm:s6], [sflag:s0] =	dma.local [spmem:s29], $0x500  }
0x2b: {  	_ =	swait.ge [sflag:s20], $0x500  }
0x2c: {  	[sflag:s20] =	ssyncset.done $0x0  }
0x2d: {  	[sflag:s20] =	ssyncadd.s32 $0xFFFFFB00  }
.LBB2_11:
0x2e: {  	s1 =	sadd.s32 $0x1, s1;
	s0 =	rddreg [dreg:$0x5]  }
0x2f: {  	p3 =	sne.s32 s1, s0  }
.Ltmp1:
0x30: {  	_ = 	snop;
	(pc) =	sbr.rel @!p3 .LBB2_12-.Ltmp1, $1  }
0x31: {  	_ =	sdelay $0x3  }
.LBB2_1:
0x32: {  	s29 =	sand.u32 $0xFE00, s3  }
0x33: {  	s30 =	sand.u32 $0x70, s3;
	s31 =	sshrl.u32 s29, $0x2  }
0x34: {  	s29 =	simm.s32 $0x40;
	s31 =	sor.u32 s30, s31;
	s30 =	simm.s32 $0x0  }
.LBB2_2:
0x35: {  	p3 =	sne.s32 s29, $0xC7C0  }
0x36: {  	[tilespmem:s31+$0x1800] =	vst v0;
	s30 =	sadd.s32 $0x10, s30;
	s31 =	smov.u32 s29;
	s29 =	sadd.s32 $0x40, s29  }
.Ltmp2:
0x37: {  	(pc) =	sbr.rel @p3 .LBB2_2-.Ltmp2, $4  }
0x38: {  	_ = 	snop  }
0x39: {  	s31 =	sand.u32 $0xFE00, s31  }
0x3a: {  	s0 =	sand.u32 $0x70, s30;
	s31 =	sshrl.u32 s31, $0x2  }
0x3b: {  	s31 =	sor.u32 s0, s31  }
0x3c: {  	[dreg:$0x1d] =	wrdreg s1  }
0x3d: {  	[tilespmem:s31+$0x1800] =	vst v0;
	s0 =	rddreg [dreg:$0x6]  }
0x3e: {  	[spmem:s0] =	stream.linear.scatter [tilespmem:s19], [sflag:$0x3], $0x2800, $0x38;
	[tilespmem:$0x1B880] =	vst v63  }
0x3f: {  	_ =	swait.ge [sflag:s20], $0x2800  }
0x40: {  	[sflag:s20] =	ssyncset.done $0x0  }
0x41: {  	s16 =	rddreg [dreg:$0x7];
	[sflag:s20] =	ssyncadd.s32 $0xFFFFD800  }
0x42: {  	[spmem:s16] =	stream.linear.scatter [tilespmem:s19], [sflag:$0x3], $0x2800, $0x38;
	[tilespmem:$0x1B880] =	vst v63  }
0x43: {  	_ =	swait.ge [sflag:s20], $0x2800  }
0x44: {  	[sflag:s20] =	ssyncset.done $0x0  }
0x45: {  	s23 =	rddreg [dreg:$0x8];
	[sflag:s20] =	ssyncadd.s32 $0xFFFFD800  }
0x46: {  	[spmem:s23] =	stream.linear.scatter [tilespmem:s19], [sflag:$0x3], $0x2800, $0x38;
	[tilespmem:$0x1B880] =	vst v63  }
0x47: {  	_ =	swait.ge [sflag:s20], $0x2800  }
0x48: {  	[sflag:s20] =	ssyncset.done $0x0  }
0x49: {  	s28 =	rddreg [dreg:$0x9];
	[sflag:s20] =	ssyncadd.s32 $0xFFFFD800  }
0x4a: {  	[spmem:s28] =	stream.linear.scatter [tilespmem:s19], [sflag:$0x3], $0x2800, $0x38;
	[tilespmem:$0x1B880] =	vst v63  }
0x4b: {  	_ =	swait.ge [sflag:s20], $0x2800  }
0x4c: {  	[sflag:s20] =	ssyncset.done $0x0  }
0x4d: {  	s29 =	rddreg [dreg:$0xa];
	[sflag:s20] =	ssyncadd.s32 $0xFFFFD800  }
0x4e: {  	[spmem:s29] =	stream.linear.scatter [tilespmem:s19], [sflag:$0x3], $0x2800, $0x38;
	[tilespmem:$0x1B880] =	vst v63  }
0x4f: {  	_ =	swait.ge [sflag:s20], $0x2800  }
0x50: {  	[sflag:s20] =	ssyncset.done $0x0  }
0x51: {  	s30 =	rddreg [dreg:$0xb];
	[sflag:s20] =	ssyncadd.s32 $0xFFFFD800  }
0x52: {  	[spmem:s30] =	stream.linear.scatter [tilespmem:s19], [sflag:$0x3], $0x2800, $0x38;
	[tilespmem:$0x1B880] =	vst v63  }
0x53: {  	_ =	swait.ge [sflag:s20], $0x2800  }
0x54: {  	[sflag:s20] =	ssyncset.done $0x0  }
0x55: {  	s31 =	rddreg [dreg:$0xc];
	[sflag:s20] =	ssyncadd.s32 $0xFFFFD800  }
0x56: {  	[spmem:s31] =	stream.linear.scatter [tilespmem:s19], [sflag:$0x3], $0x2800, $0x38;
	[tilespmem:$0x1B880] =	vst v63  }
0x57: {  	_ =	swait.ge [sflag:s20], $0x2800  }
0x58: {  	[sflag:s20] =	ssyncset.done $0x0  }
0x59: {  	s0 =	simm.s32 @!p1 $0x1800;
	s6 =	rddreg [dreg:$0xd];
	[sflag:s20] =	ssyncadd.s32 $0xFFFFD800  }
0x5a: {  	[spmem:s6] =	stream.linear.scatter @!p1 [tilespmem:s0], [sflag:$0x3], $0x2800, $0x38;
	[tilespmem:$0x1B880] =	vst v63  }
0x5b: {  	s0 =	simm.s32 @!p1 $0x3  }
.Ltmp3:
0x5c: {  	_ =	swait.ge @!p1 [sflag:s0], $0x2800;
	(pc) =	sbr.rel @p0 .LBB2_7-.Ltmp3, $4  }
0x5d: {  	[sflag:s0] =	ssyncset.done @!p1 $0x0  }
0x5e: {  	[sflag:s0] =	ssyncadd.s32 @!p1 $0xFFFFD800  }
0x5f: {  	[bflag:$0x0] =	sbarrier.arrive $0xFFFF  }
0x60: {  	s0 =	sadd.s32 $0x0, s17  }
0x61: {  	[tilespmem:s3], [sflag:$0x3] =	stream.linear.gather [hbm4b:s0+s3], $0xA00, $0x38;
	[tilespmem:$0x1B880] =	vst v63  }
0x62: {  	_ =	swait.ge [sflag:s20], $0xA00  }
0x63: {  	[sflag:s20] =	ssyncset.done $0x0  }
0x64: {  	s31 =	sadd.s32 $0x0, s18;
	[sflag:s20] =	ssyncadd.s32 $0xFFFFF600  }
0x65: {  	[tilespmem:s21], [sflag:$0x3] =	stream.linear.gather [hbm4b:s31+s3], $0xA00, $0x38;
	[tilespmem:$0x1B880] =	vst v63  }
0x66: {  	_ =	swait.ge [sflag:s20], $0xA00  }
0x67: {  	[sflag:s20] =	ssyncset.done $0x0  }
0x68: {  	[sflag:s20] =	ssyncadd.s32 $0xFFFFF600  }
0x69: {  	[tilespmem:s19], [sflag:$0x1] =	stream.indirect.gather [hbm4b:s4+s22], $0x80, s3, s22, $0xb8;
	[tilespmem:$0x1B880] =	vst v63  }
0x6a: {  	s1 =	simm.s32 $0x80  }
0x6b: {  	[tilespmem:s24], [sflag:$0x2] =	stream.indirect.gather [hbm4b:s4+s22], $0x80, s1, s22, $0xb8;
	[tilespmem:$0x1B880] =	vst v63  }
0x6c: {  	_ =	swait.ge [sflag:s25], $0x3200  }
0x6d: {  	[sflag:s25] =	ssyncset.done $0x0  }
0x6e: {  	[sflag:s25] =	ssyncadd.s32 $0xFFFFCE00  }
0x6f: {  	[spmem:s2] =	stream.indirect.scatter.add.f32 [tilespmem:s19], [sflag:$0x3], $0x80, s21, s22, $0xb8;
	[tilespmem:$0x1B880] =	vst v63  }
0x70: {  	_ =	swait.ge [sflag:s20], $0x3200  }
0x71: {  	[sflag:s20] =	ssyncset.done $0x0  }
0x72: {  	[sflag:s20] =	ssyncadd.s32 $0xFFFFCE00  }
0x73: {  	_ =	swait.ge [sflag:s26], $0x3200  }
0x74: {  	[sflag:s26] =	ssyncset.done $0x0  }
0x75: {  	s7 =	simm.s32 $0xC80;
	[sflag:s26] =	ssyncadd.s32 $0xFFFFCE00  }
0x76: {  	[spmem:s2] =	stream.indirect.scatter.add.f32 [tilespmem:s24], [sflag:$0x3], $0x80, s7, s22, $0xb8;
	[tilespmem:$0x1B880] =	vst v63  }
0x77: {  	_ =	swait.ge [sflag:s20], $0x3200  }
0x78: {  	[sflag:s20] =	ssyncset.done $0x0  }
0x79: {  	s1 =	simm.s32 $0x100;
	[sflag:s20] =	ssyncadd.s32 $0xFFFFCE00  }
0x7a: {  	[tilespmem:s19], [sflag:$0x1] =	stream.indirect.gather [hbm4b:s4+s22], $0x80, s1, s22, $0xb8;
	[tilespmem:$0x1B880] =	vst v63  }
0x7b: {  	s8 =	simm.s32 $0x180  }
0x7c: {  	[tilespmem:s24], [sflag:$0x2] =	stream.indirect.gather [hbm4b:s4+s22], $0x80, s8, s22, $0xb8;
	[tilespmem:$0x1B880] =	vst v63  }
0x7d: {  	_ =	swait.ge [sflag:s25], $0x3200  }
0x7e: {  	[sflag:s25] =	ssyncset.done $0x0  }
0x7f: {  	s16 =	simm.s32 $0xD00;
	[sflag:s25] =	ssyncadd.s32 $0xFFFFCE00  }
0x80: {  	[spmem:s2] =	stream.indirect.scatter.add.f32 [tilespmem:s19], [sflag:$0x3], $0x80, s16, s22, $0xb8;
	[tilespmem:$0x1B880] =	vst v63  }
0x81: {  	_ =	swait.ge [sflag:s20], $0x3200  }
0x82: {  	[sflag:s20] =	ssyncset.done $0x0  }
0x83: {  	[sflag:s20] =	ssyncadd.s32 $0xFFFFCE00  }
0x84: {  	_ =	swait.ge [sflag:s26], $0x3200  }
0x85: {  	[sflag:s26] =	ssyncset.done $0x0  }
0x86: {  	s9 =	simm.s32 $0xD80;
	[sflag:s26] =	ssyncadd.s32 $0xFFFFCE00  }
0x87: {  	[spmem:s2] =	stream.indirect.scatter.add.f32 [tilespmem:s24], [sflag:$0x3], $0x80, s9, s22, $0xb8;
	[tilespmem:$0x1B880] =	vst v63  }
0x88: {  	_ =	swait.ge [sflag:s20], $0x3200  }
0x89: {  	[sflag:s20] =	ssyncset.done $0x0  }
0x8a: {  	s10 =	simm.s32 $0x200;
	[sflag:s20] =	ssyncadd.s32 $0xFFFFCE00  }
0x8b: {  	[tilespmem:s19], [sflag:$0x1] =	stream.indirect.gather [hbm4b:s4+s22], $0x80, s10, s22, $0xb8;
	[tilespmem:$0x1B880] =	vst v63  }
0x8c: {  	s11 =	simm.s32 $0x280  }
0x8d: {  	[tilespmem:s24], [sflag:$0x2] =	stream.indirect.gather [hbm4b:s4+s22], $0x80, s11, s22, $0xb8;
	[tilespmem:$0x1B880] =	vst v63  }
0x8e: {  	_ =	swait.ge [sflag:s25], $0x3200  }
0x8f: {  	[sflag:s25] =	ssyncset.done $0x0  }
0x90: {  	s12 =	simm.s32 $0xE00;
	[sflag:s25] =	ssyncadd.s32 $0xFFFFCE00  }
0x91: {  	[spmem:s2] =	stream.indirect.scatter.add.f32 [tilespmem:s19], [sflag:$0x3], $0x80, s12, s22, $0xb8;
	[tilespmem:$0x1B880] =	vst v63  }
0x92: {  	_ =	swait.ge [sflag:s20], $0x3200  }
0x93: {  	[sflag:s20] =	ssyncset.done $0x0  }
0x94: {  	[sflag:s20] =	ssyncadd.s32 $0xFFFFCE00  }
0x95: {  	_ =	swait.ge [sflag:s26], $0x3200  }
0x96: {  	[sflag:s26] =	ssyncset.done $0x0  }
0x97: {  	s13 =	simm.s32 $0xE80;
	[sflag:s26] =	ssyncadd.s32 $0xFFFFCE00  }
0x98: {  	[spmem:s2] =	stream.indirect.scatter.add.f32 [tilespmem:s24], [sflag:$0x3], $0x80, s13, s22, $0xb8;
	[tilespmem:$0x1B880] =	vst v63  }
0x99: {  	_ =	swait.ge [sflag:s20], $0x3200  }
0x9a: {  	[sflag:s20] =	ssyncset.done $0x0  }
0x9b: {  	s14 =	simm.s32 $0x300;
	[sflag:s20] =	ssyncadd.s32 $0xFFFFCE00  }
0x9c: {  	[tilespmem:s19], [sflag:$0x1] =	stream.indirect.gather [hbm4b:s4+s22], $0x80, s14, s22, $0xb8;
	[tilespmem:$0x1B880] =	vst v63  }
0x9d: {  	s15 =	simm.s32 $0x380  }
0x9e: {  	[tilespmem:s24], [sflag:$0x2] =	stream.indirect.gather [hbm4b:s4+s22], $0x80, s15, s22, $0xb8;
	[tilespmem:$0x1B880] =	vst v63  }
0x9f: {  	_ =	swait.ge [sflag:s25], $0x3200  }
0xa0: {  	[sflag:s25] =	ssyncset.done $0x0  }
0xa1: {  	s23 =	simm.s32 $0xF00;
	[sflag:s25] =	ssyncadd.s32 $0xFFFFCE00  }
0xa2: {  	[spmem:s2] =	stream.indirect.scatter.add.f32 [tilespmem:s19], [sflag:$0x3], $0x80, s23, s22, $0xb8;
	[tilespmem:$0x1B880] =	vst v63  }
0xa3: {  	_ =	swait.ge [sflag:s20], $0x3200  }
0xa4: {  	[sflag:s20] =	ssyncset.done $0x0  }
0xa5: {  	[sflag:s20] =	ssyncadd.s32 $0xFFFFCE00  }
0xa6: {  	_ =	swait.ge [sflag:s26], $0x3200  }
0xa7: {  	[sflag:s26] =	ssyncset.done $0x0  }
0xa8: {  	s28 =	simm.s32 $0xF80;
	[sflag:s26] =	ssyncadd.s32 $0xFFFFCE00  }
0xa9: {  	[spmem:s2] =	stream.indirect.scatter.add.f32 [tilespmem:s24], [sflag:$0x3], $0x80, s28, s22, $0xb8;
	[tilespmem:$0x1B880] =	vst v63  }
0xaa: {  	_ =	swait.ge [sflag:s20], $0x3200  }
0xab: {  	[sflag:s20] =	ssyncset.done $0x0  }
0xac: {  	s6 =	simm.s32 $0x400;
	[sflag:s20] =	ssyncadd.s32 $0xFFFFCE00  }
0xad: {  	[tilespmem:s19], [sflag:$0x1] =	stream.indirect.gather [hbm4b:s4+s22], $0x80, s6, s22, $0xb8;
	[tilespmem:$0x1B880] =	vst v63  }
0xae: {  	s31 =	simm.s32 $0x480  }
0xaf: {  	[tilespmem:s24], [sflag:$0x2] =	stream.indirect.gather [hbm4b:s4+s22], $0x80, s31, s22, $0xb8;
	[tilespmem:$0x1B880] =	vst v63  }
0xb0: {  	_ =	swait.ge [sflag:s25], $0x3200  }
0xb1: {  	[sflag:s25] =	ssyncset.done $0x0  }
0xb2: {  	s6 =	simm.s32 $0x1000;
	[sflag:s25] =	ssyncadd.s32 $0xFFFFCE00  }
0xb3: {  	[spmem:s2] =	stream.indirect.scatter.add.f32 [tilespmem:s19], [sflag:$0x3], $0x80, s6, s22, $0xb8;
	[tilespmem:$0x1B880] =	vst v63  }
0xb4: {  	_ =	swait.ge [sflag:s20], $0x3200  }
0xb5: {  	[sflag:s20] =	ssyncset.done $0x0  }
0xb6: {  	[sflag:s20] =	ssyncadd.s32 $0xFFFFCE00  }
0xb7: {  	_ =	swait.ge [sflag:s26], $0x3200  }
0xb8: {  	[sflag:s26] =	ssyncset.done $0x0  }
0xb9: {  	s31 =	simm.s32 $0x1080;
	[sflag:s26] =	ssyncadd.s32 $0xFFFFCE00  }
0xba: {  	[spmem:s2] =	stream.indirect.scatter.add.f32 [tilespmem:s24], [sflag:$0x3], $0x80, s31, s22, $0xb8;
	[tilespmem:$0x1B880] =	vst v63  }
0xbb: {  	_ =	swait.ge [sflag:s20], $0x3200  }
0xbc: {  	[sflag:s20] =	ssyncset.done $0x0  }
0xbd: {  	s6 =	simm.s32 $0x500;
	[sflag:s20] =	ssyncadd.s32 $0xFFFFCE00  }
0xbe: {  	[tilespmem:s19], [sflag:$0x1] =	stream.indirect.gather [hbm4b:s4+s22], $0x80, s6, s22, $0xb8;
	[tilespmem:$0x1B880] =	vst v63  }
0xbf: {  	s31 =	simm.s32 $0x580  }
0xc0: {  	[tilespmem:s24], [sflag:$0x2] =	stream.indirect.gather [hbm4b:s4+s22], $0x80, s31, s22, $0xb8;
	[tilespmem:$0x1B880] =	vst v63  }
0xc1: {  	_ =	swait.ge [sflag:s25], $0x3200  }
0xc2: {  	[sflag:s25] =	ssyncset.done $0x0  }
0xc3: {  	s6 =	simm.s32 $0x1100;
	[sflag:s25] =	ssyncadd.s32 $0xFFFFCE00  }
0xc4: {  	[spmem:s2] =	stream.indirect.scatter.add.f32 [tilespmem:s19], [sflag:$0x3], $0x80, s6, s22, $0xb8;
	[tilespmem:$0x1B880] =	vst v63  }
0xc5: {  	_ =	swait.ge [sflag:s20], $0x3200  }
0xc6: {  	[sflag:s20] =	ssyncset.done $0x0  }
0xc7: {  	[sflag:s20] =	ssyncadd.s32 $0xFFFFCE00  }
0xc8: {  	_ =	swait.ge [sflag:s26], $0x3200  }
0xc9: {  	[sflag:s26] =	ssyncset.done $0x0  }
0xca: {  	s31 =	simm.s32 $0x1180;
	[sflag:s26] =	ssyncadd.s32 $0xFFFFCE00  }
0xcb: {  	[spmem:s2] =	stream.indirect.scatter.add.f32 [tilespmem:s24], [sflag:$0x3], $0x80, s31, s22, $0xb8;
	[tilespmem:$0x1B880] =	vst v63  }
0xcc: {  	_ =	swait.ge [sflag:s20], $0x3200  }
0xcd: {  	[sflag:s20] =	ssyncset.done $0x0  }
0xce: {  	s6 =	simm.s32 $0x600;
	[sflag:s20] =	ssyncadd.s32 $0xFFFFCE00  }
0xcf: {  	[tilespmem:s19], [sflag:$0x1] =	stream.indirect.gather [hbm4b:s4+s22], $0x80, s6, s22, $0xb8;
	[tilespmem:$0x1B880] =	vst v63  }
0xd0: {  	s31 =	simm.s32 $0x680  }
0xd1: {  	[tilespmem:s24], [sflag:$0x2] =	stream.indirect.gather [hbm4b:s4+s22], $0x80, s31, s22, $0xb8;
	[tilespmem:$0x1B880] =	vst v63  }
0xd2: {  	_ =	swait.ge [sflag:s25], $0x3200  }
0xd3: {  	[sflag:s25] =	ssyncset.done $0x0  }
0xd4: {  	s6 =	simm.s32 $0x1200;
	[sflag:s25] =	ssyncadd.s32 $0xFFFFCE00  }
0xd5: {  	[spmem:s2] =	stream.indirect.scatter.add.f32 [tilespmem:s19], [sflag:$0x3], $0x80, s6, s22, $0xb8;
	[tilespmem:$0x1B880] =	vst v63  }
0xd6: {  	_ =	swait.ge [sflag:s20], $0x3200  }
0xd7: {  	[sflag:s20] =	ssyncset.done $0x0  }
0xd8: {  	[sflag:s20] =	ssyncadd.s32 $0xFFFFCE00  }
0xd9: {  	_ =	swait.ge [sflag:s26], $0x3200  }
0xda: {  	[sflag:s26] =	ssyncset.done $0x0  }
0xdb: {  	s31 =	simm.s32 $0x1280;
	[sflag:s26] =	ssyncadd.s32 $0xFFFFCE00  }
0xdc: {  	[spmem:s2] =	stream.indirect.scatter.add.f32 [tilespmem:s24], [sflag:$0x3], $0x80, s31, s22, $0xb8;
	[tilespmem:$0x1B880] =	vst v63  }
0xdd: {  	_ =	swait.ge [sflag:s20], $0x3200  }
0xde: {  	[sflag:s20] =	ssyncset.done $0x0  }
0xdf: {  	s6 =	simm.s32 $0x700;
	[sflag:s20] =	ssyncadd.s32 $0xFFFFCE00  }
0xe0: {  	[tilespmem:s19], [sflag:$0x1] =	stream.indirect.gather [hbm4b:s4+s22], $0x80, s6, s22, $0xb8;
	[tilespmem:$0x1B880] =	vst v63  }
0xe1: {  	s31 =	simm.s32 $0x780  }
0xe2: {  	[tilespmem:s24], [sflag:$0x2] =	stream.indirect.gather [hbm4b:s4+s22], $0x80, s31, s22, $0xb8;
	[tilespmem:$0x1B880] =	vst v63  }
0xe3: {  	_ =	swait.ge [sflag:s25], $0x3200  }
0xe4: {  	[sflag:s25] =	ssyncset.done $0x0  }
0xe5: {  	s6 =	simm.s32 $0x1300;
	[sflag:s25] =	ssyncadd.s32 $0xFFFFCE00  }
0xe6: {  	[spmem:s2] =	stream.indirect.scatter.add.f32 [tilespmem:s19], [sflag:$0x3], $0x80, s6, s22, $0xb8;
	[tilespmem:$0x1B880] =	vst v63  }
0xe7: {  	_ =	swait.ge [sflag:s20], $0x3200  }
0xe8: {  	[sflag:s20] =	ssyncset.done $0x0  }
0xe9: {  	[sflag:s20] =	ssyncadd.s32 $0xFFFFCE00  }
0xea: {  	_ =	swait.ge [sflag:s26], $0x3200  }
0xeb: {  	[sflag:s26] =	ssyncset.done $0x0  }
0xec: {  	s31 =	simm.s32 $0x1380;
	[sflag:s26] =	ssyncadd.s32 $0xFFFFCE00  }
0xed: {  	[spmem:s2] =	stream.indirect.scatter.add.f32 [tilespmem:s24], [sflag:$0x3], $0x80, s31, s22, $0xb8;
	[tilespmem:$0x1B880] =	vst v63  }
0xee: {  	_ =	swait.ge [sflag:s20], $0x3200  }
0xef: {  	[sflag:s20] =	ssyncset.done $0x0  }
0xf0: {  	s6 =	simm.s32 $0x800;
	[sflag:s20] =	ssyncadd.s32 $0xFFFFCE00  }
0xf1: {  	[tilespmem:s19], [sflag:$0x1] =	stream.indirect.gather [hbm4b:s4+s22], $0x80, s6, s22, $0xb8;
	[tilespmem:$0x1B880] =	vst v63  }
0xf2: {  	s31 =	simm.s32 $0x880  }
0xf3: {  	[tilespmem:s24], [sflag:$0x2] =	stream.indirect.gather [hbm4b:s4+s22], $0x80, s31, s22, $0xb8;
	[tilespmem:$0x1B880] =	vst v63  }
0xf4: {  	_ =	swait.ge [sflag:s25], $0x3200  }
0xf5: {  	[sflag:s25] =	ssyncset.done $0x0  }
0xf6: {  	s6 =	simm.s32 $0x1400;
	[sflag:s25] =	ssyncadd.s32 $0xFFFFCE00  }
0xf7: {  	[spmem:s2] =	stream.indirect.scatter.add.f32 [tilespmem:s19], [sflag:$0x3], $0x80, s6, s22, $0xb8;
	[tilespmem:$0x1B880] =	vst v63  }
0xf8: {  	_ =	swait.ge [sflag:s20], $0x3200  }
0xf9: {  	[sflag:s20] =	ssyncset.done $0x0  }
0xfa: {  	[sflag:s20] =	ssyncadd.s32 $0xFFFFCE00  }
0xfb: {  	_ =	swait.ge [sflag:s26], $0x3200  }
0xfc: {  	[sflag:s26] =	ssyncset.done $0x0  }
0xfd: {  	s31 =	simm.s32 $0x1480;
	[sflag:s26] =	ssyncadd.s32 $0xFFFFCE00  }
0xfe: {  	[spmem:s2] =	stream.indirect.scatter.add.f32 [tilespmem:s24], [sflag:$0x3], $0x80, s31, s22, $0xb8;
	[tilespmem:$0x1B880] =	vst v63  }
0xff: {  	_ =	swait.ge [sflag:s20], $0x3200  }
0x100: {  	[sflag:s20] =	ssyncset.done $0x0  }
0x101: {  	s6 =	simm.s32 $0x900;
	[sflag:s20] =	ssyncadd.s32 $0xFFFFCE00  }
0x102: {  	[tilespmem:s19], [sflag:$0x1] =	stream.indirect.gather [hbm4b:s4+s22], $0x80, s6, s22, $0xb8;
	[tilespmem:$0x1B880] =	vst v63  }
0x103: {  	s31 =	simm.s32 $0x980  }
0x104: {  	[tilespmem:s24], [sflag:$0x2] =	stream.indirect.gather [hbm4b:s4+s22], $0x80, s31, s22, $0xb8;
	[tilespmem:$0x1B880] =	vst v63  }
0x105: {  	_ =	swait.ge [sflag:s25], $0x3200  }
0x106: {  	[sflag:s25] =	ssyncset.done $0x0  }
0x107: {  	s6 =	simm.s32 $0x1500;
	[sflag:s25] =	ssyncadd.s32 $0xFFFFCE00  }
0x108: {  	[spmem:s2] =	stream.indirect.scatter.add.f32 [tilespmem:s19], [sflag:$0x3], $0x80, s6, s22, $0xb8;
	[tilespmem:$0x1B880] =	vst v63  }
0x109: {  	_ =	swait.ge [sflag:s20], $0x3200  }
0x10a: {  	[sflag:s20] =	ssyncset.done $0x0  }
0x10b: {  	[sflag:s20] =	ssyncadd.s32 $0xFFFFCE00  }
0x10c: {  	_ =	swait.ge [sflag:s26], $0x3200  }
0x10d: {  	[sflag:s26] =	ssyncset.done $0x0  }
0x10e: {  	s31 =	simm.s32 $0x1580;
	[sflag:s26] =	ssyncadd.s32 $0xFFFFCE00  }
0x10f: {  	[spmem:s2] =	stream.indirect.scatter.add.f32 [tilespmem:s24], [sflag:$0x3], $0x80, s31, s22, $0xb8;
	[tilespmem:$0x1B880] =	vst v63  }
0x110: {  	_ =	swait.ge [sflag:s20], $0x3200  }
0x111: {  	s29 =	simm.s32 $0x180;
	s30 =	simm.s32 $0x300;
	[sflag:s20] =	ssyncset.done $0x0  }
.LBB2_5:
0x112: {  	s0 =	sadd.s32 s29, s17  }
0x113: {  	[sflag:s20] =	ssyncadd.s32 $0xFFFFCE00;
	s6 =	smov.u32 s30;
	s31 =	sadd.s32 $0x180, s30  }
0x114: {  	[tilespmem:s3], [sflag:$0x3] =	stream.linear.gather [hbm4b:s0+s3], $0xA00, $0x38;
	[tilespmem:$0x1B880] =	vst v63  }
0x115: {  	p3 =	seq.s32 s30, $0x600;
	_ =	swait.ge [sflag:s20], $0xA00  }
0x116: {  	s0 =	sadd.s32 s29, s18;
	[sflag:s20] =	ssyncset.done $0x0  }
0x117: {  	s29 =	smov.u32 s6;
	s6 =	simm.s32 $0x80;
	[sflag:s20] =	ssyncadd.s32 $0xFFFFF600  }
0x118: {  	[tilespmem:s21], [sflag:$0x3] =	stream.linear.gather [hbm4b:s0+s3], $0xA00, $0x38;
	[tilespmem:$0x1B880] =	vst v63  }
0x119: {  	_ =	swait.ge [sflag:s20], $0xA00  }
0x11a: {  	[sflag:s20] =	ssyncset.done $0x0  }
0x11b: {  	[sflag:s20] =	ssyncadd.s32 $0xFFFFF600  }
0x11c: {  	[tilespmem:s19], [sflag:$0x1] =	stream.indirect.gather [hbm4b:s4+s22], $0x80, s3, s22, $0xb8;
	[tilespmem:$0x1B880] =	vst v63  }
0x11d: {  	_ = 	snop  }
0x11e: {  	[tilespmem:s24], [sflag:$0x2] =	stream.indirect.gather [hbm4b:s4+s22], $0x80, s6, s22, $0xb8;
	[tilespmem:$0x1B880] =	vst v63  }
0x11f: {  	_ =	swait.ge [sflag:s25], $0x3200  }
0x120: {  	[sflag:s25] =	ssyncset.done $0x0  }
0x121: {  	[sflag:s25] =	ssyncadd.s32 $0xFFFFCE00  }
0x122: {  	[spmem:s2] =	stream.indirect.scatter.add.f32 [tilespmem:s19], [sflag:$0x3], $0x80, s21, s22, $0xb8;
	[tilespmem:$0x1B880] =	vst v63  }
0x123: {  	_ =	swait.ge [sflag:s20], $0x3200  }
0x124: {  	[sflag:s20] =	ssyncset.done $0x0  }
0x125: {  	[sflag:s20] =	ssyncadd.s32 $0xFFFFCE00  }
0x126: {  	_ =	swait.ge [sflag:s26], $0x3200  }
0x127: {  	[sflag:s26] =	ssyncset.done $0x0  }
0x128: {  	[sflag:s26] =	ssyncadd.s32 $0xFFFFCE00  }
0x129: {  	[spmem:s2] =	stream.indirect.scatter.add.f32 [tilespmem:s24], [sflag:$0x3], $0x80, s7, s22, $0xb8;
	[tilespmem:$0x1B880] =	vst v63  }
0x12a: {  	_ =	swait.ge [sflag:s20], $0x3200  }
0x12b: {  	[sflag:s20] =	ssyncset.done $0x0  }
0x12c: {  	[sflag:s20] =	ssyncadd.s32 $0xFFFFCE00  }
0x12d: {  	[tilespmem:s19], [sflag:$0x1] =	stream.indirect.gather [hbm4b:s4+s22], $0x80, s1, s22, $0xb8;
	[tilespmem:$0x1B880] =	vst v63  }
0x12e: {  	_ = 	snop  }
0x12f: {  	[tilespmem:s24], [sflag:$0x2] =	stream.indirect.gather [hbm4b:s4+s22], $0x80, s8, s22, $0xb8;
	[tilespmem:$0x1B880] =	vst v63  }
0x130: {  	_ =	swait.ge [sflag:s25], $0x3200  }
0x131: {  	[sflag:s25] =	ssyncset.done $0x0  }
0x132: {  	[sflag:s25] =	ssyncadd.s32 $0xFFFFCE00  }
0x133: {  	[spmem:s2] =	stream.indirect.scatter.add.f32 [tilespmem:s19], [sflag:$0x3], $0x80, s16, s22, $0xb8;
	[tilespmem:$0x1B880] =	vst v63  }
0x134: {  	_ =	swait.ge [sflag:s20], $0x3200  }
0x135: {  	[sflag:s20] =	ssyncset.done $0x0  }
0x136: {  	[sflag:s20] =	ssyncadd.s32 $0xFFFFCE00  }
0x137: {  	_ =	swait.ge [sflag:s26], $0x3200  }
0x138: {  	[sflag:s26] =	ssyncset.done $0x0  }
0x139: {  	[sflag:s26] =	ssyncadd.s32 $0xFFFFCE00  }
0x13a: {  	[spmem:s2] =	stream.indirect.scatter.add.f32 [tilespmem:s24], [sflag:$0x3], $0x80, s9, s22, $0xb8;
	[tilespmem:$0x1B880] =	vst v63  }
0x13b: {  	_ =	swait.ge [sflag:s20], $0x3200  }
0x13c: {  	[sflag:s20] =	ssyncset.done $0x0  }
0x13d: {  	[sflag:s20] =	ssyncadd.s32 $0xFFFFCE00  }
0x13e: {  	[tilespmem:s19], [sflag:$0x1] =	stream.indirect.gather [hbm4b:s4+s22], $0x80, s10, s22, $0xb8;
	[tilespmem:$0x1B880] =	vst v63  }
0x13f: {  	_ = 	snop  }
0x140: {  	[tilespmem:s24], [sflag:$0x2] =	stream.indirect.gather [hbm4b:s4+s22], $0x80, s11, s22, $0xb8;
	[tilespmem:$0x1B880] =	vst v63  }
0x141: {  	_ =	swait.ge [sflag:s25], $0x3200  }
0x142: {  	[sflag:s25] =	ssyncset.done $0x0  }
0x143: {  	[sflag:s25] =	ssyncadd.s32 $0xFFFFCE00  }
0x144: {  	[spmem:s2] =	stream.indirect.scatter.add.f32 [tilespmem:s19], [sflag:$0x3], $0x80, s12, s22, $0xb8;
	[tilespmem:$0x1B880] =	vst v63  }
0x145: {  	_ =	swait.ge [sflag:s20], $0x3200  }
0x146: {  	[sflag:s20] =	ssyncset.done $0x0  }
0x147: {  	[sflag:s20] =	ssyncadd.s32 $0xFFFFCE00  }
0x148: {  	_ =	swait.ge [sflag:s26], $0x3200  }
0x149: {  	[sflag:s26] =	ssyncset.done $0x0  }
0x14a: {  	[sflag:s26] =	ssyncadd.s32 $0xFFFFCE00  }
0x14b: {  	[spmem:s2] =	stream.indirect.scatter.add.f32 [tilespmem:s24], [sflag:$0x3], $0x80, s13, s22, $0xb8;
	[tilespmem:$0x1B880] =	vst v63  }
0x14c: {  	_ =	swait.ge [sflag:s20], $0x3200  }
0x14d: {  	[sflag:s20] =	ssyncset.done $0x0  }
0x14e: {  	[sflag:s20] =	ssyncadd.s32 $0xFFFFCE00  }
0x14f: {  	[tilespmem:s19], [sflag:$0x1] =	stream.indirect.gather [hbm4b:s4+s22], $0x80, s14, s22, $0xb8;
	[tilespmem:$0x1B880] =	vst v63  }
0x150: {  	_ = 	snop  }
0x151: {  	[tilespmem:s24], [sflag:$0x2] =	stream.indirect.gather [hbm4b:s4+s22], $0x80, s15, s22, $0xb8;
	[tilespmem:$0x1B880] =	vst v63  }
0x152: {  	_ =	swait.ge [sflag:s25], $0x3200  }
0x153: {  	[sflag:s25] =	ssyncset.done $0x0  }
0x154: {  	[sflag:s25] =	ssyncadd.s32 $0xFFFFCE00  }
0x155: {  	[spmem:s2] =	stream.indirect.scatter.add.f32 [tilespmem:s19], [sflag:$0x3], $0x80, s23, s22, $0xb8;
	[tilespmem:$0x1B880] =	vst v63  }
0x156: {  	_ =	swait.ge [sflag:s20], $0x3200  }
0x157: {  	[sflag:s20] =	ssyncset.done $0x0  }
0x158: {  	[sflag:s20] =	ssyncadd.s32 $0xFFFFCE00  }
0x159: {  	_ =	swait.ge [sflag:s26], $0x3200  }
0x15a: {  	[sflag:s26] =	ssyncset.done $0x0  }
0x15b: {  	[sflag:s26] =	ssyncadd.s32 $0xFFFFCE00  }
0x15c: {  	[spmem:s2] =	stream.indirect.scatter.add.f32 [tilespmem:s24], [sflag:$0x3], $0x80, s28, s22, $0xb8;
	[tilespmem:$0x1B880] =	vst v63  }
0x15d: {  	_ =	swait.ge [sflag:s20], $0x3200  }
0x15e: {  	[sflag:s20] =	ssyncset.done $0x0  }
0x15f: {  	s0 =	simm.s32 $0x400;
	[sflag:s20] =	ssyncadd.s32 $0xFFFFCE00  }
0x160: {  	[tilespmem:s19], [sflag:$0x1] =	stream.indirect.gather [hbm4b:s4+s22], $0x80, s0, s22, $0xb8;
	[tilespmem:$0x1B880] =	vst v63  }
0x161: {  	s0 =	simm.s32 $0x480  }
0x162: {  	[tilespmem:s24], [sflag:$0x2] =	stream.indirect.gather [hbm4b:s4+s22], $0x80, s0, s22, $0xb8;
	[tilespmem:$0x1B880] =	vst v63  }
0x163: {  	_ =	swait.ge [sflag:s25], $0x3200  }
0x164: {  	[sflag:s25] =	ssyncset.done $0x0  }
0x165: {  	s0 =	simm.s32 $0x1000;
	[sflag:s25] =	ssyncadd.s32 $0xFFFFCE00  }
0x166: {  	[spmem:s2] =	stream.indirect.scatter.add.f32 [tilespmem:s19], [sflag:$0x3], $0x80, s0, s22, $0xb8;
	[tilespmem:$0x1B880] =	vst v63  }
0x167: {  	_ =	swait.ge [sflag:s20], $0x3200  }
0x168: {  	[sflag:s20] =	ssyncset.done $0x0  }
0x169: {  	[sflag:s20] =	ssyncadd.s32 $0xFFFFCE00  }
0x16a: {  	_ =	swait.ge [sflag:s26], $0x3200  }
0x16b: {  	[sflag:s26] =	ssyncset.done $0x0  }
0x16c: {  	s0 =	simm.s32 $0x1080;
	[sflag:s26] =	ssyncadd.s32 $0xFFFFCE00  }
0x16d: {  	[spmem:s2] =	stream.indirect.scatter.add.f32 [tilespmem:s24], [sflag:$0x3], $0x80, s0, s22, $0xb8;
	[tilespmem:$0x1B880] =	vst v63  }
0x16e: {  	_ =	swait.ge [sflag:s20], $0x3200  }
0x16f: {  	[sflag:s20] =	ssyncset.done $0x0  }
0x170: {  	s0 =	simm.s32 $0x500;
	[sflag:s20] =	ssyncadd.s32 $0xFFFFCE00  }
0x171: {  	[tilespmem:s19], [sflag:$0x1] =	stream.indirect.gather [hbm4b:s4+s22], $0x80, s0, s22, $0xb8;
	[tilespmem:$0x1B880] =	vst v63  }
0x172: {  	s0 =	simm.s32 $0x580  }
0x173: {  	[tilespmem:s24], [sflag:$0x2] =	stream.indirect.gather [hbm4b:s4+s22], $0x80, s0, s22, $0xb8;
	[tilespmem:$0x1B880] =	vst v63  }
0x174: {  	_ =	swait.ge [sflag:s25], $0x3200  }
0x175: {  	[sflag:s25] =	ssyncset.done $0x0  }
0x176: {  	s0 =	simm.s32 $0x1100;
	[sflag:s25] =	ssyncadd.s32 $0xFFFFCE00  }
0x177: {  	[spmem:s2] =	stream.indirect.scatter.add.f32 [tilespmem:s19], [sflag:$0x3], $0x80, s0, s22, $0xb8;
	[tilespmem:$0x1B880] =	vst v63  }
0x178: {  	_ =	swait.ge [sflag:s20], $0x3200  }
0x179: {  	[sflag:s20] =	ssyncset.done $0x0  }
0x17a: {  	[sflag:s20] =	ssyncadd.s32 $0xFFFFCE00  }
0x17b: {  	_ =	swait.ge [sflag:s26], $0x3200  }
0x17c: {  	[sflag:s26] =	ssyncset.done $0x0  }
0x17d: {  	s0 =	simm.s32 $0x1180;
	[sflag:s26] =	ssyncadd.s32 $0xFFFFCE00  }
0x17e: {  	[spmem:s2] =	stream.indirect.scatter.add.f32 [tilespmem:s24], [sflag:$0x3], $0x80, s0, s22, $0xb8;
	[tilespmem:$0x1B880] =	vst v63  }
0x17f: {  	_ =	swait.ge [sflag:s20], $0x3200  }
0x180: {  	[sflag:s20] =	ssyncset.done $0x0  }
0x181: {  	s0 =	simm.s32 $0x600;
	[sflag:s20] =	ssyncadd.s32 $0xFFFFCE00  }
0x182: {  	[tilespmem:s19], [sflag:$0x1] =	stream.indirect.gather [hbm4b:s4+s22], $0x80, s0, s22, $0xb8;
	[tilespmem:$0x1B880] =	vst v63  }
0x183: {  	s0 =	simm.s32 $0x680  }
0x184: {  	[tilespmem:s24], [sflag:$0x2] =	stream.indirect.gather [hbm4b:s4+s22], $0x80, s0, s22, $0xb8;
	[tilespmem:$0x1B880] =	vst v63  }
0x185: {  	_ =	swait.ge [sflag:s25], $0x3200  }
0x186: {  	[sflag:s25] =	ssyncset.done $0x0  }
0x187: {  	s0 =	simm.s32 $0x1200;
	[sflag:s25] =	ssyncadd.s32 $0xFFFFCE00  }
0x188: {  	[spmem:s2] =	stream.indirect.scatter.add.f32 [tilespmem:s19], [sflag:$0x3], $0x80, s0, s22, $0xb8;
	[tilespmem:$0x1B880] =	vst v63  }
0x189: {  	_ =	swait.ge [sflag:s20], $0x3200  }
0x18a: {  	[sflag:s20] =	ssyncset.done $0x0  }
0x18b: {  	[sflag:s20] =	ssyncadd.s32 $0xFFFFCE00  }
0x18c: {  	_ =	swait.ge [sflag:s26], $0x3200  }
0x18d: {  	[sflag:s26] =	ssyncset.done $0x0  }
0x18e: {  	s0 =	simm.s32 $0x1280;
	[sflag:s26] =	ssyncadd.s32 $0xFFFFCE00  }
0x18f: {  	[spmem:s2] =	stream.indirect.scatter.add.f32 [tilespmem:s24], [sflag:$0x3], $0x80, s0, s22, $0xb8;
	[tilespmem:$0x1B880] =	vst v63  }
0x190: {  	_ =	swait.ge [sflag:s20], $0x3200  }
0x191: {  	[sflag:s20] =	ssyncset.done $0x0  }
0x192: {  	s0 =	simm.s32 $0x700;
	[sflag:s20] =	ssyncadd.s32 $0xFFFFCE00  }
0x193: {  	[tilespmem:s19], [sflag:$0x1] =	stream.indirect.gather [hbm4b:s4+s22], $0x80, s0, s22, $0xb8;
	[tilespmem:$0x1B880] =	vst v63  }
0x194: {  	s0 =	simm.s32 $0x780  }
0x195: {  	[tilespmem:s24], [sflag:$0x2] =	stream.indirect.gather [hbm4b:s4+s22], $0x80, s0, s22, $0xb8;
	[tilespmem:$0x1B880] =	vst v63  }
0x196: {  	_ =	swait.ge [sflag:s25], $0x3200  }
0x197: {  	[sflag:s25] =	ssyncset.done $0x0  }
0x198: {  	s0 =	simm.s32 $0x1300;
	[sflag:s25] =	ssyncadd.s32 $0xFFFFCE00  }
0x199: {  	[spmem:s2] =	stream.indirect.scatter.add.f32 [tilespmem:s19], [sflag:$0x3], $0x80, s0, s22, $0xb8;
	[tilespmem:$0x1B880] =	vst v63  }
0x19a: {  	_ =	swait.ge [sflag:s20], $0x3200  }
0x19b: {  	[sflag:s20] =	ssyncset.done $0x0  }
0x19c: {  	[sflag:s20] =	ssyncadd.s32 $0xFFFFCE00  }
0x19d: {  	_ =	swait.ge [sflag:s26], $0x3200  }
0x19e: {  	[sflag:s26] =	ssyncset.done $0x0  }
0x19f: {  	s0 =	simm.s32 $0x1380;
	[sflag:s26] =	ssyncadd.s32 $0xFFFFCE00  }
0x1a0: {  	[spmem:s2] =	stream.indirect.scatter.add.f32 [tilespmem:s24], [sflag:$0x3], $0x80, s0, s22, $0xb8;
	[tilespmem:$0x1B880] =	vst v63  }
0x1a1: {  	_ =	swait.ge [sflag:s20], $0x3200  }
0x1a2: {  	[sflag:s20] =	ssyncset.done $0x0  }
0x1a3: {  	s0 =	simm.s32 $0x800;
	[sflag:s20] =	ssyncadd.s32 $0xFFFFCE00  }
0x1a4: {  	[tilespmem:s19], [sflag:$0x1] =	stream.indirect.gather [hbm4b:s4+s22], $0x80, s0, s22, $0xb8;
	[tilespmem:$0x1B880] =	vst v63  }
0x1a5: {  	s0 =	simm.s32 $0x880  }
0x1a6: {  	[tilespmem:s24], [sflag:$0x2] =	stream.indirect.gather [hbm4b:s4+s22], $0x80, s0, s22, $0xb8;
	[tilespmem:$0x1B880] =	vst v63  }
0x1a7: {  	_ =	swait.ge [sflag:s25], $0x3200  }
0x1a8: {  	[sflag:s25] =	ssyncset.done $0x0  }
0x1a9: {  	s0 =	simm.s32 $0x1400;
	[sflag:s25] =	ssyncadd.s32 $0xFFFFCE00  }
0x1aa: {  	[spmem:s2] =	stream.indirect.scatter.add.f32 [tilespmem:s19], [sflag:$0x3], $0x80, s0, s22, $0xb8;
	[tilespmem:$0x1B880] =	vst v63  }
0x1ab: {  	_ =	swait.ge [sflag:s20], $0x3200  }
0x1ac: {  	[sflag:s20] =	ssyncset.done $0x0  }
0x1ad: {  	[sflag:s20] =	ssyncadd.s32 $0xFFFFCE00  }
0x1ae: {  	_ =	swait.ge [sflag:s26], $0x3200  }
0x1af: {  	[sflag:s26] =	ssyncset.done $0x0  }
0x1b0: {  	s0 =	simm.s32 $0x1480;
	[sflag:s26] =	ssyncadd.s32 $0xFFFFCE00  }
0x1b1: {  	[spmem:s2] =	stream.indirect.scatter.add.f32 [tilespmem:s24], [sflag:$0x3], $0x80, s0, s22, $0xb8;
	[tilespmem:$0x1B880] =	vst v63  }
0x1b2: {  	_ =	swait.ge [sflag:s20], $0x3200  }
0x1b3: {  	[sflag:s20] =	ssyncset.done $0x0  }
0x1b4: {  	s0 =	simm.s32 $0x900;
	[sflag:s20] =	ssyncadd.s32 $0xFFFFCE00  }
0x1b5: {  	[tilespmem:s19], [sflag:$0x1] =	stream.indirect.gather [hbm4b:s4+s22], $0x80, s0, s22, $0xb8;
	[tilespmem:$0x1B880] =	vst v63  }
0x1b6: {  	s0 =	simm.s32 $0x980  }
0x1b7: {  	[tilespmem:s24], [sflag:$0x2] =	stream.indirect.gather [hbm4b:s4+s22], $0x80, s0, s22, $0xb8;
	[tilespmem:$0x1B880] =	vst v63  }
0x1b8: {  	_ =	swait.ge [sflag:s25], $0x3200  }
0x1b9: {  	[sflag:s25] =	ssyncset.done $0x0  }
0x1ba: {  	s0 =	simm.s32 $0x1500;
	[sflag:s25] =	ssyncadd.s32 $0xFFFFCE00  }
0x1bb: {  	[spmem:s2] =	stream.indirect.scatter.add.f32 [tilespmem:s19], [sflag:$0x3], $0x80, s0, s22, $0xb8;
	[tilespmem:$0x1B880] =	vst v63  }
0x1bc: {  	_ =	swait.ge [sflag:s20], $0x3200  }
0x1bd: {  	[sflag:s20] =	ssyncset.done $0x0  }
0x1be: {  	[sflag:s20] =	ssyncadd.s32 $0xFFFFCE00  }
0x1bf: {  	_ =	swait.ge [sflag:s26], $0x3200  }
.Ltmp4:
0x1c0: {  	[sflag:s26] =	ssyncset.done $0x0;
	(pc) =	sbr.rel @!p3 .LBB2_5-.Ltmp4, $4  }
0x1c1: {  	s0 =	simm.s32 $0x1580;
	[sflag:s26] =	ssyncadd.s32 $0xFFFFCE00  }
0x1c2: {  	[spmem:s2] =	stream.indirect.scatter.add.f32 [tilespmem:s24], [sflag:$0x3], $0x80, s0, s22, $0xb8;
	[tilespmem:$0x1B880] =	vst v63  }
0x1c3: {  	_ =	swait.ge [sflag:s20], $0x3200  }
0x1c4: {  	s30 =	smov.u32 s31;
	[sflag:s20] =	ssyncset.done $0x0  }
0x1c5: {  	s0 =	sadd.s32 s29, s17;
	[sflag:s20] =	ssyncadd.s32 $0xFFFFCE00  }
0x1c6: {  	[tilespmem:s3], [sflag:$0x3] =	stream.linear.gather [hbm4b:s0+s3], $0xA00, $0x38;
	[tilespmem:$0x1B880] =	vst v63  }
0x1c7: {  	_ =	swait.ge [sflag:s20], $0xA00  }
0x1c8: {  	[sflag:s20] =	ssyncset.done $0x0  }
0x1c9: {  	s31 =	sadd.s32 s29, s18;
	[sflag:s20] =	ssyncadd.s32 $0xFFFFF600  }
0x1ca: {  	[tilespmem:s21], [sflag:$0x3] =	stream.linear.gather [hbm4b:s31+s3], $0xA00, $0x38;
	[tilespmem:$0x1B880] =	vst v63  }
0x1cb: {  	_ =	swait.ge [sflag:s20], $0xA00  }
0x1cc: {  	[sflag:s20] =	ssyncset.done $0x0  }
0x1cd: {  	[sflag:s20] =	ssyncadd.s32 $0xFFFFF600  }
0x1ce: {  	[tilespmem:s19], [sflag:$0x1] =	stream.indirect.gather [hbm4b:s4+s22], $0x80, s3, s22, $0xb8;
	[tilespmem:$0x1B880] =	vst v63  }
0x1cf: {  	_ = 	snop  }
0x1d0: {  	[tilespmem:s24], [sflag:$0x2] =	stream.indirect.gather [hbm4b:s4+s22], $0x80, s6, s22, $0xb8;
	[tilespmem:$0x1B880] =	vst v63  }
0x1d1: {  	_ =	swait.ge [sflag:s25], $0x3200  }
0x1d2: {  	[sflag:s25] =	ssyncset.done $0x0  }
0x1d3: {  	[sflag:s25] =	ssyncadd.s32 $0xFFFFCE00  }
0x1d4: {  	[spmem:s2] =	stream.indirect.scatter.add.f32 [tilespmem:s19], [sflag:$0x3], $0x80, s21, s22, $0xb8;
	[tilespmem:$0x1B880] =	vst v63  }
0x1d5: {  	_ =	swait.ge [sflag:s20], $0x3200  }
0x1d6: {  	[sflag:s20] =	ssyncset.done $0x0  }
0x1d7: {  	[sflag:s20] =	ssyncadd.s32 $0xFFFFCE00  }
0x1d8: {  	_ =	swait.ge [sflag:s26], $0x3200  }
0x1d9: {  	[sflag:s26] =	ssyncset.done $0x0  }
0x1da: {  	[sflag:s26] =	ssyncadd.s32 $0xFFFFCE00  }
0x1db: {  	[spmem:s2] =	stream.indirect.scatter.add.f32 [tilespmem:s24], [sflag:$0x3], $0x80, s7, s22, $0xb8;
	[tilespmem:$0x1B880] =	vst v63  }
0x1dc: {  	_ =	swait.ge [sflag:s20], $0x3200  }
0x1dd: {  	[sflag:s20] =	ssyncset.done $0x0  }
0x1de: {  	[sflag:s20] =	ssyncadd.s32 $0xFFFFCE00  }
0x1df: {  	[tilespmem:s19], [sflag:$0x1] =	stream.indirect.gather [hbm4b:s4+s22], $0x80, s1, s22, $0xb8;
	[tilespmem:$0x1B880] =	vst v63  }
0x1e0: {  	_ = 	snop  }
0x1e1: {  	[tilespmem:s24], [sflag:$0x2] =	stream.indirect.gather [hbm4b:s4+s22], $0x80, s8, s22, $0xb8;
	[tilespmem:$0x1B880] =	vst v63  }
0x1e2: {  	_ =	swait.ge [sflag:s25], $0x3200  }
0x1e3: {  	[sflag:s25] =	ssyncset.done $0x0  }
0x1e4: {  	[sflag:s25] =	ssyncadd.s32 $0xFFFFCE00  }
0x1e5: {  	[spmem:s2] =	stream.indirect.scatter.add.f32 [tilespmem:s19], [sflag:$0x3], $0x80, s16, s22, $0xb8;
	[tilespmem:$0x1B880] =	vst v63  }
0x1e6: {  	_ =	swait.ge [sflag:s20], $0x3200  }
0x1e7: {  	[sflag:s20] =	ssyncset.done $0x0  }
0x1e8: {  	[sflag:s20] =	ssyncadd.s32 $0xFFFFCE00  }
0x1e9: {  	_ =	swait.ge [sflag:s26], $0x3200  }
0x1ea: {  	[sflag:s26] =	ssyncset.done $0x0  }
0x1eb: {  	[sflag:s26] =	ssyncadd.s32 $0xFFFFCE00  }
0x1ec: {  	[spmem:s2] =	stream.indirect.scatter.add.f32 [tilespmem:s24], [sflag:$0x3], $0x80, s9, s22, $0xb8;
	[tilespmem:$0x1B880] =	vst v63  }
0x1ed: {  	_ =	swait.ge [sflag:s20], $0x3200  }
0x1ee: {  	[sflag:s20] =	ssyncset.done $0x0  }
0x1ef: {  	[sflag:s20] =	ssyncadd.s32 $0xFFFFCE00  }
0x1f0: {  	[tilespmem:s19], [sflag:$0x1] =	stream.indirect.gather [hbm4b:s4+s22], $0x80, s10, s22, $0xb8;
	[tilespmem:$0x1B880] =	vst v63  }
0x1f1: {  	_ = 	snop  }
0x1f2: {  	[tilespmem:s24], [sflag:$0x2] =	stream.indirect.gather [hbm4b:s4+s22], $0x80, s11, s22, $0xb8;
	[tilespmem:$0x1B880] =	vst v63  }
0x1f3: {  	_ =	swait.ge [sflag:s25], $0x3200  }
0x1f4: {  	[sflag:s25] =	ssyncset.done $0x0  }
0x1f5: {  	[sflag:s25] =	ssyncadd.s32 $0xFFFFCE00  }
0x1f6: {  	[spmem:s2] =	stream.indirect.scatter.add.f32 [tilespmem:s19], [sflag:$0x3], $0x80, s12, s22, $0xb8;
	[tilespmem:$0x1B880] =	vst v63  }
0x1f7: {  	_ =	swait.ge [sflag:s20], $0x3200  }
0x1f8: {  	[sflag:s20] =	ssyncset.done $0x0  }
0x1f9: {  	[sflag:s20] =	ssyncadd.s32 $0xFFFFCE00  }
0x1fa: {  	_ =	swait.ge [sflag:s26], $0x3200  }
0x1fb: {  	[sflag:s26] =	ssyncset.done $0x0  }
0x1fc: {  	[sflag:s26] =	ssyncadd.s32 $0xFFFFCE00  }
0x1fd: {  	[spmem:s2] =	stream.indirect.scatter.add.f32 [tilespmem:s24], [sflag:$0x3], $0x80, s13, s22, $0xb8;
	[tilespmem:$0x1B880] =	vst v63  }
0x1fe: {  	_ =	swait.ge [sflag:s20], $0x3200  }
0x1ff: {  	[sflag:s20] =	ssyncset.done $0x0  }
0x200: {  	[sflag:s20] =	ssyncadd.s32 $0xFFFFCE00  }
0x201: {  	[tilespmem:s19], [sflag:$0x1] =	stream.indirect.gather [hbm4b:s4+s22], $0x80, s14, s22, $0xb8;
	[tilespmem:$0x1B880] =	vst v63  }
0x202: {  	_ = 	snop  }
0x203: {  	[tilespmem:s24], [sflag:$0x2] =	stream.indirect.gather [hbm4b:s4+s22], $0x80, s15, s22, $0xb8;
	[tilespmem:$0x1B880] =	vst v63  }
0x204: {  	_ =	swait.ge [sflag:s25], $0x3200  }
0x205: {  	[sflag:s25] =	ssyncset.done $0x0  }
0x206: {  	[sflag:s25] =	ssyncadd.s32 $0xFFFFCE00  }
0x207: {  	[spmem:s2] =	stream.indirect.scatter.add.f32 [tilespmem:s19], [sflag:$0x3], $0x80, s23, s22, $0xb8;
	[tilespmem:$0x1B880] =	vst v63  }
0x208: {  	_ =	swait.ge [sflag:s20], $0x3200  }
0x209: {  	[sflag:s20] =	ssyncset.done $0x0  }
0x20a: {  	[sflag:s20] =	ssyncadd.s32 $0xFFFFCE00  }
0x20b: {  	_ =	swait.ge [sflag:s26], $0x3200  }
0x20c: {  	[sflag:s26] =	ssyncset.done $0x0  }
0x20d: {  	[sflag:s26] =	ssyncadd.s32 $0xFFFFCE00  }
0x20e: {  	[spmem:s2] =	stream.indirect.scatter.add.f32 [tilespmem:s24], [sflag:$0x3], $0x80, s28, s22, $0xb8;
	[tilespmem:$0x1B880] =	vst v63  }
0x20f: {  	_ =	swait.ge [sflag:s20], $0x3200  }
0x210: {  	[sflag:s20] =	ssyncset.done $0x0  }
0x211: {  	s1 =	simm.s32 $0x400;
	[sflag:s20] =	ssyncadd.s32 $0xFFFFCE00  }
0x212: {  	[tilespmem:s19], [sflag:$0x1] =	stream.indirect.gather [hbm4b:s4+s22], $0x80, s1, s22, $0xb8;
	[tilespmem:$0x1B880] =	vst v63  }
0x213: {  	s6 =	simm.s32 $0x480  }
0x214: {  	[tilespmem:s24], [sflag:$0x2] =	stream.indirect.gather [hbm4b:s4+s22], $0x80, s6, s22, $0xb8;
	[tilespmem:$0x1B880] =	vst v63  }
0x215: {  	_ =	swait.ge [sflag:s25], $0x3200  }
0x216: {  	[sflag:s25] =	ssyncset.done $0x0  }
0x217: {  	s7 =	simm.s32 $0x1000;
	[sflag:s25] =	ssyncadd.s32 $0xFFFFCE00  }
0x218: {  	[spmem:s2] =	stream.indirect.scatter.add.f32 [tilespmem:s19], [sflag:$0x3], $0x80, s7, s22, $0xb8;
	[tilespmem:$0x1B880] =	vst v63  }
0x219: {  	_ =	swait.ge [sflag:s20], $0x3200  }
0x21a: {  	[sflag:s20] =	ssyncset.done $0x0  }
0x21b: {  	[sflag:s20] =	ssyncadd.s32 $0xFFFFCE00  }
0x21c: {  	_ =	swait.ge [sflag:s26], $0x3200  }
0x21d: {  	[sflag:s26] =	ssyncset.done $0x0  }
0x21e: {  	s8 =	simm.s32 $0x1080;
	[sflag:s26] =	ssyncadd.s32 $0xFFFFCE00  }
0x21f: {  	[spmem:s2] =	stream.indirect.scatter.add.f32 [tilespmem:s24], [sflag:$0x3], $0x80, s8, s22, $0xb8;
	[tilespmem:$0x1B880] =	vst v63  }
0x220: {  	_ =	swait.ge [sflag:s20], $0x3200  }
0x221: {  	[sflag:s20] =	ssyncset.done $0x0  }
0x222: {  	s9 =	simm.s32 $0x500;
	[sflag:s20] =	ssyncadd.s32 $0xFFFFCE00  }
0x223: {  	[tilespmem:s19], [sflag:$0x1] =	stream.indirect.gather [hbm4b:s4+s22], $0x80, s9, s22, $0xb8;
	[tilespmem:$0x1B880] =	vst v63  }
0x224: {  	s10 =	simm.s32 $0x580  }
0x225: {  	[tilespmem:s24], [sflag:$0x2] =	stream.indirect.gather [hbm4b:s4+s22], $0x80, s10, s22, $0xb8;
	[tilespmem:$0x1B880] =	vst v63  }
0x226: {  	_ =	swait.ge [sflag:s25], $0x3200  }
0x227: {  	[sflag:s25] =	ssyncset.done $0x0  }
0x228: {  	s11 =	simm.s32 $0x1100;
	[sflag:s25] =	ssyncadd.s32 $0xFFFFCE00  }
0x229: {  	[spmem:s2] =	stream.indirect.scatter.add.f32 [tilespmem:s19], [sflag:$0x3], $0x80, s11, s22, $0xb8;
	[tilespmem:$0x1B880] =	vst v63  }
0x22a: {  	_ =	swait.ge [sflag:s20], $0x3200  }
0x22b: {  	[sflag:s20] =	ssyncset.done $0x0  }
0x22c: {  	[sflag:s20] =	ssyncadd.s32 $0xFFFFCE00  }
0x22d: {  	_ =	swait.ge [sflag:s26], $0x3200  }
0x22e: {  	[sflag:s26] =	ssyncset.done $0x0  }
0x22f: {  	s12 =	simm.s32 $0x1180;
	[sflag:s26] =	ssyncadd.s32 $0xFFFFCE00  }
0x230: {  	[spmem:s2] =	stream.indirect.scatter.add.f32 [tilespmem:s24], [sflag:$0x3], $0x80, s12, s22, $0xb8;
	[tilespmem:$0x1B880] =	vst v63  }
0x231: {  	_ =	swait.ge [sflag:s20], $0x3200  }
0x232: {  	[sflag:s20] =	ssyncset.done $0x0  }
0x233: {  	s13 =	simm.s32 $0x600;
	[sflag:s20] =	ssyncadd.s32 $0xFFFFCE00  }
0x234: {  	[tilespmem:s19], [sflag:$0x1] =	stream.indirect.gather [hbm4b:s4+s22], $0x80, s13, s22, $0xb8;
	[tilespmem:$0x1B880] =	vst v63  }
0x235: {  	s14 =	simm.s32 $0x680  }
0x236: {  	[tilespmem:s24], [sflag:$0x2] =	stream.indirect.gather [hbm4b:s4+s22], $0x80, s14, s22, $0xb8;
	[tilespmem:$0x1B880] =	vst v63  }
0x237: {  	_ =	swait.ge [sflag:s25], $0x3200  }
0x238: {  	[sflag:s25] =	ssyncset.done $0x0  }
0x239: {  	s15 =	simm.s32 $0x1200;
	[sflag:s25] =	ssyncadd.s32 $0xFFFFCE00  }
0x23a: {  	[spmem:s2] =	stream.indirect.scatter.add.f32 [tilespmem:s19], [sflag:$0x3], $0x80, s15, s22, $0xb8;
	[tilespmem:$0x1B880] =	vst v63  }
0x23b: {  	_ =	swait.ge [sflag:s20], $0x3200  }
0x23c: {  	[sflag:s20] =	ssyncset.done $0x0  }
0x23d: {  	[sflag:s20] =	ssyncadd.s32 $0xFFFFCE00  }
0x23e: {  	_ =	swait.ge [sflag:s26], $0x3200  }
0x23f: {  	[sflag:s26] =	ssyncset.done $0x0  }
0x240: {  	s16 =	simm.s32 $0x1280;
	[sflag:s26] =	ssyncadd.s32 $0xFFFFCE00  }
0x241: {  	[spmem:s2] =	stream.indirect.scatter.add.f32 [tilespmem:s24], [sflag:$0x3], $0x80, s16, s22, $0xb8;
	[tilespmem:$0x1B880] =	vst v63  }
0x242: {  	_ =	swait.ge [sflag:s20], $0x3200  }
0x243: {  	[sflag:s20] =	ssyncset.done $0x0  }
0x244: {  	s23 =	simm.s32 $0x700;
	[sflag:s20] =	ssyncadd.s32 $0xFFFFCE00  }
0x245: {  	[tilespmem:s19], [sflag:$0x1] =	stream.indirect.gather [hbm4b:s4+s22], $0x80, s23, s22, $0xb8;
	[tilespmem:$0x1B880] =	vst v63  }
0x246: {  	s28 =	simm.s32 $0x780  }
0x247: {  	[tilespmem:s24], [sflag:$0x2] =	stream.indirect.gather [hbm4b:s4+s22], $0x80, s28, s22, $0xb8;
	[tilespmem:$0x1B880] =	vst v63  }
0x248: {  	_ =	swait.ge [sflag:s25], $0x3200  }
0x249: {  	[sflag:s25] =	ssyncset.done $0x0  }
0x24a: {  	s30 =	simm.s32 $0x1300;
	[sflag:s25] =	ssyncadd.s32 $0xFFFFCE00  }
0x24b: {  	[spmem:s2] =	stream.indirect.scatter.add.f32 [tilespmem:s19], [sflag:$0x3], $0x80, s30, s22, $0xb8;
	[tilespmem:$0x1B880] =	vst v63  }
0x24c: {  	_ =	swait.ge [sflag:s20], $0x3200  }
0x24d: {  	[sflag:s20] =	ssyncset.done $0x0  }
0x24e: {  	[sflag:s20] =	ssyncadd.s32 $0xFFFFCE00  }
0x24f: {  	_ =	swait.ge [sflag:s26], $0x3200  }
0x250: {  	[sflag:s26] =	ssyncset.done $0x0  }
0x251: {  	s31 =	simm.s32 $0x1380;
	[sflag:s26] =	ssyncadd.s32 $0xFFFFCE00  }
0x252: {  	[spmem:s2] =	stream.indirect.scatter.add.f32 [tilespmem:s24], [sflag:$0x3], $0x80, s31, s22, $0xb8;
	[tilespmem:$0x1B880] =	vst v63  }
0x253: {  	_ =	swait.ge [sflag:s20], $0x3200  }
0x254: {  	[sflag:s20] =	ssyncset.done $0x0  }
0x255: {  	s1 =	simm.s32 $0x800;
	[sflag:s20] =	ssyncadd.s32 $0xFFFFCE00  }
0x256: {  	[tilespmem:s19], [sflag:$0x1] =	stream.indirect.gather [hbm4b:s4+s22], $0x80, s1, s22, $0xb8;
	[tilespmem:$0x1B880] =	vst v63  }
0x257: {  	s6 =	simm.s32 $0x880  }
0x258: {  	[tilespmem:s24], [sflag:$0x2] =	stream.indirect.gather [hbm4b:s4+s22], $0x80, s6, s22, $0xb8;
	[tilespmem:$0x1B880] =	vst v63  }
0x259: {  	_ =	swait.ge [sflag:s25], $0x3200  }
0x25a: {  	[sflag:s25] =	ssyncset.done $0x0  }
0x25b: {  	s7 =	simm.s32 $0x1400;
	[sflag:s25] =	ssyncadd.s32 $0xFFFFCE00  }
0x25c: {  	[spmem:s2] =	stream.indirect.scatter.add.f32 [tilespmem:s19], [sflag:$0x3], $0x80, s7, s22, $0xb8;
	[tilespmem:$0x1B880] =	vst v63  }
0x25d: {  	_ =	swait.ge [sflag:s20], $0x3200  }
0x25e: {  	[sflag:s20] =	ssyncset.done $0x0  }
0x25f: {  	[sflag:s20] =	ssyncadd.s32 $0xFFFFCE00  }
0x260: {  	_ =	swait.ge [sflag:s26], $0x3200  }
0x261: {  	[sflag:s26] =	ssyncset.done $0x0  }
0x262: {  	s8 =	simm.s32 $0x1480;
	[sflag:s26] =	ssyncadd.s32 $0xFFFFCE00  }
0x263: {  	[spmem:s2] =	stream.indirect.scatter.add.f32 [tilespmem:s24], [sflag:$0x3], $0x80, s8, s22, $0xb8;
	[tilespmem:$0x1B880] =	vst v63  }
0x264: {  	_ =	swait.ge [sflag:s20], $0x3200  }
0x265: {  	[sflag:s20] =	ssyncset.done $0x0  }
0x266: {  	s9 =	simm.s32 $0x900;
	[sflag:s20] =	ssyncadd.s32 $0xFFFFCE00  }
0x267: {  	[tilespmem:s19], [sflag:$0x1] =	stream.indirect.gather [hbm4b:s4+s22], $0x80, s9, s22, $0xb8;
	[tilespmem:$0x1B880] =	vst v63  }
0x268: {  	s10 =	simm.s32 $0x980  }
0x269: {  	[tilespmem:s24], [sflag:$0x2] =	stream.indirect.gather [hbm4b:s4+s22], $0x80, s10, s22, $0xb8;
	[tilespmem:$0x1B880] =	vst v63  }
0x26a: {  	_ =	swait.ge [sflag:s25], $0x3200  }
0x26b: {  	[sflag:s25] =	ssyncset.done $0x0  }
0x26c: {  	s11 =	simm.s32 $0x1500;
	[sflag:s25] =	ssyncadd.s32 $0xFFFFCE00  }
0x26d: {  	[spmem:s2] =	stream.indirect.scatter.add.f32 [tilespmem:s19], [sflag:$0x3], $0x80, s11, s22, $0xb8;
	[tilespmem:$0x1B880] =	vst v63  }
0x26e: {  	_ =	swait.ge [sflag:s20], $0x3200  }
0x26f: {  	[sflag:s20] =	ssyncset.done $0x0  }
0x270: {  	[sflag:s20] =	ssyncadd.s32 $0xFFFFCE00  }
0x271: {  	_ =	swait.ge [sflag:s26], $0x3200  }
0x272: {  	[sflag:s26] =	ssyncset.done $0x0  }
0x273: {  	s12 =	simm.s32 $0x1580;
	[sflag:s26] =	ssyncadd.s32 $0xFFFFCE00  }
0x274: {  	[spmem:s2] =	stream.indirect.scatter.add.f32 [tilespmem:s24], [sflag:$0x3], $0x80, s12, s22, $0xb8;
	[tilespmem:$0x1B880] =	vst v63  }
0x275: {  	_ =	swait.ge [sflag:s20], $0x3200  }
0x276: {  	[sflag:s20] =	ssyncset.done $0x0  }
0x277: {  	[sflag:s20] =	ssyncadd.s32 $0xFFFFCE00  }
0x278: {  	s13 =	stileid.u32;
	[bflag:$0x0] =	sbarrier.arrive $0xFFFF  }
0x279: {  	s0 =	sshll.u32 s13, $0x6;
	s14 =	rddreg [dreg:$0x6]  }
0x27a: {  	s0 =	sor.u32 $0x1C03, s0;
	s29 =	rddreg [dreg:$0x10];
	s6 =	sshrl.u32 s14, $0x3  }
0x27b: {  	[hbm:s29], [sflag:s0] =	dma.local [spmem:s6], $0x500  }
0x27c: {  	_ =	swait.ge [sflag:s20], $0x500  }
0x27d: {  	[sflag:s20] =	ssyncset.done $0x0;
	s15 =	rddreg [dreg:$0x7]  }
0x27e: {  	s29 =	rddreg [dreg:$0x12];
	[sflag:s20] =	ssyncadd.s32 $0xFFFFFB00;
	s6 =	sshrl.u32 s15, $0x3  }
0x27f: {  	[hbm:s29], [sflag:s0] =	dma.local [spmem:s6], $0x500  }
0x280: {  	_ =	swait.ge [sflag:s20], $0x500  }
0x281: {  	[sflag:s20] =	ssyncset.done $0x0;
	s16 =	rddreg [dreg:$0x8]  }
0x282: {  	s29 =	rddreg [dreg:$0x14];
	[sflag:s20] =	ssyncadd.s32 $0xFFFFFB00;
	s6 =	sshrl.u32 s16, $0x3  }
0x283: {  	[hbm:s29], [sflag:s0] =	dma.local [spmem:s6], $0x500  }
0x284: {  	_ =	swait.ge [sflag:s20], $0x500  }
0x285: {  	[sflag:s20] =	ssyncset.done $0x0;
	s23 =	rddreg [dreg:$0x9]  }
0x286: {  	s29 =	rddreg [dreg:$0x16];
	[sflag:s20] =	ssyncadd.s32 $0xFFFFFB00;
	s6 =	sshrl.u32 s23, $0x3  }
0x287: {  	[hbm:s29], [sflag:s0] =	dma.local [spmem:s6], $0x500  }
0x288: {  	_ =	swait.ge [sflag:s20], $0x500  }
0x289: {  	[sflag:s20] =	ssyncset.done $0x0;
	s28 =	rddreg [dreg:$0xa]  }
0x28a: {  	s29 =	rddreg [dreg:$0x18];
	[sflag:s20] =	ssyncadd.s32 $0xFFFFFB00;
	s6 =	sshrl.u32 s28, $0x3  }
0x28b: {  	[hbm:s29], [sflag:s0] =	dma.local [spmem:s6], $0x500  }
0x28c: {  	_ =	swait.ge [sflag:s20], $0x500  }
0x28d: {  	[sflag:s20] =	ssyncset.done $0x0;
	s30 =	rddreg [dreg:$0xb]  }
0x28e: {  	s29 =	rddreg [dreg:$0x1a];
	[sflag:s20] =	ssyncadd.s32 $0xFFFFFB00;
	s6 =	sshrl.u32 s30, $0x3  }
0x28f: {  	[hbm:s29], [sflag:s0] =	dma.local [spmem:s6], $0x500  }
0x290: {  	_ =	swait.ge [sflag:s20], $0x500  }
0x291: {  	[sflag:s20] =	ssyncset.done $0x0;
	s31 =	rddreg [dreg:$0xc]  }
0x292: {  	s29 =	rddreg [dreg:$0x1c];
	[sflag:s20] =	ssyncadd.s32 $0xFFFFFB00;
	s6 =	sshrl.u32 s31, $0x3  }
0x293: {  	[hbm:s29], [sflag:s0] =	dma.local [spmem:s6], $0x500  }
.Ltmp5:
0x294: {  	_ = 	snop;
	(pc) =	sbr.rel @p2 .LBB2_10-.Ltmp5, $4  }
.Ltmp6:
0x295: {  	_ = 	snop;
	(pc) =	sbr.rel @!p2 .LBB2_11-.Ltmp6, $4  }
0x296: {  	_ =	swait.ge [sflag:s20], $0x500  }
0x297: {  	[sflag:s20] =	ssyncset.done $0x0;
	s29 =	rddreg [dreg:$0x3]  }
0x298: {  	s1 =	rddreg [dreg:$0x1d];
	[sflag:s20] =	ssyncadd.s32 $0xFFFFFB00  }
0x299: {  	_ = 	snop  }
.LBB2_7:
0x29a: {  	[tilespmem:s3], [sflag:$0x3] =	stream.linear.gather [hbm4b:s0+s3], $0xA00, $0x38;
	[tilespmem:$0x1B880] =	vst v63  }
0x29b: {  	_ =	swait.ge [sflag:s20], $0xA00  }
0x29c: {  	[sflag:s20] =	ssyncset.done $0x0  }
0x29d: {  	s30 =	sadd.s32 $0x0, s18;
	[sflag:s20] =	ssyncadd.s32 $0xFFFFF600  }
0x29e: {  	[tilespmem:s21], [sflag:$0x3] =	stream.linear.gather [hbm4b:s30+s3], $0xA00, $0x38;
	[tilespmem:$0x1B880] =	vst v63  }
0x29f: {  	_ =	swait.ge [sflag:s20], $0xA00  }
0x2a0: {  	[sflag:s20] =	ssyncset.done $0x0  }
0x2a1: {  	[sflag:s20] =	ssyncadd.s32 $0xFFFFF600  }
0x2a2: {  	[tilespmem:s19], [sflag:$0x1] =	stream.indirect.gather [hbm4b:s5+s22], $0x80, s3, s22, $0xb8;
	[tilespmem:$0x1B880] =	vst v63  }
0x2a3: {  	s1 =	simm.s32 $0x80  }
0x2a4: {  	[tilespmem:s24], [sflag:$0x2] =	stream.indirect.gather [hbm4b:s5+s22], $0x80, s1, s22, $0xb8;
	[tilespmem:$0x1B880] =	vst v63  }
0x2a5: {  	_ =	swait.ge [sflag:s25], $0x3200  }
0x2a6: {  	[sflag:s25] =	ssyncset.done $0x0  }
0x2a7: {  	[sflag:s25] =	ssyncadd.s32 $0xFFFFCE00  }
0x2a8: {  	[spmem:s2] =	stream.indirect.scatter.add.f32 [tilespmem:s19], [sflag:$0x3], $0x80, s21, s22, $0xb8;
	[tilespmem:$0x1B880] =	vst v63  }
0x2a9: {  	_ =	swait.ge [sflag:s20], $0x3200  }
0x2aa: {  	[sflag:s20] =	ssyncset.done $0x0  }
0x2ab: {  	[sflag:s20] =	ssyncadd.s32 $0xFFFFCE00  }
0x2ac: {  	_ =	swait.ge [sflag:s26], $0x3200  }
0x2ad: {  	[sflag:s26] =	ssyncset.done $0x0  }
0x2ae: {  	s7 =	simm.s32 $0xC80;
	[sflag:s26] =	ssyncadd.s32 $0xFFFFCE00  }
0x2af: {  	[spmem:s2] =	stream.indirect.scatter.add.f32 [tilespmem:s24], [sflag:$0x3], $0x80, s7, s22, $0xb8;
	[tilespmem:$0x1B880] =	vst v63  }
0x2b0: {  	_ =	swait.ge [sflag:s20], $0x3200  }
0x2b1: {  	[sflag:s20] =	ssyncset.done $0x0  }
0x2b2: {  	s1 =	simm.s32 $0x100;
	[sflag:s20] =	ssyncadd.s32 $0xFFFFCE00  }
0x2b3: {  	[tilespmem:s19], [sflag:$0x1] =	stream.indirect.gather [hbm4b:s5+s22], $0x80, s1, s22, $0xb8;
	[tilespmem:$0x1B880] =	vst v63  }
0x2b4: {  	s8 =	simm.s32 $0x180  }
0x2b5: {  	[tilespmem:s24], [sflag:$0x2] =	stream.indirect.gather [hbm4b:s5+s22], $0x80, s8, s22, $0xb8;
	[tilespmem:$0x1B880] =	vst v63  }
0x2b6: {  	_ =	swait.ge [sflag:s25], $0x3200  }
0x2b7: {  	[sflag:s25] =	ssyncset.done $0x0  }
0x2b8: {  	s16 =	simm.s32 $0xD00;
	[sflag:s25] =	ssyncadd.s32 $0xFFFFCE00  }
0x2b9: {  	[spmem:s2] =	stream.indirect.scatter.add.f32 [tilespmem:s19], [sflag:$0x3], $0x80, s16, s22, $0xb8;
	[tilespmem:$0x1B880] =	vst v63  }
0x2ba: {  	_ =	swait.ge [sflag:s20], $0x3200  }
0x2bb: {  	[sflag:s20] =	ssyncset.done $0x0  }
0x2bc: {  	[sflag:s20] =	ssyncadd.s32 $0xFFFFCE00  }
0x2bd: {  	_ =	swait.ge [sflag:s26], $0x3200  }
0x2be: {  	[sflag:s26] =	ssyncset.done $0x0  }
0x2bf: {  	s9 =	simm.s32 $0xD80;
	[sflag:s26] =	ssyncadd.s32 $0xFFFFCE00  }
0x2c0: {  	[spmem:s2] =	stream.indirect.scatter.add.f32 [tilespmem:s24], [sflag:$0x3], $0x80, s9, s22, $0xb8;
	[tilespmem:$0x1B880] =	vst v63  }
0x2c1: {  	_ =	swait.ge [sflag:s20], $0x3200  }
0x2c2: {  	[sflag:s20] =	ssyncset.done $0x0  }
0x2c3: {  	s10 =	simm.s32 $0x200;
	[sflag:s20] =	ssyncadd.s32 $0xFFFFCE00  }
0x2c4: {  	[tilespmem:s19], [sflag:$0x1] =	stream.indirect.gather [hbm4b:s5+s22], $0x80, s10, s22, $0xb8;
	[tilespmem:$0x1B880] =	vst v63  }
0x2c5: {  	s11 =	simm.s32 $0x280  }
0x2c6: {  	[tilespmem:s24], [sflag:$0x2] =	stream.indirect.gather [hbm4b:s5+s22], $0x80, s11, s22, $0xb8;
	[tilespmem:$0x1B880] =	vst v63  }
0x2c7: {  	_ =	swait.ge [sflag:s25], $0x3200  }
0x2c8: {  	[sflag:s25] =	ssyncset.done $0x0  }
0x2c9: {  	s12 =	simm.s32 $0xE00;
	[sflag:s25] =	ssyncadd.s32 $0xFFFFCE00  }
0x2ca: {  	[spmem:s2] =	stream.indirect.scatter.add.f32 [tilespmem:s19], [sflag:$0x3], $0x80, s12, s22, $0xb8;
	[tilespmem:$0x1B880] =	vst v63  }
0x2cb: {  	_ =	swait.ge [sflag:s20], $0x3200  }
0x2cc: {  	[sflag:s20] =	ssyncset.done $0x0  }
0x2cd: {  	[sflag:s20] =	ssyncadd.s32 $0xFFFFCE00  }
0x2ce: {  	_ =	swait.ge [sflag:s26], $0x3200  }
0x2cf: {  	[sflag:s26] =	ssyncset.done $0x0  }
0x2d0: {  	s13 =	simm.s32 $0xE80;
	[sflag:s26] =	ssyncadd.s32 $0xFFFFCE00  }
0x2d1: {  	[spmem:s2] =	stream.indirect.scatter.add.f32 [tilespmem:s24], [sflag:$0x3], $0x80, s13, s22, $0xb8;
	[tilespmem:$0x1B880] =	vst v63  }
0x2d2: {  	_ =	swait.ge [sflag:s20], $0x3200  }
0x2d3: {  	[sflag:s20] =	ssyncset.done $0x0  }
0x2d4: {  	s14 =	simm.s32 $0x300;
	[sflag:s20] =	ssyncadd.s32 $0xFFFFCE00  }
0x2d5: {  	[tilespmem:s19], [sflag:$0x1] =	stream.indirect.gather [hbm4b:s5+s22], $0x80, s14, s22, $0xb8;
	[tilespmem:$0x1B880] =	vst v63  }
0x2d6: {  	s15 =	simm.s32 $0x380  }
0x2d7: {  	[tilespmem:s24], [sflag:$0x2] =	stream.indirect.gather [hbm4b:s5+s22], $0x80, s15, s22, $0xb8;
	[tilespmem:$0x1B880] =	vst v63  }
0x2d8: {  	_ =	swait.ge [sflag:s25], $0x3200  }
0x2d9: {  	[sflag:s25] =	ssyncset.done $0x0  }
0x2da: {  	s23 =	simm.s32 $0xF00;
	[sflag:s25] =	ssyncadd.s32 $0xFFFFCE00  }
0x2db: {  	[spmem:s2] =	stream.indirect.scatter.add.f32 [tilespmem:s19], [sflag:$0x3], $0x80, s23, s22, $0xb8;
	[tilespmem:$0x1B880] =	vst v63  }
0x2dc: {  	_ =	swait.ge [sflag:s20], $0x3200  }
0x2dd: {  	[sflag:s20] =	ssyncset.done $0x0  }
0x2de: {  	[sflag:s20] =	ssyncadd.s32 $0xFFFFCE00  }
0x2df: {  	_ =	swait.ge [sflag:s26], $0x3200  }
0x2e0: {  	[sflag:s26] =	ssyncset.done $0x0  }
0x2e1: {  	s28 =	simm.s32 $0xF80;
	[sflag:s26] =	ssyncadd.s32 $0xFFFFCE00  }
0x2e2: {  	[spmem:s2] =	stream.indirect.scatter.add.f32 [tilespmem:s24], [sflag:$0x3], $0x80, s28, s22, $0xb8;
	[tilespmem:$0x1B880] =	vst v63  }
0x2e3: {  	_ =	swait.ge [sflag:s20], $0x3200  }
0x2e4: {  	[sflag:s20] =	ssyncset.done $0x0  }
0x2e5: {  	s6 =	simm.s32 $0x400;
	[sflag:s20] =	ssyncadd.s32 $0xFFFFCE00  }
0x2e6: {  	[tilespmem:s19], [sflag:$0x1] =	stream.indirect.gather [hbm4b:s5+s22], $0x80, s6, s22, $0xb8;
	[tilespmem:$0x1B880] =	vst v63  }
0x2e7: {  	s30 =	simm.s32 $0x480  }
0x2e8: {  	[tilespmem:s24], [sflag:$0x2] =	stream.indirect.gather [hbm4b:s5+s22], $0x80, s30, s22, $0xb8;
	[tilespmem:$0x1B880] =	vst v63  }
0x2e9: {  	_ =	swait.ge [sflag:s25], $0x3200  }
0x2ea: {  	[sflag:s25] =	ssyncset.done $0x0  }
0x2eb: {  	s6 =	simm.s32 $0x1000;
	[sflag:s25] =	ssyncadd.s32 $0xFFFFCE00  }
0x2ec: {  	[spmem:s2] =	stream.indirect.scatter.add.f32 [tilespmem:s19], [sflag:$0x3], $0x80, s6, s22, $0xb8;
	[tilespmem:$0x1B880] =	vst v63  }
0x2ed: {  	_ =	swait.ge [sflag:s20], $0x3200  }
0x2ee: {  	[sflag:s20] =	ssyncset.done $0x0  }
0x2ef: {  	[sflag:s20] =	ssyncadd.s32 $0xFFFFCE00  }
0x2f0: {  	_ =	swait.ge [sflag:s26], $0x3200  }
0x2f1: {  	[sflag:s26] =	ssyncset.done $0x0  }
0x2f2: {  	s30 =	simm.s32 $0x1080;
	[sflag:s26] =	ssyncadd.s32 $0xFFFFCE00  }
0x2f3: {  	[spmem:s2] =	stream.indirect.scatter.add.f32 [tilespmem:s24], [sflag:$0x3], $0x80, s30, s22, $0xb8;
	[tilespmem:$0x1B880] =	vst v63  }
0x2f4: {  	_ =	swait.ge [sflag:s20], $0x3200  }
0x2f5: {  	[sflag:s20] =	ssyncset.done $0x0  }
0x2f6: {  	s6 =	simm.s32 $0x500;
	[sflag:s20] =	ssyncadd.s32 $0xFFFFCE00  }
0x2f7: {  	[tilespmem:s19], [sflag:$0x1] =	stream.indirect.gather [hbm4b:s5+s22], $0x80, s6, s22, $0xb8;
	[tilespmem:$0x1B880] =	vst v63  }
0x2f8: {  	s30 =	simm.s32 $0x580  }
0x2f9: {  	[tilespmem:s24], [sflag:$0x2] =	stream.indirect.gather [hbm4b:s5+s22], $0x80, s30, s22, $0xb8;
	[tilespmem:$0x1B880] =	vst v63  }
0x2fa: {  	_ =	swait.ge [sflag:s25], $0x3200  }
0x2fb: {  	[sflag:s25] =	ssyncset.done $0x0  }
0x2fc: {  	s6 =	simm.s32 $0x1100;
	[sflag:s25] =	ssyncadd.s32 $0xFFFFCE00  }
0x2fd: {  	[spmem:s2] =	stream.indirect.scatter.add.f32 [tilespmem:s19], [sflag:$0x3], $0x80, s6, s22, $0xb8;
	[tilespmem:$0x1B880] =	vst v63  }
0x2fe: {  	_ =	swait.ge [sflag:s20], $0x3200  }
0x2ff: {  	[sflag:s20] =	ssyncset.done $0x0  }
0x300: {  	[sflag:s20] =	ssyncadd.s32 $0xFFFFCE00  }
0x301: {  	_ =	swait.ge [sflag:s26], $0x3200  }
0x302: {  	[sflag:s26] =	ssyncset.done $0x0  }
0x303: {  	s30 =	simm.s32 $0x1180;
	[sflag:s26] =	ssyncadd.s32 $0xFFFFCE00  }
0x304: {  	[spmem:s2] =	stream.indirect.scatter.add.f32 [tilespmem:s24], [sflag:$0x3], $0x80, s30, s22, $0xb8;
	[tilespmem:$0x1B880] =	vst v63  }
0x305: {  	_ =	swait.ge [sflag:s20], $0x3200  }
0x306: {  	[sflag:s20] =	ssyncset.done $0x0  }
0x307: {  	s6 =	simm.s32 $0x600;
	[sflag:s20] =	ssyncadd.s32 $0xFFFFCE00  }
0x308: {  	[tilespmem:s19], [sflag:$0x1] =	stream.indirect.gather [hbm4b:s5+s22], $0x80, s6, s22, $0xb8;
	[tilespmem:$0x1B880] =	vst v63  }
0x309: {  	s30 =	simm.s32 $0x680  }
0x30a: {  	[tilespmem:s24], [sflag:$0x2] =	stream.indirect.gather [hbm4b:s5+s22], $0x80, s30, s22, $0xb8;
	[tilespmem:$0x1B880] =	vst v63  }
0x30b: {  	_ =	swait.ge [sflag:s25], $0x3200  }
0x30c: {  	[sflag:s25] =	ssyncset.done $0x0  }
0x30d: {  	s6 =	simm.s32 $0x1200;
	[sflag:s25] =	ssyncadd.s32 $0xFFFFCE00  }
0x30e: {  	[spmem:s2] =	stream.indirect.scatter.add.f32 [tilespmem:s19], [sflag:$0x3], $0x80, s6, s22, $0xb8;
	[tilespmem:$0x1B880] =	vst v63  }
0x30f: {  	_ =	swait.ge [sflag:s20], $0x3200  }
0x310: {  	[sflag:s20] =	ssyncset.done $0x0  }
0x311: {  	[sflag:s20] =	ssyncadd.s32 $0xFFFFCE00  }
0x312: {  	_ =	swait.ge [sflag:s26], $0x3200  }
0x313: {  	[sflag:s26] =	ssyncset.done $0x0  }
0x314: {  	s30 =	simm.s32 $0x1280;
	[sflag:s26] =	ssyncadd.s32 $0xFFFFCE00  }
0x315: {  	[spmem:s2] =	stream.indirect.scatter.add.f32 [tilespmem:s24], [sflag:$0x3], $0x80, s30, s22, $0xb8;
	[tilespmem:$0x1B880] =	vst v63  }
0x316: {  	_ =	swait.ge [sflag:s20], $0x3200  }
0x317: {  	[sflag:s20] =	ssyncset.done $0x0  }
0x318: {  	s6 =	simm.s32 $0x700;
	[sflag:s20] =	ssyncadd.s32 $0xFFFFCE00  }
0x319: {  	[tilespmem:s19], [sflag:$0x1] =	stream.indirect.gather [hbm4b:s5+s22], $0x80, s6, s22, $0xb8;
	[tilespmem:$0x1B880] =	vst v63  }
0x31a: {  	s30 =	simm.s32 $0x780  }
0x31b: {  	[tilespmem:s24], [sflag:$0x2] =	stream.indirect.gather [hbm4b:s5+s22], $0x80, s30, s22, $0xb8;
	[tilespmem:$0x1B880] =	vst v63  }
0x31c: {  	_ =	swait.ge [sflag:s25], $0x3200  }
0x31d: {  	[sflag:s25] =	ssyncset.done $0x0  }
0x31e: {  	s6 =	simm.s32 $0x1300;
	[sflag:s25] =	ssyncadd.s32 $0xFFFFCE00  }
0x31f: {  	[spmem:s2] =	stream.indirect.scatter.add.f32 [tilespmem:s19], [sflag:$0x3], $0x80, s6, s22, $0xb8;
	[tilespmem:$0x1B880] =	vst v63  }
0x320: {  	_ =	swait.ge [sflag:s20], $0x3200  }
0x321: {  	[sflag:s20] =	ssyncset.done $0x0  }
0x322: {  	[sflag:s20] =	ssyncadd.s32 $0xFFFFCE00  }
0x323: {  	_ =	swait.ge [sflag:s26], $0x3200  }
0x324: {  	[sflag:s26] =	ssyncset.done $0x0  }
0x325: {  	s30 =	simm.s32 $0x1380;
	[sflag:s26] =	ssyncadd.s32 $0xFFFFCE00  }
0x326: {  	[spmem:s2] =	stream.indirect.scatter.add.f32 [tilespmem:s24], [sflag:$0x3], $0x80, s30, s22, $0xb8;
	[tilespmem:$0x1B880] =	vst v63  }
0x327: {  	_ =	swait.ge [sflag:s20], $0x3200  }
0x328: {  	[sflag:s20] =	ssyncset.done $0x0  }
0x329: {  	s6 =	simm.s32 $0x800;
	[sflag:s20] =	ssyncadd.s32 $0xFFFFCE00  }
0x32a: {  	[tilespmem:s19], [sflag:$0x1] =	stream.indirect.gather [hbm4b:s5+s22], $0x80, s6, s22, $0xb8;
	[tilespmem:$0x1B880] =	vst v63  }
0x32b: {  	s30 =	simm.s32 $0x880  }
0x32c: {  	[tilespmem:s24], [sflag:$0x2] =	stream.indirect.gather [hbm4b:s5+s22], $0x80, s30, s22, $0xb8;
	[tilespmem:$0x1B880] =	vst v63  }
0x32d: {  	_ =	swait.ge [sflag:s25], $0x3200  }
0x32e: {  	[sflag:s25] =	ssyncset.done $0x0  }
0x32f: {  	s6 =	simm.s32 $0x1400;
	[sflag:s25] =	ssyncadd.s32 $0xFFFFCE00  }
0x330: {  	[spmem:s2] =	stream.indirect.scatter.add.f32 [tilespmem:s19], [sflag:$0x3], $0x80, s6, s22, $0xb8;
	[tilespmem:$0x1B880] =	vst v63  }
0x331: {  	_ =	swait.ge [sflag:s20], $0x3200  }
0x332: {  	[sflag:s20] =	ssyncset.done $0x0  }
0x333: {  	[sflag:s20] =	ssyncadd.s32 $0xFFFFCE00  }
0x334: {  	_ =	swait.ge [sflag:s26], $0x3200  }
0x335: {  	[sflag:s26] =	ssyncset.done $0x0  }
0x336: {  	s30 =	simm.s32 $0x1480;
	[sflag:s26] =	ssyncadd.s32 $0xFFFFCE00  }
0x337: {  	[spmem:s2] =	stream.indirect.scatter.add.f32 [tilespmem:s24], [sflag:$0x3], $0x80, s30, s22, $0xb8;
	[tilespmem:$0x1B880] =	vst v63  }
0x338: {  	_ =	swait.ge [sflag:s20], $0x3200  }
0x339: {  	[sflag:s20] =	ssyncset.done $0x0  }
0x33a: {  	s6 =	simm.s32 $0x900;
	[sflag:s20] =	ssyncadd.s32 $0xFFFFCE00  }
0x33b: {  	[tilespmem:s19], [sflag:$0x1] =	stream.indirect.gather [hbm4b:s5+s22], $0x80, s6, s22, $0xb8;
	[tilespmem:$0x1B880] =	vst v63  }
0x33c: {  	s30 =	simm.s32 $0x980  }
0x33d: {  	[tilespmem:s24], [sflag:$0x2] =	stream.indirect.gather [hbm4b:s5+s22], $0x80, s30, s22, $0xb8;
	[tilespmem:$0x1B880] =	vst v63  }
0x33e: {  	_ =	swait.ge [sflag:s25], $0x3200  }
0x33f: {  	[sflag:s25] =	ssyncset.done $0x0  }
0x340: {  	s6 =	simm.s32 $0x1500;
	[sflag:s25] =	ssyncadd.s32 $0xFFFFCE00  }
0x341: {  	[spmem:s2] =	stream.indirect.scatter.add.f32 [tilespmem:s19], [sflag:$0x3], $0x80, s6, s22, $0xb8;
	[tilespmem:$0x1B880] =	vst v63  }
0x342: {  	_ =	swait.ge [sflag:s20], $0x3200  }
0x343: {  	[sflag:s20] =	ssyncset.done $0x0  }
0x344: {  	[sflag:s20] =	ssyncadd.s32 $0xFFFFCE00  }
0x345: {  	_ =	swait.ge [sflag:s26], $0x3200  }
0x346: {  	[sflag:s26] =	ssyncset.done $0x0  }
0x347: {  	s30 =	simm.s32 $0x1580;
	[sflag:s26] =	ssyncadd.s32 $0xFFFFCE00  }
0x348: {  	[spmem:s2] =	stream.indirect.scatter.add.f32 [tilespmem:s24], [sflag:$0x3], $0x80, s30, s22, $0xb8;
	[tilespmem:$0x1B880] =	vst v63  }
0x349: {  	_ =	swait.ge [sflag:s20], $0x3200  }
0x34a: {  	s29 =	simm.s32 $0x180;
	s31 =	simm.s32 $0x300;
	[sflag:s20] =	ssyncset.done $0x0  }
.LBB2_8:
0x34b: {  	s0 =	sadd.s32 s29, s17  }
0x34c: {  	[sflag:s20] =	ssyncadd.s32 $0xFFFFCE00;
	s6 =	smov.u32 s31;
	s30 =	sadd.s32 $0x180, s31  }
0x34d: {  	[tilespmem:s3], [sflag:$0x3] =	stream.linear.gather [hbm4b:s0+s3], $0xA00, $0x38;
	[tilespmem:$0x1B880] =	vst v63  }
0x34e: {  	p3 =	seq.s32 s31, $0x600;
	_ =	swait.ge [sflag:s20], $0xA00  }
0x34f: {  	s0 =	sadd.s32 s29, s18;
	[sflag:s20] =	ssyncset.done $0x0  }
0x350: {  	s29 =	smov.u32 s6;
	s6 =	simm.s32 $0x80;
	[sflag:s20] =	ssyncadd.s32 $0xFFFFF600  }
0x351: {  	[tilespmem:s21], [sflag:$0x3] =	stream.linear.gather [hbm4b:s0+s3], $0xA00, $0x38;
	[tilespmem:$0x1B880] =	vst v63  }
0x352: {  	_ =	swait.ge [sflag:s20], $0xA00  }
0x353: {  	[sflag:s20] =	ssyncset.done $0x0  }
0x354: {  	[sflag:s20] =	ssyncadd.s32 $0xFFFFF600  }
0x355: {  	[tilespmem:s19], [sflag:$0x1] =	stream.indirect.gather [hbm4b:s5+s22], $0x80, s3, s22, $0xb8;
	[tilespmem:$0x1B880] =	vst v63  }
0x356: {  	_ = 	snop  }
0x357: {  	[tilespmem:s24], [sflag:$0x2] =	stream.indirect.gather [hbm4b:s5+s22], $0x80, s6, s22, $0xb8;
	[tilespmem:$0x1B880] =	vst v63  }
0x358: {  	_ =	swait.ge [sflag:s25], $0x3200  }
0x359: {  	[sflag:s25] =	ssyncset.done $0x0  }
0x35a: {  	[sflag:s25] =	ssyncadd.s32 $0xFFFFCE00  }
0x35b: {  	[spmem:s2] =	stream.indirect.scatter.add.f32 [tilespmem:s19], [sflag:$0x3], $0x80, s21, s22, $0xb8;
	[tilespmem:$0x1B880] =	vst v63  }
0x35c: {  	_ =	swait.ge [sflag:s20], $0x3200  }
0x35d: {  	[sflag:s20] =	ssyncset.done $0x0  }
0x35e: {  	[sflag:s20] =	ssyncadd.s32 $0xFFFFCE00  }
0x35f: {  	_ =	swait.ge [sflag:s26], $0x3200  }
0x360: {  	[sflag:s26] =	ssyncset.done $0x0  }
0x361: {  	[sflag:s26] =	ssyncadd.s32 $0xFFFFCE00  }
0x362: {  	[spmem:s2] =	stream.indirect.scatter.add.f32 [tilespmem:s24], [sflag:$0x3], $0x80, s7, s22, $0xb8;
	[tilespmem:$0x1B880] =	vst v63  }
0x363: {  	_ =	swait.ge [sflag:s20], $0x3200  }
0x364: {  	[sflag:s20] =	ssyncset.done $0x0  }
0x365: {  	[sflag:s20] =	ssyncadd.s32 $0xFFFFCE00  }
0x366: {  	[tilespmem:s19], [sflag:$0x1] =	stream.indirect.gather [hbm4b:s5+s22], $0x80, s1, s22, $0xb8;
	[tilespmem:$0x1B880] =	vst v63  }
0x367: {  	_ = 	snop  }
0x368: {  	[tilespmem:s24], [sflag:$0x2] =	stream.indirect.gather [hbm4b:s5+s22], $0x80, s8, s22, $0xb8;
	[tilespmem:$0x1B880] =	vst v63  }
0x369: {  	_ =	swait.ge [sflag:s25], $0x3200  }
0x36a: {  	[sflag:s25] =	ssyncset.done $0x0  }
0x36b: {  	[sflag:s25] =	ssyncadd.s32 $0xFFFFCE00  }
0x36c: {  	[spmem:s2] =	stream.indirect.scatter.add.f32 [tilespmem:s19], [sflag:$0x3], $0x80, s16, s22, $0xb8;
	[tilespmem:$0x1B880] =	vst v63  }
0x36d: {  	_ =	swait.ge [sflag:s20], $0x3200  }
0x36e: {  	[sflag:s20] =	ssyncset.done $0x0  }
0x36f: {  	[sflag:s20] =	ssyncadd.s32 $0xFFFFCE00  }
0x370: {  	_ =	swait.ge [sflag:s26], $0x3200  }
0x371: {  	[sflag:s26] =	ssyncset.done $0x0  }
0x372: {  	[sflag:s26] =	ssyncadd.s32 $0xFFFFCE00  }
0x373: {  	[spmem:s2] =	stream.indirect.scatter.add.f32 [tilespmem:s24], [sflag:$0x3], $0x80, s9, s22, $0xb8;
	[tilespmem:$0x1B880] =	vst v63  }
0x374: {  	_ =	swait.ge [sflag:s20], $0x3200  }
0x375: {  	[sflag:s20] =	ssyncset.done $0x0  }
0x376: {  	[sflag:s20] =	ssyncadd.s32 $0xFFFFCE00  }
0x377: {  	[tilespmem:s19], [sflag:$0x1] =	stream.indirect.gather [hbm4b:s5+s22], $0x80, s10, s22, $0xb8;
	[tilespmem:$0x1B880] =	vst v63  }
0x378: {  	_ = 	snop  }
0x379: {  	[tilespmem:s24], [sflag:$0x2] =	stream.indirect.gather [hbm4b:s5+s22], $0x80, s11, s22, $0xb8;
	[tilespmem:$0x1B880] =	vst v63  }
0x37a: {  	_ =	swait.ge [sflag:s25], $0x3200  }
0x37b: {  	[sflag:s25] =	ssyncset.done $0x0  }
0x37c: {  	[sflag:s25] =	ssyncadd.s32 $0xFFFFCE00  }
0x37d: {  	[spmem:s2] =	stream.indirect.scatter.add.f32 [tilespmem:s19], [sflag:$0x3], $0x80, s12, s22, $0xb8;
	[tilespmem:$0x1B880] =	vst v63  }
0x37e: {  	_ =	swait.ge [sflag:s20], $0x3200  }
0x37f: {  	[sflag:s20] =	ssyncset.done $0x0  }
0x380: {  	[sflag:s20] =	ssyncadd.s32 $0xFFFFCE00  }
0x381: {  	_ =	swait.ge [sflag:s26], $0x3200  }
0x382: {  	[sflag:s26] =	ssyncset.done $0x0  }
0x383: {  	[sflag:s26] =	ssyncadd.s32 $0xFFFFCE00  }
0x384: {  	[spmem:s2] =	stream.indirect.scatter.add.f32 [tilespmem:s24], [sflag:$0x3], $0x80, s13, s22, $0xb8;
	[tilespmem:$0x1B880] =	vst v63  }
0x385: {  	_ =	swait.ge [sflag:s20], $0x3200  }
0x386: {  	[sflag:s20] =	ssyncset.done $0x0  }
0x387: {  	[sflag:s20] =	ssyncadd.s32 $0xFFFFCE00  }
0x388: {  	[tilespmem:s19], [sflag:$0x1] =	stream.indirect.gather [hbm4b:s5+s22], $0x80, s14, s22, $0xb8;
	[tilespmem:$0x1B880] =	vst v63  }
0x389: {  	_ = 	snop  }
0x38a: {  	[tilespmem:s24], [sflag:$0x2] =	stream.indirect.gather [hbm4b:s5+s22], $0x80, s15, s22, $0xb8;
	[tilespmem:$0x1B880] =	vst v63  }
0x38b: {  	_ =	swait.ge [sflag:s25], $0x3200  }
0x38c: {  	[sflag:s25] =	ssyncset.done $0x0  }
0x38d: {  	[sflag:s25] =	ssyncadd.s32 $0xFFFFCE00  }
0x38e: {  	[spmem:s2] =	stream.indirect.scatter.add.f32 [tilespmem:s19], [sflag:$0x3], $0x80, s23, s22, $0xb8;
	[tilespmem:$0x1B880] =	vst v63  }
0x38f: {  	_ =	swait.ge [sflag:s20], $0x3200  }
0x390: {  	[sflag:s20] =	ssyncset.done $0x0  }
0x391: {  	[sflag:s20] =	ssyncadd.s32 $0xFFFFCE00  }
0x392: {  	_ =	swait.ge [sflag:s26], $0x3200  }
0x393: {  	[sflag:s26] =	ssyncset.done $0x0  }
0x394: {  	[sflag:s26] =	ssyncadd.s32 $0xFFFFCE00  }
0x395: {  	[spmem:s2] =	stream.indirect.scatter.add.f32 [tilespmem:s24], [sflag:$0x3], $0x80, s28, s22, $0xb8;
	[tilespmem:$0x1B880] =	vst v63  }
0x396: {  	_ =	swait.ge [sflag:s20], $0x3200  }
0x397: {  	[sflag:s20] =	ssyncset.done $0x0  }
0x398: {  	s0 =	simm.s32 $0x400;
	[sflag:s20] =	ssyncadd.s32 $0xFFFFCE00  }
0x399: {  	[tilespmem:s19], [sflag:$0x1] =	stream.indirect.gather [hbm4b:s5+s22], $0x80, s0, s22, $0xb8;
	[tilespmem:$0x1B880] =	vst v63  }
0x39a: {  	s0 =	simm.s32 $0x480  }
0x39b: {  	[tilespmem:s24], [sflag:$0x2] =	stream.indirect.gather [hbm4b:s5+s22], $0x80, s0, s22, $0xb8;
	[tilespmem:$0x1B880] =	vst v63  }
0x39c: {  	_ =	swait.ge [sflag:s25], $0x3200  }
0x39d: {  	[sflag:s25] =	ssyncset.done $0x0  }
0x39e: {  	s0 =	simm.s32 $0x1000;
	[sflag:s25] =	ssyncadd.s32 $0xFFFFCE00  }
0x39f: {  	[spmem:s2] =	stream.indirect.scatter.add.f32 [tilespmem:s19], [sflag:$0x3], $0x80, s0, s22, $0xb8;
	[tilespmem:$0x1B880] =	vst v63  }
0x3a0: {  	_ =	swait.ge [sflag:s20], $0x3200  }
0x3a1: {  	[sflag:s20] =	ssyncset.done $0x0  }
0x3a2: {  	[sflag:s20] =	ssyncadd.s32 $0xFFFFCE00  }
0x3a3: {  	_ =	swait.ge [sflag:s26], $0x3200  }
0x3a4: {  	[sflag:s26] =	ssyncset.done $0x0  }
0x3a5: {  	s0 =	simm.s32 $0x1080;
	[sflag:s26] =	ssyncadd.s32 $0xFFFFCE00  }
0x3a6: {  	[spmem:s2] =	stream.indirect.scatter.add.f32 [tilespmem:s24], [sflag:$0x3], $0x80, s0, s22, $0xb8;
	[tilespmem:$0x1B880] =	vst v63  }
0x3a7: {  	_ =	swait.ge [sflag:s20], $0x3200  }
0x3a8: {  	[sflag:s20] =	ssyncset.done $0x0  }
0x3a9: {  	s0 =	simm.s32 $0x500;
	[sflag:s20] =	ssyncadd.s32 $0xFFFFCE00  }
0x3aa: {  	[tilespmem:s19], [sflag:$0x1] =	stream.indirect.gather [hbm4b:s5+s22], $0x80, s0, s22, $0xb8;
	[tilespmem:$0x1B880] =	vst v63  }
0x3ab: {  	s0 =	simm.s32 $0x580  }
0x3ac: {  	[tilespmem:s24], [sflag:$0x2] =	stream.indirect.gather [hbm4b:s5+s22], $0x80, s0, s22, $0xb8;
	[tilespmem:$0x1B880] =	vst v63  }
0x3ad: {  	_ =	swait.ge [sflag:s25], $0x3200  }
0x3ae: {  	[sflag:s25] =	ssyncset.done $0x0  }
0x3af: {  	s0 =	simm.s32 $0x1100;
	[sflag:s25] =	ssyncadd.s32 $0xFFFFCE00  }
0x3b0: {  	[spmem:s2] =	stream.indirect.scatter.add.f32 [tilespmem:s19], [sflag:$0x3], $0x80, s0, s22, $0xb8;
	[tilespmem:$0x1B880] =	vst v63  }
0x3b1: {  	_ =	swait.ge [sflag:s20], $0x3200  }
0x3b2: {  	[sflag:s20] =	ssyncset.done $0x0  }
0x3b3: {  	[sflag:s20] =	ssyncadd.s32 $0xFFFFCE00  }
0x3b4: {  	_ =	swait.ge [sflag:s26], $0x3200  }
0x3b5: {  	[sflag:s26] =	ssyncset.done $0x0  }
0x3b6: {  	s0 =	simm.s32 $0x1180;
	[sflag:s26] =	ssyncadd.s32 $0xFFFFCE00  }
0x3b7: {  	[spmem:s2] =	stream.indirect.scatter.add.f32 [tilespmem:s24], [sflag:$0x3], $0x80, s0, s22, $0xb8;
	[tilespmem:$0x1B880] =	vst v63  }
0x3b8: {  	_ =	swait.ge [sflag:s20], $0x3200  }
0x3b9: {  	[sflag:s20] =	ssyncset.done $0x0  }
0x3ba: {  	s0 =	simm.s32 $0x600;
	[sflag:s20] =	ssyncadd.s32 $0xFFFFCE00  }
0x3bb: {  	[tilespmem:s19], [sflag:$0x1] =	stream.indirect.gather [hbm4b:s5+s22], $0x80, s0, s22, $0xb8;
	[tilespmem:$0x1B880] =	vst v63  }
0x3bc: {  	s0 =	simm.s32 $0x680  }
0x3bd: {  	[tilespmem:s24], [sflag:$0x2] =	stream.indirect.gather [hbm4b:s5+s22], $0x80, s0, s22, $0xb8;
	[tilespmem:$0x1B880] =	vst v63  }
0x3be: {  	_ =	swait.ge [sflag:s25], $0x3200  }
0x3bf: {  	[sflag:s25] =	ssyncset.done $0x0  }
0x3c0: {  	s0 =	simm.s32 $0x1200;
	[sflag:s25] =	ssyncadd.s32 $0xFFFFCE00  }
0x3c1: {  	[spmem:s2] =	stream.indirect.scatter.add.f32 [tilespmem:s19], [sflag:$0x3], $0x80, s0, s22, $0xb8;
	[tilespmem:$0x1B880] =	vst v63  }
0x3c2: {  	_ =	swait.ge [sflag:s20], $0x3200  }
0x3c3: {  	[sflag:s20] =	ssyncset.done $0x0  }
0x3c4: {  	[sflag:s20] =	ssyncadd.s32 $0xFFFFCE00  }
0x3c5: {  	_ =	swait.ge [sflag:s26], $0x3200  }
0x3c6: {  	[sflag:s26] =	ssyncset.done $0x0  }
0x3c7: {  	s0 =	simm.s32 $0x1280;
	[sflag:s26] =	ssyncadd.s32 $0xFFFFCE00  }
0x3c8: {  	[spmem:s2] =	stream.indirect.scatter.add.f32 [tilespmem:s24], [sflag:$0x3], $0x80, s0, s22, $0xb8;
	[tilespmem:$0x1B880] =	vst v63  }
0x3c9: {  	_ =	swait.ge [sflag:s20], $0x3200  }
0x3ca: {  	[sflag:s20] =	ssyncset.done $0x0  }
0x3cb: {  	s0 =	simm.s32 $0x700;
	[sflag:s20] =	ssyncadd.s32 $0xFFFFCE00  }
0x3cc: {  	[tilespmem:s19], [sflag:$0x1] =	stream.indirect.gather [hbm4b:s5+s22], $0x80, s0, s22, $0xb8;
	[tilespmem:$0x1B880] =	vst v63  }
0x3cd: {  	s0 =	simm.s32 $0x780  }
0x3ce: {  	[tilespmem:s24], [sflag:$0x2] =	stream.indirect.gather [hbm4b:s5+s22], $0x80, s0, s22, $0xb8;
	[tilespmem:$0x1B880] =	vst v63  }
0x3cf: {  	_ =	swait.ge [sflag:s25], $0x3200  }
0x3d0: {  	[sflag:s25] =	ssyncset.done $0x0  }
0x3d1: {  	s0 =	simm.s32 $0x1300;
	[sflag:s25] =	ssyncadd.s32 $0xFFFFCE00  }
0x3d2: {  	[spmem:s2] =	stream.indirect.scatter.add.f32 [tilespmem:s19], [sflag:$0x3], $0x80, s0, s22, $0xb8;
	[tilespmem:$0x1B880] =	vst v63  }
0x3d3: {  	_ =	swait.ge [sflag:s20], $0x3200  }
0x3d4: {  	[sflag:s20] =	ssyncset.done $0x0  }
0x3d5: {  	[sflag:s20] =	ssyncadd.s32 $0xFFFFCE00  }
0x3d6: {  	_ =	swait.ge [sflag:s26], $0x3200  }
0x3d7: {  	[sflag:s26] =	ssyncset.done $0x0  }
0x3d8: {  	s0 =	simm.s32 $0x1380;
	[sflag:s26] =	ssyncadd.s32 $0xFFFFCE00  }
0x3d9: {  	[spmem:s2] =	stream.indirect.scatter.add.f32 [tilespmem:s24], [sflag:$0x3], $0x80, s0, s22, $0xb8;
	[tilespmem:$0x1B880] =	vst v63  }
0x3da: {  	_ =	swait.ge [sflag:s20], $0x3200  }
0x3db: {  	[sflag:s20] =	ssyncset.done $0x0  }
0x3dc: {  	s0 =	simm.s32 $0x800;
	[sflag:s20] =	ssyncadd.s32 $0xFFFFCE00  }
0x3dd: {  	[tilespmem:s19], [sflag:$0x1] =	stream.indirect.gather [hbm4b:s5+s22], $0x80, s0, s22, $0xb8;
	[tilespmem:$0x1B880] =	vst v63  }
0x3de: {  	s0 =	simm.s32 $0x880  }
0x3df: {  	[tilespmem:s24], [sflag:$0x2] =	stream.indirect.gather [hbm4b:s5+s22], $0x80, s0, s22, $0xb8;
	[tilespmem:$0x1B880] =	vst v63  }
0x3e0: {  	_ =	swait.ge [sflag:s25], $0x3200  }
0x3e1: {  	[sflag:s25] =	ssyncset.done $0x0  }
0x3e2: {  	s0 =	simm.s32 $0x1400;
	[sflag:s25] =	ssyncadd.s32 $0xFFFFCE00  }
0x3e3: {  	[spmem:s2] =	stream.indirect.scatter.add.f32 [tilespmem:s19], [sflag:$0x3], $0x80, s0, s22, $0xb8;
	[tilespmem:$0x1B880] =	vst v63  }
0x3e4: {  	_ =	swait.ge [sflag:s20], $0x3200  }
0x3e5: {  	[sflag:s20] =	ssyncset.done $0x0  }
0x3e6: {  	[sflag:s20] =	ssyncadd.s32 $0xFFFFCE00  }
0x3e7: {  	_ =	swait.ge [sflag:s26], $0x3200  }
0x3e8: {  	[sflag:s26] =	ssyncset.done $0x0  }
0x3e9: {  	s0 =	simm.s32 $0x1480;
	[sflag:s26] =	ssyncadd.s32 $0xFFFFCE00  }
0x3ea: {  	[spmem:s2] =	stream.indirect.scatter.add.f32 [tilespmem:s24], [sflag:$0x3], $0x80, s0, s22, $0xb8;
	[tilespmem:$0x1B880] =	vst v63  }
0x3eb: {  	_ =	swait.ge [sflag:s20], $0x3200  }
0x3ec: {  	[sflag:s20] =	ssyncset.done $0x0  }
0x3ed: {  	s0 =	simm.s32 $0x900;
	[sflag:s20] =	ssyncadd.s32 $0xFFFFCE00  }
0x3ee: {  	[tilespmem:s19], [sflag:$0x1] =	stream.indirect.gather [hbm4b:s5+s22], $0x80, s0, s22, $0xb8;
	[tilespmem:$0x1B880] =	vst v63  }
0x3ef: {  	s0 =	simm.s32 $0x980  }
0x3f0: {  	[tilespmem:s24], [sflag:$0x2] =	stream.indirect.gather [hbm4b:s5+s22], $0x80, s0, s22, $0xb8;
	[tilespmem:$0x1B880] =	vst v63  }
0x3f1: {  	_ =	swait.ge [sflag:s25], $0x3200  }
0x3f2: {  	[sflag:s25] =	ssyncset.done $0x0  }
0x3f3: {  	s0 =	simm.s32 $0x1500;
	[sflag:s25] =	ssyncadd.s32 $0xFFFFCE00  }
0x3f4: {  	[spmem:s2] =	stream.indirect.scatter.add.f32 [tilespmem:s19], [sflag:$0x3], $0x80, s0, s22, $0xb8;
	[tilespmem:$0x1B880] =	vst v63  }
0x3f5: {  	_ =	swait.ge [sflag:s20], $0x3200  }
0x3f6: {  	[sflag:s20] =	ssyncset.done $0x0  }
0x3f7: {  	[sflag:s20] =	ssyncadd.s32 $0xFFFFCE00  }
0x3f8: {  	_ =	swait.ge [sflag:s26], $0x3200  }
.Ltmp7:
0x3f9: {  	[sflag:s26] =	ssyncset.done $0x0;
	(pc) =	sbr.rel @!p3 .LBB2_8-.Ltmp7, $4  }
0x3fa: {  	s0 =	simm.s32 $0x1580;
	[sflag:s26] =	ssyncadd.s32 $0xFFFFCE00  }
0x3fb: {  	[spmem:s2] =	stream.indirect.scatter.add.f32 [tilespmem:s24], [sflag:$0x3], $0x80, s0, s22, $0xb8;
	[tilespmem:$0x1B880] =	vst v63  }
0x3fc: {  	_ =	swait.ge [sflag:s20], $0x3200  }
0x3fd: {  	s31 =	smov.u32 s30;
	[sflag:s20] =	ssyncset.done $0x0  }
0x3fe: {  	s0 =	sadd.s32 s29, s17;
	[sflag:s20] =	ssyncadd.s32 $0xFFFFCE00  }
0x3ff: {  	[tilespmem:s3], [sflag:$0x3] =	stream.linear.gather [hbm4b:s0+s3], $0xA00, $0x38;
	[tilespmem:$0x1B880] =	vst v63  }
0x400: {  	_ =	swait.ge [sflag:s20], $0xA00  }
0x401: {  	[sflag:s20] =	ssyncset.done $0x0  }
0x402: {  	s31 =	sadd.s32 s29, s18;
	[sflag:s20] =	ssyncadd.s32 $0xFFFFF600  }
0x403: {  	[tilespmem:s21], [sflag:$0x3] =	stream.linear.gather [hbm4b:s31+s3], $0xA00, $0x38;
	[tilespmem:$0x1B880] =	vst v63  }
0x404: {  	_ =	swait.ge [sflag:s20], $0xA00  }
0x405: {  	[sflag:s20] =	ssyncset.done $0x0  }
0x406: {  	[sflag:s20] =	ssyncadd.s32 $0xFFFFF600  }
0x407: {  	[tilespmem:s19], [sflag:$0x1] =	stream.indirect.gather [hbm4b:s5+s22], $0x80, s3, s22, $0xb8;
	[tilespmem:$0x1B880] =	vst v63  }
0x408: {  	_ = 	snop  }
0x409: {  	[tilespmem:s24], [sflag:$0x2] =	stream.indirect.gather [hbm4b:s5+s22], $0x80, s6, s22, $0xb8;
	[tilespmem:$0x1B880] =	vst v63  }
0x40a: {  	_ =	swait.ge [sflag:s25], $0x3200  }
0x40b: {  	[sflag:s25] =	ssyncset.done $0x0  }
0x40c: {  	[sflag:s25] =	ssyncadd.s32 $0xFFFFCE00  }
0x40d: {  	[spmem:s2] =	stream.indirect.scatter.add.f32 [tilespmem:s19], [sflag:$0x3], $0x80, s21, s22, $0xb8;
	[tilespmem:$0x1B880] =	vst v63  }
0x40e: {  	_ =	swait.ge [sflag:s20], $0x3200  }
0x40f: {  	[sflag:s20] =	ssyncset.done $0x0  }
0x410: {  	[sflag:s20] =	ssyncadd.s32 $0xFFFFCE00  }
0x411: {  	_ =	swait.ge [sflag:s26], $0x3200  }
0x412: {  	[sflag:s26] =	ssyncset.done $0x0  }
0x413: {  	[sflag:s26] =	ssyncadd.s32 $0xFFFFCE00  }
0x414: {  	[spmem:s2] =	stream.indirect.scatter.add.f32 [tilespmem:s24], [sflag:$0x3], $0x80, s7, s22, $0xb8;
	[tilespmem:$0x1B880] =	vst v63  }
0x415: {  	_ =	swait.ge [sflag:s20], $0x3200  }
0x416: {  	[sflag:s20] =	ssyncset.done $0x0  }
0x417: {  	[sflag:s20] =	ssyncadd.s32 $0xFFFFCE00  }
0x418: {  	[tilespmem:s19], [sflag:$0x1] =	stream.indirect.gather [hbm4b:s5+s22], $0x80, s1, s22, $0xb8;
	[tilespmem:$0x1B880] =	vst v63  }
0x419: {  	_ = 	snop  }
0x41a: {  	[tilespmem:s24], [sflag:$0x2] =	stream.indirect.gather [hbm4b:s5+s22], $0x80, s8, s22, $0xb8;
	[tilespmem:$0x1B880] =	vst v63  }
0x41b: {  	_ =	swait.ge [sflag:s25], $0x3200  }
0x41c: {  	[sflag:s25] =	ssyncset.done $0x0  }
0x41d: {  	[sflag:s25] =	ssyncadd.s32 $0xFFFFCE00  }
0x41e: {  	[spmem:s2] =	stream.indirect.scatter.add.f32 [tilespmem:s19], [sflag:$0x3], $0x80, s16, s22, $0xb8;
	[tilespmem:$0x1B880] =	vst v63  }
0x41f: {  	_ =	swait.ge [sflag:s20], $0x3200  }
0x420: {  	[sflag:s20] =	ssyncset.done $0x0  }
0x421: {  	[sflag:s20] =	ssyncadd.s32 $0xFFFFCE00  }
0x422: {  	_ =	swait.ge [sflag:s26], $0x3200  }
0x423: {  	[sflag:s26] =	ssyncset.done $0x0  }
0x424: {  	[sflag:s26] =	ssyncadd.s32 $0xFFFFCE00  }
0x425: {  	[spmem:s2] =	stream.indirect.scatter.add.f32 [tilespmem:s24], [sflag:$0x3], $0x80, s9, s22, $0xb8;
	[tilespmem:$0x1B880] =	vst v63  }
0x426: {  	_ =	swait.ge [sflag:s20], $0x3200  }
0x427: {  	[sflag:s20] =	ssyncset.done $0x0  }
0x428: {  	[sflag:s20] =	ssyncadd.s32 $0xFFFFCE00  }
0x429: {  	[tilespmem:s19], [sflag:$0x1] =	stream.indirect.gather [hbm4b:s5+s22], $0x80, s10, s22, $0xb8;
	[tilespmem:$0x1B880] =	vst v63  }
0x42a: {  	_ = 	snop  }
0x42b: {  	[tilespmem:s24], [sflag:$0x2] =	stream.indirect.gather [hbm4b:s5+s22], $0x80, s11, s22, $0xb8;
	[tilespmem:$0x1B880] =	vst v63  }
0x42c: {  	_ =	swait.ge [sflag:s25], $0x3200  }
0x42d: {  	[sflag:s25] =	ssyncset.done $0x0  }
0x42e: {  	[sflag:s25] =	ssyncadd.s32 $0xFFFFCE00  }
0x42f: {  	[spmem:s2] =	stream.indirect.scatter.add.f32 [tilespmem:s19], [sflag:$0x3], $0x80, s12, s22, $0xb8;
	[tilespmem:$0x1B880] =	vst v63  }
0x430: {  	_ =	swait.ge [sflag:s20], $0x3200  }
0x431: {  	[sflag:s20] =	ssyncset.done $0x0  }
0x432: {  	[sflag:s20] =	ssyncadd.s32 $0xFFFFCE00  }
0x433: {  	_ =	swait.ge [sflag:s26], $0x3200  }
0x434: {  	[sflag:s26] =	ssyncset.done $0x0  }
0x435: {  	[sflag:s26] =	ssyncadd.s32 $0xFFFFCE00  }
0x436: {  	[spmem:s2] =	stream.indirect.scatter.add.f32 [tilespmem:s24], [sflag:$0x3], $0x80, s13, s22, $0xb8;
	[tilespmem:$0x1B880] =	vst v63  }
0x437: {  	_ =	swait.ge [sflag:s20], $0x3200  }
0x438: {  	[sflag:s20] =	ssyncset.done $0x0  }
0x439: {  	[sflag:s20] =	ssyncadd.s32 $0xFFFFCE00  }
0x43a: {  	[tilespmem:s19], [sflag:$0x1] =	stream.indirect.gather [hbm4b:s5+s22], $0x80, s14, s22, $0xb8;
	[tilespmem:$0x1B880] =	vst v63  }
0x43b: {  	_ = 	snop  }
0x43c: {  	[tilespmem:s24], [sflag:$0x2] =	stream.indirect.gather [hbm4b:s5+s22], $0x80, s15, s22, $0xb8;
	[tilespmem:$0x1B880] =	vst v63  }
0x43d: {  	_ =	swait.ge [sflag:s25], $0x3200  }
0x43e: {  	[sflag:s25] =	ssyncset.done $0x0  }
0x43f: {  	[sflag:s25] =	ssyncadd.s32 $0xFFFFCE00  }
0x440: {  	[spmem:s2] =	stream.indirect.scatter.add.f32 [tilespmem:s19], [sflag:$0x3], $0x80, s23, s22, $0xb8;
	[tilespmem:$0x1B880] =	vst v63  }
0x441: {  	_ =	swait.ge [sflag:s20], $0x3200  }
0x442: {  	[sflag:s20] =	ssyncset.done $0x0  }
0x443: {  	[sflag:s20] =	ssyncadd.s32 $0xFFFFCE00  }
0x444: {  	_ =	swait.ge [sflag:s26], $0x3200  }
0x445: {  	[sflag:s26] =	ssyncset.done $0x0  }
0x446: {  	[sflag:s26] =	ssyncadd.s32 $0xFFFFCE00  }
0x447: {  	[spmem:s2] =	stream.indirect.scatter.add.f32 [tilespmem:s24], [sflag:$0x3], $0x80, s28, s22, $0xb8;
	[tilespmem:$0x1B880] =	vst v63  }
0x448: {  	_ =	swait.ge [sflag:s20], $0x3200  }
0x449: {  	[sflag:s20] =	ssyncset.done $0x0  }
0x44a: {  	s1 =	simm.s32 $0x400;
	[sflag:s20] =	ssyncadd.s32 $0xFFFFCE00  }
0x44b: {  	[tilespmem:s19], [sflag:$0x1] =	stream.indirect.gather [hbm4b:s5+s22], $0x80, s1, s22, $0xb8;
	[tilespmem:$0x1B880] =	vst v63  }
0x44c: {  	s6 =	simm.s32 $0x480  }
0x44d: {  	[tilespmem:s24], [sflag:$0x2] =	stream.indirect.gather [hbm4b:s5+s22], $0x80, s6, s22, $0xb8;
	[tilespmem:$0x1B880] =	vst v63  }
0x44e: {  	_ =	swait.ge [sflag:s25], $0x3200  }
0x44f: {  	[sflag:s25] =	ssyncset.done $0x0  }
0x450: {  	s7 =	simm.s32 $0x1000;
	[sflag:s25] =	ssyncadd.s32 $0xFFFFCE00  }
0x451: {  	[spmem:s2] =	stream.indirect.scatter.add.f32 [tilespmem:s19], [sflag:$0x3], $0x80, s7, s22, $0xb8;
	[tilespmem:$0x1B880] =	vst v63  }
0x452: {  	_ =	swait.ge [sflag:s20], $0x3200  }
0x453: {  	[sflag:s20] =	ssyncset.done $0x0  }
0x454: {  	[sflag:s20] =	ssyncadd.s32 $0xFFFFCE00  }
0x455: {  	_ =	swait.ge [sflag:s26], $0x3200  }
0x456: {  	[sflag:s26] =	ssyncset.done $0x0  }
0x457: {  	s8 =	simm.s32 $0x1080;
	[sflag:s26] =	ssyncadd.s32 $0xFFFFCE00  }
0x458: {  	[spmem:s2] =	stream.indirect.scatter.add.f32 [tilespmem:s24], [sflag:$0x3], $0x80, s8, s22, $0xb8;
	[tilespmem:$0x1B880] =	vst v63  }
0x459: {  	_ =	swait.ge [sflag:s20], $0x3200  }
0x45a: {  	[sflag:s20] =	ssyncset.done $0x0  }
0x45b: {  	s9 =	simm.s32 $0x500;
	[sflag:s20] =	ssyncadd.s32 $0xFFFFCE00  }
0x45c: {  	[tilespmem:s19], [sflag:$0x1] =	stream.indirect.gather [hbm4b:s5+s22], $0x80, s9, s22, $0xb8;
	[tilespmem:$0x1B880] =	vst v63  }
0x45d: {  	s10 =	simm.s32 $0x580  }
0x45e: {  	[tilespmem:s24], [sflag:$0x2] =	stream.indirect.gather [hbm4b:s5+s22], $0x80, s10, s22, $0xb8;
	[tilespmem:$0x1B880] =	vst v63  }
0x45f: {  	_ =	swait.ge [sflag:s25], $0x3200  }
0x460: {  	[sflag:s25] =	ssyncset.done $0x0  }
0x461: {  	s11 =	simm.s32 $0x1100;
	[sflag:s25] =	ssyncadd.s32 $0xFFFFCE00  }
0x462: {  	[spmem:s2] =	stream.indirect.scatter.add.f32 [tilespmem:s19], [sflag:$0x3], $0x80, s11, s22, $0xb8;
	[tilespmem:$0x1B880] =	vst v63  }
0x463: {  	_ =	swait.ge [sflag:s20], $0x3200  }
0x464: {  	[sflag:s20] =	ssyncset.done $0x0  }
0x465: {  	[sflag:s20] =	ssyncadd.s32 $0xFFFFCE00  }
0x466: {  	_ =	swait.ge [sflag:s26], $0x3200  }
0x467: {  	[sflag:s26] =	ssyncset.done $0x0  }
0x468: {  	s12 =	simm.s32 $0x1180;
	[sflag:s26] =	ssyncadd.s32 $0xFFFFCE00  }
0x469: {  	[spmem:s2] =	stream.indirect.scatter.add.f32 [tilespmem:s24], [sflag:$0x3], $0x80, s12, s22, $0xb8;
	[tilespmem:$0x1B880] =	vst v63  }
0x46a: {  	_ =	swait.ge [sflag:s20], $0x3200  }
0x46b: {  	[sflag:s20] =	ssyncset.done $0x0  }
0x46c: {  	s13 =	simm.s32 $0x600;
	[sflag:s20] =	ssyncadd.s32 $0xFFFFCE00  }
0x46d: {  	[tilespmem:s19], [sflag:$0x1] =	stream.indirect.gather [hbm4b:s5+s22], $0x80, s13, s22, $0xb8;
	[tilespmem:$0x1B880] =	vst v63  }
0x46e: {  	s14 =	simm.s32 $0x680  }
0x46f: {  	[tilespmem:s24], [sflag:$0x2] =	stream.indirect.gather [hbm4b:s5+s22], $0x80, s14, s22, $0xb8;
	[tilespmem:$0x1B880] =	vst v63  }
0x470: {  	_ =	swait.ge [sflag:s25], $0x3200  }
0x471: {  	[sflag:s25] =	ssyncset.done $0x0  }
0x472: {  	s15 =	simm.s32 $0x1200;
	[sflag:s25] =	ssyncadd.s32 $0xFFFFCE00  }
0x473: {  	[spmem:s2] =	stream.indirect.scatter.add.f32 [tilespmem:s19], [sflag:$0x3], $0x80, s15, s22, $0xb8;
	[tilespmem:$0x1B880] =	vst v63  }
0x474: {  	_ =	swait.ge [sflag:s20], $0x3200  }
0x475: {  	[sflag:s20] =	ssyncset.done $0x0  }
0x476: {  	[sflag:s20] =	ssyncadd.s32 $0xFFFFCE00  }
0x477: {  	_ =	swait.ge [sflag:s26], $0x3200  }
0x478: {  	[sflag:s26] =	ssyncset.done $0x0  }
0x479: {  	s16 =	simm.s32 $0x1280;
	[sflag:s26] =	ssyncadd.s32 $0xFFFFCE00  }
0x47a: {  	[spmem:s2] =	stream.indirect.scatter.add.f32 [tilespmem:s24], [sflag:$0x3], $0x80, s16, s22, $0xb8;
	[tilespmem:$0x1B880] =	vst v63  }
0x47b: {  	_ =	swait.ge [sflag:s20], $0x3200  }
0x47c: {  	[sflag:s20] =	ssyncset.done $0x0  }
0x47d: {  	s23 =	simm.s32 $0x700;
	[sflag:s20] =	ssyncadd.s32 $0xFFFFCE00  }
0x47e: {  	[tilespmem:s19], [sflag:$0x1] =	stream.indirect.gather [hbm4b:s5+s22], $0x80, s23, s22, $0xb8;
	[tilespmem:$0x1B880] =	vst v63  }
0x47f: {  	s28 =	simm.s32 $0x780  }
0x480: {  	[tilespmem:s24], [sflag:$0x2] =	stream.indirect.gather [hbm4b:s5+s22], $0x80, s28, s22, $0xb8;
	[tilespmem:$0x1B880] =	vst v63  }
0x481: {  	_ =	swait.ge [sflag:s25], $0x3200  }
0x482: {  	[sflag:s25] =	ssyncset.done $0x0  }
0x483: {  	s30 =	simm.s32 $0x1300;
	[sflag:s25] =	ssyncadd.s32 $0xFFFFCE00  }
0x484: {  	[spmem:s2] =	stream.indirect.scatter.add.f32 [tilespmem:s19], [sflag:$0x3], $0x80, s30, s22, $0xb8;
	[tilespmem:$0x1B880] =	vst v63  }
0x485: {  	_ =	swait.ge [sflag:s20], $0x3200  }
0x486: {  	[sflag:s20] =	ssyncset.done $0x0  }
0x487: {  	[sflag:s20] =	ssyncadd.s32 $0xFFFFCE00  }
0x488: {  	_ =	swait.ge [sflag:s26], $0x3200  }
0x489: {  	[sflag:s26] =	ssyncset.done $0x0  }
0x48a: {  	s31 =	simm.s32 $0x1380;
	[sflag:s26] =	ssyncadd.s32 $0xFFFFCE00  }
0x48b: {  	[spmem:s2] =	stream.indirect.scatter.add.f32 [tilespmem:s24], [sflag:$0x3], $0x80, s31, s22, $0xb8;
	[tilespmem:$0x1B880] =	vst v63  }
0x48c: {  	_ =	swait.ge [sflag:s20], $0x3200  }
0x48d: {  	[sflag:s20] =	ssyncset.done $0x0  }
0x48e: {  	s1 =	simm.s32 $0x800;
	[sflag:s20] =	ssyncadd.s32 $0xFFFFCE00  }
0x48f: {  	[tilespmem:s19], [sflag:$0x1] =	stream.indirect.gather [hbm4b:s5+s22], $0x80, s1, s22, $0xb8;
	[tilespmem:$0x1B880] =	vst v63  }
0x490: {  	s6 =	simm.s32 $0x880  }
0x491: {  	[tilespmem:s24], [sflag:$0x2] =	stream.indirect.gather [hbm4b:s5+s22], $0x80, s6, s22, $0xb8;
	[tilespmem:$0x1B880] =	vst v63  }
0x492: {  	_ =	swait.ge [sflag:s25], $0x3200  }
0x493: {  	[sflag:s25] =	ssyncset.done $0x0  }
0x494: {  	s7 =	simm.s32 $0x1400;
	[sflag:s25] =	ssyncadd.s32 $0xFFFFCE00  }
0x495: {  	[spmem:s2] =	stream.indirect.scatter.add.f32 [tilespmem:s19], [sflag:$0x3], $0x80, s7, s22, $0xb8;
	[tilespmem:$0x1B880] =	vst v63  }
0x496: {  	_ =	swait.ge [sflag:s20], $0x3200  }
0x497: {  	[sflag:s20] =	ssyncset.done $0x0  }
0x498: {  	[sflag:s20] =	ssyncadd.s32 $0xFFFFCE00  }
0x499: {  	_ =	swait.ge [sflag:s26], $0x3200  }
0x49a: {  	[sflag:s26] =	ssyncset.done $0x0  }
0x49b: {  	s8 =	simm.s32 $0x1480;
	[sflag:s26] =	ssyncadd.s32 $0xFFFFCE00  }
0x49c: {  	[spmem:s2] =	stream.indirect.scatter.add.f32 [tilespmem:s24], [sflag:$0x3], $0x80, s8, s22, $0xb8;
	[tilespmem:$0x1B880] =	vst v63  }
0x49d: {  	_ =	swait.ge [sflag:s20], $0x3200  }
0x49e: {  	[sflag:s20] =	ssyncset.done $0x0  }
0x49f: {  	s9 =	simm.s32 $0x900;
	[sflag:s20] =	ssyncadd.s32 $0xFFFFCE00  }
0x4a0: {  	[tilespmem:s19], [sflag:$0x1] =	stream.indirect.gather [hbm4b:s5+s22], $0x80, s9, s22, $0xb8;
	[tilespmem:$0x1B880] =	vst v63  }
0x4a1: {  	s10 =	simm.s32 $0x980  }
0x4a2: {  	[tilespmem:s24], [sflag:$0x2] =	stream.indirect.gather [hbm4b:s5+s22], $0x80, s10, s22, $0xb8;
	[tilespmem:$0x1B880] =	vst v63  }
0x4a3: {  	_ =	swait.ge [sflag:s25], $0x3200  }
0x4a4: {  	[sflag:s25] =	ssyncset.done $0x0  }
0x4a5: {  	s11 =	simm.s32 $0x1500;
	[sflag:s25] =	ssyncadd.s32 $0xFFFFCE00  }
0x4a6: {  	[spmem:s2] =	stream.indirect.scatter.add.f32 [tilespmem:s19], [sflag:$0x3], $0x80, s11, s22, $0xb8;
	[tilespmem:$0x1B880] =	vst v63  }
0x4a7: {  	_ =	swait.ge [sflag:s20], $0x3200  }
0x4a8: {  	[sflag:s20] =	ssyncset.done $0x0  }
0x4a9: {  	[sflag:s20] =	ssyncadd.s32 $0xFFFFCE00  }
0x4aa: {  	_ =	swait.ge [sflag:s26], $0x3200  }
0x4ab: {  	[sflag:s26] =	ssyncset.done $0x0  }
0x4ac: {  	s12 =	simm.s32 $0x1580;
	[sflag:s26] =	ssyncadd.s32 $0xFFFFCE00  }
0x4ad: {  	[spmem:s2] =	stream.indirect.scatter.add.f32 [tilespmem:s24], [sflag:$0x3], $0x80, s12, s22, $0xb8;
	[tilespmem:$0x1B880] =	vst v63  }
0x4ae: {  	_ =	swait.ge [sflag:s20], $0x3200  }
0x4af: {  	[sflag:s20] =	ssyncset.done $0x0  }
0x4b0: {  	[sflag:s20] =	ssyncadd.s32 $0xFFFFCE00  }
0x4b1: {  	s13 =	stileid.u32;
	[bflag:$0x0] =	sbarrier.arrive $0xFFFF  }
0x4b2: {  	s0 =	sshll.u32 s13, $0x6;
	s14 =	rddreg [dreg:$0x6]  }
0x4b3: {  	s0 =	sor.u32 $0x1C03, s0;
	s29 =	rddreg [dreg:$0xf];
	s6 =	sshrl.u32 s14, $0x3  }
0x4b4: {  	[hbm:s29], [sflag:s0] =	dma.local [spmem:s6], $0x500  }
0x4b5: {  	_ =	swait.ge [sflag:s20], $0x500  }
0x4b6: {  	[sflag:s20] =	ssyncset.done $0x0;
	s15 =	rddreg [dreg:$0x7]  }
0x4b7: {  	s29 =	rddreg [dreg:$0x11];
	[sflag:s20] =	ssyncadd.s32 $0xFFFFFB00;
	s6 =	sshrl.u32 s15, $0x3  }
0x4b8: {  	[hbm:s29], [sflag:s0] =	dma.local [spmem:s6], $0x500  }
0x4b9: {  	_ =	swait.ge [sflag:s20], $0x500  }
0x4ba: {  	[sflag:s20] =	ssyncset.done $0x0;
	s16 =	rddreg [dreg:$0x8]  }
0x4bb: {  	s29 =	rddreg [dreg:$0x13];
	[sflag:s20] =	ssyncadd.s32 $0xFFFFFB00;
	s6 =	sshrl.u32 s16, $0x3  }
0x4bc: {  	[hbm:s29], [sflag:s0] =	dma.local [spmem:s6], $0x500  }
0x4bd: {  	_ =	swait.ge [sflag:s20], $0x500  }
0x4be: {  	[sflag:s20] =	ssyncset.done $0x0;
	s23 =	rddreg [dreg:$0x9]  }
0x4bf: {  	s29 =	rddreg [dreg:$0x15];
	[sflag:s20] =	ssyncadd.s32 $0xFFFFFB00;
	s6 =	sshrl.u32 s23, $0x3  }
0x4c0: {  	[hbm:s29], [sflag:s0] =	dma.local [spmem:s6], $0x500  }
0x4c1: {  	_ =	swait.ge [sflag:s20], $0x500  }
0x4c2: {  	[sflag:s20] =	ssyncset.done $0x0;
	s28 =	rddreg [dreg:$0xa]  }
0x4c3: {  	s29 =	rddreg [dreg:$0x17];
	[sflag:s20] =	ssyncadd.s32 $0xFFFFFB00;
	s6 =	sshrl.u32 s28, $0x3  }
0x4c4: {  	[hbm:s29], [sflag:s0] =	dma.local [spmem:s6], $0x500  }
0x4c5: {  	_ =	swait.ge [sflag:s20], $0x500  }
0x4c6: {  	[sflag:s20] =	ssyncset.done $0x0;
	s30 =	rddreg [dreg:$0xb]  }
0x4c7: {  	s29 =	rddreg [dreg:$0x19];
	[sflag:s20] =	ssyncadd.s32 $0xFFFFFB00;
	s6 =	sshrl.u32 s30, $0x3  }
0x4c8: {  	[hbm:s29], [sflag:s0] =	dma.local [spmem:s6], $0x500  }
0x4c9: {  	_ =	swait.ge [sflag:s20], $0x500  }
0x4ca: {  	[sflag:s20] =	ssyncset.done $0x0;
	s31 =	rddreg [dreg:$0xc]  }
0x4cb: {  	s29 =	rddreg [dreg:$0x1b];
	[sflag:s20] =	ssyncadd.s32 $0xFFFFFB00;
	s6 =	sshrl.u32 s31, $0x3  }
0x4cc: {  	[hbm:s29], [sflag:s0] =	dma.local [spmem:s6], $0x500  }
.Ltmp8:
0x4cd: {  	_ = 	snop;
	(pc) =	sbr.rel @p1 .LBB2_11-.Ltmp8, $4  }
.Ltmp9:
0x4ce: {  	_ = 	snop;
	(pc) =	sbr.rel @!p1 .LBB2_10-.Ltmp9, $4  }
0x4cf: {  	_ =	swait.ge [sflag:s20], $0x500  }
0x4d0: {  	[sflag:s20] =	ssyncset.done $0x0;
	s29 =	rddreg [dreg:$0x4]  }
0x4d1: {  	s1 =	rddreg [dreg:$0x1d];
	[sflag:s20] =	ssyncadd.s32 $0xFFFFFB00  }
0x4d2: {  	_ = 	snop  }
.LBB2_12:
0x4d3: {  	_ =	sfence.sel $0x180000  }
0x4d4: {  	[bflag:$0x0] =	sbarrier.arrive $0xFFFF  }
0x4d5: {  	_ =	strace $0x9000004D  }
0x4d6: {  	s0 =	stileid.u32;
	[bflag:$0x2] =	sbarrier.arrive $0xFFFF  }
0x4d7: {  	p0 =	sne.s32 s0, $0x0;
	s0 =	rddreg [dreg:$0x2]  }
0x4d8: {  	s0 =	sadd.s32 @!p0 $0x100000, s0  }
0x4d9: {  	[sflag:s0] =	ssyncadd.tile.s32 @!p0 $0x1;
	_ =	shalt  }
.Lfunc_end2:
_tile_overlayer_lowered:
.L_overlay_start_2:
0x4da: {  	(tag) =	ssettag $0x2  }
0x4db: {  	s0 =	rddreg [dreg:$0x0];
	s2 =	stileid.u32  }
0x4dc: {  	s1 =	rddreg [dreg:$0x1];
	p0 =	sne.s32 s2, $0x0  }
0x4dd: {  	s3 =	rddreg [dreg:$0x2];
	[bflag:$0x3] =	sbarrier.arrive $0xFFFF;
	s2 =	simm.s32 @!p0 $0x1C03  }
0x4de: {  	[timem:s3], [sflag:s2] =	dma.local @!p0 [hbm:s0], s1  }
0x4df: {  	s0 =	simm.s32 @!p0 $0x3  }
0x4e0: {  	_ =	swait.ge @!p0 [sflag:s0], s1  }
0x4e1: {  	s1 =	ssub.s32 @!p0 $0x0, s1;
	[sflag:s0] =	ssyncset.done @!p0 $0x0  }
0x4e2: {  	[sflag:s0] =	ssyncadd.s32 @!p0 s1  }
0x4e3: {  	[bflag:$0x3] =	sbarrier.arrive $0xFFFF  }
0x4e4: {  	_ =	shalt  }

// kernel: kernel.8.cloned.1.call-start
scs
__scs_entry_jumppad:
0x0: {  	(pc) =	sbr.rel $0x88, $3  }
0x1: {  	(tag) =	ssettag $0x0;
	lr =	simm.s32 $0x1  }
0x2: {  	[smem:$0x3F9B] =	sst lr;
	_ =	strace $0xD0000000  }
0x3: {  	_ = 	snop  }
0x4: {  	_ = 	snop  }
0x5: {  	_ = 	snop  }
0x6: {  	_ = 	snop  }
0x7: {  	_ = 	snop  }
__scs_overlays_trampoline_lowered:
0x8: {  	[smem:$0x3FAA] =	sst s0  }
0x9: {  	[smem:$0x3FAB] =	sst s1  }
0xa: {  	[smem:$0x3FAC] =	sst s2  }
0xb: {  	[smem:$0x3FAD] =	sst s3  }
0xc: {  	[smem:$0x3FAE] =	sst s4  }
0xd: {  	[smem:$0x3FAF] =	sst s5  }
0xe: {  	[smem:$0x3FB0] =	sst s6  }
0xf: {  	[smem:$0x3FB1] =	sst s7  }
0x10: {  	[smem:$0x3FB2] =	sst s8  }
0x11: {  	[smem:$0x3FB3] =	sst s9;
	s0 =	simm.s32 @!p0 $0x0  }
0x12: {  	s1 =	sld [smem:$0x3F99];
	s0 =	simm.s32 @p0 $0x1  }
0x13: {  	[smem:$0x3FB4] =	sst s0;
	s0 =	simm.s32 @!p1 $0x0  }
0x14: {  	s2 =	sld [smem:$0x3F98];
	s0 =	simm.s32 @p1 $0x1  }
0x15: {  	[smem:$0x3FB5] =	sst s0;
	s0 =	simm.s32 @!p2 $0x0  }
0x16: {  	s3 =	sld [smem:$0x3FDB];
	s0 =	simm.s32 @p2 $0x1  }
0x17: {  	s4 =	simm.s32 $0x1BF5;
	[smem:$0x3FB7] =	sst s0  }
0x18: {  	s0 =	sld [smem:$0x3F9A];
	_ =	swait.ge [sflag:s4], $0x0  }
0x19: {  	s7 =	sld [smem:$0x3F9B]  }
0x1a: {  	s8 =	sadd.s32 $0xFFFFE003, lr  }
0x1b: {  	s9 =	sadd.s32 $0xFFFFFEF7, lr;
	s5 =	simm.s32 $0xFFFFFFFF;
	p2 =	slt.u32 s8, $0xFFFFF086  }
0x1c: {  	p1 =	slt.u32 s9, $0xF7A;
	s5 =	simm.s32 @!p2 $0x0  }
0x1d: {  	s5 =	simm.s32 @p1 $0x1;
	p0 =	seq.s32 s7, s2  }
0x1e: {  	s7 =	smul.u32 @!p0 $0xF7A, s2;
	p2 =	seq.s32 @!p0 s5, $0x0  }
0x1f: {  	s9 =	smul.u32 $0xF7A, s1;
	s8 =	simm.s32 @!p0 $0x1BF5;
	p2 =	por !p2, p0  }
0x20: {  	[sflag:s8] =	ssyncset.s32 @!p0 $0xFFFFF086;
	s6 =	sadd.s32 @!p0 s3, s7;
	s7 =	simm.s32 @!p0 $0x108  }
0x21: {  	s3 =	sadd.s32 s3, s9;
	s6 =	sadd.s32 @!p0 $0x88, s6;
	s7 =	simm.s32 @p2 $0x1082  }
0x22: {  	[simem:s7], [sflag:s8] =	dma.local @!p0 [hbm:s6], $0xF7A  }
0x23: {  	s9 =	sor.u32 $0xD0000000, s2;
	s6 =	simm.s32 $0x108;
	_ =	swait.ge @!p0 [sflag:s8], $0x0  }
0x24: {  	s3 =	sadd.s32 $0x88, s3;
	s6 =	simm.s32 @!p1 $0x1082;
	[sflag:s4] =	ssyncset.s32 $0xFFFFF086  }
0x25: {  	[simem:s6], [sflag:s4] =	dma.local [hbm:s3], $0xF7A  }
0x26: {  	[smem:$0x3F9B] =	sst s1;
	(tag) =	ssettag s2;
	_ =	strace s9  }
0x27: {  	s1 =	sld [smem:$0x3FAB]  }
0x28: {  	s2 =	sld [smem:$0x3FAC]  }
0x29: {  	s4 =	sld [smem:$0x3FAE]  }
0x2a: {  	p0 =	seq.s32 s5, $0x0;
	s5 =	sld [smem:$0x3FAF]  }
0x2b: {  	s6 =	sld [smem:$0x3FB0]  }
0x2c: {  	s7 =	sld [smem:$0x3FB1]  }
0x2d: {  	s3 =	simm.s32 $0x108;
	s8 =	sld [smem:$0x3FB2]  }
0x2e: {  	s3 =	simm.s32 @!p0 $0x1082;
	s9 =	sld [smem:$0x3FB3]  }
0x2f: {  	lr =	sadd.s32 s0, s3;
	s0 =	sld [smem:$0x3FAA]  }
0x30: {  	s3 =	sld [smem:$0x3FAD]  }
0x31: {  	[smem:$0x3FB6] =	sst s10  }
0x32: {  	s10 =	sld [smem:$0x3FB4];
	_ =	sdelay $0x3  }
0x33: {  	p0 =	seq.s32 s10, $0x1;
	s10 =	sld [smem:$0x3FB6];
	_ =	sdelay $0x3  }
0x34: {  	[smem:$0x3FB6] =	sst s10  }
0x35: {  	s10 =	sld [smem:$0x3FB5];
	_ =	sdelay $0x3  }
0x36: {  	p1 =	seq.s32 s10, $0x1;
	s10 =	sld [smem:$0x3FB6];
	_ =	sdelay $0x3  }
0x37: {  	[smem:$0x3FB6] =	sst s10  }
0x38: {  	s10 =	sld [smem:$0x3FB7]  }
0x39: {  	_ = 	snop;
	(pc) =	sbr.ind lr, $3  }
0x3a: {  	_ = 	snop  }
0x3b: {  	_ = 	snop  }
0x3c: {  	p2 =	seq.s32 s10, $0x1;
	s10 =	sld [smem:$0x3FB6]  }
0x3d: {  	_ =	shalt  }
0x3e: {  	_ =	shalt  }
0x3f: {  	_ =	shalt  }
0x40: {  	_ =	shalt  }
0x41: {  	_ =	shalt  }
0x42: {  	_ =	shalt  }
0x43: {  	_ =	shalt  }
0x44: {  	_ =	shalt  }
0x45: {  	_ =	shalt  }
0x46: {  	_ =	shalt  }
0x47: {  	_ =	shalt  }
0x48: {  	_ =	shalt  }
0x49: {  	_ =	shalt  }
0x4a: {  	_ =	shalt  }
0x4b: {  	_ =	shalt  }
0x4c: {  	_ =	shalt  }
0x4d: {  	_ =	shalt  }
0x4e: {  	_ =	shalt  }
0x4f: {  	_ =	shalt  }
0x50: {  	_ =	shalt  }
0x51: {  	_ =	shalt  }
0x52: {  	_ =	shalt  }
0x53: {  	_ =	shalt  }
0x54: {  	_ =	shalt  }
0x55: {  	_ =	shalt  }
0x56: {  	_ =	shalt  }
0x57: {  	_ =	shalt  }
0x58: {  	_ =	shalt  }
0x59: {  	_ =	shalt  }
0x5a: {  	_ =	shalt  }
0x5b: {  	_ =	shalt  }
0x5c: {  	_ =	shalt  }
0x5d: {  	_ =	shalt  }
0x5e: {  	_ =	shalt  }
0x5f: {  	_ =	shalt  }
0x60: {  	_ =	shalt  }
0x61: {  	_ =	shalt  }
0x62: {  	_ =	shalt  }
0x63: {  	_ =	shalt  }
0x64: {  	_ =	shalt  }
0x65: {  	_ =	shalt  }
0x66: {  	_ =	shalt  }
0x67: {  	_ =	shalt  }
0x68: {  	_ =	shalt  }
0x69: {  	_ =	shalt  }
0x6a: {  	_ =	shalt  }
0x6b: {  	_ =	shalt  }
0x6c: {  	_ =	shalt  }
0x6d: {  	_ =	shalt  }
0x6e: {  	_ =	shalt  }
0x6f: {  	_ =	shalt  }
0x70: {  	_ =	shalt  }
0x71: {  	_ =	shalt  }
0x72: {  	_ =	shalt  }
0x73: {  	_ =	shalt  }
0x74: {  	_ =	shalt  }
0x75: {  	_ =	shalt  }
0x76: {  	_ =	shalt  }
0x77: {  	_ =	shalt  }
0x78: {  	_ =	shalt  }
0x79: {  	_ =	shalt  }
0x7a: {  	_ =	shalt  }
0x7b: {  	_ =	shalt  }
0x7c: {  	_ =	shalt  }
0x7d: {  	_ =	shalt  }
0x7e: {  	_ =	shalt  }
0x7f: {  	_ =	shalt  }
0x80: {  	_ =	shalt  }
0x81: {  	_ =	shalt  }
0x82: {  	_ =	shalt  }
0x83: {  	_ =	shalt  }
0x84: {  	_ =	shalt  }
0x85: {  	_ =	shalt  }
0x86: {  	_ =	shalt  }
0x87: {  	_ =	shalt  }
.Lfunc_end0:
.L_simem_size_0:
called_computation_lowered:
.L_overlay_start_0:
0x88: {  	s2 =	sld [smem:$0x3FD9]  }
0x89: {  	s3 =	sld [smem:$0x3FFE];
	_ =	sdelay $0x1  }
0x8a: {  	s1 =	srdreg.scid  }
0x8b: {  	s0 =	sand.u32 $0x1, s1  }
0x8c: {  	s16 =	sshll.u32 s0, $0xA;
	s2 =	sadd.s32 s3, s2  }
0x8d: {  	s2 =	sadd.s32 s2, s16  }
0x8e: {  	[smem:$0x3FC2] =	sst s2  }
0x8f: {  	_ = 	snop  }
0x90: {  	(tm) =	ssettm $0x1  }
0x91: {  	s17 =	sld [smem:$0x3FFB];
	_ =	sdelay $0x3  }
0x92: {  	_ =	strace s17  }
0x93: {  	s2 =	sld [smem:$0x3FFC];
	_ =	sdelay $0x3  }
0x94: {  	_ =	strace s2  }
0x95: {  	s2 =	sld [smem:$0x3FFD];
	_ =	sdelay $0x3  }
0x96: {  	_ =	strace s2  }
0x97: {  	_ =	strace $0x8FFFFFFF  }
0x98: {  	s18 =	sld [smem:$0x3FDB];
	_ =	sdelay $0x1  }
0x99: {  	s19 =	simm.s32 $_scs_section_size  }
0x9a: {  	s4 =	simm.s32 $_size__tile_overlayer_lowered;
	s5 =	simm.s32 $_tile_overlayer_lowered  }
0x9b: {  	s22 =	simm.s32 $0x1BFF;
	s21 =	sshll.u32 s5, $0x1;
	s2 =	sadd.s32 s19, s18  }
0x9c: {  	s6 =	simm.s32 $0x0;
	s20 =	sshll.u32 s4, $0x1;
	s4 =	sadd.s32 s21, s2  }
0x9d: {  	[timem:s6], [sflag:s22] =	dma.local [hbm:s4], s20  }
0x9e: {  	_ =	swait.ge [sflag:s22], s20  }
0x9f: {  	s3 =	ssub.s32 $0x0, s20;
	[sflag:s22] =	ssyncset.done $0x0  }
0xa0: {  	[sflag:s22] =	ssyncadd.s32 s3;
	_ =	sdelay $0x1  }
0xa1: {  	s23 =	simm.s32 $0x1B8B  }
0xa2: {  	_ =	swait.ge [sflag:s23], $0x1  }
0xa3: {  	[sflag:s23] =	ssyncset.done $0x0  }
0xa4: {  	s25 =	simm.s32 $0x1B8E;
	s24 =	sld [smem:$0x3FFE];
	[sflag:s23] =	ssyncadd.s32 $0xFFFFFFFF  }
0xa5: {  	s26 =	simm.s32 $execute0_lowered;
	[smem:$0x3FD2] =	sst s25  }
0xa6: {  	s4 =	sshll.u32 s26, $0x1;
	_ =	strace $0x80000046;
	[dreg:$0x1] =	wrdreg $0xFFFFFFFF  }
0xa7: {  	s28 =	simm.s32 $_size_execute0_lowered;
	s2 =	sadd.s32 s2, s4;
	[dreg:$0x0] =	wrdreg $0x0  }
0xa8: {  	s4 =	sshll.u32 s28, $0x1;
	[dreg:$0x2] =	wrdreg s2  }
0xa9: {  	[dreg:$0x3] =	wrdreg s4  }
0xaa: {  	[dreg:$0x4] =	wrdreg $0xC0  }
0xab: {  	_ =	task [dreg:s6], $0x5FFFF  }
0xac: {  	[dreg:$0x1] =	wrdreg $0xFFFFFFFF  }
0xad: {  	[dreg:$0x0] =	wrdreg $0x60  }
0xae: {  	[dreg:$0x2] =	wrdreg s24  }
0xaf: {  	[dreg:$0x3] =	wrdreg $0x68000  }
0xb0: {  	[dreg:$0x4] =	wrdreg $0x9  }
0xb1: {  	_ =	task.clear_ibuf [dreg:s6], $0x5FFFF;
	_ =	strace $0x90000046  }
0xb2: {  	s29 =	simm.s32 $0x9;
	_ =	strace $0x80000048  }
0xb3: {  	_ =	swait.ge [sflag:s29], $0x1  }
0xb4: {  	[sflag:s29] =	ssyncadd.s32 $0xFFFFFFFF  }
0xb5: {  	_ =	strace $0x90000048  }
0xb6: {  	_ =	sfence  }
0xb7: {  	s30 =	sld [smem:$0x0];
	_ =	sdelay $0x2  }
0xb8: {  	s31 =	sshll.u32 s1, $0xD;
	s1 =	sshrl.u32 s1, $0x2  }
0xb9: {  	s3 =	sand.u32 $0x4000, s31;
	s1 =	sadd.s32 s1, s30  }
0xba: {  	s0 =	sor.u32 s3, s0;
	s1 =	sshll.u32 s1, $0x11  }
0xbb: {  	s0 =	sor.u32 s1, s0  }
0xbc: {  	s0 =	sadd.s32 $0x8F2B, s0  }
0xbd: {  	[sflag:s0] =	ssyncadd.remote.s32 $0x1  }
0xbe: {  	_ =	sfence.sel $0xFFFF  }
0xbf: {  	[dreg:$0x0] =	wrdreg $0xFFFFFFFF;
	(pc) =	sbr.abs _section_cstart, $3  }
0xc0: {  	[dreg:$0x1] =	wrdreg $0xFFFFFFFF  }
0xc1: {  	_ =	task.clear_ibuf [dreg:s6], $0x2FFFF;
	_ =	strace $0x9FFFFFFF  }
0xc2: {  	(tm) =	ssettm $0x7FFFFFFF  }
0xc3: {  	_ =	shalt  }
tec
execute0_lowered:
.L_overlay_start_1:
0x0: {  	(tag) =	ssettag $0x1  }
0x1: {  	s3 =	rddreg [dreg:$0x0]  }
0x2: {  	s1 =	rddreg [dreg:$0x1]  }
0x3: {  	s0 =	rddreg [dreg:$0x2]  }
0x4: {  	s2 =	simm.s32 $0x0;
	s4 =	srdreg.scid;
	s9 =	stileid.u32  }
0x5: {  	[smem:$0x7FF] =	sst s2;
	s5 =	sadd.s32 $0x3800, s3;
	s4 =	sand.u32 $0x1, s4  }
0x6: {  	s6 =	sadd.s32 $0xB800, s3;
	s7 =	sadd.s32 $0x13800, s3;
	s31 =	sshll.u32 s9, $0xB  }
0x7: {  	s3 =	sadd.s32 $0x13E00, s3;
	s8 =	ssub.s32 $0x2, s4;
	p0 =	seq.s32 s4, $0x0  }
0x8: {  	_ =	strace $0x80000047;
	s10 =	sshrl.u32 s8, $0x1;
	s6 =	smov.u32 @p0 s5  }
0x9: {  	s3 =	smov.u32 @p0 s7;
	p0 =	sne.s32 s9, $0x0;
	s7 =	simm.s32 $0x1  }
0xa: {  	s9 =	simm.s32 $0x4000;
	s30 =	ssub.s32 s8, s10;
	s5 =	sadd.s32 s6, s31  }
0xb: {  	v0 =	vimm.f32 $1.000000000e+00;
	v1 =	vimm.f32 $0.0e+00;
	s6 =	simm.s32 $0x4080;
	s8 =	simm.s32 $0x50;
	s4 =	smax.u32 s30, $0x1  }
.LBB2_1:
.Ltmp0:
0xc: {  	[tilespmem:$0x4000] =	vst v0;
	(pc) =	sbr.rel @p0 .LBB2_5-.Ltmp0, $4  }
0xd: {  	[tilespmem:$0x4010] =	vst v0  }
0xe: {  	[tilespmem:$0x4020] =	vst v0  }
0xf: {  	[tilespmem:$0x4030] =	vst v0  }
0x10: {  	[tilespmem:$0x4040] =	vst v0  }
0x11: {  	s10 =	simm.s32 $0x40;
	s11 =	simm.s32 $0x0  }
.LBB2_3:
0x12: {  	p1 =	sne.s32 s10, $0x9C00;
	[tilespmem:s11+$0x4080] =	vst v1;
	s11 =	smov.u32 s10;
	s10 =	sadd.s32 $0x40, s10  }
.Ltmp1:
0x13: {  	(pc) =	sbr.rel @p1 .LBB2_3-.Ltmp1, $2  }
0x14: {  	_ =	sdelay $0x2  }
0x15: {  	s11 =	sshra.s32 s11, $0x2  }
0x16: {  	[tilespmem:s11+$0x4080] =	vst v1  }
0x17: {  	[spmem:s1] =	stream.linear.scatter [tilespmem:s6], [sflag:$0x1], $0x2780, $0x38;
	[tilespmem:$0x6A78] =	vst v63  }
0x18: {  	_ =	swait.ge [sflag:s7], $0x2780  }
0x19: {  	[sflag:s7] =	ssyncset.done $0x0  }
0x1a: {  	[sflag:s7] =	ssyncadd.s32 $0xFFFFD880  }
.LBB2_5:
0x1b: {  	s10 =	simm.s32 $0x0  }
0x1c: {  	[tilespmem:s10], [sflag:$0x1] =	stream.linear.gather [hbm4b:s5+s10], $0x3E80, $0x38;
	[tilespmem:$0x6A78] =	vst v63  }
0x1d: {  	_ =	swait.ge [sflag:s7], $0x3E80  }
0x1e: {  	[sflag:s7] =	ssyncset.done $0x0  }
0x1f: {  	[sflag:s7] =	ssyncadd.s32 $0xFFFFC180  }
0x20: {  	s31 =	simm.s32 $0x0;
	[bflag:$0x0] =	sbarrier.arrive $0xFFFF  }
0x21: {  	[spmem:s1] =	stream.indirect.scatter.add.f32 [tilespmem:s9], [sflag:$0x1], $0x1, s31, s8, $0xb8;
	[tilespmem:$0x6A78] =	vst v63  }
0x22: {  	_ =	swait.ge [sflag:s7], $0x50  }
0x23: {  	s10 =	simm.s32 $0x200;
	[sflag:s7] =	ssyncset.done $0x0  }
.LBB2_6:
0x24: {  	s11 =	sshra.s32 s10, $0x2;
	[sflag:s7] =	ssyncadd.s32 $0xFFFFFFB0;
	p1 =	sne.s32 s10, $0xF800  }
0x25: {  	[spmem:s1] =	stream.indirect.scatter.add.f32 [tilespmem:s9], [sflag:$0x1], $0x1, s11, s8, $0xb8;
	[tilespmem:$0x6A78] =	vst v63  }
.Ltmp2:
0x26: {  	_ = 	snop;
	(pc) =	sbr.rel @p1 .LBB2_6-.Ltmp2, $4  }
0x27: {  	_ = 	snop  }
0x28: {  	s10 =	sadd.s32 $0x200, s10  }
0x29: {  	_ =	swait.ge [sflag:s7], $0x50  }
0x2a: {  	[sflag:s7] =	ssyncset.done $0x0  }
0x2b: {  	[sflag:s7] =	ssyncadd.s32 $0xFFFFFFB0  }
0x2c: {  	s10 =	simm.s32 @!p0 $0x4080;
	s11 =	simm.s32 @!p0 $0x1;
	[bflag:$0x0] =	sbarrier.arrive $0xFFFF  }
0x2d: {  	[tilespmem:s10], [sflag:$0x1] =	stream.linear.gather @!p0 [spmem:s1], $0x2780, $0x38;
	[tilespmem:$0x6A78] =	vst v63  }
0x2e: {  	s2 =	sadd.s32 $0x1, s2;
	_ =	swait.ge @!p0 [sflag:s11], $0x2780  }
0x2f: {  	p1 =	sne.s32 s2, s4;
	[sflag:s11] =	ssyncset.done @!p0 $0x0  }
.Ltmp3:
0x30: {  	s12 =	simm.s32 @!p0 $0x0;
	[sflag:s11] =	ssyncadd.s32 @!p0 $0xFFFFD880;
	(pc) =	sbr.rel @p1 .LBB2_1-.Ltmp3, $4  }
0x31: {  	[hbm4b:s3+s12] =	stream.linear.scatter @!p0 [tilespmem:s10], [sflag:$0x1], $0x2780, $0x38;
	[tilespmem:$0x6A78] =	vst v63  }
0x32: {  	_ =	swait.ge @!p0 [sflag:s11], $0x2780  }
0x33: {  	[sflag:s11] =	ssyncset.done @!p0 $0x0  }
0x34: {  	[sflag:s11] =	ssyncadd.s32 @!p0 $0xFFFFD880  }
0x35: {  	_ =	sfence.sel $0x180000  }
0x36: {  	[bflag:$0x0] =	sbarrier.arrive $0xFFFF  }
0x37: {  	_ =	strace $0x90000047  }
0x38: {  	s0 =	sadd.s32 @!p0 $0x100000, s0;
	[bflag:$0x2] =	sbarrier.arrive $0xFFFF  }
0x39: {  	[sflag:s0] =	ssyncadd.tile.s32 @!p0 $0x1;
	_ =	shalt  }
.Lfunc_end2:
_tile_overlayer_lowered:
.L_overlay_start_2:
0x3a: {  	(tag) =	ssettag $0x2  }
0x3b: {  	s0 =	rddreg [dreg:$0x0];
	s2 =	stileid.u32  }
0x3c: {  	s1 =	rddreg [dreg:$0x1];
	p0 =	sne.s32 s2, $0x0  }
0x3d: {  	s3 =	rddreg [dreg:$0x2];
	[bflag:$0x3] =	sbarrier.arrive $0xFFFF;
	s2 =	simm.s32 @!p0 $0x1C01  }
0x3e: {  	[timem:s3], [sflag:s2] =	dma.local @!p0 [hbm:s0], s1  }
0x3f: {  	s0 =	simm.s32 @!p0 $0x1  }
0x40: {  	_ =	swait.ge @!p0 [sflag:s0], s1  }
0x41: {  	s1 =	ssub.s32 @!p0 $0x0, s1;
	[sflag:s0] =	ssyncset.done @!p0 $0x0  }
0x42: {  	[sflag:s0] =	ssyncadd.s32 @!p0 s1  }
0x43: {  	[bflag:$0x3] =	sbarrier.arrive $0xFFFF  }
0x44: {  	_ =	shalt  }

</sc_bundles>
